<compile_context>
chip_gen: v7x
topology: tpu7x:2x2x1
jax: 0.10.2.dev20260603
libtpu: 0.0.44.dev20260713+nightly
codegen_flags: <defaults>
</compile_context>

<pallas_src>
import functools

import jax
import jax.numpy as jnp
from jax import lax
from jax.experimental import pallas as pl
from jax.experimental.pallas import tpu as pltpu
from jax.experimental.pallas import tpu_sc as plsc

N_CHUNKS = 32
G = N_CHUNKS + 1
IN_DIM = 256
OUT_DIM = 128
BATCH = 1024
P = IN_DIM // 2
W_BINS = N_CHUNKS
ROWS2 = P * W_BINS * G

NC, NS, LANES = 2, 16, 16
NW = NC * NS
TPW = BATCH // NW
CPT = 2
CHUNK = 128
OVR = OUT_DIM // LANES


def _linear_body(x_ref, w_ref, b_ref, flag_ref, out_ref):
    acc = jnp.dot(w_ref[...], x_ref[...], preferred_element_type=jnp.float32)
    acc = acc + b_ref[...]
    acc = jnp.where(flag_ref[0] != 0, jnp.maximum(acc, 0.0), acc)
    out_ref[...] = jnp.transpose(acc, (1, 0))


_linear_call = pl.pallas_call(
    _linear_body,
    out_shape=jax.ShapeDtypeStruct((BATCH, OUT_DIM), jnp.float32),
    in_specs=[
        pl.BlockSpec(memory_space=pltpu.VMEM),
        pl.BlockSpec(memory_space=pltpu.VMEM),
        pl.BlockSpec(memory_space=pltpu.VMEM),
        pl.BlockSpec(memory_space=pltpu.SMEM),
    ],
)


def _bf16_bits(t):
    u = lax.bitcast_convert_type(t, jnp.uint32)
    return (u + jnp.uint32(0x7FFF) + ((u >> jnp.uint32(16)) & jnp.uint32(1))
            ) >> jnp.uint32(16)


def _build_body(f_ref, out_ref):
    bits = []
    for i in range(G):
        t = jnp.transpose(f_ref[i, 0], (1, 0))
        bits.append(_bf16_bits(t))
    for w in range(W_BINS):
        word = bits[w] | (bits[w + 1] << jnp.uint32(16))
        out_ref[0, w, :, :] = lax.bitcast_convert_type(word, jnp.int32)


_build_call = pl.pallas_call(
    _build_body,
    grid=(G,),
    out_shape=jax.ShapeDtypeStruct((G, W_BINS, P, OUT_DIM), jnp.int32),
    in_specs=[
        pl.BlockSpec((G, 1, OUT_DIM, P), lambda j: (0, j, 0, 0)),
    ],
    out_specs=pl.BlockSpec((1, W_BINS, P, OUT_DIM), lambda j: (j, 0, 0, 0)),
)


def _prep_body(xp_ref, sc_ref, bs_ref, ws_ref, idx_ref, wlo_ref, whi_ref):
    xa = jnp.tanh(xp_ref[:, 0, :] * sc_ref[:, 0:1] + bs_ref[:, 0:1])
    xb = jnp.tanh(xp_ref[:, 1, :] * sc_ref[:, 1:2] + bs_ref[:, 1:2])
    ua = jnp.clip((xa + 1.0) * 0.5 * N_CHUNKS, 0.0, N_CHUNKS - 1e-4)
    ub = jnp.clip((xb + 1.0) * 0.5 * N_CHUNKS, 0.0, N_CHUNKS - 1e-4)
    ua_t = jnp.transpose(ua, (1, 0))
    ub_t = jnp.transpose(ub, (1, 0))
    ia = jnp.floor(ua_t)
    ib = jnp.floor(ub_t)
    fa = ua_t - ia
    fb = ub_t - ib
    pvec = lax.broadcasted_iota(jnp.int32, (BATCH, P), 1)
    idx1 = (ib.astype(jnp.int32) * W_BINS + ia.astype(jnp.int32)) * P + pvec
    wl = ws_ref[0]
    idx_ref[0] = idx1
    idx_ref[1] = idx1 + P * W_BINS
    ga = (1.0 - fa) * wl
    fa_w = fa * wl
    wlo_ref[0] = ga * (1.0 - fb)
    wlo_ref[1] = ga * fb
    whi_ref[0] = fa_w * (1.0 - fb)
    whi_ref[1] = fa_w * fb


_prep_call = pl.pallas_call(
    _prep_body,
    out_shape=(
        jax.ShapeDtypeStruct((CPT, BATCH, P), jnp.int32),
        jax.ShapeDtypeStruct((CPT, BATCH, P), jnp.float32),
        jax.ShapeDtypeStruct((CPT, BATCH, P), jnp.float32),
    ),
    in_specs=[
        pl.BlockSpec(memory_space=pltpu.VMEM),
        pl.BlockSpec(memory_space=pltpu.VMEM),
        pl.BlockSpec(memory_space=pltpu.VMEM),
        pl.BlockSpec(memory_space=pltpu.SMEM),
    ],
)


def _sc_body(table_hbm, idx_hbm, wlo_hbm, whi_hbm, lin_hbm, out_hbm,
             idx_v, wlo_v, whi_v, rows_v, out_v, sem0, sem1):
    wid = lax.axis_index("s") * NC + lax.axis_index("c")
    tbase = wid * TPW
    for c in range(CPT):
        pltpu.sync_copy(idx_hbm.at[c, pl.ds(tbase, TPW)],
                        idx_v.at[pl.ds(c * TPW, TPW)])
        pltpu.sync_copy(wlo_hbm.at[c, pl.ds(tbase, TPW)],
                        wlo_v.at[pl.ds(c * TPW, TPW)])
        pltpu.sync_copy(whi_hbm.at[c, pl.ds(tbase, TPW)],
                        whi_v.at[pl.ds(c * TPW, TPW)])
    pltpu.sync_copy(lin_hbm.at[pl.ds(tbase, TPW)], out_v)
    sems = (sem0, sem1)

    pltpu.async_copy(table_hbm.at[idx_v.at[0]], rows_v.at[0], sems[0])

    def token_body(tok, carry):
        for c in range(CPT):
            j = c * TPW + tok
            buf = c & 1
            if c + 1 < CPT:
                nxt = (c + 1) * TPW + tok
                pltpu.async_copy(table_hbm.at[idx_v.at[nxt]],
                                 rows_v.at[1 - buf], sems[1 - buf])
            else:
                nxt = tok + 1

                @pl.when(nxt < TPW)
                def _():
                    pltpu.async_copy(table_hbm.at[idx_v.at[nxt]],
                                     rows_v.at[1 - buf], sems[1 - buf])

            pltpu.make_async_copy(table_hbm.at[idx_v.at[j]],
                                  rows_v.at[buf], sems[buf]).wait()

            def g_body(g, carry2, j=j, buf=buf, tok=tok):
                off = pl.multiple_of(g * LANES, LANES)
                wl = wlo_v[j, pl.ds(off, LANES)]
                wh = whi_v[j, pl.ds(off, LANES)]
                accp = [jnp.zeros((2 * LANES,), jnp.bfloat16)
                        for _ in range(OVR)]
                for r in range(LANES):
                    wa = jnp.broadcast_to(wl[r], (LANES,))
                    wb = jnp.broadcast_to(wh[r], (LANES,))
                    wsp = plsc.pack(wa, wb, format=plsc.PackFormat.INTERLEAVED)
                    row = g * LANES + r
                    for i in range(OVR):
                        ri = rows_v[buf, row, pl.ds(i * LANES, LANES)]
                        accp[i] = accp[i] + wsp * plsc.bitcast(ri, jnp.bfloat16)
                for i in range(OVR):
                    lo, hi = plsc.unpack(accp[i],
                                         format=plsc.PackFormat.INTERLEAVED)
                    sl = pl.ds(i * LANES, LANES)
                    out_v[tok, sl] = out_v[tok, sl] + (lo + hi)
                return carry2

            lax.fori_loop(0, CHUNK // LANES, g_body, jnp.int32(0))
        return carry

    lax.fori_loop(0, TPW, token_body, jnp.int32(0))
    pltpu.sync_copy(out_v, out_hbm.at[pl.ds(wid * TPW, TPW)])


@functools.cache
def _sc_gather_call():
    return pl.kernel(
        _sc_body,
        out_type=jax.ShapeDtypeStruct((BATCH, OUT_DIM), jnp.float32),
        mesh=plsc.VectorSubcoreMesh(core_axis_name="c", subcore_axis_name="s"),
        compiler_params=pltpu.CompilerParams(needs_layout_passes=False),
        scratch_types=[
            pltpu.VMEM((CPT * TPW, CHUNK), jnp.int32),
            pltpu.VMEM((CPT * TPW, CHUNK), jnp.float32),
            pltpu.VMEM((CPT * TPW, CHUNK), jnp.float32),
            pltpu.VMEM((2, CHUNK, OUT_DIM), jnp.int32),
            pltpu.VMEM((TPW, OUT_DIM), jnp.float32),
            pltpu.SemaphoreType.DMA,
            pltpu.SemaphoreType.DMA,
        ],
    )


def kernel(x, weight_lmKAN, apply_relu_linear, func_parameter, scale_parameters, bias_parameters, W_linear, bias_linear):
    flag = jnp.asarray(apply_relu_linear, jnp.int32).reshape((1,))
    wl = jnp.asarray(weight_lmKAN, jnp.float32).reshape((1,))

    linear_out = _linear_call(x, W_linear, bias_linear.reshape(OUT_DIM, 1), flag)

    idx, wlo, whi = _prep_call(
        x.reshape(P, 2, BATCH),
        scale_parameters.reshape(P, 2), bias_parameters.reshape(P, 2), wl)

    table = _build_call(func_parameter).reshape(ROWS2, OUT_DIM)
    out_sc = _sc_gather_call()(table, idx, wlo, whi, linear_out)
    return out_sc.T

# --- scband reference (transcript-rebuilt; emitter-appended) ---
"""Pipeline reference for scband-lmkan-2-d-layer-66640712565397 (READ-ONLY COPY).

The authoritative reference and input builder live on the scoring server;
editing this copy changes nothing except your own understanding.
"""

import jax, jax.numpy as jnp
import numpy as np
import math

N_CHUNKS = 32
INPUT_DIM = 256
OUTPUT_DIM = 128
BATCH = 1024


def setup_inputs(seed: int = 0) -> dict:
    key = jax.random.key(seed)
    ks = jax.random.split(key, 6)
    x = jax.random.normal(ks[0], (INPUT_DIM, BATCH), dtype=jnp.float32)
    G = N_CHUNKS + 1
    init_scale = 1.0
    fb = init_scale / math.sqrt(INPUT_DIM)
    func_parameter = jax.random.uniform(ks[1], (G, G, OUTPUT_DIM, INPUT_DIM // 2), minval=-fb, maxval=fb, dtype=jnp.float32)
    scale_parameters = jnp.ones((INPUT_DIM,), dtype=jnp.float32)
    bias_parameters = jnp.zeros((INPUT_DIM,), dtype=jnp.float32)
    # kaiming_uniform with a=sqrt(5) on (out,in) -> bound = 1/sqrt(fan_in)
    wb = 1.0 / math.sqrt(INPUT_DIM)
    W_linear = jax.random.uniform(ks[2], (OUTPUT_DIM, INPUT_DIM), minval=-wb, maxval=wb, dtype=jnp.float32)
    bias_linear = jax.random.uniform(ks[3], (OUTPUT_DIM,), minval=-wb, maxval=wb, dtype=jnp.float32)
    weight_lmKAN = jnp.float32(1.0)
    apply_relu_linear = True
    return {
        "x": x,
        "weight_lmKAN": weight_lmKAN,
        "apply_relu_linear": apply_relu_linear,
        "func_parameter": func_parameter,
        "scale_parameters": scale_parameters,
        "bias_parameters": bias_parameters,
        "W_linear": W_linear,
        "bias_linear": bias_linear,
    }


def _lmkan_2d(func_parameter, x, n_chunks):
    # x: (input_dim, batch), batch_last layout. Pairs of channels share one 2D
    # piecewise-bilinear function table of shape (G, G, output_dim, n_pairs).
    G = n_chunks + 1
    P = x.shape[0] // 2
    O = func_parameter.shape[2]
    xa = x[0::2]  # (P, B)
    xb = x[1::2]  # (P, B)
    # uniform grid over [-1, 1] (inputs passed through tanh upstream)
    ua = jnp.clip((xa + 1.0) * 0.5 * n_chunks, 0.0, n_chunks - 1e-4)
    ub = jnp.clip((xb + 1.0) * 0.5 * n_chunks, 0.0, n_chunks - 1e-4)
    ia = jnp.floor(ua).astype(jnp.int32)
    ib = jnp.floor(ub).astype(jnp.int32)
    fa = ua - ia.astype(jnp.float32)
    fb_ = ub - ib.astype(jnp.float32)
    Ft = jnp.transpose(func_parameter, (3, 0, 1, 2)).reshape(P, G * G, O)
    gather = jax.vmap(lambda t, l: jnp.take(t, l, axis=0))  # per-pair table gather

    def corner(di, dj):
        lin = (ia + di) * G + (ib + dj)  # (P, B)
        vals = gather(Ft, lin)  # (P, B, O)
        wa = fa if di == 1 else (1.0 - fa)
        wb = fb_ if dj == 1 else (1.0 - fb_)
        w = wa * wb  # (P, B)
        return jnp.sum(vals * w[..., None], axis=0)  # (B, O)

    out = corner(0, 0) + corner(1, 0) + corner(0, 1) + corner(1, 1)
    return out.T  # (O, B)


def reference(x, weight_lmKAN, apply_relu_linear, func_parameter, scale_parameters, bias_parameters, W_linear, bias_linear):
    # relu_last=True branch of the original forward
    linear_out = W_linear @ x + bias_linear[:, None]
    linear_out = jnp.where(apply_relu_linear, jax.nn.relu(linear_out), linear_out)
    xs = x * scale_parameters[:, None]  # apply_scale
    xs = xs + bias_parameters[:, None]  # apply_bias
    xs = jnp.tanh(xs)  # apply_tanh
    lmKAN_out = _lmkan_2d(func_parameter, xs, N_CHUNKS)
    return 1.0 * linear_out + weight_lmKAN * lmKAN_out

if __name__ == "__main__":
    import jax
    _d = setup_inputs()
    print(jax.jit(kernel)(*tuple(_d.values())))

</pallas_src>

<mosaic_0001>
#map = affine_map<(d0, d1) -> (0, 0)>
#map1 = affine_map<(d0, d1) -> (0, 0, 0)>
module attributes {stable_mosaic.version = 14 : i64} {
  func.func @_sc_body(%arg0: i32, %arg1: i32, %arg2: memref<135168x128xi32, #tpu.memory_space<hbm>>, %arg3: memref<2x1024x128xi32, #tpu.memory_space<hbm>>, %arg4: memref<2x1024x128xf32, #tpu.memory_space<hbm>>, %arg5: memref<2x1024x128xf32, #tpu.memory_space<hbm>>, %arg6: memref<1024x128xf32, #tpu.memory_space<hbm>>, %arg7: memref<1024x128xf32, #tpu.memory_space<hbm>>, %arg8: memref<64x128xi32, #tpu.memory_space<vmem>>, %arg9: memref<64x128xf32, #tpu.memory_space<vmem>>, %arg10: memref<64x128xf32, #tpu.memory_space<vmem>>, %arg11: memref<2x128x128xi32, #tpu.memory_space<vmem>>, %arg12: memref<32x128xf32, #tpu.memory_space<vmem>>, %arg13: memref<!tpu.dma_semaphore, #tpu.memory_space<semaphore_mem>>, %arg14: memref<!tpu.dma_semaphore, #tpu.memory_space<semaphore_mem>>) attributes {dimension_semantics = [#tpu.dimension_semantics<core_parallel>, #tpu.dimension_semantics<subcore_parallel>], iteration_bounds = array<i64: 2, 16>, scalar_prefetch = 0 : i64, scratch_operands = 7 : i64, tpu.core_type = #tpu.core_type<sc_vector_subcore>, window_params = [{transform_indices = #map}, {transform_indices = #map1}, {transform_indices = #map1}, {transform_indices = #map1}, {transform_indices = #map}, {transform_indices = #map}]} {
    %mul3A = arith.constant 2 : i32
    %mul3A_0 = arith.muli %arg1, %mul3A : i32
    %add3A = arith.addi %mul3A_0, %arg0 : i32
    %mul3A_1 = arith.constant 32 : i32
    %mul3A_2 = arith.muli %add3A, %mul3A_1 : i32
    %run_scoped3A = arith.constant 0 : i32
    "tpu.region"() ({
      %run_scoped3A_26 = tpu.sem_alloc : memref<!tpu.dma_semaphore, #tpu.memory_space<semaphore_mem>>
      %dma_start3A_27 = arith.constant 0 : i32
      %dma_start3A_28 = arith.constant 0 : i32
      %dma_start3A_29 = tpu.memref_slice %arg8[%dma_start3A_27, %dma_start3A_28] : memref<64x128xi32, #tpu.memory_space<vmem>> -> memref<32x128xi32, #tpu.memory_space<vmem>>
      %dma_start3A_30 = arith.constant 0 : i32
      %dma_start3A_31 = tpu.memref_slice %arg3[%run_scoped3A, %mul3A_2, %dma_start3A_30] : memref<2x1024x128xi32, #tpu.memory_space<hbm>> -> memref<1x32x128xi32, #tpu.memory_space<hbm>>
      %dma_start3A_32 = tpu.memref_squeeze %dma_start3A_31 : memref<1x32x128xi32, #tpu.memory_space<hbm>> -> memref<32x128xi32, #tpu.memory_space<hbm>>
      %dma_start3A_33 = arith.constant 0 : i32
      %dma_start3A_34 = arith.constant 0 : i32
      %dma_start3A_35 = tpu.memref_slice %arg8[%dma_start3A_33, %dma_start3A_34] : memref<64x128xi32, #tpu.memory_space<vmem>> -> memref<32x128xi32, #tpu.memory_space<vmem>>
      %dma_start3A_36 = arith.constant 0 : i32
      %dma_start3A_37 = tpu.memref_slice %arg3[%run_scoped3A, %mul3A_2, %dma_start3A_36] : memref<2x1024x128xi32, #tpu.memory_space<hbm>> -> memref<1x32x128xi32, #tpu.memory_space<hbm>>
      %dma_start3A_38 = tpu.memref_squeeze %dma_start3A_37 : memref<1x32x128xi32, #tpu.memory_space<hbm>> -> memref<32x128xi32, #tpu.memory_space<hbm>>
      tpu.enqueue_dma source(%dma_start3A_38 : memref<32x128xi32, #tpu.memory_space<hbm>>) target(%dma_start3A_35 : memref<32x128xi32, #tpu.memory_space<vmem>>) target_semaphore(%run_scoped3A_26 : memref<!tpu.dma_semaphore, #tpu.memory_space<semaphore_mem>>)
      %dma_wait3A = arith.constant 0 : i32
      %dma_wait3A_39 = arith.constant 0 : i32
      %dma_wait3A_40 = tpu.memref_slice %arg8[%dma_wait3A, %dma_wait3A_39] : memref<64x128xi32, #tpu.memory_space<vmem>> -> memref<32x128xi32, #tpu.memory_space<vmem>>
      %dma_wait3A_41 = arith.constant 0 : i32
      %dma_wait3A_42 = tpu.memref_slice %arg3[%run_scoped3A, %mul3A_2, %dma_wait3A_41] : memref<2x1024x128xi32, #tpu.memory_space<hbm>> -> memref<1x32x128xi32, #tpu.memory_space<hbm>>
      %dma_wait3A_43 = tpu.memref_squeeze %dma_wait3A_42 : memref<1x32x128xi32, #tpu.memory_space<hbm>> -> memref<32x128xi32, #tpu.memory_space<hbm>>
      %dma_wait3A_44 = arith.constant 0 : i32
      %dma_wait3A_45 = arith.constant 0 : i32
      %dma_wait3A_46 = tpu.memref_slice %arg8[%dma_wait3A_44, %dma_wait3A_45] : memref<64x128xi32, #tpu.memory_space<vmem>> -> memref<32x128xi32, #tpu.memory_space<vmem>>
      %dma_wait3A_47 = arith.constant 0 : i32
      %dma_wait3A_48 = tpu.memref_slice %arg3[%run_scoped3A, %mul3A_2, %dma_wait3A_47] : memref<2x1024x128xi32, #tpu.memory_space<hbm>> -> memref<1x32x128xi32, #tpu.memory_space<hbm>>
      %dma_wait3A_49 = tpu.memref_squeeze %dma_wait3A_48 : memref<1x32x128xi32, #tpu.memory_space<hbm>> -> memref<32x128xi32, #tpu.memory_space<hbm>>
      tpu.wait_dma2 semaphore(%run_scoped3A_26 : memref<!tpu.dma_semaphore, #tpu.memory_space<semaphore_mem>>) src(%dma_wait3A_49 : memref<32x128xi32, #tpu.memory_space<hbm>>) dst(%dma_wait3A_46 : memref<32x128xi32, #tpu.memory_space<vmem>>)
      tpu.yield
    }) : () -> ()
    %run_scoped3A_3 = arith.constant 0 : i32
    "tpu.region"() ({
      %run_scoped3A_26 = tpu.sem_alloc : memref<!tpu.dma_semaphore, #tpu.memory_space<semaphore_mem>>
      %dma_start3A_27 = arith.constant 0 : i32
      %dma_start3A_28 = arith.constant 0 : i32
      %dma_start3A_29 = tpu.memref_slice %arg9[%dma_start3A_27, %dma_start3A_28] : memref<64x128xf32, #tpu.memory_space<vmem>> -> memref<32x128xf32, #tpu.memory_space<vmem>>
      %dma_start3A_30 = arith.constant 0 : i32
      %dma_start3A_31 = tpu.memref_slice %arg4[%run_scoped3A_3, %mul3A_2, %dma_start3A_30] : memref<2x1024x128xf32, #tpu.memory_space<hbm>> -> memref<1x32x128xf32, #tpu.memory_space<hbm>>
      %dma_start3A_32 = tpu.memref_squeeze %dma_start3A_31 : memref<1x32x128xf32, #tpu.memory_space<hbm>> -> memref<32x128xf32, #tpu.memory_space<hbm>>
      %dma_start3A_33 = arith.constant 0 : i32
      %dma_start3A_34 = arith.constant 0 : i32
      %dma_start3A_35 = tpu.memref_slice %arg9[%dma_start3A_33, %dma_start3A_34] : memref<64x128xf32, #tpu.memory_space<vmem>> -> memref<32x128xf32, #tpu.memory_space<vmem>>
      %dma_start3A_36 = arith.constant 0 : i32
      %dma_start3A_37 = tpu.memref_slice %arg4[%run_scoped3A_3, %mul3A_2, %dma_start3A_36] : memref<2x1024x128xf32, #tpu.memory_space<hbm>> -> memref<1x32x128xf32, #tpu.memory_space<hbm>>
      %dma_start3A_38 = tpu.memref_squeeze %dma_start3A_37 : memref<1x32x128xf32, #tpu.memory_space<hbm>> -> memref<32x128xf32, #tpu.memory_space<hbm>>
      tpu.enqueue_dma source(%dma_start3A_38 : memref<32x128xf32, #tpu.memory_space<hbm>>) target(%dma_start3A_35 : memref<32x128xf32, #tpu.memory_space<vmem>>) target_semaphore(%run_scoped3A_26 : memref<!tpu.dma_semaphore, #tpu.memory_space<semaphore_mem>>)
      %dma_wait3A = arith.constant 0 : i32
      %dma_wait3A_39 = arith.constant 0 : i32
      %dma_wait3A_40 = tpu.memref_slice %arg9[%dma_wait3A, %dma_wait3A_39] : memref<64x128xf32, #tpu.memory_space<vmem>> -> memref<32x128xf32, #tpu.memory_space<vmem>>
      %dma_wait3A_41 = arith.constant 0 : i32
      %dma_wait3A_42 = tpu.memref_slice %arg4[%run_scoped3A_3, %mul3A_2, %dma_wait3A_41] : memref<2x1024x128xf32, #tpu.memory_space<hbm>> -> memref<1x32x128xf32, #tpu.memory_space<hbm>>
      %dma_wait3A_43 = tpu.memref_squeeze %dma_wait3A_42 : memref<1x32x128xf32, #tpu.memory_space<hbm>> -> memref<32x128xf32, #tpu.memory_space<hbm>>
      %dma_wait3A_44 = arith.constant 0 : i32
      %dma_wait3A_45 = arith.constant 0 : i32
      %dma_wait3A_46 = tpu.memref_slice %arg9[%dma_wait3A_44, %dma_wait3A_45] : memref<64x128xf32, #tpu.memory_space<vmem>> -> memref<32x128xf32, #tpu.memory_space<vmem>>
      %dma_wait3A_47 = arith.constant 0 : i32
      %dma_wait3A_48 = tpu.memref_slice %arg4[%run_scoped3A_3, %mul3A_2, %dma_wait3A_47] : memref<2x1024x128xf32, #tpu.memory_space<hbm>> -> memref<1x32x128xf32, #tpu.memory_space<hbm>>
      %dma_wait3A_49 = tpu.memref_squeeze %dma_wait3A_48 : memref<1x32x128xf32, #tpu.memory_space<hbm>> -> memref<32x128xf32, #tpu.memory_space<hbm>>
      tpu.wait_dma2 semaphore(%run_scoped3A_26 : memref<!tpu.dma_semaphore, #tpu.memory_space<semaphore_mem>>) src(%dma_wait3A_49 : memref<32x128xf32, #tpu.memory_space<hbm>>) dst(%dma_wait3A_46 : memref<32x128xf32, #tpu.memory_space<vmem>>)
      tpu.yield
    }) : () -> ()
    %run_scoped3A_4 = arith.constant 0 : i32
    "tpu.region"() ({
      %run_scoped3A_26 = tpu.sem_alloc : memref<!tpu.dma_semaphore, #tpu.memory_space<semaphore_mem>>
      %dma_start3A_27 = arith.constant 0 : i32
      %dma_start3A_28 = arith.constant 0 : i32
      %dma_start3A_29 = tpu.memref_slice %arg10[%dma_start3A_27, %dma_start3A_28] : memref<64x128xf32, #tpu.memory_space<vmem>> -> memref<32x128xf32, #tpu.memory_space<vmem>>
      %dma_start3A_30 = arith.constant 0 : i32
      %dma_start3A_31 = tpu.memref_slice %arg5[%run_scoped3A_4, %mul3A_2, %dma_start3A_30] : memref<2x1024x128xf32, #tpu.memory_space<hbm>> -> memref<1x32x128xf32, #tpu.memory_space<hbm>>
      %dma_start3A_32 = tpu.memref_squeeze %dma_start3A_31 : memref<1x32x128xf32, #tpu.memory_space<hbm>> -> memref<32x128xf32, #tpu.memory_space<hbm>>
      %dma_start3A_33 = arith.constant 0 : i32
      %dma_start3A_34 = arith.constant 0 : i32
      %dma_start3A_35 = tpu.memref_slice %arg10[%dma_start3A_33, %dma_start3A_34] : memref<64x128xf32, #tpu.memory_space<vmem>> -> memref<32x128xf32, #tpu.memory_space<vmem>>
      %dma_start3A_36 = arith.constant 0 : i32
      %dma_start3A_37 = tpu.memref_slice %arg5[%run_scoped3A_4, %mul3A_2, %dma_start3A_36] : memref<2x1024x128xf32, #tpu.memory_space<hbm>> -> memref<1x32x128xf32, #tpu.memory_space<hbm>>
      %dma_start3A_38 = tpu.memref_squeeze %dma_start3A_37 : memref<1x32x128xf32, #tpu.memory_space<hbm>> -> memref<32x128xf32, #tpu.memory_space<hbm>>
      tpu.enqueue_dma source(%dma_start3A_38 : memref<32x128xf32, #tpu.memory_space<hbm>>) target(%dma_start3A_35 : memref<32x128xf32, #tpu.memory_space<vmem>>) target_semaphore(%run_scoped3A_26 : memref<!tpu.dma_semaphore, #tpu.memory_space<semaphore_mem>>)
      %dma_wait3A = arith.constant 0 : i32
      %dma_wait3A_39 = arith.constant 0 : i32
      %dma_wait3A_40 = tpu.memref_slice %arg10[%dma_wait3A, %dma_wait3A_39] : memref<64x128xf32, #tpu.memory_space<vmem>> -> memref<32x128xf32, #tpu.memory_space<vmem>>
      %dma_wait3A_41 = arith.constant 0 : i32
      %dma_wait3A_42 = tpu.memref_slice %arg5[%run_scoped3A_4, %mul3A_2, %dma_wait3A_41] : memref<2x1024x128xf32, #tpu.memory_space<hbm>> -> memref<1x32x128xf32, #tpu.memory_space<hbm>>
      %dma_wait3A_43 = tpu.memref_squeeze %dma_wait3A_42 : memref<1x32x128xf32, #tpu.memory_space<hbm>> -> memref<32x128xf32, #tpu.memory_space<hbm>>
      %dma_wait3A_44 = arith.constant 0 : i32
      %dma_wait3A_45 = arith.constant 0 : i32
      %dma_wait3A_46 = tpu.memref_slice %arg10[%dma_wait3A_44, %dma_wait3A_45] : memref<64x128xf32, #tpu.memory_space<vmem>> -> memref<32x128xf32, #tpu.memory_space<vmem>>
      %dma_wait3A_47 = arith.constant 0 : i32
      %dma_wait3A_48 = tpu.memref_slice %arg5[%run_scoped3A_4, %mul3A_2, %dma_wait3A_47] : memref<2x1024x128xf32, #tpu.memory_space<hbm>> -> memref<1x32x128xf32, #tpu.memory_space<hbm>>
      %dma_wait3A_49 = tpu.memref_squeeze %dma_wait3A_48 : memref<1x32x128xf32, #tpu.memory_space<hbm>> -> memref<32x128xf32, #tpu.memory_space<hbm>>
      tpu.wait_dma2 semaphore(%run_scoped3A_26 : memref<!tpu.dma_semaphore, #tpu.memory_space<semaphore_mem>>) src(%dma_wait3A_49 : memref<32x128xf32, #tpu.memory_space<hbm>>) dst(%dma_wait3A_46 : memref<32x128xf32, #tpu.memory_space<vmem>>)
      tpu.yield
    }) : () -> ()
    %run_scoped3A_5 = arith.constant 1 : i32
    "tpu.region"() ({
      %run_scoped3A_26 = tpu.sem_alloc : memref<!tpu.dma_semaphore, #tpu.memory_space<semaphore_mem>>
      %dma_start3A_27 = arith.constant 32 : i32
      %dma_start3A_28 = arith.constant 0 : i32
      %dma_start3A_29 = tpu.memref_slice %arg8[%dma_start3A_27, %dma_start3A_28] : memref<64x128xi32, #tpu.memory_space<vmem>> -> memref<32x128xi32, #tpu.memory_space<vmem>>
      %dma_start3A_30 = arith.constant 0 : i32
      %dma_start3A_31 = tpu.memref_slice %arg3[%run_scoped3A_5, %mul3A_2, %dma_start3A_30] : memref<2x1024x128xi32, #tpu.memory_space<hbm>> -> memref<1x32x128xi32, #tpu.memory_space<hbm>>
      %dma_start3A_32 = tpu.memref_squeeze %dma_start3A_31 : memref<1x32x128xi32, #tpu.memory_space<hbm>> -> memref<32x128xi32, #tpu.memory_space<hbm>>
      %dma_start3A_33 = arith.constant 32 : i32
      %dma_start3A_34 = arith.constant 0 : i32
      %dma_start3A_35 = tpu.memref_slice %arg8[%dma_start3A_33, %dma_start3A_34] : memref<64x128xi32, #tpu.memory_space<vmem>> -> memref<32x128xi32, #tpu.memory_space<vmem>>
      %dma_start3A_36 = arith.constant 0 : i32
      %dma_start3A_37 = tpu.memref_slice %arg3[%run_scoped3A_5, %mul3A_2, %dma_start3A_36] : memref<2x1024x128xi32, #tpu.memory_space<hbm>> -> memref<1x32x128xi32, #tpu.memory_space<hbm>>
      %dma_start3A_38 = tpu.memref_squeeze %dma_start3A_37 : memref<1x32x128xi32, #tpu.memory_space<hbm>> -> memref<32x128xi32, #tpu.memory_space<hbm>>
      tpu.enqueue_dma source(%dma_start3A_38 : memref<32x128xi32, #tpu.memory_space<hbm>>) target(%dma_start3A_35 : memref<32x128xi32, #tpu.memory_space<vmem>>) target_semaphore(%run_scoped3A_26 : memref<!tpu.dma_semaphore, #tpu.memory_space<semaphore_mem>>)
      %dma_wait3A = arith.constant 32 : i32
      %dma_wait3A_39 = arith.constant 0 : i32
      %dma_wait3A_40 = tpu.memref_slice %arg8[%dma_wait3A, %dma_wait3A_39] : memref<64x128xi32, #tpu.memory_space<vmem>> -> memref<32x128xi32, #tpu.memory_space<vmem>>
      %dma_wait3A_41 = arith.constant 0 : i32
      %dma_wait3A_42 = tpu.memref_slice %arg3[%run_scoped3A_5, %mul3A_2, %dma_wait3A_41] : memref<2x1024x128xi32, #tpu.memory_space<hbm>> -> memref<1x32x128xi32, #tpu.memory_space<hbm>>
      %dma_wait3A_43 = tpu.memref_squeeze %dma_wait3A_42 : memref<1x32x128xi32, #tpu.memory_space<hbm>> -> memref<32x128xi32, #tpu.memory_space<hbm>>
      %dma_wait3A_44 = arith.constant 32 : i32
      %dma_wait3A_45 = arith.constant 0 : i32
      %dma_wait3A_46 = tpu.memref_slice %arg8[%dma_wait3A_44, %dma_wait3A_45] : memref<64x128xi32, #tpu.memory_space<vmem>> -> memref<32x128xi32, #tpu.memory_space<vmem>>
      %dma_wait3A_47 = arith.constant 0 : i32
      %dma_wait3A_48 = tpu.memref_slice %arg3[%run_scoped3A_5, %mul3A_2, %dma_wait3A_47] : memref<2x1024x128xi32, #tpu.memory_space<hbm>> -> memref<1x32x128xi32, #tpu.memory_space<hbm>>
      %dma_wait3A_49 = tpu.memref_squeeze %dma_wait3A_48 : memref<1x32x128xi32, #tpu.memory_space<hbm>> -> memref<32x128xi32, #tpu.memory_space<hbm>>
      tpu.wait_dma2 semaphore(%run_scoped3A_26 : memref<!tpu.dma_semaphore, #tpu.memory_space<semaphore_mem>>) src(%dma_wait3A_49 : memref<32x128xi32, #tpu.memory_space<hbm>>) dst(%dma_wait3A_46 : memref<32x128xi32, #tpu.memory_space<vmem>>)
      tpu.yield
    }) : () -> ()
    %run_scoped3A_6 = arith.constant 1 : i32
    "tpu.region"() ({
      %run_scoped3A_26 = tpu.sem_alloc : memref<!tpu.dma_semaphore, #tpu.memory_space<semaphore_mem>>
      %dma_start3A_27 = arith.constant 32 : i32
      %dma_start3A_28 = arith.constant 0 : i32
      %dma_start3A_29 = tpu.memref_slice %arg9[%dma_start3A_27, %dma_start3A_28] : memref<64x128xf32, #tpu.memory_space<vmem>> -> memref<32x128xf32, #tpu.memory_space<vmem>>
      %dma_start3A_30 = arith.constant 0 : i32
      %dma_start3A_31 = tpu.memref_slice %arg4[%run_scoped3A_6, %mul3A_2, %dma_start3A_30] : memref<2x1024x128xf32, #tpu.memory_space<hbm>> -> memref<1x32x128xf32, #tpu.memory_space<hbm>>
      %dma_start3A_32 = tpu.memref_squeeze %dma_start3A_31 : memref<1x32x128xf32, #tpu.memory_space<hbm>> -> memref<32x128xf32, #tpu.memory_space<hbm>>
      %dma_start3A_33 = arith.constant 32 : i32
      %dma_start3A_34 = arith.constant 0 : i32
      %dma_start3A_35 = tpu.memref_slice %arg9[%dma_start3A_33, %dma_start3A_34] : memref<64x128xf32, #tpu.memory_space<vmem>> -> memref<32x128xf32, #tpu.memory_space<vmem>>
      %dma_start3A_36 = arith.constant 0 : i32
      %dma_start3A_37 = tpu.memref_slice %arg4[%run_scoped3A_6, %mul3A_2, %dma_start3A_36] : memref<2x1024x128xf32, #tpu.memory_space<hbm>> -> memref<1x32x128xf32, #tpu.memory_space<hbm>>
      %dma_start3A_38 = tpu.memref_squeeze %dma_start3A_37 : memref<1x32x128xf32, #tpu.memory_space<hbm>> -> memref<32x128xf32, #tpu.memory_space<hbm>>
      tpu.enqueue_dma source(%dma_start3A_38 : memref<32x128xf32, #tpu.memory_space<hbm>>) target(%dma_start3A_35 : memref<32x128xf32, #tpu.memory_space<vmem>>) target_semaphore(%run_scoped3A_26 : memref<!tpu.dma_semaphore, #tpu.memory_space<semaphore_mem>>)
      %dma_wait3A = arith.constant 32 : i32
      %dma_wait3A_39 = arith.constant 0 : i32
      %dma_wait3A_40 = tpu.memref_slice %arg9[%dma_wait3A, %dma_wait3A_39] : memref<64x128xf32, #tpu.memory_space<vmem>> -> memref<32x128xf32, #tpu.memory_space<vmem>>
      %dma_wait3A_41 = arith.constant 0 : i32
      %dma_wait3A_42 = tpu.memref_slice %arg4[%run_scoped3A_6, %mul3A_2, %dma_wait3A_41] : memref<2x1024x128xf32, #tpu.memory_space<hbm>> -> memref<1x32x128xf32, #tpu.memory_space<hbm>>
      %dma_wait3A_43 = tpu.memref_squeeze %dma_wait3A_42 : memref<1x32x128xf32, #tpu.memory_space<hbm>> -> memref<32x128xf32, #tpu.memory_space<hbm>>
      %dma_wait3A_44 = arith.constant 32 : i32
      %dma_wait3A_45 = arith.constant 0 : i32
      %dma_wait3A_46 = tpu.memref_slice %arg9[%dma_wait3A_44, %dma_wait3A_45] : memref<64x128xf32, #tpu.memory_space<vmem>> -> memref<32x128xf32, #tpu.memory_space<vmem>>
      %dma_wait3A_47 = arith.constant 0 : i32
      %dma_wait3A_48 = tpu.memref_slice %arg4[%run_scoped3A_6, %mul3A_2, %dma_wait3A_47] : memref<2x1024x128xf32, #tpu.memory_space<hbm>> -> memref<1x32x128xf32, #tpu.memory_space<hbm>>
      %dma_wait3A_49 = tpu.memref_squeeze %dma_wait3A_48 : memref<1x32x128xf32, #tpu.memory_space<hbm>> -> memref<32x128xf32, #tpu.memory_space<hbm>>
      tpu.wait_dma2 semaphore(%run_scoped3A_26 : memref<!tpu.dma_semaphore, #tpu.memory_space<semaphore_mem>>) src(%dma_wait3A_49 : memref<32x128xf32, #tpu.memory_space<hbm>>) dst(%dma_wait3A_46 : memref<32x128xf32, #tpu.memory_space<vmem>>)
      tpu.yield
    }) : () -> ()
    %run_scoped3A_7 = arith.constant 1 : i32
    "tpu.region"() ({
      %run_scoped3A_26 = tpu.sem_alloc : memref<!tpu.dma_semaphore, #tpu.memory_space<semaphore_mem>>
      %dma_start3A_27 = arith.constant 32 : i32
      %dma_start3A_28 = arith.constant 0 : i32
      %dma_start3A_29 = tpu.memref_slice %arg10[%dma_start3A_27, %dma_start3A_28] : memref<64x128xf32, #tpu.memory_space<vmem>> -> memref<32x128xf32, #tpu.memory_space<vmem>>
      %dma_start3A_30 = arith.constant 0 : i32
      %dma_start3A_31 = tpu.memref_slice %arg5[%run_scoped3A_7, %mul3A_2, %dma_start3A_30] : memref<2x1024x128xf32, #tpu.memory_space<hbm>> -> memref<1x32x128xf32, #tpu.memory_space<hbm>>
      %dma_start3A_32 = tpu.memref_squeeze %dma_start3A_31 : memref<1x32x128xf32, #tpu.memory_space<hbm>> -> memref<32x128xf32, #tpu.memory_space<hbm>>
      %dma_start3A_33 = arith.constant 32 : i32
      %dma_start3A_34 = arith.constant 0 : i32
      %dma_start3A_35 = tpu.memref_slice %arg10[%dma_start3A_33, %dma_start3A_34] : memref<64x128xf32, #tpu.memory_space<vmem>> -> memref<32x128xf32, #tpu.memory_space<vmem>>
      %dma_start3A_36 = arith.constant 0 : i32
      %dma_start3A_37 = tpu.memref_slice %arg5[%run_scoped3A_7, %mul3A_2, %dma_start3A_36] : memref<2x1024x128xf32, #tpu.memory_space<hbm>> -> memref<1x32x128xf32, #tpu.memory_space<hbm>>
      %dma_start3A_38 = tpu.memref_squeeze %dma_start3A_37 : memref<1x32x128xf32, #tpu.memory_space<hbm>> -> memref<32x128xf32, #tpu.memory_space<hbm>>
      tpu.enqueue_dma source(%dma_start3A_38 : memref<32x128xf32, #tpu.memory_space<hbm>>) target(%dma_start3A_35 : memref<32x128xf32, #tpu.memory_space<vmem>>) target_semaphore(%run_scoped3A_26 : memref<!tpu.dma_semaphore, #tpu.memory_space<semaphore_mem>>)
      %dma_wait3A = arith.constant 32 : i32
      %dma_wait3A_39 = arith.constant 0 : i32
      %dma_wait3A_40 = tpu.memref_slice %arg10[%dma_wait3A, %dma_wait3A_39] : memref<64x128xf32, #tpu.memory_space<vmem>> -> memref<32x128xf32, #tpu.memory_space<vmem>>
      %dma_wait3A_41 = arith.constant 0 : i32
      %dma_wait3A_42 = tpu.memref_slice %arg5[%run_scoped3A_7, %mul3A_2, %dma_wait3A_41] : memref<2x1024x128xf32, #tpu.memory_space<hbm>> -> memref<1x32x128xf32, #tpu.memory_space<hbm>>
      %dma_wait3A_43 = tpu.memref_squeeze %dma_wait3A_42 : memref<1x32x128xf32, #tpu.memory_space<hbm>> -> memref<32x128xf32, #tpu.memory_space<hbm>>
      %dma_wait3A_44 = arith.constant 32 : i32
      %dma_wait3A_45 = arith.constant 0 : i32
      %dma_wait3A_46 = tpu.memref_slice %arg10[%dma_wait3A_44, %dma_wait3A_45] : memref<64x128xf32, #tpu.memory_space<vmem>> -> memref<32x128xf32, #tpu.memory_space<vmem>>
      %dma_wait3A_47 = arith.constant 0 : i32
      %dma_wait3A_48 = tpu.memref_slice %arg5[%run_scoped3A_7, %mul3A_2, %dma_wait3A_47] : memref<2x1024x128xf32, #tpu.memory_space<hbm>> -> memref<1x32x128xf32, #tpu.memory_space<hbm>>
      %dma_wait3A_49 = tpu.memref_squeeze %dma_wait3A_48 : memref<1x32x128xf32, #tpu.memory_space<hbm>> -> memref<32x128xf32, #tpu.memory_space<hbm>>
      tpu.wait_dma2 semaphore(%run_scoped3A_26 : memref<!tpu.dma_semaphore, #tpu.memory_space<semaphore_mem>>) src(%dma_wait3A_49 : memref<32x128xf32, #tpu.memory_space<hbm>>) dst(%dma_wait3A_46 : memref<32x128xf32, #tpu.memory_space<vmem>>)
      tpu.yield
    }) : () -> ()
    "tpu.region"() ({
      %run_scoped3A_26 = tpu.sem_alloc : memref<!tpu.dma_semaphore, #tpu.memory_space<semaphore_mem>>
      %dma_start3A_27 = arith.constant 0 : i32
      %dma_start3A_28 = tpu.memref_slice %arg6[%mul3A_2, %dma_start3A_27] : memref<1024x128xf32, #tpu.memory_space<hbm>> -> memref<32x128xf32, #tpu.memory_space<hbm>>
      %dma_start3A_29 = arith.constant 0 : i32
      %dma_start3A_30 = tpu.memref_slice %arg6[%mul3A_2, %dma_start3A_29] : memref<1024x128xf32, #tpu.memory_space<hbm>> -> memref<32x128xf32, #tpu.memory_space<hbm>>
      tpu.enqueue_dma source(%dma_start3A_30 : memref<32x128xf32, #tpu.memory_space<hbm>>) target(%arg12 : memref<32x128xf32, #tpu.memory_space<vmem>>) target_semaphore(%run_scoped3A_26 : memref<!tpu.dma_semaphore, #tpu.memory_space<semaphore_mem>>)
      %dma_wait3A = arith.constant 0 : i32
      %dma_wait3A_31 = tpu.memref_slice %arg6[%mul3A_2, %dma_wait3A] : memref<1024x128xf32, #tpu.memory_space<hbm>> -> memref<32x128xf32, #tpu.memory_space<hbm>>
      %dma_wait3A_32 = arith.constant 0 : i32
      %dma_wait3A_33 = tpu.memref_slice %arg6[%mul3A_2, %dma_wait3A_32] : memref<1024x128xf32, #tpu.memory_space<hbm>> -> memref<32x128xf32, #tpu.memory_space<hbm>>
      tpu.wait_dma2 semaphore(%run_scoped3A_26 : memref<!tpu.dma_semaphore, #tpu.memory_space<semaphore_mem>>) src(%dma_wait3A_33 : memref<32x128xf32, #tpu.memory_space<hbm>>) dst(%arg12 : memref<32x128xf32, #tpu.memory_space<vmem>>)
      tpu.yield
    }) : () -> ()
    %dma_start3A = arith.constant 0 : i32
    %dma_start3A_8 = arith.constant 0 : i32
    %dma_start3A_9 = arith.constant 0 : i32
    %dma_start3A_10 = arith.constant 0 : i32
    %dma_start3A_11 = tpu.memref_slice %arg11[%dma_start3A_8, %dma_start3A_9, %dma_start3A_10] : memref<2x128x128xi32, #tpu.memory_space<vmem>> -> memref<1x128x128xi32, #tpu.memory_space<vmem>>
    %dma_start3A_12 = tpu.memref_squeeze %dma_start3A_11 : memref<1x128x128xi32, #tpu.memory_space<vmem>> -> memref<128x128xi32, #tpu.memory_space<vmem>>
    %dma_start3A_13 = arith.constant 0 : i32
    %dma_start3A_14 = tpu.memref_slice %arg8[%dma_start3A, %dma_start3A_13] : memref<64x128xi32, #tpu.memory_space<vmem>> -> memref<1x128xi32, #tpu.memory_space<vmem>>
    %dma_start3A_15 = tpu.memref_squeeze %dma_start3A_14 : memref<1x128xi32, #tpu.memory_space<vmem>> -> memref<128xi32, #tpu.memory_space<vmem>>
    %dma_start3A_16 = arith.constant 0 : i32
    %dma_start3A_17 = arith.constant 0 : i32
    %dma_start3A_18 = tpu.memref_slice %arg2[%dma_start3A_16, %dma_start3A_17] : memref<135168x128xi32, #tpu.memory_space<hbm>> -> memref<135168x128xi32, #tpu.memory_space<hbm>>
    tpu.enqueue_indirect_dma source(%dma_start3A_18 : memref<135168x128xi32, #tpu.memory_space<hbm>>) target(%dma_start3A_12 : memref<128x128xi32, #tpu.memory_space<vmem>>) offsets(%dma_start3A_15 : memref<128xi32, #tpu.memory_space<vmem>>) semaphore(%arg13 : memref<!tpu.dma_semaphore, #tpu.memory_space<semaphore_mem>>)
    %scan3A = arith.constant 0 : i32
    %scan3A_19 = arith.constant 0 : i32
    %scan3A_20 = arith.constant 32 : i32
    %scan3A_21 = arith.addi %scan3A_19, %scan3A_20 : i32
    %scan3A_22 = arith.constant 1 : i32
    scf.for %scan3A_26 = %scan3A_19 to %scan3A_21 step %scan3A_22  : i32 {
      %add3A_27 = arith.constant 0 : i32
      %add3A_28 = arith.addi %add3A_27, %scan3A_26 : i32
      %add3A_29 = arith.constant 32 : i32
      %add3A_30 = arith.addi %add3A_29, %scan3A_26 : i32
      %dma_start3A_31 = arith.constant 1 : i32
      %dma_start3A_32 = arith.constant 0 : i32
      %dma_start3A_33 = arith.constant 0 : i32
      %dma_start3A_34 = tpu.memref_slice %arg11[%dma_start3A_31, %dma_start3A_32, %dma_start3A_33] : memref<2x128x128xi32, #tpu.memory_space<vmem>> -> memref<1x128x128xi32, #tpu.memory_space<vmem>>
      %dma_start3A_35 = tpu.memref_squeeze %dma_start3A_34 : memref<1x128x128xi32, #tpu.memory_space<vmem>> -> memref<128x128xi32, #tpu.memory_space<vmem>>
      %dma_start3A_36 = arith.constant 0 : i32
      %dma_start3A_37 = tpu.memref_slice %arg8[%add3A_30, %dma_start3A_36] : memref<64x128xi32, #tpu.memory_space<vmem>> -> memref<1x128xi32, #tpu.memory_space<vmem>>
      %dma_start3A_38 = tpu.memref_squeeze %dma_start3A_37 : memref<1x128xi32, #tpu.memory_space<vmem>> -> memref<128xi32, #tpu.memory_space<vmem>>
      %dma_start3A_39 = arith.constant 0 : i32
      %dma_start3A_40 = arith.constant 0 : i32
      %dma_start3A_41 = tpu.memref_slice %arg2[%dma_start3A_39, %dma_start3A_40] : memref<135168x128xi32, #tpu.memory_space<hbm>> -> memref<135168x128xi32, #tpu.memory_space<hbm>>
      tpu.enqueue_indirect_dma source(%dma_start3A_41 : memref<135168x128xi32, #tpu.memory_space<hbm>>) target(%dma_start3A_35 : memref<128x128xi32, #tpu.memory_space<vmem>>) offsets(%dma_start3A_38 : memref<128xi32, #tpu.memory_space<vmem>>) semaphore(%arg14 : memref<!tpu.dma_semaphore, #tpu.memory_space<semaphore_mem>>)
      %dma_wait3A = arith.constant 0 : i32
      %dma_wait3A_42 = arith.constant 0 : i32
      %dma_wait3A_43 = arith.constant 0 : i32
      %dma_wait3A_44 = tpu.memref_slice %arg11[%dma_wait3A, %dma_wait3A_42, %dma_wait3A_43] : memref<2x128x128xi32, #tpu.memory_space<vmem>> -> memref<1x128x128xi32, #tpu.memory_space<vmem>>
      %dma_wait3A_45 = tpu.memref_squeeze %dma_wait3A_44 : memref<1x128x128xi32, #tpu.memory_space<vmem>> -> memref<128x128xi32, #tpu.memory_space<vmem>>
      %dma_wait3A_46 = arith.constant 0 : i32
      %dma_wait3A_47 = tpu.memref_slice %arg8[%add3A_28, %dma_wait3A_46] : memref<64x128xi32, #tpu.memory_space<vmem>> -> memref<1x128xi32, #tpu.memory_space<vmem>>
      %dma_wait3A_48 = tpu.memref_squeeze %dma_wait3A_47 : memref<1x128xi32, #tpu.memory_space<vmem>> -> memref<128xi32, #tpu.memory_space<vmem>>
      %dma_wait3A_49 = arith.constant 0 : i32
      %dma_wait3A_50 = arith.constant 0 : i32
      %dma_wait3A_51 = tpu.memref_slice %arg2[%dma_wait3A_49, %dma_wait3A_50] : memref<135168x128xi32, #tpu.memory_space<hbm>> -> memref<135168x128xi32, #tpu.memory_space<hbm>>
      tpu.wait_indirect_dma semaphore(%arg13 : memref<!tpu.dma_semaphore, #tpu.memory_space<semaphore_mem>>) src(%dma_wait3A_51 : memref<135168x128xi32, #tpu.memory_space<hbm>>) dst(%dma_wait3A_45 : memref<128x128xi32, #tpu.memory_space<vmem>>)
      %scan3A_52 = arith.constant 0 : i32
      %scan3A_53 = arith.constant 0 : i32
      %scan3A_54 = arith.constant 8 : i32
      %scan3A_55 = arith.addi %scan3A_53, %scan3A_54 : i32
      %scan3A_56 = arith.constant 1 : i32
      scf.for %scan3A_81 = %scan3A_53 to %scan3A_55 step %scan3A_56  : i32 {
        %mul3A_82 = arith.constant 16 : i32
        %mul3A_83 = arith.muli %scan3A_81, %mul3A_82 : i32
        %multiple_of3A = tpu.assume_multiple %mul3A_83, 16 : i32
        %get3A = arith.index_cast %add3A_28 : i32 to index
        %get3A_84 = arith.index_cast %multiple_of3A : i32 to index
        %get3A_85 = tpu.vector_load %arg9[%get3A, %get3A_84] {strides = array<i32>} : memref<64x128xf32, #tpu.memory_space<vmem>>, vector<16xf32>,
        %get3A_86 = arith.index_cast %add3A_28 : i32 to index
        %get3A_87 = arith.index_cast %multiple_of3A : i32 to index
        %get3A_88 = tpu.vector_load %arg10[%get3A_86, %get3A_87] {strides = array<i32>} : memref<64x128xf32, #tpu.memory_space<vmem>>, vector<16xf32>,
        %broadcast_in_dim3A = arith.constant 0.000000e+00 : bf16
        %broadcast_in_dim3A_89 = vector.broadcast %broadcast_in_dim3A : bf16 to vector<32xbf16>
        %broadcast_in_dim3A_90 = arith.constant 0.000000e+00 : bf16
        %broadcast_in_dim3A_91 = vector.broadcast %broadcast_in_dim3A_90 : bf16 to vector<32xbf16>
        %broadcast_in_dim3A_92 = arith.constant 0.000000e+00 : bf16
        %broadcast_in_dim3A_93 = vector.broadcast %broadcast_in_dim3A_92 : bf16 to vector<32xbf16>
        %broadcast_in_dim3A_94 = arith.constant 0.000000e+00 : bf16
        %broadcast_in_dim3A_95 = vector.broadcast %broadcast_in_dim3A_94 : bf16 to vector<32xbf16>
        %broadcast_in_dim3A_96 = arith.constant 0.000000e+00 : bf16
        %broadcast_in_dim3A_97 = vector.broadcast %broadcast_in_dim3A_96 : bf16 to vector<32xbf16>
        %broadcast_in_dim3A_98 = arith.constant 0.000000e+00 : bf16
        %broadcast_in_dim3A_99 = vector.broadcast %broadcast_in_dim3A_98 : bf16 to vector<32xbf16>
        %broadcast_in_dim3A_100 = arith.constant 0.000000e+00 : bf16
        %broadcast_in_dim3A_101 = vector.broadcast %broadcast_in_dim3A_100 : bf16 to vector<32xbf16>
        %broadcast_in_dim3A_102 = arith.constant 0.000000e+00 : bf16
        %broadcast_in_dim3A_103 = vector.broadcast %broadcast_in_dim3A_102 : bf16 to vector<32xbf16>
        %slice3A = vector.extract_strided_slice %get3A_85 {offsets = [0], sizes = [1], strides = [1]} : vector<16xf32> to vector<1xf32>
        %squeeze3A = vector.extract %slice3A[0] : f32 from vector<1xf32>
        %broadcast_in_dim3A_104 = vector.broadcast %squeeze3A : f32 to vector<16xf32>
        %slice3A_105 = vector.extract_strided_slice %get3A_88 {offsets = [0], sizes = [1], strides = [1]} : vector<16xf32> to vector<1xf32>
        %squeeze3A_106 = vector.extract %slice3A_105[0] : f32 from vector<1xf32>
        %broadcast_in_dim3A_107 = vector.broadcast %squeeze3A_106 : f32 to vector<16xf32>
        %pack3A = tpu.pack_subelements %broadcast_in_dim3A_104, %broadcast_in_dim3A_107 {pack_format = #tpu.pack_format<interleaved>, positions = array<i32: 0, 1>} : vector<16xf32>, vector<16xf32> -> vector<32xbf16>
        %mul3A_108 = arith.constant 16 : i32
        %mul3A_109 = arith.muli %scan3A_81, %mul3A_108 : i32
        %add3A_110 = arith.constant 0 : i32
        %add3A_111 = arith.addi %mul3A_109, %add3A_110 : i32
        %get3A_112 = arith.constant 0 : i32
        %get3A_113 = arith.index_cast %get3A_112 : i32 to index
        %get3A_114 = arith.index_cast %add3A_111 : i32 to index
        %get3A_115 = arith.constant 0 : index
        %get3A_116 = tpu.vector_load %arg11[%get3A_113, %get3A_114, %get3A_115] {strides = array<i32>} : memref<2x128x128xi32, #tpu.memory_space<vmem>>, vector<16xi32>,
        %bitcast3A = vector.bitcast %get3A_116 : vector<16xi32> to vector<32xbf16>
        %mul3A_117 = arith.mulf %pack3A, %bitcast3A : vector<32xbf16>
        %add3A_118 = arith.addf %broadcast_in_dim3A_89, %mul3A_117 : vector<32xbf16>
        %get3A_119 = arith.constant 0 : i32
        %get3A_120 = arith.index_cast %get3A_119 : i32 to index
        %get3A_121 = arith.index_cast %add3A_111 : i32 to index
        %get3A_122 = arith.constant 16 : index
        %get3A_123 = tpu.vector_load %arg11[%get3A_120, %get3A_121, %get3A_122] {strides = array<i32>} : memref<2x128x128xi32, #tpu.memory_space<vmem>>, vector<16xi32>,
        %bitcast3A_124 = vector.bitcast %get3A_123 : vector<16xi32> to vector<32xbf16>
        %mul3A_125 = arith.mulf %pack3A, %bitcast3A_124 : vector<32xbf16>
        %add3A_126 = arith.addf %broadcast_in_dim3A_91, %mul3A_125 : vector<32xbf16>
        %get3A_127 = arith.constant 0 : i32
        %get3A_128 = arith.index_cast %get3A_127 : i32 to index
        %get3A_129 = arith.index_cast %add3A_111 : i32 to index
        %get3A_130 = arith.constant 32 : index
        %get3A_131 = tpu.vector_load %arg11[%get3A_128, %get3A_129, %get3A_130] {strides = array<i32>} : memref<2x128x128xi32, #tpu.memory_space<vmem>>, vector<16xi32>,
        %bitcast3A_132 = vector.bitcast %get3A_131 : vector<16xi32> to vector<32xbf16>
        %mul3A_133 = arith.mulf %pack3A, %bitcast3A_132 : vector<32xbf16>
        %add3A_134 = arith.addf %broadcast_in_dim3A_93, %mul3A_133 : vector<32xbf16>
        %get3A_135 = arith.constant 0 : i32
        %get3A_136 = arith.index_cast %get3A_135 : i32 to index
        %get3A_137 = arith.index_cast %add3A_111 : i32 to index
        %get3A_138 = arith.constant 48 : index
        %get3A_139 = tpu.vector_load %arg11[%get3A_136, %get3A_137, %get3A_138] {strides = array<i32>} : memref<2x128x128xi32, #tpu.memory_space<vmem>>, vector<16xi32>,
        %bitcast3A_140 = vector.bitcast %get3A_139 : vector<16xi32> to vector<32xbf16>
        %mul3A_141 = arith.mulf %pack3A, %bitcast3A_140 : vector<32xbf16>
        %add3A_142 = arith.addf %broadcast_in_dim3A_95, %mul3A_141 : vector<32xbf16>
        %get3A_143 = arith.constant 0 : i32
        %get3A_144 = arith.index_cast %get3A_143 : i32 to index
        %get3A_145 = arith.index_cast %add3A_111 : i32 to index
        %get3A_146 = arith.constant 64 : index
        %get3A_147 = tpu.vector_load %arg11[%get3A_144, %get3A_145, %get3A_146] {strides = array<i32>} : memref<2x128x128xi32, #tpu.memory_space<vmem>>, vector<16xi32>,
        %bitcast3A_148 = vector.bitcast %get3A_147 : vector<16xi32> to vector<32xbf16>
        %mul3A_149 = arith.mulf %pack3A, %bitcast3A_148 : vector<32xbf16>
        %add3A_150 = arith.addf %broadcast_in_dim3A_97, %mul3A_149 : vector<32xbf16>
        %get3A_151 = arith.constant 0 : i32
        %get3A_152 = arith.index_cast %get3A_151 : i32 to index
        %get3A_153 = arith.index_cast %add3A_111 : i32 to index
        %get3A_154 = arith.constant 80 : index
        %get3A_155 = tpu.vector_load %arg11[%get3A_152, %get3A_153, %get3A_154] {strides = array<i32>} : memref<2x128x128xi32, #tpu.memory_space<vmem>>, vector<16xi32>,
        %bitcast3A_156 = vector.bitcast %get3A_155 : vector<16xi32> to vector<32xbf16>
        %mul3A_157 = arith.mulf %pack3A, %bitcast3A_156 : vector<32xbf16>
        %add3A_158 = arith.addf %broadcast_in_dim3A_99, %mul3A_157 : vector<32xbf16>
        %get3A_159 = arith.constant 0 : i32
        %get3A_160 = arith.index_cast %get3A_159 : i32 to index
        %get3A_161 = arith.index_cast %add3A_111 : i32 to index
        %get3A_162 = arith.constant 96 : index
        %get3A_163 = tpu.vector_load %arg11[%get3A_160, %get3A_161, %get3A_162] {strides = array<i32>} : memref<2x128x128xi32, #tpu.memory_space<vmem>>, vector<16xi32>,
        %bitcast3A_164 = vector.bitcast %get3A_163 : vector<16xi32> to vector<32xbf16>
        %mul3A_165 = arith.mulf %pack3A, %bitcast3A_164 : vector<32xbf16>
        %add3A_166 = arith.addf %broadcast_in_dim3A_101, %mul3A_165 : vector<32xbf16>
        %get3A_167 = arith.constant 0 : i32
        %get3A_168 = arith.index_cast %get3A_167 : i32 to index
        %get3A_169 = arith.index_cast %add3A_111 : i32 to index
        %get3A_170 = arith.constant 112 : index
        %get3A_171 = tpu.vector_load %arg11[%get3A_168, %get3A_169, %get3A_170] {strides = array<i32>} : memref<2x128x128xi32, #tpu.memory_space<vmem>>, vector<16xi32>,
        %bitcast3A_172 = vector.bitcast %get3A_171 : vector<16xi32> to vector<32xbf16>
        %mul3A_173 = arith.mulf %pack3A, %bitcast3A_172 : vector<32xbf16>
        %add3A_174 = arith.addf %broadcast_in_dim3A_103, %mul3A_173 : vector<32xbf16>
        %slice3A_175 = vector.extract_strided_slice %get3A_85 {offsets = [1], sizes = [1], strides = [1]} : vector<16xf32> to vector<1xf32>
        %squeeze3A_176 = vector.extract %slice3A_175[0] : f32 from vector<1xf32>
        %broadcast_in_dim3A_177 = vector.broadcast %squeeze3A_176 : f32 to vector<16xf32>
        %slice3A_178 = vector.extract_strided_slice %get3A_88 {offsets = [1], sizes = [1], strides = [1]} : vector<16xf32> to vector<1xf32>
        %squeeze3A_179 = vector.extract %slice3A_178[0] : f32 from vector<1xf32>
        %broadcast_in_dim3A_180 = vector.broadcast %squeeze3A_179 : f32 to vector<16xf32>
        %pack3A_181 = tpu.pack_subelements %broadcast_in_dim3A_177, %broadcast_in_dim3A_180 {pack_format = #tpu.pack_format<interleaved>, positions = array<i32: 0, 1>} : vector<16xf32>, vector<16xf32> -> vector<32xbf16>
        %mul3A_182 = arith.constant 16 : i32
        %mul3A_183 = arith.muli %scan3A_81, %mul3A_182 : i32
        %add3A_184 = arith.constant 1 : i32
        %add3A_185 = arith.addi %mul3A_183, %add3A_184 : i32
        %get3A_186 = arith.constant 0 : i32
        %get3A_187 = arith.index_cast %get3A_186 : i32 to index
        %get3A_188 = arith.index_cast %add3A_185 : i32 to index
        %get3A_189 = arith.constant 0 : index
        %get3A_190 = tpu.vector_load %arg11[%get3A_187, %get3A_188, %get3A_189] {strides = array<i32>} : memref<2x128x128xi32, #tpu.memory_space<vmem>>, vector<16xi32>,
        %bitcast3A_191 = vector.bitcast %get3A_190 : vector<16xi32> to vector<32xbf16>
        %mul3A_192 = arith.mulf %pack3A_181, %bitcast3A_191 : vector<32xbf16>
        %add3A_193 = arith.addf %add3A_118, %mul3A_192 : vector<32xbf16>
        %get3A_194 = arith.constant 0 : i32
        %get3A_195 = arith.index_cast %get3A_194 : i32 to index
        %get3A_196 = arith.index_cast %add3A_185 : i32 to index
        %get3A_197 = arith.constant 16 : index
        %get3A_198 = tpu.vector_load %arg11[%get3A_195, %get3A_196, %get3A_197] {strides = array<i32>} : memref<2x128x128xi32, #tpu.memory_space<vmem>>, vector<16xi32>,
        %bitcast3A_199 = vector.bitcast %get3A_198 : vector<16xi32> to vector<32xbf16>
        %mul3A_200 = arith.mulf %pack3A_181, %bitcast3A_199 : vector<32xbf16>
        %add3A_201 = arith.addf %add3A_126, %mul3A_200 : vector<32xbf16>
        %get3A_202 = arith.constant 0 : i32
        %get3A_203 = arith.index_cast %get3A_202 : i32 to index
        %get3A_204 = arith.index_cast %add3A_185 : i32 to index
        %get3A_205 = arith.constant 32 : index
        %get3A_206 = tpu.vector_load %arg11[%get3A_203, %get3A_204, %get3A_205] {strides = array<i32>} : memref<2x128x128xi32, #tpu.memory_space<vmem>>, vector<16xi32>,
        %bitcast3A_207 = vector.bitcast %get3A_206 : vector<16xi32> to vector<32xbf16>
        %mul3A_208 = arith.mulf %pack3A_181, %bitcast3A_207 : vector<32xbf16>
        %add3A_209 = arith.addf %add3A_134, %mul3A_208 : vector<32xbf16>
        %get3A_210 = arith.constant 0 : i32
        %get3A_211 = arith.index_cast %get3A_210 : i32 to index
        %get3A_212 = arith.index_cast %add3A_185 : i32 to index
        %get3A_213 = arith.constant 48 : index
        %get3A_214 = tpu.vector_load %arg11[%get3A_211, %get3A_212, %get3A_213] {strides = array<i32>} : memref<2x128x128xi32, #tpu.memory_space<vmem>>, vector<16xi32>,
        %bitcast3A_215 = vector.bitcast %get3A_214 : vector<16xi32> to vector<32xbf16>
        %mul3A_216 = arith.mulf %pack3A_181, %bitcast3A_215 : vector<32xbf16>
        %add3A_217 = arith.addf %add3A_142, %mul3A_216 : vector<32xbf16>
        %get3A_218 = arith.constant 0 : i32
        %get3A_219 = arith.index_cast %get3A_218 : i32 to index
        %get3A_220 = arith.index_cast %add3A_185 : i32 to index
        %get3A_221 = arith.constant 64 : index
        %get3A_222 = tpu.vector_load %arg11[%get3A_219, %get3A_220, %get3A_221] {strides = array<i32>} : memref<2x128x128xi32, #tpu.memory_space<vmem>>, vector<16xi32>,
        %bitcast3A_223 = vector.bitcast %get3A_222 : vector<16xi32> to vector<32xbf16>
        %mul3A_224 = arith.mulf %pack3A_181, %bitcast3A_223 : vector<32xbf16>
        %add3A_225 = arith.addf %add3A_150, %mul3A_224 : vector<32xbf16>
        %get3A_226 = arith.constant 0 : i32
        %get3A_227 = arith.index_cast %get3A_226 : i32 to index
        %get3A_228 = arith.index_cast %add3A_185 : i32 to index
        %get3A_229 = arith.constant 80 : index
        %get3A_230 = tpu.vector_load %arg11[%get3A_227, %get3A_228, %get3A_229] {strides = array<i32>} : memref<2x128x128xi32, #tpu.memory_space<vmem>>, vector<16xi32>,
        %bitcast3A_231 = vector.bitcast %get3A_230 : vector<16xi32> to vector<32xbf16>
        %mul3A_232 = arith.mulf %pack3A_181, %bitcast3A_231 : vector<32xbf16>
        %add3A_233 = arith.addf %add3A_158, %mul3A_232 : vector<32xbf16>
        %get3A_234 = arith.constant 0 : i32
        %get3A_235 = arith.index_cast %get3A_234 : i32 to index
        %get3A_236 = arith.index_cast %add3A_185 : i32 to index
        %get3A_237 = arith.constant 96 : index
        %get3A_238 = tpu.vector_load %arg11[%get3A_235, %get3A_236, %get3A_237] {strides = array<i32>} : memref<2x128x128xi32, #tpu.memory_space<vmem>>, vector<16xi32>,
        %bitcast3A_239 = vector.bitcast %get3A_238 : vector<16xi32> to vector<32xbf16>
        %mul3A_240 = arith.mulf %pack3A_181, %bitcast3A_239 : vector<32xbf16>
        %add3A_241 = arith.addf %add3A_166, %mul3A_240 : vector<32xbf16>
        %get3A_242 = arith.constant 0 : i32
        %get3A_243 = arith.index_cast %get3A_242 : i32 to index
        %get3A_244 = arith.index_cast %add3A_185 : i32 to index
        %get3A_245 = arith.constant 112 : index
        %get3A_246 = tpu.vector_load %arg11[%get3A_243, %get3A_244, %get3A_245] {strides = array<i32>} : memref<2x128x128xi32, #tpu.memory_space<vmem>>, vector<16xi32>,
        %bitcast3A_247 = vector.bitcast %get3A_246 : vector<16xi32> to vector<32xbf16>
        %mul3A_248 = arith.mulf %pack3A_181, %bitcast3A_247 : vector<32xbf16>
        %add3A_249 = arith.addf %add3A_174, %mul3A_248 : vector<32xbf16>
        %slice3A_250 = vector.extract_strided_slice %get3A_85 {offsets = [2], sizes = [1], strides = [1]} : vector<16xf32> to vector<1xf32>
        %squeeze3A_251 = vector.extract %slice3A_250[0] : f32 from vector<1xf32>
        %broadcast_in_dim3A_252 = vector.broadcast %squeeze3A_251 : f32 to vector<16xf32>
        %slice3A_253 = vector.extract_strided_slice %get3A_88 {offsets = [2], sizes = [1], strides = [1]} : vector<16xf32> to vector<1xf32>
        %squeeze3A_254 = vector.extract %slice3A_253[0] : f32 from vector<1xf32>
        %broadcast_in_dim3A_255 = vector.broadcast %squeeze3A_254 : f32 to vector<16xf32>
        %pack3A_256 = tpu.pack_subelements %broadcast_in_dim3A_252, %broadcast_in_dim3A_255 {pack_format = #tpu.pack_format<interleaved>, positions = array<i32: 0, 1>} : vector<16xf32>, vector<16xf32> -> vector<32xbf16>
        %mul3A_257 = arith.constant 16 : i32
        %mul3A_258 = arith.muli %scan3A_81, %mul3A_257 : i32
        %add3A_259 = arith.constant 2 : i32
        %add3A_260 = arith.addi %mul3A_258, %add3A_259 : i32
        %get3A_261 = arith.constant 0 : i32
        %get3A_262 = arith.index_cast %get3A_261 : i32 to index
        %get3A_263 = arith.index_cast %add3A_260 : i32 to index
        %get3A_264 = arith.constant 0 : index
        %get3A_265 = tpu.vector_load %arg11[%get3A_262, %get3A_263, %get3A_264] {strides = array<i32>} : memref<2x128x128xi32, #tpu.memory_space<vmem>>, vector<16xi32>,
        %bitcast3A_266 = vector.bitcast %get3A_265 : vector<16xi32> to vector<32xbf16>
        %mul3A_267 = arith.mulf %pack3A_256, %bitcast3A_266 : vector<32xbf16>
        %add3A_268 = arith.addf %add3A_193, %mul3A_267 : vector<32xbf16>
        %get3A_269 = arith.constant 0 : i32
        %get3A_270 = arith.index_cast %get3A_269 : i32 to index
        %get3A_271 = arith.index_cast %add3A_260 : i32 to index
        %get3A_272 = arith.constant 16 : index
        %get3A_273 = tpu.vector_load %arg11[%get3A_270, %get3A_271, %get3A_272] {strides = array<i32>} : memref<2x128x128xi32, #tpu.memory_space<vmem>>, vector<16xi32>,
        %bitcast3A_274 = vector.bitcast %get3A_273 : vector<16xi32> to vector<32xbf16>
        %mul3A_275 = arith.mulf %pack3A_256, %bitcast3A_274 : vector<32xbf16>
        %add3A_276 = arith.addf %add3A_201, %mul3A_275 : vector<32xbf16>
        %get3A_277 = arith.constant 0 : i32
        %get3A_278 = arith.index_cast %get3A_277 : i32 to index
        %get3A_279 = arith.index_cast %add3A_260 : i32 to index
        %get3A_280 = arith.constant 32 : index
        %get3A_281 = tpu.vector_load %arg11[%get3A_278, %get3A_279, %get3A_280] {strides = array<i32>} : memref<2x128x128xi32, #tpu.memory_space<vmem>>, vector<16xi32>,
        %bitcast3A_282 = vector.bitcast %get3A_281 : vector<16xi32> to vector<32xbf16>
        %mul3A_283 = arith.mulf %pack3A_256, %bitcast3A_282 : vector<32xbf16>
        %add3A_284 = arith.addf %add3A_209, %mul3A_283 : vector<32xbf16>
        %get3A_285 = arith.constant 0 : i32
        %get3A_286 = arith.index_cast %get3A_285 : i32 to index
        %get3A_287 = arith.index_cast %add3A_260 : i32 to index
        %get3A_288 = arith.constant 48 : index
        %get3A_289 = tpu.vector_load %arg11[%get3A_286, %get3A_287, %get3A_288] {strides = array<i32>} : memref<2x128x128xi32, #tpu.memory_space<vmem>>, vector<16xi32>,
        %bitcast3A_290 = vector.bitcast %get3A_289 : vector<16xi32> to vector<32xbf16>
        %mul3A_291 = arith.mulf %pack3A_256, %bitcast3A_290 : vector<32xbf16>
        %add3A_292 = arith.addf %add3A_217, %mul3A_291 : vector<32xbf16>
        %get3A_293 = arith.constant 0 : i32
        %get3A_294 = arith.index_cast %get3A_293 : i32 to index
        %get3A_295 = arith.index_cast %add3A_260 : i32 to index
        %get3A_296 = arith.constant 64 : index
        %get3A_297 = tpu.vector_load %arg11[%get3A_294, %get3A_295, %get3A_296] {strides = array<i32>} : memref<2x128x128xi32, #tpu.memory_space<vmem>>, vector<16xi32>,
        %bitcast3A_298 = vector.bitcast %get3A_297 : vector<16xi32> to vector<32xbf16>
        %mul3A_299 = arith.mulf %pack3A_256, %bitcast3A_298 : vector<32xbf16>
        %add3A_300 = arith.addf %add3A_225, %mul3A_299 : vector<32xbf16>
        %get3A_301 = arith.constant 0 : i32
        %get3A_302 = arith.index_cast %get3A_301 : i32 to index
        %get3A_303 = arith.index_cast %add3A_260 : i32 to index
        %get3A_304 = arith.constant 80 : index
        %get3A_305 = tpu.vector_load %arg11[%get3A_302, %get3A_303, %get3A_304] {strides = array<i32>} : memref<2x128x128xi32, #tpu.memory_space<vmem>>, vector<16xi32>,
        %bitcast3A_306 = vector.bitcast %get3A_305 : vector<16xi32> to vector<32xbf16>
        %mul3A_307 = arith.mulf %pack3A_256, %bitcast3A_306 : vector<32xbf16>
        %add3A_308 = arith.addf %add3A_233, %mul3A_307 : vector<32xbf16>
        %get3A_309 = arith.constant 0 : i32
        %get3A_310 = arith.index_cast %get3A_309 : i32 to index
        %get3A_311 = arith.index_cast %add3A_260 : i32 to index
        %get3A_312 = arith.constant 96 : index
        %get3A_313 = tpu.vector_load %arg11[%get3A_310, %get3A_311, %get3A_312] {strides = array<i32>} : memref<2x128x128xi32, #tpu.memory_space<vmem>>, vector<16xi32>,
        %bitcast3A_314 = vector.bitcast %get3A_313 : vector<16xi32> to vector<32xbf16>
        %mul3A_315 = arith.mulf %pack3A_256, %bitcast3A_314 : vector<32xbf16>
        %add3A_316 = arith.addf %add3A_241, %mul3A_315 : vector<32xbf16>
        %get3A_317 = arith.constant 0 : i32
        %get3A_318 = arith.index_cast %get3A_317 : i32 to index
        %get3A_319 = arith.index_cast %add3A_260 : i32 to index
        %get3A_320 = arith.constant 112 : index
        %get3A_321 = tpu.vector_load %arg11[%get3A_318, %get3A_319, %get3A_320] {strides = array<i32>} : memref<2x128x128xi32, #tpu.memory_space<vmem>>, vector<16xi32>,
        %bitcast3A_322 = vector.bitcast %get3A_321 : vector<16xi32> to vector<32xbf16>
        %mul3A_323 = arith.mulf %pack3A_256, %bitcast3A_322 : vector<32xbf16>
        %add3A_324 = arith.addf %add3A_249, %mul3A_323 : vector<32xbf16>
        %slice3A_325 = vector.extract_strided_slice %get3A_85 {offsets = [3], sizes = [1], strides = [1]} : vector<16xf32> to vector<1xf32>
        %squeeze3A_326 = vector.extract %slice3A_325[0] : f32 from vector<1xf32>
        %broadcast_in_dim3A_327 = vector.broadcast %squeeze3A_326 : f32 to vector<16xf32>
        %slice3A_328 = vector.extract_strided_slice %get3A_88 {offsets = [3], sizes = [1], strides = [1]} : vector<16xf32> to vector<1xf32>
        %squeeze3A_329 = vector.extract %slice3A_328[0] : f32 from vector<1xf32>
        %broadcast_in_dim3A_330 = vector.broadcast %squeeze3A_329 : f32 to vector<16xf32>
        %pack3A_331 = tpu.pack_subelements %broadcast_in_dim3A_327, %broadcast_in_dim3A_330 {pack_format = #tpu.pack_format<interleaved>, positions = array<i32: 0, 1>} : vector<16xf32>, vector<16xf32> -> vector<32xbf16>
        %mul3A_332 = arith.constant 16 : i32
        %mul3A_333 = arith.muli %scan3A_81, %mul3A_332 : i32
        %add3A_334 = arith.constant 3 : i32
        %add3A_335 = arith.addi %mul3A_333, %add3A_334 : i32
        %get3A_336 = arith.constant 0 : i32
        %get3A_337 = arith.index_cast %get3A_336 : i32 to index
        %get3A_338 = arith.index_cast %add3A_335 : i32 to index
        %get3A_339 = arith.constant 0 : index
        %get3A_340 = tpu.vector_load %arg11[%get3A_337, %get3A_338, %get3A_339] {strides = array<i32>} : memref<2x128x128xi32, #tpu.memory_space<vmem>>, vector<16xi32>,
        %bitcast3A_341 = vector.bitcast %get3A_340 : vector<16xi32> to vector<32xbf16>
        %mul3A_342 = arith.mulf %pack3A_331, %bitcast3A_341 : vector<32xbf16>
        %add3A_343 = arith.addf %add3A_268, %mul3A_342 : vector<32xbf16>
        %get3A_344 = arith.constant 0 : i32
        %get3A_345 = arith.index_cast %get3A_344 : i32 to index
        %get3A_346 = arith.index_cast %add3A_335 : i32 to index
        %get3A_347 = arith.constant 16 : index
        %get3A_348 = tpu.vector_load %arg11[%get3A_345, %get3A_346, %get3A_347] {strides = array<i32>} : memref<2x128x128xi32, #tpu.memory_space<vmem>>, vector<16xi32>,
        %bitcast3A_349 = vector.bitcast %get3A_348 : vector<16xi32> to vector<32xbf16>
        %mul3A_350 = arith.mulf %pack3A_331, %bitcast3A_349 : vector<32xbf16>
        %add3A_351 = arith.addf %add3A_276, %mul3A_350 : vector<32xbf16>
        %get3A_352 = arith.constant 0 : i32
        %get3A_353 = arith.index_cast %get3A_352 : i32 to index
        %get3A_354 = arith.index_cast %add3A_335 : i32 to index
        %get3A_355 = arith.constant 32 : index
        %get3A_356 = tpu.vector_load %arg11[%get3A_353, %get3A_354, %get3A_355] {strides = array<i32>} : memref<2x128x128xi32, #tpu.memory_space<vmem>>, vector<16xi32>,
        %bitcast3A_357 = vector.bitcast %get3A_356 : vector<16xi32> to vector<32xbf16>
        %mul3A_358 = arith.mulf %pack3A_331, %bitcast3A_357 : vector<32xbf16>
        %add3A_359 = arith.addf %add3A_284, %mul3A_358 : vector<32xbf16>
        %get3A_360 = arith.constant 0 : i32
        %get3A_361 = arith.index_cast %get3A_360 : i32 to index
        %get3A_362 = arith.index_cast %add3A_335 : i32 to index
        %get3A_363 = arith.constant 48 : index
        %get3A_364 = tpu.vector_load %arg11[%get3A_361, %get3A_362, %get3A_363] {strides = array<i32>} : memref<2x128x128xi32, #tpu.memory_space<vmem>>, vector<16xi32>,
        %bitcast3A_365 = vector.bitcast %get3A_364 : vector<16xi32> to vector<32xbf16>
        %mul3A_366 = arith.mulf %pack3A_331, %bitcast3A_365 : vector<32xbf16>
        %add3A_367 = arith.addf %add3A_292, %mul3A_366 : vector<32xbf16>
        %get3A_368 = arith.constant 0 : i32
        %get3A_369 = arith.index_cast %get3A_368 : i32 to index
        %get3A_370 = arith.index_cast %add3A_335 : i32 to index
        %get3A_371 = arith.constant 64 : index
        %get3A_372 = tpu.vector_load %arg11[%get3A_369, %get3A_370, %get3A_371] {strides = array<i32>} : memref<2x128x128xi32, #tpu.memory_space<vmem>>, vector<16xi32>,
        %bitcast3A_373 = vector.bitcast %get3A_372 : vector<16xi32> to vector<32xbf16>
        %mul3A_374 = arith.mulf %pack3A_331, %bitcast3A_373 : vector<32xbf16>
        %add3A_375 = arith.addf %add3A_300, %mul3A_374 : vector<32xbf16>
        %get3A_376 = arith.constant 0 : i32
        %get3A_377 = arith.index_cast %get3A_376 : i32 to index
        %get3A_378 = arith.index_cast %add3A_335 : i32 to index
        %get3A_379 = arith.constant 80 : index
        %get3A_380 = tpu.vector_load %arg11[%get3A_377, %get3A_378, %get3A_379] {strides = array<i32>} : memref<2x128x128xi32, #tpu.memory_space<vmem>>, vector<16xi32>,
        %bitcast3A_381 = vector.bitcast %get3A_380 : vector<16xi32> to vector<32xbf16>
        %mul3A_382 = arith.mulf %pack3A_331, %bitcast3A_381 : vector<32xbf16>
        %add3A_383 = arith.addf %add3A_308, %mul3A_382 : vector<32xbf16>
        %get3A_384 = arith.constant 0 : i32
        %get3A_385 = arith.index_cast %get3A_384 : i32 to index
        %get3A_386 = arith.index_cast %add3A_335 : i32 to index
        %get3A_387 = arith.constant 96 : index
        %get3A_388 = tpu.vector_load %arg11[%get3A_385, %get3A_386, %get3A_387] {strides = array<i32>} : memref<2x128x128xi32, #tpu.memory_space<vmem>>, vector<16xi32>,
        %bitcast3A_389 = vector.bitcast %get3A_388 : vector<16xi32> to vector<32xbf16>
        %mul3A_390 = arith.mulf %pack3A_331, %bitcast3A_389 : vector<32xbf16>
        %add3A_391 = arith.addf %add3A_316, %mul3A_390 : vector<32xbf16>
        %get3A_392 = arith.constant 0 : i32
        %get3A_393 = arith.index_cast %get3A_392 : i32 to index
        %get3A_394 = arith.index_cast %add3A_335 : i32 to index
        %get3A_395 = arith.constant 112 : index
        %get3A_396 = tpu.vector_load %arg11[%get3A_393, %get3A_394, %get3A_395] {strides = array<i32>} : memref<2x128x128xi32, #tpu.memory_space<vmem>>, vector<16xi32>,
        %bitcast3A_397 = vector.bitcast %get3A_396 : vector<16xi32> to vector<32xbf16>
        %mul3A_398 = arith.mulf %pack3A_331, %bitcast3A_397 : vector<32xbf16>
        %add3A_399 = arith.addf %add3A_324, %mul3A_398 : vector<32xbf16>
        %slice3A_400 = vector.extract_strided_slice %get3A_85 {offsets = [4], sizes = [1], strides = [1]} : vector<16xf32> to vector<1xf32>
        %squeeze3A_401 = vector.extract %slice3A_400[0] : f32 from vector<1xf32>
        %broadcast_in_dim3A_402 = vector.broadcast %squeeze3A_401 : f32 to vector<16xf32>
        %slice3A_403 = vector.extract_strided_slice %get3A_88 {offsets = [4], sizes = [1], strides = [1]} : vector<16xf32> to vector<1xf32>
        %squeeze3A_404 = vector.extract %slice3A_403[0] : f32 from vector<1xf32>
        %broadcast_in_dim3A_405 = vector.broadcast %squeeze3A_404 : f32 to vector<16xf32>
        %pack3A_406 = tpu.pack_subelements %broadcast_in_dim3A_402, %broadcast_in_dim3A_405 {pack_format = #tpu.pack_format<interleaved>, positions = array<i32: 0, 1>} : vector<16xf32>, vector<16xf32> -> vector<32xbf16>
        %mul3A_407 = arith.constant 16 : i32
        %mul3A_408 = arith.muli %scan3A_81, %mul3A_407 : i32
        %add3A_409 = arith.constant 4 : i32
        %add3A_410 = arith.addi %mul3A_408, %add3A_409 : i32
        %get3A_411 = arith.constant 0 : i32
        %get3A_412 = arith.index_cast %get3A_411 : i32 to index
        %get3A_413 = arith.index_cast %add3A_410 : i32 to index
        %get3A_414 = arith.constant 0 : index
        %get3A_415 = tpu.vector_load %arg11[%get3A_412, %get3A_413, %get3A_414] {strides = array<i32>} : memref<2x128x128xi32, #tpu.memory_space<vmem>>, vector<16xi32>,
        %bitcast3A_416 = vector.bitcast %get3A_415 : vector<16xi32> to vector<32xbf16>
        %mul3A_417 = arith.mulf %pack3A_406, %bitcast3A_416 : vector<32xbf16>
        %add3A_418 = arith.addf %add3A_343, %mul3A_417 : vector<32xbf16>
        %get3A_419 = arith.constant 0 : i32
        %get3A_420 = arith.index_cast %get3A_419 : i32 to index
        %get3A_421 = arith.index_cast %add3A_410 : i32 to index
        %get3A_422 = arith.constant 16 : index
        %get3A_423 = tpu.vector_load %arg11[%get3A_420, %get3A_421, %get3A_422] {strides = array<i32>} : memref<2x128x128xi32, #tpu.memory_space<vmem>>, vector<16xi32>,
        %bitcast3A_424 = vector.bitcast %get3A_423 : vector<16xi32> to vector<32xbf16>
        %mul3A_425 = arith.mulf %pack3A_406, %bitcast3A_424 : vector<32xbf16>
        %add3A_426 = arith.addf %add3A_351, %mul3A_425 : vector<32xbf16>
        %get3A_427 = arith.constant 0 : i32
        %get3A_428 = arith.index_cast %get3A_427 : i32 to index
        %get3A_429 = arith.index_cast %add3A_410 : i32 to index
        %get3A_430 = arith.constant 32 : index
        %get3A_431 = tpu.vector_load %arg11[%get3A_428, %get3A_429, %get3A_430] {strides = array<i32>} : memref<2x128x128xi32, #tpu.memory_space<vmem>>, vector<16xi32>,
        %bitcast3A_432 = vector.bitcast %get3A_431 : vector<16xi32> to vector<32xbf16>
        %mul3A_433 = arith.mulf %pack3A_406, %bitcast3A_432 : vector<32xbf16>
        %add3A_434 = arith.addf %add3A_359, %mul3A_433 : vector<32xbf16>
        %get3A_435 = arith.constant 0 : i32
        %get3A_436 = arith.index_cast %get3A_435 : i32 to index
        %get3A_437 = arith.index_cast %add3A_410 : i32 to index
        %get3A_438 = arith.constant 48 : index
        %get3A_439 = tpu.vector_load %arg11[%get3A_436, %get3A_437, %get3A_438] {strides = array<i32>} : memref<2x128x128xi32, #tpu.memory_space<vmem>>, vector<16xi32>,
        %bitcast3A_440 = vector.bitcast %get3A_439 : vector<16xi32> to vector<32xbf16>
        %mul3A_441 = arith.mulf %pack3A_406, %bitcast3A_440 : vector<32xbf16>
        %add3A_442 = arith.addf %add3A_367, %mul3A_441 : vector<32xbf16>
        %get3A_443 = arith.constant 0 : i32
        %get3A_444 = arith.index_cast %get3A_443 : i32 to index
        %get3A_445 = arith.index_cast %add3A_410 : i32 to index
        %get3A_446 = arith.constant 64 : index
        %get3A_447 = tpu.vector_load %arg11[%get3A_444, %get3A_445, %get3A_446] {strides = array<i32>} : memref<2x128x128xi32, #tpu.memory_space<vmem>>, vector<16xi32>,
        %bitcast3A_448 = vector.bitcast %get3A_447 : vector<16xi32> to vector<32xbf16>
        %mul3A_449 = arith.mulf %pack3A_406, %bitcast3A_448 : vector<32xbf16>
        %add3A_450 = arith.addf %add3A_375, %mul3A_449 : vector<32xbf16>
        %get3A_451 = arith.constant 0 : i32
        %get3A_452 = arith.index_cast %get3A_451 : i32 to index
        %get3A_453 = arith.index_cast %add3A_410 : i32 to index
        %get3A_454 = arith.constant 80 : index
        %get3A_455 = tpu.vector_load %arg11[%get3A_452, %get3A_453, %get3A_454] {strides = array<i32>} : memref<2x128x128xi32, #tpu.memory_space<vmem>>, vector<16xi32>,
        %bitcast3A_456 = vector.bitcast %get3A_455 : vector<16xi32> to vector<32xbf16>
        %mul3A_457 = arith.mulf %pack3A_406, %bitcast3A_456 : vector<32xbf16>
        %add3A_458 = arith.addf %add3A_383, %mul3A_457 : vector<32xbf16>
        %get3A_459 = arith.constant 0 : i32
        %get3A_460 = arith.index_cast %get3A_459 : i32 to index
        %get3A_461 = arith.index_cast %add3A_410 : i32 to index
        %get3A_462 = arith.constant 96 : index
        %get3A_463 = tpu.vector_load %arg11[%get3A_460, %get3A_461, %get3A_462] {strides = array<i32>} : memref<2x128x128xi32, #tpu.memory_space<vmem>>, vector<16xi32>,
        %bitcast3A_464 = vector.bitcast %get3A_463 : vector<16xi32> to vector<32xbf16>
        %mul3A_465 = arith.mulf %pack3A_406, %bitcast3A_464 : vector<32xbf16>
        %add3A_466 = arith.addf %add3A_391, %mul3A_465 : vector<32xbf16>
        %get3A_467 = arith.constant 0 : i32
        %get3A_468 = arith.index_cast %get3A_467 : i32 to index
        %get3A_469 = arith.index_cast %add3A_410 : i32 to index
        %get3A_470 = arith.constant 112 : index
        %get3A_471 = tpu.vector_load %arg11[%get3A_468, %get3A_469, %get3A_470] {strides = array<i32>} : memref<2x128x128xi32, #tpu.memory_space<vmem>>, vector<16xi32>,
        %bitcast3A_472 = vector.bitcast %get3A_471 : vector<16xi32> to vector<32xbf16>
        %mul3A_473 = arith.mulf %pack3A_406, %bitcast3A_472 : vector<32xbf16>
        %add3A_474 = arith.addf %add3A_399, %mul3A_473 : vector<32xbf16>
        %slice3A_475 = vector.extract_strided_slice %get3A_85 {offsets = [5], sizes = [1], strides = [1]} : vector<16xf32> to vector<1xf32>
        %squeeze3A_476 = vector.extract %slice3A_475[0] : f32 from vector<1xf32>
        %broadcast_in_dim3A_477 = vector.broadcast %squeeze3A_476 : f32 to vector<16xf32>
        %slice3A_478 = vector.extract_strided_slice %get3A_88 {offsets = [5], sizes = [1], strides = [1]} : vector<16xf32> to vector<1xf32>
        %squeeze3A_479 = vector.extract %slice3A_478[0] : f32 from vector<1xf32>
        %broadcast_in_dim3A_480 = vector.broadcast %squeeze3A_479 : f32 to vector<16xf32>
        %pack3A_481 = tpu.pack_subelements %broadcast_in_dim3A_477, %broadcast_in_dim3A_480 {pack_format = #tpu.pack_format<interleaved>, positions = array<i32: 0, 1>} : vector<16xf32>, vector<16xf32> -> vector<32xbf16>
        %mul3A_482 = arith.constant 16 : i32
        %mul3A_483 = arith.muli %scan3A_81, %mul3A_482 : i32
        %add3A_484 = arith.constant 5 : i32
        %add3A_485 = arith.addi %mul3A_483, %add3A_484 : i32
        %get3A_486 = arith.constant 0 : i32
        %get3A_487 = arith.index_cast %get3A_486 : i32 to index
        %get3A_488 = arith.index_cast %add3A_485 : i32 to index
        %get3A_489 = arith.constant 0 : index
        %get3A_490 = tpu.vector_load %arg11[%get3A_487, %get3A_488, %get3A_489] {strides = array<i32>} : memref<2x128x128xi32, #tpu.memory_space<vmem>>, vector<16xi32>,
        %bitcast3A_491 = vector.bitcast %get3A_490 : vector<16xi32> to vector<32xbf16>
        %mul3A_492 = arith.mulf %pack3A_481, %bitcast3A_491 : vector<32xbf16>
        %add3A_493 = arith.addf %add3A_418, %mul3A_492 : vector<32xbf16>
        %get3A_494 = arith.constant 0 : i32
        %get3A_495 = arith.index_cast %get3A_494 : i32 to index
        %get3A_496 = arith.index_cast %add3A_485 : i32 to index
        %get3A_497 = arith.constant 16 : index
        %get3A_498 = tpu.vector_load %arg11[%get3A_495, %get3A_496, %get3A_497] {strides = array<i32>} : memref<2x128x128xi32, #tpu.memory_space<vmem>>, vector<16xi32>,
        %bitcast3A_499 = vector.bitcast %get3A_498 : vector<16xi32> to vector<32xbf16>
        %mul3A_500 = arith.mulf %pack3A_481, %bitcast3A_499 : vector<32xbf16>
        %add3A_501 = arith.addf %add3A_426, %mul3A_500 : vector<32xbf16>
        %get3A_502 = arith.constant 0 : i32
        %get3A_503 = arith.index_cast %get3A_502 : i32 to index
        %get3A_504 = arith.index_cast %add3A_485 : i32 to index
        %get3A_505 = arith.constant 32 : index
        %get3A_506 = tpu.vector_load %arg11[%get3A_503, %get3A_504, %get3A_505] {strides = array<i32>} : memref<2x128x128xi32, #tpu.memory_space<vmem>>, vector<16xi32>,
        %bitcast3A_507 = vector.bitcast %get3A_506 : vector<16xi32> to vector<32xbf16>
        %mul3A_508 = arith.mulf %pack3A_481, %bitcast3A_507 : vector<32xbf16>
        %add3A_509 = arith.addf %add3A_434, %mul3A_508 : vector<32xbf16>
        %get3A_510 = arith.constant 0 : i32
        %get3A_511 = arith.index_cast %get3A_510 : i32 to index
        %get3A_512 = arith.index_cast %add3A_485 : i32 to index
        %get3A_513 = arith.constant 48 : index
        %get3A_514 = tpu.vector_load %arg11[%get3A_511, %get3A_512, %get3A_513] {strides = array<i32>} : memref<2x128x128xi32, #tpu.memory_space<vmem>>, vector<16xi32>,
        %bitcast3A_515 = vector.bitcast %get3A_514 : vector<16xi32> to vector<32xbf16>
        %mul3A_516 = arith.mulf %pack3A_481, %bitcast3A_515 : vector<32xbf16>
        %add3A_517 = arith.addf %add3A_442, %mul3A_516 : vector<32xbf16>
        %get3A_518 = arith.constant 0 : i32
        %get3A_519 = arith.index_cast %get3A_518 : i32 to index
        %get3A_520 = arith.index_cast %add3A_485 : i32 to index
        %get3A_521 = arith.constant 64 : index
        %get3A_522 = tpu.vector_load %arg11[%get3A_519, %get3A_520, %get3A_521] {strides = array<i32>} : memref<2x128x128xi32, #tpu.memory_space<vmem>>, vector<16xi32>,
        %bitcast3A_523 = vector.bitcast %get3A_522 : vector<16xi32> to vector<32xbf16>
        %mul3A_524 = arith.mulf %pack3A_481, %bitcast3A_523 : vector<32xbf16>
        %add3A_525 = arith.addf %add3A_450, %mul3A_524 : vector<32xbf16>
        %get3A_526 = arith.constant 0 : i32
        %get3A_527 = arith.index_cast %get3A_526 : i32 to index
        %get3A_528 = arith.index_cast %add3A_485 : i32 to index
        %get3A_529 = arith.constant 80 : index
        %get3A_530 = tpu.vector_load %arg11[%get3A_527, %get3A_528, %get3A_529] {strides = array<i32>} : memref<2x128x128xi32, #tpu.memory_space<vmem>>, vector<16xi32>,
        %bitcast3A_531 = vector.bitcast %get3A_530 : vector<16xi32> to vector<32xbf16>
        %mul3A_532 = arith.mulf %pack3A_481, %bitcast3A_531 : vector<32xbf16>
        %add3A_533 = arith.addf %add3A_458, %mul3A_532 : vector<32xbf16>
        %get3A_534 = arith.constant 0 : i32
        %get3A_535 = arith.index_cast %get3A_534 : i32 to index
        %get3A_536 = arith.index_cast %add3A_485 : i32 to index
        %get3A_537 = arith.constant 96 : index
        %get3A_538 = tpu.vector_load %arg11[%get3A_535, %get3A_536, %get3A_537] {strides = array<i32>} : memref<2x128x128xi32, #tpu.memory_space<vmem>>, vector<16xi32>,
        %bitcast3A_539 = vector.bitcast %get3A_538 : vector<16xi32> to vector<32xbf16>
        %mul3A_540 = arith.mulf %pack3A_481, %bitcast3A_539 : vector<32xbf16>
        %add3A_541 = arith.addf %add3A_466, %mul3A_540 : vector<32xbf16>
        %get3A_542 = arith.constant 0 : i32
        %get3A_543 = arith.index_cast %get3A_542 : i32 to index
        %get3A_544 = arith.index_cast %add3A_485 : i32 to index
        %get3A_545 = arith.constant 112 : index
        %get3A_546 = tpu.vector_load %arg11[%get3A_543, %get3A_544, %get3A_545] {strides = array<i32>} : memref<2x128x128xi32, #tpu.memory_space<vmem>>, vector<16xi32>,
        %bitcast3A_547 = vector.bitcast %get3A_546 : vector<16xi32> to vector<32xbf16>
        %mul3A_548 = arith.mulf %pack3A_481, %bitcast3A_547 : vector<32xbf16>
        %add3A_549 = arith.addf %add3A_474, %mul3A_548 : vector<32xbf16>
        %slice3A_550 = vector.extract_strided_slice %get3A_85 {offsets = [6], sizes = [1], strides = [1]} : vector<16xf32> to vector<1xf32>
        %squeeze3A_551 = vector.extract %slice3A_550[0] : f32 from vector<1xf32>
        %broadcast_in_dim3A_552 = vector.broadcast %squeeze3A_551 : f32 to vector<16xf32>
        %slice3A_553 = vector.extract_strided_slice %get3A_88 {offsets = [6], sizes = [1], strides = [1]} : vector<16xf32> to vector<1xf32>
        %squeeze3A_554 = vector.extract %slice3A_553[0] : f32 from vector<1xf32>
        %broadcast_in_dim3A_555 = vector.broadcast %squeeze3A_554 : f32 to vector<16xf32>
        %pack3A_556 = tpu.pack_subelements %broadcast_in_dim3A_552, %broadcast_in_dim3A_555 {pack_format = #tpu.pack_format<interleaved>, positions = array<i32: 0, 1>} : vector<16xf32>, vector<16xf32> -> vector<32xbf16>
        %mul3A_557 = arith.constant 16 : i32
        %mul3A_558 = arith.muli %scan3A_81, %mul3A_557 : i32
        %add3A_559 = arith.constant 6 : i32
        %add3A_560 = arith.addi %mul3A_558, %add3A_559 : i32
        %get3A_561 = arith.constant 0 : i32
        %get3A_562 = arith.index_cast %get3A_561 : i32 to index
        %get3A_563 = arith.index_cast %add3A_560 : i32 to index
        %get3A_564 = arith.constant 0 : index
        %get3A_565 = tpu.vector_load %arg11[%get3A_562, %get3A_563, %get3A_564] {strides = array<i32>} : memref<2x128x128xi32, #tpu.memory_space<vmem>>, vector<16xi32>,
        %bitcast3A_566 = vector.bitcast %get3A_565 : vector<16xi32> to vector<32xbf16>
        %mul3A_567 = arith.mulf %pack3A_556, %bitcast3A_566 : vector<32xbf16>
        %add3A_568 = arith.addf %add3A_493, %mul3A_567 : vector<32xbf16>
        %get3A_569 = arith.constant 0 : i32
        %get3A_570 = arith.index_cast %get3A_569 : i32 to index
        %get3A_571 = arith.index_cast %add3A_560 : i32 to index
        %get3A_572 = arith.constant 16 : index
        %get3A_573 = tpu.vector_load %arg11[%get3A_570, %get3A_571, %get3A_572] {strides = array<i32>} : memref<2x128x128xi32, #tpu.memory_space<vmem>>, vector<16xi32>,
        %bitcast3A_574 = vector.bitcast %get3A_573 : vector<16xi32> to vector<32xbf16>
        %mul3A_575 = arith.mulf %pack3A_556, %bitcast3A_574 : vector<32xbf16>
        %add3A_576 = arith.addf %add3A_501, %mul3A_575 : vector<32xbf16>
        %get3A_577 = arith.constant 0 : i32
        %get3A_578 = arith.index_cast %get3A_577 : i32 to index
        %get3A_579 = arith.index_cast %add3A_560 : i32 to index
        %get3A_580 = arith.constant 32 : index
        %get3A_581 = tpu.vector_load %arg11[%get3A_578, %get3A_579, %get3A_580] {strides = array<i32>} : memref<2x128x128xi32, #tpu.memory_space<vmem>>, vector<16xi32>,
        %bitcast3A_582 = vector.bitcast %get3A_581 : vector<16xi32> to vector<32xbf16>
        %mul3A_583 = arith.mulf %pack3A_556, %bitcast3A_582 : vector<32xbf16>
        %add3A_584 = arith.addf %add3A_509, %mul3A_583 : vector<32xbf16>
        %get3A_585 = arith.constant 0 : i32
        %get3A_586 = arith.index_cast %get3A_585 : i32 to index
        %get3A_587 = arith.index_cast %add3A_560 : i32 to index
        %get3A_588 = arith.constant 48 : index
        %get3A_589 = tpu.vector_load %arg11[%get3A_586, %get3A_587, %get3A_588] {strides = array<i32>} : memref<2x128x128xi32, #tpu.memory_space<vmem>>, vector<16xi32>,
        %bitcast3A_590 = vector.bitcast %get3A_589 : vector<16xi32> to vector<32xbf16>
        %mul3A_591 = arith.mulf %pack3A_556, %bitcast3A_590 : vector<32xbf16>
        %add3A_592 = arith.addf %add3A_517, %mul3A_591 : vector<32xbf16>
        %get3A_593 = arith.constant 0 : i32
        %get3A_594 = arith.index_cast %get3A_593 : i32 to index
        %get3A_595 = arith.index_cast %add3A_560 : i32 to index
        %get3A_596 = arith.constant 64 : index
        %get3A_597 = tpu.vector_load %arg11[%get3A_594, %get3A_595, %get3A_596] {strides = array<i32>} : memref<2x128x128xi32, #tpu.memory_space<vmem>>, vector<16xi32>,
        %bitcast3A_598 = vector.bitcast %get3A_597 : vector<16xi32> to vector<32xbf16>
        %mul3A_599 = arith.mulf %pack3A_556, %bitcast3A_598 : vector<32xbf16>
        %add3A_600 = arith.addf %add3A_525, %mul3A_599 : vector<32xbf16>
        %get3A_601 = arith.constant 0 : i32
        %get3A_602 = arith.index_cast %get3A_601 : i32 to index
        %get3A_603 = arith.index_cast %add3A_560 : i32 to index
        %get3A_604 = arith.constant 80 : index
        %get3A_605 = tpu.vector_load %arg11[%get3A_602, %get3A_603, %get3A_604] {strides = array<i32>} : memref<2x128x128xi32, #tpu.memory_space<vmem>>, vector<16xi32>,
        %bitcast3A_606 = vector.bitcast %get3A_605 : vector<16xi32> to vector<32xbf16>
        %mul3A_607 = arith.mulf %pack3A_556, %bitcast3A_606 : vector<32xbf16>
        %add3A_608 = arith.addf %add3A_533, %mul3A_607 : vector<32xbf16>
        %get3A_609 = arith.constant 0 : i32
        %get3A_610 = arith.index_cast %get3A_609 : i32 to index
        %get3A_611 = arith.index_cast %add3A_560 : i32 to index
        %get3A_612 = arith.constant 96 : index
        %get3A_613 = tpu.vector_load %arg11[%get3A_610, %get3A_611, %get3A_612] {strides = array<i32>} : memref<2x128x128xi32, #tpu.memory_space<vmem>>, vector<16xi32>,
        %bitcast3A_614 = vector.bitcast %get3A_613 : vector<16xi32> to vector<32xbf16>
        %mul3A_615 = arith.mulf %pack3A_556, %bitcast3A_614 : vector<32xbf16>
        %add3A_616 = arith.addf %add3A_541, %mul3A_615 : vector<32xbf16>
        %get3A_617 = arith.constant 0 : i32
        %get3A_618 = arith.index_cast %get3A_617 : i32 to index
        %get3A_619 = arith.index_cast %add3A_560 : i32 to index
        %get3A_620 = arith.constant 112 : index
        %get3A_621 = tpu.vector_load %arg11[%get3A_618, %get3A_619, %get3A_620] {strides = array<i32>} : memref<2x128x128xi32, #tpu.memory_space<vmem>>, vector<16xi32>,
        %bitcast3A_622 = vector.bitcast %get3A_621 : vector<16xi32> to vector<32xbf16>
        %mul3A_623 = arith.mulf %pack3A_556, %bitcast3A_622 : vector<32xbf16>
        %add3A_624 = arith.addf %add3A_549, %mul3A_623 : vector<32xbf16>
        %slice3A_625 = vector.extract_strided_slice %get3A_85 {offsets = [7], sizes = [1], strides = [1]} : vector<16xf32> to vector<1xf32>
        %squeeze3A_626 = vector.extract %slice3A_625[0] : f32 from vector<1xf32>
        %broadcast_in_dim3A_627 = vector.broadcast %squeeze3A_626 : f32 to vector<16xf32>
        %slice3A_628 = vector.extract_strided_slice %get3A_88 {offsets = [7], sizes = [1], strides = [1]} : vector<16xf32> to vector<1xf32>
        %squeeze3A_629 = vector.extract %slice3A_628[0] : f32 from vector<1xf32>
        %broadcast_in_dim3A_630 = vector.broadcast %squeeze3A_629 : f32 to vector<16xf32>
        %pack3A_631 = tpu.pack_subelements %broadcast_in_dim3A_627, %broadcast_in_dim3A_630 {pack_format = #tpu.pack_format<interleaved>, positions = array<i32: 0, 1>} : vector<16xf32>, vector<16xf32> -> vector<32xbf16>
        %mul3A_632 = arith.constant 16 : i32
        %mul3A_633 = arith.muli %scan3A_81, %mul3A_632 : i32
        %add3A_634 = arith.constant 7 : i32
        %add3A_635 = arith.addi %mul3A_633, %add3A_634 : i32
        %get3A_636 = arith.constant 0 : i32
        %get3A_637 = arith.index_cast %get3A_636 : i32 to index
        %get3A_638 = arith.index_cast %add3A_635 : i32 to index
        %get3A_639 = arith.constant 0 : index
        %get3A_640 = tpu.vector_load %arg11[%get3A_637, %get3A_638, %get3A_639] {strides = array<i32>} : memref<2x128x128xi32, #tpu.memory_space<vmem>>, vector<16xi32>,
        %bitcast3A_641 = vector.bitcast %get3A_640 : vector<16xi32> to vector<32xbf16>
        %mul3A_642 = arith.mulf %pack3A_631, %bitcast3A_641 : vector<32xbf16>
        %add3A_643 = arith.addf %add3A_568, %mul3A_642 : vector<32xbf16>
        %get3A_644 = arith.constant 0 : i32
        %get3A_645 = arith.index_cast %get3A_644 : i32 to index
        %get3A_646 = arith.index_cast %add3A_635 : i32 to index
        %get3A_647 = arith.constant 16 : index
        %get3A_648 = tpu.vector_load %arg11[%get3A_645, %get3A_646, %get3A_647] {strides = array<i32>} : memref<2x128x128xi32, #tpu.memory_space<vmem>>, vector<16xi32>,
        %bitcast3A_649 = vector.bitcast %get3A_648 : vector<16xi32> to vector<32xbf16>
        %mul3A_650 = arith.mulf %pack3A_631, %bitcast3A_649 : vector<32xbf16>
        %add3A_651 = arith.addf %add3A_576, %mul3A_650 : vector<32xbf16>
        %get3A_652 = arith.constant 0 : i32
        %get3A_653 = arith.index_cast %get3A_652 : i32 to index
        %get3A_654 = arith.index_cast %add3A_635 : i32 to index
        %get3A_655 = arith.constant 32 : index
        %get3A_656 = tpu.vector_load %arg11[%get3A_653, %get3A_654, %get3A_655] {strides = array<i32>} : memref<2x128x128xi32, #tpu.memory_space<vmem>>, vector<16xi32>,
        %bitcast3A_657 = vector.bitcast %get3A_656 : vector<16xi32> to vector<32xbf16>
        %mul3A_658 = arith.mulf %pack3A_631, %bitcast3A_657 : vector<32xbf16>
        %add3A_659 = arith.addf %add3A_584, %mul3A_658 : vector<32xbf16>
        %get3A_660 = arith.constant 0 : i32
        %get3A_661 = arith.index_cast %get3A_660 : i32 to index
        %get3A_662 = arith.index_cast %add3A_635 : i32 to index
        %get3A_663 = arith.constant 48 : index
        %get3A_664 = tpu.vector_load %arg11[%get3A_661, %get3A_662, %get3A_663] {strides = array<i32>} : memref<2x128x128xi32, #tpu.memory_space<vmem>>, vector<16xi32>,
        %bitcast3A_665 = vector.bitcast %get3A_664 : vector<16xi32> to vector<32xbf16>
        %mul3A_666 = arith.mulf %pack3A_631, %bitcast3A_665 : vector<32xbf16>
        %add3A_667 = arith.addf %add3A_592, %mul3A_666 : vector<32xbf16>
        %get3A_668 = arith.constant 0 : i32
        %get3A_669 = arith.index_cast %get3A_668 : i32 to index
        %get3A_670 = arith.index_cast %add3A_635 : i32 to index
        %get3A_671 = arith.constant 64 : index
        %get3A_672 = tpu.vector_load %arg11[%get3A_669, %get3A_670, %get3A_671] {strides = array<i32>} : memref<2x128x128xi32, #tpu.memory_space<vmem>>, vector<16xi32>,
        %bitcast3A_673 = vector.bitcast %get3A_672 : vector<16xi32> to vector<32xbf16>
        %mul3A_674 = arith.mulf %pack3A_631, %bitcast3A_673 : vector<32xbf16>
        %add3A_675 = arith.addf %add3A_600, %mul3A_674 : vector<32xbf16>
        %get3A_676 = arith.constant 0 : i32
        %get3A_677 = arith.index_cast %get3A_676 : i32 to index
        %get3A_678 = arith.index_cast %add3A_635 : i32 to index
        %get3A_679 = arith.constant 80 : index
        %get3A_680 = tpu.vector_load %arg11[%get3A_677, %get3A_678, %get3A_679] {strides = array<i32>} : memref<2x128x128xi32, #tpu.memory_space<vmem>>, vector<16xi32>,
        %bitcast3A_681 = vector.bitcast %get3A_680 : vector<16xi32> to vector<32xbf16>
        %mul3A_682 = arith.mulf %pack3A_631, %bitcast3A_681 : vector<32xbf16>
        %add3A_683 = arith.addf %add3A_608, %mul3A_682 : vector<32xbf16>
        %get3A_684 = arith.constant 0 : i32
        %get3A_685 = arith.index_cast %get3A_684 : i32 to index
        %get3A_686 = arith.index_cast %add3A_635 : i32 to index
        %get3A_687 = arith.constant 96 : index
        %get3A_688 = tpu.vector_load %arg11[%get3A_685, %get3A_686, %get3A_687] {strides = array<i32>} : memref<2x128x128xi32, #tpu.memory_space<vmem>>, vector<16xi32>,
        %bitcast3A_689 = vector.bitcast %get3A_688 : vector<16xi32> to vector<32xbf16>
        %mul3A_690 = arith.mulf %pack3A_631, %bitcast3A_689 : vector<32xbf16>
        %add3A_691 = arith.addf %add3A_616, %mul3A_690 : vector<32xbf16>
        %get3A_692 = arith.constant 0 : i32
        %get3A_693 = arith.index_cast %get3A_692 : i32 to index
        %get3A_694 = arith.index_cast %add3A_635 : i32 to index
        %get3A_695 = arith.constant 112 : index
        %get3A_696 = tpu.vector_load %arg11[%get3A_693, %get3A_694, %get3A_695] {strides = array<i32>} : memref<2x128x128xi32, #tpu.memory_space<vmem>>, vector<16xi32>,
        %bitcast3A_697 = vector.bitcast %get3A_696 : vector<16xi32> to vector<32xbf16>
        %mul3A_698 = arith.mulf %pack3A_631, %bitcast3A_697 : vector<32xbf16>
        %add3A_699 = arith.addf %add3A_624, %mul3A_698 : vector<32xbf16>
        %slice3A_700 = vector.extract_strided_slice %get3A_85 {offsets = [8], sizes = [1], strides = [1]} : vector<16xf32> to vector<1xf32>
        %squeeze3A_701 = vector.extract %slice3A_700[0] : f32 from vector<1xf32>
        %broadcast_in_dim3A_702 = vector.broadcast %squeeze3A_701 : f32 to vector<16xf32>
        %slice3A_703 = vector.extract_strided_slice %get3A_88 {offsets = [8], sizes = [1], strides = [1]} : vector<16xf32> to vector<1xf32>
        %squeeze3A_704 = vector.extract %slice3A_703[0] : f32 from vector<1xf32>
        %broadcast_in_dim3A_705 = vector.broadcast %squeeze3A_704 : f32 to vector<16xf32>
        %pack3A_706 = tpu.pack_subelements %broadcast_in_dim3A_702, %broadcast_in_dim3A_705 {pack_format = #tpu.pack_format<interleaved>, positions = array<i32: 0, 1>} : vector<16xf32>, vector<16xf32> -> vector<32xbf16>
        %mul3A_707 = arith.constant 16 : i32
        %mul3A_708 = arith.muli %scan3A_81, %mul3A_707 : i32
        %add3A_709 = arith.constant 8 : i32
        %add3A_710 = arith.addi %mul3A_708, %add3A_709 : i32
        %get3A_711 = arith.constant 0 : i32
        %get3A_712 = arith.index_cast %get3A_711 : i32 to index
        %get3A_713 = arith.index_cast %add3A_710 : i32 to index
        %get3A_714 = arith.constant 0 : index
        %get3A_715 = tpu.vector_load %arg11[%get3A_712, %get3A_713, %get3A_714] {strides = array<i32>} : memref<2x128x128xi32, #tpu.memory_space<vmem>>, vector<16xi32>,
        %bitcast3A_716 = vector.bitcast %get3A_715 : vector<16xi32> to vector<32xbf16>
        %mul3A_717 = arith.mulf %pack3A_706, %bitcast3A_716 : vector<32xbf16>
        %add3A_718 = arith.addf %add3A_643, %mul3A_717 : vector<32xbf16>
        %get3A_719 = arith.constant 0 : i32
        %get3A_720 = arith.index_cast %get3A_719 : i32 to index
        %get3A_721 = arith.index_cast %add3A_710 : i32 to index
        %get3A_722 = arith.constant 16 : index
        %get3A_723 = tpu.vector_load %arg11[%get3A_720, %get3A_721, %get3A_722] {strides = array<i32>} : memref<2x128x128xi32, #tpu.memory_space<vmem>>, vector<16xi32>,
        %bitcast3A_724 = vector.bitcast %get3A_723 : vector<16xi32> to vector<32xbf16>
        %mul3A_725 = arith.mulf %pack3A_706, %bitcast3A_724 : vector<32xbf16>
        %add3A_726 = arith.addf %add3A_651, %mul3A_725 : vector<32xbf16>
        %get3A_727 = arith.constant 0 : i32
        %get3A_728 = arith.index_cast %get3A_727 : i32 to index
        %get3A_729 = arith.index_cast %add3A_710 : i32 to index
        %get3A_730 = arith.constant 32 : index
        %get3A_731 = tpu.vector_load %arg11[%get3A_728, %get3A_729, %get3A_730] {strides = array<i32>} : memref<2x128x128xi32, #tpu.memory_space<vmem>>, vector<16xi32>,
        %bitcast3A_732 = vector.bitcast %get3A_731 : vector<16xi32> to vector<32xbf16>
        %mul3A_733 = arith.mulf %pack3A_706, %bitcast3A_732 : vector<32xbf16>
        %add3A_734 = arith.addf %add3A_659, %mul3A_733 : vector<32xbf16>
        %get3A_735 = arith.constant 0 : i32
        %get3A_736 = arith.index_cast %get3A_735 : i32 to index
        %get3A_737 = arith.index_cast %add3A_710 : i32 to index
        %get3A_738 = arith.constant 48 : index
        %get3A_739 = tpu.vector_load %arg11[%get3A_736, %get3A_737, %get3A_738] {strides = array<i32>} : memref<2x128x128xi32, #tpu.memory_space<vmem>>, vector<16xi32>,
        %bitcast3A_740 = vector.bitcast %get3A_739 : vector<16xi32> to vector<32xbf16>
        %mul3A_741 = arith.mulf %pack3A_706, %bitcast3A_740 : vector<32xbf16>
        %add3A_742 = arith.addf %add3A_667, %mul3A_741 : vector<32xbf16>
        %get3A_743 = arith.constant 0 : i32
        %get3A_744 = arith.index_cast %get3A_743 : i32 to index
        %get3A_745 = arith.index_cast %add3A_710 : i32 to index
        %get3A_746 = arith.constant 64 : index
        %get3A_747 = tpu.vector_load %arg11[%get3A_744, %get3A_745, %get3A_746] {strides = array<i32>} : memref<2x128x128xi32, #tpu.memory_space<vmem>>, vector<16xi32>,
        %bitcast3A_748 = vector.bitcast %get3A_747 : vector<16xi32> to vector<32xbf16>
        %mul3A_749 = arith.mulf %pack3A_706, %bitcast3A_748 : vector<32xbf16>
        %add3A_750 = arith.addf %add3A_675, %mul3A_749 : vector<32xbf16>
        %get3A_751 = arith.constant 0 : i32
        %get3A_752 = arith.index_cast %get3A_751 : i32 to index
        %get3A_753 = arith.index_cast %add3A_710 : i32 to index
        %get3A_754 = arith.constant 80 : index
        %get3A_755 = tpu.vector_load %arg11[%get3A_752, %get3A_753, %get3A_754] {strides = array<i32>} : memref<2x128x128xi32, #tpu.memory_space<vmem>>, vector<16xi32>,
        %bitcast3A_756 = vector.bitcast %get3A_755 : vector<16xi32> to vector<32xbf16>
        %mul3A_757 = arith.mulf %pack3A_706, %bitcast3A_756 : vector<32xbf16>
        %add3A_758 = arith.addf %add3A_683, %mul3A_757 : vector<32xbf16>
        %get3A_759 = arith.constant 0 : i32
        %get3A_760 = arith.index_cast %get3A_759 : i32 to index
        %get3A_761 = arith.index_cast %add3A_710 : i32 to index
        %get3A_762 = arith.constant 96 : index
        %get3A_763 = tpu.vector_load %arg11[%get3A_760, %get3A_761, %get3A_762] {strides = array<i32>} : memref<2x128x128xi32, #tpu.memory_space<vmem>>, vector<16xi32>,
        %bitcast3A_764 = vector.bitcast %get3A_763 : vector<16xi32> to vector<32xbf16>
        %mul3A_765 = arith.mulf %pack3A_706, %bitcast3A_764 : vector<32xbf16>
        %add3A_766 = arith.addf %add3A_691, %mul3A_765 : vector<32xbf16>
        %get3A_767 = arith.constant 0 : i32
        %get3A_768 = arith.index_cast %get3A_767 : i32 to index
        %get3A_769 = arith.index_cast %add3A_710 : i32 to index
        %get3A_770 = arith.constant 112 : index
        %get3A_771 = tpu.vector_load %arg11[%get3A_768, %get3A_769, %get3A_770] {strides = array<i32>} : memref<2x128x128xi32, #tpu.memory_space<vmem>>, vector<16xi32>,
        %bitcast3A_772 = vector.bitcast %get3A_771 : vector<16xi32> to vector<32xbf16>
        %mul3A_773 = arith.mulf %pack3A_706, %bitcast3A_772 : vector<32xbf16>
        %add3A_774 = arith.addf %add3A_699, %mul3A_773 : vector<32xbf16>
        %slice3A_775 = vector.extract_strided_slice %get3A_85 {offsets = [9], sizes = [1], strides = [1]} : vector<16xf32> to vector<1xf32>
        %squeeze3A_776 = vector.extract %slice3A_775[0] : f32 from vector<1xf32>
        %broadcast_in_dim3A_777 = vector.broadcast %squeeze3A_776 : f32 to vector<16xf32>
        %slice3A_778 = vector.extract_strided_slice %get3A_88 {offsets = [9], sizes = [1], strides = [1]} : vector<16xf32> to vector<1xf32>
        %squeeze3A_779 = vector.extract %slice3A_778[0] : f32 from vector<1xf32>
        %broadcast_in_dim3A_780 = vector.broadcast %squeeze3A_779 : f32 to vector<16xf32>
        %pack3A_781 = tpu.pack_subelements %broadcast_in_dim3A_777, %broadcast_in_dim3A_780 {pack_format = #tpu.pack_format<interleaved>, positions = array<i32: 0, 1>} : vector<16xf32>, vector<16xf32> -> vector<32xbf16>
        %mul3A_782 = arith.constant 16 : i32
        %mul3A_783 = arith.muli %scan3A_81, %mul3A_782 : i32
        %add3A_784 = arith.constant 9 : i32
        %add3A_785 = arith.addi %mul3A_783, %add3A_784 : i32
        %get3A_786 = arith.constant 0 : i32
        %get3A_787 = arith.index_cast %get3A_786 : i32 to index
        %get3A_788 = arith.index_cast %add3A_785 : i32 to index
        %get3A_789 = arith.constant 0 : index
        %get3A_790 = tpu.vector_load %arg11[%get3A_787, %get3A_788, %get3A_789] {strides = array<i32>} : memref<2x128x128xi32, #tpu.memory_space<vmem>>, vector<16xi32>,
        %bitcast3A_791 = vector.bitcast %get3A_790 : vector<16xi32> to vector<32xbf16>
        %mul3A_792 = arith.mulf %pack3A_781, %bitcast3A_791 : vector<32xbf16>
        %add3A_793 = arith.addf %add3A_718, %mul3A_792 : vector<32xbf16>
        %get3A_794 = arith.constant 0 : i32
        %get3A_795 = arith.index_cast %get3A_794 : i32 to index
        %get3A_796 = arith.index_cast %add3A_785 : i32 to index
        %get3A_797 = arith.constant 16 : index
        %get3A_798 = tpu.vector_load %arg11[%get3A_795, %get3A_796, %get3A_797] {strides = array<i32>} : memref<2x128x128xi32, #tpu.memory_space<vmem>>, vector<16xi32>,
        %bitcast3A_799 = vector.bitcast %get3A_798 : vector<16xi32> to vector<32xbf16>
        %mul3A_800 = arith.mulf %pack3A_781, %bitcast3A_799 : vector<32xbf16>
        %add3A_801 = arith.addf %add3A_726, %mul3A_800 : vector<32xbf16>
        %get3A_802 = arith.constant 0 : i32
        %get3A_803 = arith.index_cast %get3A_802 : i32 to index
        %get3A_804 = arith.index_cast %add3A_785 : i32 to index
        %get3A_805 = arith.constant 32 : index
        %get3A_806 = tpu.vector_load %arg11[%get3A_803, %get3A_804, %get3A_805] {strides = array<i32>} : memref<2x128x128xi32, #tpu.memory_space<vmem>>, vector<16xi32>,
        %bitcast3A_807 = vector.bitcast %get3A_806 : vector<16xi32> to vector<32xbf16>
        %mul3A_808 = arith.mulf %pack3A_781, %bitcast3A_807 : vector<32xbf16>
        %add3A_809 = arith.addf %add3A_734, %mul3A_808 : vector<32xbf16>
        %get3A_810 = arith.constant 0 : i32
        %get3A_811 = arith.index_cast %get3A_810 : i32 to index
        %get3A_812 = arith.index_cast %add3A_785 : i32 to index
        %get3A_813 = arith.constant 48 : index
        %get3A_814 = tpu.vector_load %arg11[%get3A_811, %get3A_812, %get3A_813] {strides = array<i32>} : memref<2x128x128xi32, #tpu.memory_space<vmem>>, vector<16xi32>,
        %bitcast3A_815 = vector.bitcast %get3A_814 : vector<16xi32> to vector<32xbf16>
        %mul3A_816 = arith.mulf %pack3A_781, %bitcast3A_815 : vector<32xbf16>
        %add3A_817 = arith.addf %add3A_742, %mul3A_816 : vector<32xbf16>
        %get3A_818 = arith.constant 0 : i32
        %get3A_819 = arith.index_cast %get3A_818 : i32 to index
        %get3A_820 = arith.index_cast %add3A_785 : i32 to index
        %get3A_821 = arith.constant 64 : index
        %get3A_822 = tpu.vector_load %arg11[%get3A_819, %get3A_820, %get3A_821] {strides = array<i32>} : memref<2x128x128xi32, #tpu.memory_space<vmem>>, vector<16xi32>,
        %bitcast3A_823 = vector.bitcast %get3A_822 : vector<16xi32> to vector<32xbf16>
        %mul3A_824 = arith.mulf %pack3A_781, %bitcast3A_823 : vector<32xbf16>
        %add3A_825 = arith.addf %add3A_750, %mul3A_824 : vector<32xbf16>
        %get3A_826 = arith.constant 0 : i32
        %get3A_827 = arith.index_cast %get3A_826 : i32 to index
        %get3A_828 = arith.index_cast %add3A_785 : i32 to index
        %get3A_829 = arith.constant 80 : index
        %get3A_830 = tpu.vector_load %arg11[%get3A_827, %get3A_828, %get3A_829] {strides = array<i32>} : memref<2x128x128xi32, #tpu.memory_space<vmem>>, vector<16xi32>,
        %bitcast3A_831 = vector.bitcast %get3A_830 : vector<16xi32> to vector<32xbf16>
        %mul3A_832 = arith.mulf %pack3A_781, %bitcast3A_831 : vector<32xbf16>
        %add3A_833 = arith.addf %add3A_758, %mul3A_832 : vector<32xbf16>
        %get3A_834 = arith.constant 0 : i32
        %get3A_835 = arith.index_cast %get3A_834 : i32 to index
        %get3A_836 = arith.index_cast %add3A_785 : i32 to index
        %get3A_837 = arith.constant 96 : index
        %get3A_838 = tpu.vector_load %arg11[%get3A_835, %get3A_836, %get3A_837] {strides = array<i32>} : memref<2x128x128xi32, #tpu.memory_space<vmem>>, vector<16xi32>,
        %bitcast3A_839 = vector.bitcast %get3A_838 : vector<16xi32> to vector<32xbf16>
        %mul3A_840 = arith.mulf %pack3A_781, %bitcast3A_839 : vector<32xbf16>
        %add3A_841 = arith.addf %add3A_766, %mul3A_840 : vector<32xbf16>
        %get3A_842 = arith.constant 0 : i32
        %get3A_843 = arith.index_cast %get3A_842 : i32 to index
        %get3A_844 = arith.index_cast %add3A_785 : i32 to index
        %get3A_845 = arith.constant 112 : index
        %get3A_846 = tpu.vector_load %arg11[%get3A_843, %get3A_844, %get3A_845] {strides = array<i32>} : memref<2x128x128xi32, #tpu.memory_space<vmem>>, vector<16xi32>,
        %bitcast3A_847 = vector.bitcast %get3A_846 : vector<16xi32> to vector<32xbf16>
        %mul3A_848 = arith.mulf %pack3A_781, %bitcast3A_847 : vector<32xbf16>
        %add3A_849 = arith.addf %add3A_774, %mul3A_848 : vector<32xbf16>
        %slice3A_850 = vector.extract_strided_slice %get3A_85 {offsets = [10], sizes = [1], strides = [1]} : vector<16xf32> to vector<1xf32>
        %squeeze3A_851 = vector.extract %slice3A_850[0] : f32 from vector<1xf32>
        %broadcast_in_dim3A_852 = vector.broadcast %squeeze3A_851 : f32 to vector<16xf32>
        %slice3A_853 = vector.extract_strided_slice %get3A_88 {offsets = [10], sizes = [1], strides = [1]} : vector<16xf32> to vector<1xf32>
        %squeeze3A_854 = vector.extract %slice3A_853[0] : f32 from vector<1xf32>
        %broadcast_in_dim3A_855 = vector.broadcast %squeeze3A_854 : f32 to vector<16xf32>
        %pack3A_856 = tpu.pack_subelements %broadcast_in_dim3A_852, %broadcast_in_dim3A_855 {pack_format = #tpu.pack_format<interleaved>, positions = array<i32: 0, 1>} : vector<16xf32>, vector<16xf32> -> vector<32xbf16>
        %mul3A_857 = arith.constant 16 : i32
        %mul3A_858 = arith.muli %scan3A_81, %mul3A_857 : i32
        %add3A_859 = arith.constant 10 : i32
        %add3A_860 = arith.addi %mul3A_858, %add3A_859 : i32
        %get3A_861 = arith.constant 0 : i32
        %get3A_862 = arith.index_cast %get3A_861 : i32 to index
        %get3A_863 = arith.index_cast %add3A_860 : i32 to index
        %get3A_864 = arith.constant 0 : index
        %get3A_865 = tpu.vector_load %arg11[%get3A_862, %get3A_863, %get3A_864] {strides = array<i32>} : memref<2x128x128xi32, #tpu.memory_space<vmem>>, vector<16xi32>,
        %bitcast3A_866 = vector.bitcast %get3A_865 : vector<16xi32> to vector<32xbf16>
        %mul3A_867 = arith.mulf %pack3A_856, %bitcast3A_866 : vector<32xbf16>
        %add3A_868 = arith.addf %add3A_793, %mul3A_867 : vector<32xbf16>
        %get3A_869 = arith.constant 0 : i32
        %get3A_870 = arith.index_cast %get3A_869 : i32 to index
        %get3A_871 = arith.index_cast %add3A_860 : i32 to index
        %get3A_872 = arith.constant 16 : index
        %get3A_873 = tpu.vector_load %arg11[%get3A_870, %get3A_871, %get3A_872] {strides = array<i32>} : memref<2x128x128xi32, #tpu.memory_space<vmem>>, vector<16xi32>,
        %bitcast3A_874 = vector.bitcast %get3A_873 : vector<16xi32> to vector<32xbf16>
        %mul3A_875 = arith.mulf %pack3A_856, %bitcast3A_874 : vector<32xbf16>
        %add3A_876 = arith.addf %add3A_801, %mul3A_875 : vector<32xbf16>
        %get3A_877 = arith.constant 0 : i32
        %get3A_878 = arith.index_cast %get3A_877 : i32 to index
        %get3A_879 = arith.index_cast %add3A_860 : i32 to index
        %get3A_880 = arith.constant 32 : index
        %get3A_881 = tpu.vector_load %arg11[%get3A_878, %get3A_879, %get3A_880] {strides = array<i32>} : memref<2x128x128xi32, #tpu.memory_space<vmem>>, vector<16xi32>,
        %bitcast3A_882 = vector.bitcast %get3A_881 : vector<16xi32> to vector<32xbf16>
        %mul3A_883 = arith.mulf %pack3A_856, %bitcast3A_882 : vector<32xbf16>
        %add3A_884 = arith.addf %add3A_809, %mul3A_883 : vector<32xbf16>
        %get3A_885 = arith.constant 0 : i32
        %get3A_886 = arith.index_cast %get3A_885 : i32 to index
        %get3A_887 = arith.index_cast %add3A_860 : i32 to index
        %get3A_888 = arith.constant 48 : index
        %get3A_889 = tpu.vector_load %arg11[%get3A_886, %get3A_887, %get3A_888] {strides = array<i32>} : memref<2x128x128xi32, #tpu.memory_space<vmem>>, vector<16xi32>,
        %bitcast3A_890 = vector.bitcast %get3A_889 : vector<16xi32> to vector<32xbf16>
        %mul3A_891 = arith.mulf %pack3A_856, %bitcast3A_890 : vector<32xbf16>
        %add3A_892 = arith.addf %add3A_817, %mul3A_891 : vector<32xbf16>
        %get3A_893 = arith.constant 0 : i32
        %get3A_894 = arith.index_cast %get3A_893 : i32 to index
        %get3A_895 = arith.index_cast %add3A_860 : i32 to index
        %get3A_896 = arith.constant 64 : index
        %get3A_897 = tpu.vector_load %arg11[%get3A_894, %get3A_895, %get3A_896] {strides = array<i32>} : memref<2x128x128xi32, #tpu.memory_space<vmem>>, vector<16xi32>,
        %bitcast3A_898 = vector.bitcast %get3A_897 : vector<16xi32> to vector<32xbf16>
        %mul3A_899 = arith.mulf %pack3A_856, %bitcast3A_898 : vector<32xbf16>
        %add3A_900 = arith.addf %add3A_825, %mul3A_899 : vector<32xbf16>
        %get3A_901 = arith.constant 0 : i32
        %get3A_902 = arith.index_cast %get3A_901 : i32 to index
        %get3A_903 = arith.index_cast %add3A_860 : i32 to index
        %get3A_904 = arith.constant 80 : index
        %get3A_905 = tpu.vector_load %arg11[%get3A_902, %get3A_903, %get3A_904] {strides = array<i32>} : memref<2x128x128xi32, #tpu.memory_space<vmem>>, vector<16xi32>,
        %bitcast3A_906 = vector.bitcast %get3A_905 : vector<16xi32> to vector<32xbf16>
        %mul3A_907 = arith.mulf %pack3A_856, %bitcast3A_906 : vector<32xbf16>
        %add3A_908 = arith.addf %add3A_833, %mul3A_907 : vector<32xbf16>
        %get3A_909 = arith.constant 0 : i32
        %get3A_910 = arith.index_cast %get3A_909 : i32 to index
        %get3A_911 = arith.index_cast %add3A_860 : i32 to index
        %get3A_912 = arith.constant 96 : index
        %get3A_913 = tpu.vector_load %arg11[%get3A_910, %get3A_911, %get3A_912] {strides = array<i32>} : memref<2x128x128xi32, #tpu.memory_space<vmem>>, vector<16xi32>,
        %bitcast3A_914 = vector.bitcast %get3A_913 : vector<16xi32> to vector<32xbf16>
        %mul3A_915 = arith.mulf %pack3A_856, %bitcast3A_914 : vector<32xbf16>
        %add3A_916 = arith.addf %add3A_841, %mul3A_915 : vector<32xbf16>
        %get3A_917 = arith.constant 0 : i32
        %get3A_918 = arith.index_cast %get3A_917 : i32 to index
        %get3A_919 = arith.index_cast %add3A_860 : i32 to index
        %get3A_920 = arith.constant 112 : index
        %get3A_921 = tpu.vector_load %arg11[%get3A_918, %get3A_919, %get3A_920] {strides = array<i32>} : memref<2x128x128xi32, #tpu.memory_space<vmem>>, vector<16xi32>,
        %bitcast3A_922 = vector.bitcast %get3A_921 : vector<16xi32> to vector<32xbf16>
        %mul3A_923 = arith.mulf %pack3A_856, %bitcast3A_922 : vector<32xbf16>
        %add3A_924 = arith.addf %add3A_849, %mul3A_923 : vector<32xbf16>
        %slice3A_925 = vector.extract_strided_slice %get3A_85 {offsets = [11], sizes = [1], strides = [1]} : vector<16xf32> to vector<1xf32>
        %squeeze3A_926 = vector.extract %slice3A_925[0] : f32 from vector<1xf32>
        %broadcast_in_dim3A_927 = vector.broadcast %squeeze3A_926 : f32 to vector<16xf32>
        %slice3A_928 = vector.extract_strided_slice %get3A_88 {offsets = [11], sizes = [1], strides = [1]} : vector<16xf32> to vector<1xf32>
        %squeeze3A_929 = vector.extract %slice3A_928[0] : f32 from vector<1xf32>
        %broadcast_in_dim3A_930 = vector.broadcast %squeeze3A_929 : f32 to vector<16xf32>
        %pack3A_931 = tpu.pack_subelements %broadcast_in_dim3A_927, %broadcast_in_dim3A_930 {pack_format = #tpu.pack_format<interleaved>, positions = array<i32: 0, 1>} : vector<16xf32>, vector<16xf32> -> vector<32xbf16>
        %mul3A_932 = arith.constant 16 : i32
        %mul3A_933 = arith.muli %scan3A_81, %mul3A_932 : i32
        %add3A_934 = arith.constant 11 : i32
        %add3A_935 = arith.addi %mul3A_933, %add3A_934 : i32
        %get3A_936 = arith.constant 0 : i32
        %get3A_937 = arith.index_cast %get3A_936 : i32 to index
        %get3A_938 = arith.index_cast %add3A_935 : i32 to index
        %get3A_939 = arith.constant 0 : index
        %get3A_940 = tpu.vector_load %arg11[%get3A_937, %get3A_938, %get3A_939] {strides = array<i32>} : memref<2x128x128xi32, #tpu.memory_space<vmem>>, vector<16xi32>,
        %bitcast3A_941 = vector.bitcast %get3A_940 : vector<16xi32> to vector<32xbf16>
        %mul3A_942 = arith.mulf %pack3A_931, %bitcast3A_941 : vector<32xbf16>
        %add3A_943 = arith.addf %add3A_868, %mul3A_942 : vector<32xbf16>
        %get3A_944 = arith.constant 0 : i32
        %get3A_945 = arith.index_cast %get3A_944 : i32 to index
        %get3A_946 = arith.index_cast %add3A_935 : i32 to index
        %get3A_947 = arith.constant 16 : index
        %get3A_948 = tpu.vector_load %arg11[%get3A_945, %get3A_946, %get3A_947] {strides = array<i32>} : memref<2x128x128xi32, #tpu.memory_space<vmem>>, vector<16xi32>,
        %bitcast3A_949 = vector.bitcast %get3A_948 : vector<16xi32> to vector<32xbf16>
        %mul3A_950 = arith.mulf %pack3A_931, %bitcast3A_949 : vector<32xbf16>
        %add3A_951 = arith.addf %add3A_876, %mul3A_950 : vector<32xbf16>
        %get3A_952 = arith.constant 0 : i32
        %get3A_953 = arith.index_cast %get3A_952 : i32 to index
        %get3A_954 = arith.index_cast %add3A_935 : i32 to index
        %get3A_955 = arith.constant 32 : index
        %get3A_956 = tpu.vector_load %arg11[%get3A_953, %get3A_954, %get3A_955] {strides = array<i32>} : memref<2x128x128xi32, #tpu.memory_space<vmem>>, vector<16xi32>,
        %bitcast3A_957 = vector.bitcast %get3A_956 : vector<16xi32> to vector<32xbf16>
        %mul3A_958 = arith.mulf %pack3A_931, %bitcast3A_957 : vector<32xbf16>
        %add3A_959 = arith.addf %add3A_884, %mul3A_958 : vector<32xbf16>
        %get3A_960 = arith.constant 0 : i32
        %get3A_961 = arith.index_cast %get3A_960 : i32 to index
        %get3A_962 = arith.index_cast %add3A_935 : i32 to index
        %get3A_963 = arith.constant 48 : index
        %get3A_964 = tpu.vector_load %arg11[%get3A_961, %get3A_962, %get3A_963] {strides = array<i32>} : memref<2x128x128xi32, #tpu.memory_space<vmem>>, vector<16xi32>,
        %bitcast3A_965 = vector.bitcast %get3A_964 : vector<16xi32> to vector<32xbf16>
        %mul3A_966 = arith.mulf %pack3A_931, %bitcast3A_965 : vector<32xbf16>
        %add3A_967 = arith.addf %add3A_892, %mul3A_966 : vector<32xbf16>
        %get3A_968 = arith.constant 0 : i32
        %get3A_969 = arith.index_cast %get3A_968 : i32 to index
        %get3A_970 = arith.index_cast %add3A_935 : i32 to index
        %get3A_971 = arith.constant 64 : index
        %get3A_972 = tpu.vector_load %arg11[%get3A_969, %get3A_970, %get3A_971] {strides = array<i32>} : memref<2x128x128xi32, #tpu.memory_space<vmem>>, vector<16xi32>,
        %bitcast3A_973 = vector.bitcast %get3A_972 : vector<16xi32> to vector<32xbf16>
        %mul3A_974 = arith.mulf %pack3A_931, %bitcast3A_973 : vector<32xbf16>
        %add3A_975 = arith.addf %add3A_900, %mul3A_974 : vector<32xbf16>
        %get3A_976 = arith.constant 0 : i32
        %get3A_977 = arith.index_cast %get3A_976 : i32 to index
        %get3A_978 = arith.index_cast %add3A_935 : i32 to index
        %get3A_979 = arith.constant 80 : index
        %get3A_980 = tpu.vector_load %arg11[%get3A_977, %get3A_978, %get3A_979] {strides = array<i32>} : memref<2x128x128xi32, #tpu.memory_space<vmem>>, vector<16xi32>,
        %bitcast3A_981 = vector.bitcast %get3A_980 : vector<16xi32> to vector<32xbf16>
        %mul3A_982 = arith.mulf %pack3A_931, %bitcast3A_981 : vector<32xbf16>
        %add3A_983 = arith.addf %add3A_908, %mul3A_982 : vector<32xbf16>
        %get3A_984 = arith.constant 0 : i32
        %get3A_985 = arith.index_cast %get3A_984 : i32 to index
        %get3A_986 = arith.index_cast %add3A_935 : i32 to index
        %get3A_987 = arith.constant 96 : index
        %get3A_988 = tpu.vector_load %arg11[%get3A_985, %get3A_986, %get3A_987] {strides = array<i32>} : memref<2x128x128xi32, #tpu.memory_space<vmem>>, vector<16xi32>,
        %bitcast3A_989 = vector.bitcast %get3A_988 : vector<16xi32> to vector<32xbf16>
        %mul3A_990 = arith.mulf %pack3A_931, %bitcast3A_989 : vector<32xbf16>
        %add3A_991 = arith.addf %add3A_916, %mul3A_990 : vector<32xbf16>
        %get3A_992 = arith.constant 0 : i32
        %get3A_993 = arith.index_cast %get3A_992 : i32 to index
        %get3A_994 = arith.index_cast %add3A_935 : i32 to index
        %get3A_995 = arith.constant 112 : index
        %get3A_996 = tpu.vector_load %arg11[%get3A_993, %get3A_994, %get3A_995] {strides = array<i32>} : memref<2x128x128xi32, #tpu.memory_space<vmem>>, vector<16xi32>,
        %bitcast3A_997 = vector.bitcast %get3A_996 : vector<16xi32> to vector<32xbf16>
        %mul3A_998 = arith.mulf %pack3A_931, %bitcast3A_997 : vector<32xbf16>
        %add3A_999 = arith.addf %add3A_924, %mul3A_998 : vector<32xbf16>
        %slice3A_1000 = vector.extract_strided_slice %get3A_85 {offsets = [12], sizes = [1], strides = [1]} : vector<16xf32> to vector<1xf32>
        %squeeze3A_1001 = vector.extract %slice3A_1000[0] : f32 from vector<1xf32>
        %broadcast_in_dim3A_1002 = vector.broadcast %squeeze3A_1001 : f32 to vector<16xf32>
        %slice3A_1003 = vector.extract_strided_slice %get3A_88 {offsets = [12], sizes = [1], strides = [1]} : vector<16xf32> to vector<1xf32>
        %squeeze3A_1004 = vector.extract %slice3A_1003[0] : f32 from vector<1xf32>
        %broadcast_in_dim3A_1005 = vector.broadcast %squeeze3A_1004 : f32 to vector<16xf32>
        %pack3A_1006 = tpu.pack_subelements %broadcast_in_dim3A_1002, %broadcast_in_dim3A_1005 {pack_format = #tpu.pack_format<interleaved>, positions = array<i32: 0, 1>} : vector<16xf32>, vector<16xf32> -> vector<32xbf16>
        %mul3A_1007 = arith.constant 16 : i32
        %mul3A_1008 = arith.muli %scan3A_81, %mul3A_1007 : i32
        %add3A_1009 = arith.constant 12 : i32
        %add3A_1010 = arith.addi %mul3A_1008, %add3A_1009 : i32
        %get3A_1011 = arith.constant 0 : i32
        %get3A_1012 = arith.index_cast %get3A_1011 : i32 to index
        %get3A_1013 = arith.index_cast %add3A_1010 : i32 to index
        %get3A_1014 = arith.constant 0 : index
        %get3A_1015 = tpu.vector_load %arg11[%get3A_1012, %get3A_1013, %get3A_1014] {strides = array<i32>} : memref<2x128x128xi32, #tpu.memory_space<vmem>>, vector<16xi32>,
        %bitcast3A_1016 = vector.bitcast %get3A_1015 : vector<16xi32> to vector<32xbf16>
        %mul3A_1017 = arith.mulf %pack3A_1006, %bitcast3A_1016 : vector<32xbf16>
        %add3A_1018 = arith.addf %add3A_943, %mul3A_1017 : vector<32xbf16>
        %get3A_1019 = arith.constant 0 : i32
        %get3A_1020 = arith.index_cast %get3A_1019 : i32 to index
        %get3A_1021 = arith.index_cast %add3A_1010 : i32 to index
        %get3A_1022 = arith.constant 16 : index
        %get3A_1023 = tpu.vector_load %arg11[%get3A_1020, %get3A_1021, %get3A_1022] {strides = array<i32>} : memref<2x128x128xi32, #tpu.memory_space<vmem>>, vector<16xi32>,
        %bitcast3A_1024 = vector.bitcast %get3A_1023 : vector<16xi32> to vector<32xbf16>
        %mul3A_1025 = arith.mulf %pack3A_1006, %bitcast3A_1024 : vector<32xbf16>
        %add3A_1026 = arith.addf %add3A_951, %mul3A_1025 : vector<32xbf16>
        %get3A_1027 = arith.constant 0 : i32
        %get3A_1028 = arith.index_cast %get3A_1027 : i32 to index
        %get3A_1029 = arith.index_cast %add3A_1010 : i32 to index
        %get3A_1030 = arith.constant 32 : index
        %get3A_1031 = tpu.vector_load %arg11[%get3A_1028, %get3A_1029, %get3A_1030] {strides = array<i32>} : memref<2x128x128xi32, #tpu.memory_space<vmem>>, vector<16xi32>,
        %bitcast3A_1032 = vector.bitcast %get3A_1031 : vector<16xi32> to vector<32xbf16>
        %mul3A_1033 = arith.mulf %pack3A_1006, %bitcast3A_1032 : vector<32xbf16>
        %add3A_1034 = arith.addf %add3A_959, %mul3A_1033 : vector<32xbf16>
        %get3A_1035 = arith.constant 0 : i32
        %get3A_1036 = arith.index_cast %get3A_1035 : i32 to index
        %get3A_1037 = arith.index_cast %add3A_1010 : i32 to index
        %get3A_1038 = arith.constant 48 : index
        %get3A_1039 = tpu.vector_load %arg11[%get3A_1036, %get3A_1037, %get3A_1038] {strides = array<i32>} : memref<2x128x128xi32, #tpu.memory_space<vmem>>, vector<16xi32>,
        %bitcast3A_1040 = vector.bitcast %get3A_1039 : vector<16xi32> to vector<32xbf16>
        %mul3A_1041 = arith.mulf %pack3A_1006, %bitcast3A_1040 : vector<32xbf16>
        %add3A_1042 = arith.addf %add3A_967, %mul3A_1041 : vector<32xbf16>
        %get3A_1043 = arith.constant 0 : i32
        %get3A_1044 = arith.index_cast %get3A_1043 : i32 to index
        %get3A_1045 = arith.index_cast %add3A_1010 : i32 to index
        %get3A_1046 = arith.constant 64 : index
        %get3A_1047 = tpu.vector_load %arg11[%get3A_1044, %get3A_1045, %get3A_1046] {strides = array<i32>} : memref<2x128x128xi32, #tpu.memory_space<vmem>>, vector<16xi32>,
        %bitcast3A_1048 = vector.bitcast %get3A_1047 : vector<16xi32> to vector<32xbf16>
        %mul3A_1049 = arith.mulf %pack3A_1006, %bitcast3A_1048 : vector<32xbf16>
        %add3A_1050 = arith.addf %add3A_975, %mul3A_1049 : vector<32xbf16>
        %get3A_1051 = arith.constant 0 : i32
        %get3A_1052 = arith.index_cast %get3A_1051 : i32 to index
        %get3A_1053 = arith.index_cast %add3A_1010 : i32 to index
        %get3A_1054 = arith.constant 80 : index
        %get3A_1055 = tpu.vector_load %arg11[%get3A_1052, %get3A_1053, %get3A_1054] {strides = array<i32>} : memref<2x128x128xi32, #tpu.memory_space<vmem>>, vector<16xi32>,
        %bitcast3A_1056 = vector.bitcast %get3A_1055 : vector<16xi32> to vector<32xbf16>
        %mul3A_1057 = arith.mulf %pack3A_1006, %bitcast3A_1056 : vector<32xbf16>
        %add3A_1058 = arith.addf %add3A_983, %mul3A_1057 : vector<32xbf16>
        %get3A_1059 = arith.constant 0 : i32
        %get3A_1060 = arith.index_cast %get3A_1059 : i32 to index
        %get3A_1061 = arith.index_cast %add3A_1010 : i32 to index
        %get3A_1062 = arith.constant 96 : index
        %get3A_1063 = tpu.vector_load %arg11[%get3A_1060, %get3A_1061, %get3A_1062] {strides = array<i32>} : memref<2x128x128xi32, #tpu.memory_space<vmem>>, vector<16xi32>,
        %bitcast3A_1064 = vector.bitcast %get3A_1063 : vector<16xi32> to vector<32xbf16>
        %mul3A_1065 = arith.mulf %pack3A_1006, %bitcast3A_1064 : vector<32xbf16>
        %add3A_1066 = arith.addf %add3A_991, %mul3A_1065 : vector<32xbf16>
        %get3A_1067 = arith.constant 0 : i32
        %get3A_1068 = arith.index_cast %get3A_1067 : i32 to index
        %get3A_1069 = arith.index_cast %add3A_1010 : i32 to index
        %get3A_1070 = arith.constant 112 : index
        %get3A_1071 = tpu.vector_load %arg11[%get3A_1068, %get3A_1069, %get3A_1070] {strides = array<i32>} : memref<2x128x128xi32, #tpu.memory_space<vmem>>, vector<16xi32>,
        %bitcast3A_1072 = vector.bitcast %get3A_1071 : vector<16xi32> to vector<32xbf16>
        %mul3A_1073 = arith.mulf %pack3A_1006, %bitcast3A_1072 : vector<32xbf16>
        %add3A_1074 = arith.addf %add3A_999, %mul3A_1073 : vector<32xbf16>
        %slice3A_1075 = vector.extract_strided_slice %get3A_85 {offsets = [13], sizes = [1], strides = [1]} : vector<16xf32> to vector<1xf32>
        %squeeze3A_1076 = vector.extract %slice3A_1075[0] : f32 from vector<1xf32>
        %broadcast_in_dim3A_1077 = vector.broadcast %squeeze3A_1076 : f32 to vector<16xf32>
        %slice3A_1078 = vector.extract_strided_slice %get3A_88 {offsets = [13], sizes = [1], strides = [1]} : vector<16xf32> to vector<1xf32>
        %squeeze3A_1079 = vector.extract %slice3A_1078[0] : f32 from vector<1xf32>
        %broadcast_in_dim3A_1080 = vector.broadcast %squeeze3A_1079 : f32 to vector<16xf32>
        %pack3A_1081 = tpu.pack_subelements %broadcast_in_dim3A_1077, %broadcast_in_dim3A_1080 {pack_format = #tpu.pack_format<interleaved>, positions = array<i32: 0, 1>} : vector<16xf32>, vector<16xf32> -> vector<32xbf16>
        %mul3A_1082 = arith.constant 16 : i32
        %mul3A_1083 = arith.muli %scan3A_81, %mul3A_1082 : i32
        %add3A_1084 = arith.constant 13 : i32
        %add3A_1085 = arith.addi %mul3A_1083, %add3A_1084 : i32
        %get3A_1086 = arith.constant 0 : i32
        %get3A_1087 = arith.index_cast %get3A_1086 : i32 to index
        %get3A_1088 = arith.index_cast %add3A_1085 : i32 to index
        %get3A_1089 = arith.constant 0 : index
        %get3A_1090 = tpu.vector_load %arg11[%get3A_1087, %get3A_1088, %get3A_1089] {strides = array<i32>} : memref<2x128x128xi32, #tpu.memory_space<vmem>>, vector<16xi32>,
        %bitcast3A_1091 = vector.bitcast %get3A_1090 : vector<16xi32> to vector<32xbf16>
        %mul3A_1092 = arith.mulf %pack3A_1081, %bitcast3A_1091 : vector<32xbf16>
        %add3A_1093 = arith.addf %add3A_1018, %mul3A_1092 : vector<32xbf16>
        %get3A_1094 = arith.constant 0 : i32
        %get3A_1095 = arith.index_cast %get3A_1094 : i32 to index
        %get3A_1096 = arith.index_cast %add3A_1085 : i32 to index
        %get3A_1097 = arith.constant 16 : index
        %get3A_1098 = tpu.vector_load %arg11[%get3A_1095, %get3A_1096, %get3A_1097] {strides = array<i32>} : memref<2x128x128xi32, #tpu.memory_space<vmem>>, vector<16xi32>,
        %bitcast3A_1099 = vector.bitcast %get3A_1098 : vector<16xi32> to vector<32xbf16>
        %mul3A_1100 = arith.mulf %pack3A_1081, %bitcast3A_1099 : vector<32xbf16>
        %add3A_1101 = arith.addf %add3A_1026, %mul3A_1100 : vector<32xbf16>
        %get3A_1102 = arith.constant 0 : i32
        %get3A_1103 = arith.index_cast %get3A_1102 : i32 to index
        %get3A_1104 = arith.index_cast %add3A_1085 : i32 to index
        %get3A_1105 = arith.constant 32 : index
        %get3A_1106 = tpu.vector_load %arg11[%get3A_1103, %get3A_1104, %get3A_1105] {strides = array<i32>} : memref<2x128x128xi32, #tpu.memory_space<vmem>>, vector<16xi32>,
        %bitcast3A_1107 = vector.bitcast %get3A_1106 : vector<16xi32> to vector<32xbf16>
        %mul3A_1108 = arith.mulf %pack3A_1081, %bitcast3A_1107 : vector<32xbf16>
        %add3A_1109 = arith.addf %add3A_1034, %mul3A_1108 : vector<32xbf16>
        %get3A_1110 = arith.constant 0 : i32
        %get3A_1111 = arith.index_cast %get3A_1110 : i32 to index
        %get3A_1112 = arith.index_cast %add3A_1085 : i32 to index
        %get3A_1113 = arith.constant 48 : index
        %get3A_1114 = tpu.vector_load %arg11[%get3A_1111, %get3A_1112, %get3A_1113] {strides = array<i32>} : memref<2x128x128xi32, #tpu.memory_space<vmem>>, vector<16xi32>,
        %bitcast3A_1115 = vector.bitcast %get3A_1114 : vector<16xi32> to vector<32xbf16>
        %mul3A_1116 = arith.mulf %pack3A_1081, %bitcast3A_1115 : vector<32xbf16>
        %add3A_1117 = arith.addf %add3A_1042, %mul3A_1116 : vector<32xbf16>
        %get3A_1118 = arith.constant 0 : i32
        %get3A_1119 = arith.index_cast %get3A_1118 : i32 to index
        %get3A_1120 = arith.index_cast %add3A_1085 : i32 to index
        %get3A_1121 = arith.constant 64 : index
        %get3A_1122 = tpu.vector_load %arg11[%get3A_1119, %get3A_1120, %get3A_1121] {strides = array<i32>} : memref<2x128x128xi32, #tpu.memory_space<vmem>>, vector<16xi32>,
        %bitcast3A_1123 = vector.bitcast %get3A_1122 : vector<16xi32> to vector<32xbf16>
        %mul3A_1124 = arith.mulf %pack3A_1081, %bitcast3A_1123 : vector<32xbf16>
        %add3A_1125 = arith.addf %add3A_1050, %mul3A_1124 : vector<32xbf16>
        %get3A_1126 = arith.constant 0 : i32
        %get3A_1127 = arith.index_cast %get3A_1126 : i32 to index
        %get3A_1128 = arith.index_cast %add3A_1085 : i32 to index
        %get3A_1129 = arith.constant 80 : index
        %get3A_1130 = tpu.vector_load %arg11[%get3A_1127, %get3A_1128, %get3A_1129] {strides = array<i32>} : memref<2x128x128xi32, #tpu.memory_space<vmem>>, vector<16xi32>,
        %bitcast3A_1131 = vector.bitcast %get3A_1130 : vector<16xi32> to vector<32xbf16>
        %mul3A_1132 = arith.mulf %pack3A_1081, %bitcast3A_1131 : vector<32xbf16>
        %add3A_1133 = arith.addf %add3A_1058, %mul3A_1132 : vector<32xbf16>
        %get3A_1134 = arith.constant 0 : i32
        %get3A_1135 = arith.index_cast %get3A_1134 : i32 to index
        %get3A_1136 = arith.index_cast %add3A_1085 : i32 to index
        %get3A_1137 = arith.constant 96 : index
        %get3A_1138 = tpu.vector_load %arg11[%get3A_1135, %get3A_1136, %get3A_1137] {strides = array<i32>} : memref<2x128x128xi32, #tpu.memory_space<vmem>>, vector<16xi32>,
        %bitcast3A_1139 = vector.bitcast %get3A_1138 : vector<16xi32> to vector<32xbf16>
        %mul3A_1140 = arith.mulf %pack3A_1081, %bitcast3A_1139 : vector<32xbf16>
        %add3A_1141 = arith.addf %add3A_1066, %mul3A_1140 : vector<32xbf16>
        %get3A_1142 = arith.constant 0 : i32
        %get3A_1143 = arith.index_cast %get3A_1142 : i32 to index
        %get3A_1144 = arith.index_cast %add3A_1085 : i32 to index
        %get3A_1145 = arith.constant 112 : index
        %get3A_1146 = tpu.vector_load %arg11[%get3A_1143, %get3A_1144, %get3A_1145] {strides = array<i32>} : memref<2x128x128xi32, #tpu.memory_space<vmem>>, vector<16xi32>,
        %bitcast3A_1147 = vector.bitcast %get3A_1146 : vector<16xi32> to vector<32xbf16>
        %mul3A_1148 = arith.mulf %pack3A_1081, %bitcast3A_1147 : vector<32xbf16>
        %add3A_1149 = arith.addf %add3A_1074, %mul3A_1148 : vector<32xbf16>
        %slice3A_1150 = vector.extract_strided_slice %get3A_85 {offsets = [14], sizes = [1], strides = [1]} : vector<16xf32> to vector<1xf32>
        %squeeze3A_1151 = vector.extract %slice3A_1150[0] : f32 from vector<1xf32>
        %broadcast_in_dim3A_1152 = vector.broadcast %squeeze3A_1151 : f32 to vector<16xf32>
        %slice3A_1153 = vector.extract_strided_slice %get3A_88 {offsets = [14], sizes = [1], strides = [1]} : vector<16xf32> to vector<1xf32>
        %squeeze3A_1154 = vector.extract %slice3A_1153[0] : f32 from vector<1xf32>
        %broadcast_in_dim3A_1155 = vector.broadcast %squeeze3A_1154 : f32 to vector<16xf32>
        %pack3A_1156 = tpu.pack_subelements %broadcast_in_dim3A_1152, %broadcast_in_dim3A_1155 {pack_format = #tpu.pack_format<interleaved>, positions = array<i32: 0, 1>} : vector<16xf32>, vector<16xf32> -> vector<32xbf16>
        %mul3A_1157 = arith.constant 16 : i32
        %mul3A_1158 = arith.muli %scan3A_81, %mul3A_1157 : i32
        %add3A_1159 = arith.constant 14 : i32
        %add3A_1160 = arith.addi %mul3A_1158, %add3A_1159 : i32
        %get3A_1161 = arith.constant 0 : i32
        %get3A_1162 = arith.index_cast %get3A_1161 : i32 to index
        %get3A_1163 = arith.index_cast %add3A_1160 : i32 to index
        %get3A_1164 = arith.constant 0 : index
        %get3A_1165 = tpu.vector_load %arg11[%get3A_1162, %get3A_1163, %get3A_1164] {strides = array<i32>} : memref<2x128x128xi32, #tpu.memory_space<vmem>>, vector<16xi32>,
        %bitcast3A_1166 = vector.bitcast %get3A_1165 : vector<16xi32> to vector<32xbf16>
        %mul3A_1167 = arith.mulf %pack3A_1156, %bitcast3A_1166 : vector<32xbf16>
        %add3A_1168 = arith.addf %add3A_1093, %mul3A_1167 : vector<32xbf16>
        %get3A_1169 = arith.constant 0 : i32
        %get3A_1170 = arith.index_cast %get3A_1169 : i32 to index
        %get3A_1171 = arith.index_cast %add3A_1160 : i32 to index
        %get3A_1172 = arith.constant 16 : index
        %get3A_1173 = tpu.vector_load %arg11[%get3A_1170, %get3A_1171, %get3A_1172] {strides = array<i32>} : memref<2x128x128xi32, #tpu.memory_space<vmem>>, vector<16xi32>,
        %bitcast3A_1174 = vector.bitcast %get3A_1173 : vector<16xi32> to vector<32xbf16>
        %mul3A_1175 = arith.mulf %pack3A_1156, %bitcast3A_1174 : vector<32xbf16>
        %add3A_1176 = arith.addf %add3A_1101, %mul3A_1175 : vector<32xbf16>
        %get3A_1177 = arith.constant 0 : i32
        %get3A_1178 = arith.index_cast %get3A_1177 : i32 to index
        %get3A_1179 = arith.index_cast %add3A_1160 : i32 to index
        %get3A_1180 = arith.constant 32 : index
        %get3A_1181 = tpu.vector_load %arg11[%get3A_1178, %get3A_1179, %get3A_1180] {strides = array<i32>} : memref<2x128x128xi32, #tpu.memory_space<vmem>>, vector<16xi32>,
        %bitcast3A_1182 = vector.bitcast %get3A_1181 : vector<16xi32> to vector<32xbf16>
        %mul3A_1183 = arith.mulf %pack3A_1156, %bitcast3A_1182 : vector<32xbf16>
        %add3A_1184 = arith.addf %add3A_1109, %mul3A_1183 : vector<32xbf16>
        %get3A_1185 = arith.constant 0 : i32
        %get3A_1186 = arith.index_cast %get3A_1185 : i32 to index
        %get3A_1187 = arith.index_cast %add3A_1160 : i32 to index
        %get3A_1188 = arith.constant 48 : index
        %get3A_1189 = tpu.vector_load %arg11[%get3A_1186, %get3A_1187, %get3A_1188] {strides = array<i32>} : memref<2x128x128xi32, #tpu.memory_space<vmem>>, vector<16xi32>,
        %bitcast3A_1190 = vector.bitcast %get3A_1189 : vector<16xi32> to vector<32xbf16>
        %mul3A_1191 = arith.mulf %pack3A_1156, %bitcast3A_1190 : vector<32xbf16>
        %add3A_1192 = arith.addf %add3A_1117, %mul3A_1191 : vector<32xbf16>
        %get3A_1193 = arith.constant 0 : i32
        %get3A_1194 = arith.index_cast %get3A_1193 : i32 to index
        %get3A_1195 = arith.index_cast %add3A_1160 : i32 to index
        %get3A_1196 = arith.constant 64 : index
        %get3A_1197 = tpu.vector_load %arg11[%get3A_1194, %get3A_1195, %get3A_1196] {strides = array<i32>} : memref<2x128x128xi32, #tpu.memory_space<vmem>>, vector<16xi32>,
        %bitcast3A_1198 = vector.bitcast %get3A_1197 : vector<16xi32> to vector<32xbf16>
        %mul3A_1199 = arith.mulf %pack3A_1156, %bitcast3A_1198 : vector<32xbf16>
        %add3A_1200 = arith.addf %add3A_1125, %mul3A_1199 : vector<32xbf16>
        %get3A_1201 = arith.constant 0 : i32
        %get3A_1202 = arith.index_cast %get3A_1201 : i32 to index
        %get3A_1203 = arith.index_cast %add3A_1160 : i32 to index
        %get3A_1204 = arith.constant 80 : index
        %get3A_1205 = tpu.vector_load %arg11[%get3A_1202, %get3A_1203, %get3A_1204] {strides = array<i32>} : memref<2x128x128xi32, #tpu.memory_space<vmem>>, vector<16xi32>,
        %bitcast3A_1206 = vector.bitcast %get3A_1205 : vector<16xi32> to vector<32xbf16>
        %mul3A_1207 = arith.mulf %pack3A_1156, %bitcast3A_1206 : vector<32xbf16>
        %add3A_1208 = arith.addf %add3A_1133, %mul3A_1207 : vector<32xbf16>
        %get3A_1209 = arith.constant 0 : i32
        %get3A_1210 = arith.index_cast %get3A_1209 : i32 to index
        %get3A_1211 = arith.index_cast %add3A_1160 : i32 to index
        %get3A_1212 = arith.constant 96 : index
        %get3A_1213 = tpu.vector_load %arg11[%get3A_1210, %get3A_1211, %get3A_1212] {strides = array<i32>} : memref<2x128x128xi32, #tpu.memory_space<vmem>>, vector<16xi32>,
        %bitcast3A_1214 = vector.bitcast %get3A_1213 : vector<16xi32> to vector<32xbf16>
        %mul3A_1215 = arith.mulf %pack3A_1156, %bitcast3A_1214 : vector<32xbf16>
        %add3A_1216 = arith.addf %add3A_1141, %mul3A_1215 : vector<32xbf16>
        %get3A_1217 = arith.constant 0 : i32
        %get3A_1218 = arith.index_cast %get3A_1217 : i32 to index
        %get3A_1219 = arith.index_cast %add3A_1160 : i32 to index
        %get3A_1220 = arith.constant 112 : index
        %get3A_1221 = tpu.vector_load %arg11[%get3A_1218, %get3A_1219, %get3A_1220] {strides = array<i32>} : memref<2x128x128xi32, #tpu.memory_space<vmem>>, vector<16xi32>,
        %bitcast3A_1222 = vector.bitcast %get3A_1221 : vector<16xi32> to vector<32xbf16>
        %mul3A_1223 = arith.mulf %pack3A_1156, %bitcast3A_1222 : vector<32xbf16>
        %add3A_1224 = arith.addf %add3A_1149, %mul3A_1223 : vector<32xbf16>
        %slice3A_1225 = vector.extract_strided_slice %get3A_85 {offsets = [15], sizes = [1], strides = [1]} : vector<16xf32> to vector<1xf32>
        %squeeze3A_1226 = vector.extract %slice3A_1225[0] : f32 from vector<1xf32>
        %broadcast_in_dim3A_1227 = vector.broadcast %squeeze3A_1226 : f32 to vector<16xf32>
        %slice3A_1228 = vector.extract_strided_slice %get3A_88 {offsets = [15], sizes = [1], strides = [1]} : vector<16xf32> to vector<1xf32>
        %squeeze3A_1229 = vector.extract %slice3A_1228[0] : f32 from vector<1xf32>
        %broadcast_in_dim3A_1230 = vector.broadcast %squeeze3A_1229 : f32 to vector<16xf32>
        %pack3A_1231 = tpu.pack_subelements %broadcast_in_dim3A_1227, %broadcast_in_dim3A_1230 {pack_format = #tpu.pack_format<interleaved>, positions = array<i32: 0, 1>} : vector<16xf32>, vector<16xf32> -> vector<32xbf16>
        %mul3A_1232 = arith.constant 16 : i32
        %mul3A_1233 = arith.muli %scan3A_81, %mul3A_1232 : i32
        %add3A_1234 = arith.constant 15 : i32
        %add3A_1235 = arith.addi %mul3A_1233, %add3A_1234 : i32
        %get3A_1236 = arith.constant 0 : i32
        %get3A_1237 = arith.index_cast %get3A_1236 : i32 to index
        %get3A_1238 = arith.index_cast %add3A_1235 : i32 to index
        %get3A_1239 = arith.constant 0 : index
        %get3A_1240 = tpu.vector_load %arg11[%get3A_1237, %get3A_1238, %get3A_1239] {strides = array<i32>} : memref<2x128x128xi32, #tpu.memory_space<vmem>>, vector<16xi32>,
        %bitcast3A_1241 = vector.bitcast %get3A_1240 : vector<16xi32> to vector<32xbf16>
        %mul3A_1242 = arith.mulf %pack3A_1231, %bitcast3A_1241 : vector<32xbf16>
        %add3A_1243 = arith.addf %add3A_1168, %mul3A_1242 : vector<32xbf16>
        %get3A_1244 = arith.constant 0 : i32
        %get3A_1245 = arith.index_cast %get3A_1244 : i32 to index
        %get3A_1246 = arith.index_cast %add3A_1235 : i32 to index
        %get3A_1247 = arith.constant 16 : index
        %get3A_1248 = tpu.vector_load %arg11[%get3A_1245, %get3A_1246, %get3A_1247] {strides = array<i32>} : memref<2x128x128xi32, #tpu.memory_space<vmem>>, vector<16xi32>,
        %bitcast3A_1249 = vector.bitcast %get3A_1248 : vector<16xi32> to vector<32xbf16>
        %mul3A_1250 = arith.mulf %pack3A_1231, %bitcast3A_1249 : vector<32xbf16>
        %add3A_1251 = arith.addf %add3A_1176, %mul3A_1250 : vector<32xbf16>
        %get3A_1252 = arith.constant 0 : i32
        %get3A_1253 = arith.index_cast %get3A_1252 : i32 to index
        %get3A_1254 = arith.index_cast %add3A_1235 : i32 to index
        %get3A_1255 = arith.constant 32 : index
        %get3A_1256 = tpu.vector_load %arg11[%get3A_1253, %get3A_1254, %get3A_1255] {strides = array<i32>} : memref<2x128x128xi32, #tpu.memory_space<vmem>>, vector<16xi32>,
        %bitcast3A_1257 = vector.bitcast %get3A_1256 : vector<16xi32> to vector<32xbf16>
        %mul3A_1258 = arith.mulf %pack3A_1231, %bitcast3A_1257 : vector<32xbf16>
        %add3A_1259 = arith.addf %add3A_1184, %mul3A_1258 : vector<32xbf16>
        %get3A_1260 = arith.constant 0 : i32
        %get3A_1261 = arith.index_cast %get3A_1260 : i32 to index
        %get3A_1262 = arith.index_cast %add3A_1235 : i32 to index
        %get3A_1263 = arith.constant 48 : index
        %get3A_1264 = tpu.vector_load %arg11[%get3A_1261, %get3A_1262, %get3A_1263] {strides = array<i32>} : memref<2x128x128xi32, #tpu.memory_space<vmem>>, vector<16xi32>,
        %bitcast3A_1265 = vector.bitcast %get3A_1264 : vector<16xi32> to vector<32xbf16>
        %mul3A_1266 = arith.mulf %pack3A_1231, %bitcast3A_1265 : vector<32xbf16>
        %add3A_1267 = arith.addf %add3A_1192, %mul3A_1266 : vector<32xbf16>
        %get3A_1268 = arith.constant 0 : i32
        %get3A_1269 = arith.index_cast %get3A_1268 : i32 to index
        %get3A_1270 = arith.index_cast %add3A_1235 : i32 to index
        %get3A_1271 = arith.constant 64 : index
        %get3A_1272 = tpu.vector_load %arg11[%get3A_1269, %get3A_1270, %get3A_1271] {strides = array<i32>} : memref<2x128x128xi32, #tpu.memory_space<vmem>>, vector<16xi32>,
        %bitcast3A_1273 = vector.bitcast %get3A_1272 : vector<16xi32> to vector<32xbf16>
        %mul3A_1274 = arith.mulf %pack3A_1231, %bitcast3A_1273 : vector<32xbf16>
        %add3A_1275 = arith.addf %add3A_1200, %mul3A_1274 : vector<32xbf16>
        %get3A_1276 = arith.constant 0 : i32
        %get3A_1277 = arith.index_cast %get3A_1276 : i32 to index
        %get3A_1278 = arith.index_cast %add3A_1235 : i32 to index
        %get3A_1279 = arith.constant 80 : index
        %get3A_1280 = tpu.vector_load %arg11[%get3A_1277, %get3A_1278, %get3A_1279] {strides = array<i32>} : memref<2x128x128xi32, #tpu.memory_space<vmem>>, vector<16xi32>,
        %bitcast3A_1281 = vector.bitcast %get3A_1280 : vector<16xi32> to vector<32xbf16>
        %mul3A_1282 = arith.mulf %pack3A_1231, %bitcast3A_1281 : vector<32xbf16>
        %add3A_1283 = arith.addf %add3A_1208, %mul3A_1282 : vector<32xbf16>
        %get3A_1284 = arith.constant 0 : i32
        %get3A_1285 = arith.index_cast %get3A_1284 : i32 to index
        %get3A_1286 = arith.index_cast %add3A_1235 : i32 to index
        %get3A_1287 = arith.constant 96 : index
        %get3A_1288 = tpu.vector_load %arg11[%get3A_1285, %get3A_1286, %get3A_1287] {strides = array<i32>} : memref<2x128x128xi32, #tpu.memory_space<vmem>>, vector<16xi32>,
        %bitcast3A_1289 = vector.bitcast %get3A_1288 : vector<16xi32> to vector<32xbf16>
        %mul3A_1290 = arith.mulf %pack3A_1231, %bitcast3A_1289 : vector<32xbf16>
        %add3A_1291 = arith.addf %add3A_1216, %mul3A_1290 : vector<32xbf16>
        %get3A_1292 = arith.constant 0 : i32
        %get3A_1293 = arith.index_cast %get3A_1292 : i32 to index
        %get3A_1294 = arith.index_cast %add3A_1235 : i32 to index
        %get3A_1295 = arith.constant 112 : index
        %get3A_1296 = tpu.vector_load %arg11[%get3A_1293, %get3A_1294, %get3A_1295] {strides = array<i32>} : memref<2x128x128xi32, #tpu.memory_space<vmem>>, vector<16xi32>,
        %bitcast3A_1297 = vector.bitcast %get3A_1296 : vector<16xi32> to vector<32xbf16>
        %mul3A_1298 = arith.mulf %pack3A_1231, %bitcast3A_1297 : vector<32xbf16>
        %add3A_1299 = arith.addf %add3A_1224, %mul3A_1298 : vector<32xbf16>
        %unpack3A = tpu.unpack_subelements %add3A_1243, 0 {pack_format = #tpu.pack_format<interleaved>} : vector<32xbf16> -> vector<16xf32>
        %unpack3A_1300 = tpu.unpack_subelements %add3A_1243, 1 {pack_format = #tpu.pack_format<interleaved>} : vector<32xbf16> -> vector<16xf32>
        %get3A_1301 = arith.index_cast %scan3A_26 : i32 to index
        %get3A_1302 = arith.constant 0 : index
        %get3A_1303 = tpu.vector_load %arg12[%get3A_1301, %get3A_1302] {strides = array<i32>} : memref<32x128xf32, #tpu.memory_space<vmem>>, vector<16xf32>,
        %add3A_1304 = arith.addf %unpack3A, %unpack3A_1300 : vector<16xf32>
        %add3A_1305 = arith.addf %get3A_1303, %add3A_1304 : vector<16xf32>
        %swap3A = arith.index_cast %scan3A_26 : i32 to index
        %swap3A_1306 = arith.constant 0 : index
        %swap3A_1307 = tpu.vector_load %arg12[%swap3A, %swap3A_1306] {strides = array<i32>} : memref<32x128xf32, #tpu.memory_space<vmem>>, vector<16xf32>,
        tpu.vector_store %arg12[%swap3A, %swap3A_1306], %add3A_1305 {strides = array<i32>} : memref<32x128xf32, #tpu.memory_space<vmem>>, vector<16xf32>,
        %unpack3A_1308 = tpu.unpack_subelements %add3A_1251, 0 {pack_format = #tpu.pack_format<interleaved>} : vector<32xbf16> -> vector<16xf32>
        %unpack3A_1309 = tpu.unpack_subelements %add3A_1251, 1 {pack_format = #tpu.pack_format<interleaved>} : vector<32xbf16> -> vector<16xf32>
        %get3A_1310 = arith.index_cast %scan3A_26 : i32 to index
        %get3A_1311 = arith.constant 16 : index
        %get3A_1312 = tpu.vector_load %arg12[%get3A_1310, %get3A_1311] {strides = array<i32>} : memref<32x128xf32, #tpu.memory_space<vmem>>, vector<16xf32>,
        %add3A_1313 = arith.addf %unpack3A_1308, %unpack3A_1309 : vector<16xf32>
        %add3A_1314 = arith.addf %get3A_1312, %add3A_1313 : vector<16xf32>
        %swap3A_1315 = arith.index_cast %scan3A_26 : i32 to index
        %swap3A_1316 = arith.constant 16 : index
        %swap3A_1317 = tpu.vector_load %arg12[%swap3A_1315, %swap3A_1316] {strides = array<i32>} : memref<32x128xf32, #tpu.memory_space<vmem>>, vector<16xf32>,
        tpu.vector_store %arg12[%swap3A_1315, %swap3A_1316], %add3A_1314 {strides = array<i32>} : memref<32x128xf32, #tpu.memory_space<vmem>>, vector<16xf32>,
        %unpack3A_1318 = tpu.unpack_subelements %add3A_1259, 0 {pack_format = #tpu.pack_format<interleaved>} : vector<32xbf16> -> vector<16xf32>
        %unpack3A_1319 = tpu.unpack_subelements %add3A_1259, 1 {pack_format = #tpu.pack_format<interleaved>} : vector<32xbf16> -> vector<16xf32>
        %get3A_1320 = arith.index_cast %scan3A_26 : i32 to index
        %get3A_1321 = arith.constant 32 : index
        %get3A_1322 = tpu.vector_load %arg12[%get3A_1320, %get3A_1321] {strides = array<i32>} : memref<32x128xf32, #tpu.memory_space<vmem>>, vector<16xf32>,
        %add3A_1323 = arith.addf %unpack3A_1318, %unpack3A_1319 : vector<16xf32>
        %add3A_1324 = arith.addf %get3A_1322, %add3A_1323 : vector<16xf32>
        %swap3A_1325 = arith.index_cast %scan3A_26 : i32 to index
        %swap3A_1326 = arith.constant 32 : index
        %swap3A_1327 = tpu.vector_load %arg12[%swap3A_1325, %swap3A_1326] {strides = array<i32>} : memref<32x128xf32, #tpu.memory_space<vmem>>, vector<16xf32>,
        tpu.vector_store %arg12[%swap3A_1325, %swap3A_1326], %add3A_1324 {strides = array<i32>} : memref<32x128xf32, #tpu.memory_space<vmem>>, vector<16xf32>,
        %unpack3A_1328 = tpu.unpack_subelements %add3A_1267, 0 {pack_format = #tpu.pack_format<interleaved>} : vector<32xbf16> -> vector<16xf32>
        %unpack3A_1329 = tpu.unpack_subelements %add3A_1267, 1 {pack_format = #tpu.pack_format<interleaved>} : vector<32xbf16> -> vector<16xf32>
        %get3A_1330 = arith.index_cast %scan3A_26 : i32 to index
        %get3A_1331 = arith.constant 48 : index
        %get3A_1332 = tpu.vector_load %arg12[%get3A_1330, %get3A_1331] {strides = array<i32>} : memref<32x128xf32, #tpu.memory_space<vmem>>, vector<16xf32>,
        %add3A_1333 = arith.addf %unpack3A_1328, %unpack3A_1329 : vector<16xf32>
        %add3A_1334 = arith.addf %get3A_1332, %add3A_1333 : vector<16xf32>
        %swap3A_1335 = arith.index_cast %scan3A_26 : i32 to index
        %swap3A_1336 = arith.constant 48 : index
        %swap3A_1337 = tpu.vector_load %arg12[%swap3A_1335, %swap3A_1336] {strides = array<i32>} : memref<32x128xf32, #tpu.memory_space<vmem>>, vector<16xf32>,
        tpu.vector_store %arg12[%swap3A_1335, %swap3A_1336], %add3A_1334 {strides = array<i32>} : memref<32x128xf32, #tpu.memory_space<vmem>>, vector<16xf32>,
        %unpack3A_1338 = tpu.unpack_subelements %add3A_1275, 0 {pack_format = #tpu.pack_format<interleaved>} : vector<32xbf16> -> vector<16xf32>
        %unpack3A_1339 = tpu.unpack_subelements %add3A_1275, 1 {pack_format = #tpu.pack_format<interleaved>} : vector<32xbf16> -> vector<16xf32>
        %get3A_1340 = arith.index_cast %scan3A_26 : i32 to index
        %get3A_1341 = arith.constant 64 : index
        %get3A_1342 = tpu.vector_load %arg12[%get3A_1340, %get3A_1341] {strides = array<i32>} : memref<32x128xf32, #tpu.memory_space<vmem>>, vector<16xf32>,
        %add3A_1343 = arith.addf %unpack3A_1338, %unpack3A_1339 : vector<16xf32>
        %add3A_1344 = arith.addf %get3A_1342, %add3A_1343 : vector<16xf32>
        %swap3A_1345 = arith.index_cast %scan3A_26 : i32 to index
        %swap3A_1346 = arith.constant 64 : index
        %swap3A_1347 = tpu.vector_load %arg12[%swap3A_1345, %swap3A_1346] {strides = array<i32>} : memref<32x128xf32, #tpu.memory_space<vmem>>, vector<16xf32>,
        tpu.vector_store %arg12[%swap3A_1345, %swap3A_1346], %add3A_1344 {strides = array<i32>} : memref<32x128xf32, #tpu.memory_space<vmem>>, vector<16xf32>,
        %unpack3A_1348 = tpu.unpack_subelements %add3A_1283, 0 {pack_format = #tpu.pack_format<interleaved>} : vector<32xbf16> -> vector<16xf32>
        %unpack3A_1349 = tpu.unpack_subelements %add3A_1283, 1 {pack_format = #tpu.pack_format<interleaved>} : vector<32xbf16> -> vector<16xf32>
        %get3A_1350 = arith.index_cast %scan3A_26 : i32 to index
        %get3A_1351 = arith.constant 80 : index
        %get3A_1352 = tpu.vector_load %arg12[%get3A_1350, %get3A_1351] {strides = array<i32>} : memref<32x128xf32, #tpu.memory_space<vmem>>, vector<16xf32>,
        %add3A_1353 = arith.addf %unpack3A_1348, %unpack3A_1349 : vector<16xf32>
        %add3A_1354 = arith.addf %get3A_1352, %add3A_1353 : vector<16xf32>
        %swap3A_1355 = arith.index_cast %scan3A_26 : i32 to index
        %swap3A_1356 = arith.constant 80 : index
        %swap3A_1357 = tpu.vector_load %arg12[%swap3A_1355, %swap3A_1356] {strides = array<i32>} : memref<32x128xf32, #tpu.memory_space<vmem>>, vector<16xf32>,
        tpu.vector_store %arg12[%swap3A_1355, %swap3A_1356], %add3A_1354 {strides = array<i32>} : memref<32x128xf32, #tpu.memory_space<vmem>>, vector<16xf32>,
        %unpack3A_1358 = tpu.unpack_subelements %add3A_1291, 0 {pack_format = #tpu.pack_format<interleaved>} : vector<32xbf16> -> vector<16xf32>
        %unpack3A_1359 = tpu.unpack_subelements %add3A_1291, 1 {pack_format = #tpu.pack_format<interleaved>} : vector<32xbf16> -> vector<16xf32>
        %get3A_1360 = arith.index_cast %scan3A_26 : i32 to index
        %get3A_1361 = arith.constant 96 : index
        %get3A_1362 = tpu.vector_load %arg12[%get3A_1360, %get3A_1361] {strides = array<i32>} : memref<32x128xf32, #tpu.memory_space<vmem>>, vector<16xf32>,
        %add3A_1363 = arith.addf %unpack3A_1358, %unpack3A_1359 : vector<16xf32>
        %add3A_1364 = arith.addf %get3A_1362, %add3A_1363 : vector<16xf32>
        %swap3A_1365 = arith.index_cast %scan3A_26 : i32 to index
        %swap3A_1366 = arith.constant 96 : index
        %swap3A_1367 = tpu.vector_load %arg12[%swap3A_1365, %swap3A_1366] {strides = array<i32>} : memref<32x128xf32, #tpu.memory_space<vmem>>, vector<16xf32>,
        tpu.vector_store %arg12[%swap3A_1365, %swap3A_1366], %add3A_1364 {strides = array<i32>} : memref<32x128xf32, #tpu.memory_space<vmem>>, vector<16xf32>,
        %unpack3A_1368 = tpu.unpack_subelements %add3A_1299, 0 {pack_format = #tpu.pack_format<interleaved>} : vector<32xbf16> -> vector<16xf32>
        %unpack3A_1369 = tpu.unpack_subelements %add3A_1299, 1 {pack_format = #tpu.pack_format<interleaved>} : vector<32xbf16> -> vector<16xf32>
        %get3A_1370 = arith.index_cast %scan3A_26 : i32 to index
        %get3A_1371 = arith.constant 112 : index
        %get3A_1372 = tpu.vector_load %arg12[%get3A_1370, %get3A_1371] {strides = array<i32>} : memref<32x128xf32, #tpu.memory_space<vmem>>, vector<16xf32>,
        %add3A_1373 = arith.addf %unpack3A_1368, %unpack3A_1369 : vector<16xf32>
        %add3A_1374 = arith.addf %get3A_1372, %add3A_1373 : vector<16xf32>
        %swap3A_1375 = arith.index_cast %scan3A_26 : i32 to index
        %swap3A_1376 = arith.constant 112 : index
        %swap3A_1377 = tpu.vector_load %arg12[%swap3A_1375, %swap3A_1376] {strides = array<i32>} : memref<32x128xf32, #tpu.memory_space<vmem>>, vector<16xf32>,
        tpu.vector_store %arg12[%swap3A_1375, %swap3A_1376], %add3A_1374 {strides = array<i32>} : memref<32x128xf32, #tpu.memory_space<vmem>>, vector<16xf32>,
      }
      %scan3A_57 = arith.constant 8 : i32
      %add3A_58 = arith.constant 32 : i32
      %add3A_59 = arith.addi %add3A_58, %scan3A_26 : i32
      %add3A_60 = arith.constant 1 : i32
      %add3A_61 = arith.addi %scan3A_26, %add3A_60 : i32
      %lt3A = arith.constant 32 : i32
      %lt3A_62 = arith.cmpi slt, %add3A_61, %lt3A : i32
      %convert_element_type3A = arith.extui %lt3A_62 : i1 to i32
      %cond3A = arith.constant 0 : i32
      %cond3A_63 = arith.cmpi ne, %convert_element_type3A, %cond3A : i32
      scf.if %cond3A_63 {
        %dma_start3A_81 = arith.constant 0 : i32
        %dma_start3A_82 = arith.constant 0 : i32
        %dma_start3A_83 = arith.constant 0 : i32
        %dma_start3A_84 = tpu.memref_slice %arg11[%dma_start3A_81, %dma_start3A_82, %dma_start3A_83] : memref<2x128x128xi32, #tpu.memory_space<vmem>> -> memref<1x128x128xi32, #tpu.memory_space<vmem>>
        %dma_start3A_85 = tpu.memref_squeeze %dma_start3A_84 : memref<1x128x128xi32, #tpu.memory_space<vmem>> -> memref<128x128xi32, #tpu.memory_space<vmem>>
        %dma_start3A_86 = arith.constant 0 : i32
        %dma_start3A_87 = tpu.memref_slice %arg8[%add3A_61, %dma_start3A_86] : memref<64x128xi32, #tpu.memory_space<vmem>> -> memref<1x128xi32, #tpu.memory_space<vmem>>
        %dma_start3A_88 = tpu.memref_squeeze %dma_start3A_87 : memref<1x128xi32, #tpu.memory_space<vmem>> -> memref<128xi32, #tpu.memory_space<vmem>>
        %dma_start3A_89 = arith.constant 0 : i32
        %dma_start3A_90 = arith.constant 0 : i32
        %dma_start3A_91 = tpu.memref_slice %arg2[%dma_start3A_89, %dma_start3A_90] : memref<135168x128xi32, #tpu.memory_space<hbm>> -> memref<135168x128xi32, #tpu.memory_space<hbm>>
        tpu.enqueue_indirect_dma source(%dma_start3A_91 : memref<135168x128xi32, #tpu.memory_space<hbm>>) target(%dma_start3A_85 : memref<128x128xi32, #tpu.memory_space<vmem>>) offsets(%dma_start3A_88 : memref<128xi32, #tpu.memory_space<vmem>>) semaphore(%arg13 : memref<!tpu.dma_semaphore, #tpu.memory_space<semaphore_mem>>)
      } else {
      }
      %dma_wait3A_64 = arith.constant 1 : i32
      %dma_wait3A_65 = arith.constant 0 : i32
      %dma_wait3A_66 = arith.constant 0 : i32
      %dma_wait3A_67 = tpu.memref_slice %arg11[%dma_wait3A_64, %dma_wait3A_65, %dma_wait3A_66] : memref<2x128x128xi32, #tpu.memory_space<vmem>> -> memref<1x128x128xi32, #tpu.memory_space<vmem>>
      %dma_wait3A_68 = tpu.memref_squeeze %dma_wait3A_67 : memref<1x128x128xi32, #tpu.memory_space<vmem>> -> memref<128x128xi32, #tpu.memory_space<vmem>>
      %dma_wait3A_69 = arith.constant 0 : i32
      %dma_wait3A_70 = tpu.memref_slice %arg8[%add3A_59, %dma_wait3A_69] : memref<64x128xi32, #tpu.memory_space<vmem>> -> memref<1x128xi32, #tpu.memory_space<vmem>>
      %dma_wait3A_71 = tpu.memref_squeeze %dma_wait3A_70 : memref<1x128xi32, #tpu.memory_space<vmem>> -> memref<128xi32, #tpu.memory_space<vmem>>
      %dma_wait3A_72 = arith.constant 0 : i32
      %dma_wait3A_73 = arith.constant 0 : i32
      %dma_wait3A_74 = tpu.memref_slice %arg2[%dma_wait3A_72, %dma_wait3A_73] : memref<135168x128xi32, #tpu.memory_space<hbm>> -> memref<135168x128xi32, #tpu.memory_space<hbm>>
      tpu.wait_indirect_dma semaphore(%arg14 : memref<!tpu.dma_semaphore, #tpu.memory_space<semaphore_mem>>) src(%dma_wait3A_74 : memref<135168x128xi32, #tpu.memory_space<hbm>>) dst(%dma_wait3A_68 : memref<128x128xi32, #tpu.memory_space<vmem>>)
      %scan3A_75 = arith.constant 0 : i32
      %scan3A_76 = arith.constant 0 : i32
      %scan3A_77 = arith.constant 8 : i32
      %scan3A_78 = arith.addi %scan3A_76, %scan3A_77 : i32
      %scan3A_79 = arith.constant 1 : i32
      scf.for %scan3A_81 = %scan3A_76 to %scan3A_78 step %scan3A_79  : i32 {
        %mul3A_82 = arith.constant 16 : i32
        %mul3A_83 = arith.muli %scan3A_81, %mul3A_82 : i32
        %multiple_of3A = tpu.assume_multiple %mul3A_83, 16 : i32
        %get3A = arith.index_cast %add3A_59 : i32 to index
        %get3A_84 = arith.index_cast %multiple_of3A : i32 to index
        %get3A_85 = tpu.vector_load %arg9[%get3A, %get3A_84] {strides = array<i32>} : memref<64x128xf32, #tpu.memory_space<vmem>>, vector<16xf32>,
        %get3A_86 = arith.index_cast %add3A_59 : i32 to index
        %get3A_87 = arith.index_cast %multiple_of3A : i32 to index
        %get3A_88 = tpu.vector_load %arg10[%get3A_86, %get3A_87] {strides = array<i32>} : memref<64x128xf32, #tpu.memory_space<vmem>>, vector<16xf32>,
        %broadcast_in_dim3A = arith.constant 0.000000e+00 : bf16
        %broadcast_in_dim3A_89 = vector.broadcast %broadcast_in_dim3A : bf16 to vector<32xbf16>
        %broadcast_in_dim3A_90 = arith.constant 0.000000e+00 : bf16
        %broadcast_in_dim3A_91 = vector.broadcast %broadcast_in_dim3A_90 : bf16 to vector<32xbf16>
        %broadcast_in_dim3A_92 = arith.constant 0.000000e+00 : bf16
        %broadcast_in_dim3A_93 = vector.broadcast %broadcast_in_dim3A_92 : bf16 to vector<32xbf16>
        %broadcast_in_dim3A_94 = arith.constant 0.000000e+00 : bf16
        %broadcast_in_dim3A_95 = vector.broadcast %broadcast_in_dim3A_94 : bf16 to vector<32xbf16>
        %broadcast_in_dim3A_96 = arith.constant 0.000000e+00 : bf16
        %broadcast_in_dim3A_97 = vector.broadcast %broadcast_in_dim3A_96 : bf16 to vector<32xbf16>
        %broadcast_in_dim3A_98 = arith.constant 0.000000e+00 : bf16
        %broadcast_in_dim3A_99 = vector.broadcast %broadcast_in_dim3A_98 : bf16 to vector<32xbf16>
        %broadcast_in_dim3A_100 = arith.constant 0.000000e+00 : bf16
        %broadcast_in_dim3A_101 = vector.broadcast %broadcast_in_dim3A_100 : bf16 to vector<32xbf16>
        %broadcast_in_dim3A_102 = arith.constant 0.000000e+00 : bf16
        %broadcast_in_dim3A_103 = vector.broadcast %broadcast_in_dim3A_102 : bf16 to vector<32xbf16>
        %slice3A = vector.extract_strided_slice %get3A_85 {offsets = [0], sizes = [1], strides = [1]} : vector<16xf32> to vector<1xf32>
        %squeeze3A = vector.extract %slice3A[0] : f32 from vector<1xf32>
        %broadcast_in_dim3A_104 = vector.broadcast %squeeze3A : f32 to vector<16xf32>
        %slice3A_105 = vector.extract_strided_slice %get3A_88 {offsets = [0], sizes = [1], strides = [1]} : vector<16xf32> to vector<1xf32>
        %squeeze3A_106 = vector.extract %slice3A_105[0] : f32 from vector<1xf32>
        %broadcast_in_dim3A_107 = vector.broadcast %squeeze3A_106 : f32 to vector<16xf32>
        %pack3A = tpu.pack_subelements %broadcast_in_dim3A_104, %broadcast_in_dim3A_107 {pack_format = #tpu.pack_format<interleaved>, positions = array<i32: 0, 1>} : vector<16xf32>, vector<16xf32> -> vector<32xbf16>
        %mul3A_108 = arith.constant 16 : i32
        %mul3A_109 = arith.muli %scan3A_81, %mul3A_108 : i32
        %add3A_110 = arith.constant 0 : i32
        %add3A_111 = arith.addi %mul3A_109, %add3A_110 : i32
        %get3A_112 = arith.constant 1 : i32
        %get3A_113 = arith.index_cast %get3A_112 : i32 to index
        %get3A_114 = arith.index_cast %add3A_111 : i32 to index
        %get3A_115 = arith.constant 0 : index
        %get3A_116 = tpu.vector_load %arg11[%get3A_113, %get3A_114, %get3A_115] {strides = array<i32>} : memref<2x128x128xi32, #tpu.memory_space<vmem>>, vector<16xi32>,
        %bitcast3A = vector.bitcast %get3A_116 : vector<16xi32> to vector<32xbf16>
        %mul3A_117 = arith.mulf %pack3A, %bitcast3A : vector<32xbf16>
        %add3A_118 = arith.addf %broadcast_in_dim3A_89, %mul3A_117 : vector<32xbf16>
        %get3A_119 = arith.constant 1 : i32
        %get3A_120 = arith.index_cast %get3A_119 : i32 to index
        %get3A_121 = arith.index_cast %add3A_111 : i32 to index
        %get3A_122 = arith.constant 16 : index
        %get3A_123 = tpu.vector_load %arg11[%get3A_120, %get3A_121, %get3A_122] {strides = array<i32>} : memref<2x128x128xi32, #tpu.memory_space<vmem>>, vector<16xi32>,
        %bitcast3A_124 = vector.bitcast %get3A_123 : vector<16xi32> to vector<32xbf16>
        %mul3A_125 = arith.mulf %pack3A, %bitcast3A_124 : vector<32xbf16>
        %add3A_126 = arith.addf %broadcast_in_dim3A_91, %mul3A_125 : vector<32xbf16>
        %get3A_127 = arith.constant 1 : i32
        %get3A_128 = arith.index_cast %get3A_127 : i32 to index
        %get3A_129 = arith.index_cast %add3A_111 : i32 to index
        %get3A_130 = arith.constant 32 : index
        %get3A_131 = tpu.vector_load %arg11[%get3A_128, %get3A_129, %get3A_130] {strides = array<i32>} : memref<2x128x128xi32, #tpu.memory_space<vmem>>, vector<16xi32>,
        %bitcast3A_132 = vector.bitcast %get3A_131 : vector<16xi32> to vector<32xbf16>
        %mul3A_133 = arith.mulf %pack3A, %bitcast3A_132 : vector<32xbf16>
        %add3A_134 = arith.addf %broadcast_in_dim3A_93, %mul3A_133 : vector<32xbf16>
        %get3A_135 = arith.constant 1 : i32
        %get3A_136 = arith.index_cast %get3A_135 : i32 to index
        %get3A_137 = arith.index_cast %add3A_111 : i32 to index
        %get3A_138 = arith.constant 48 : index
        %get3A_139 = tpu.vector_load %arg11[%get3A_136, %get3A_137, %get3A_138] {strides = array<i32>} : memref<2x128x128xi32, #tpu.memory_space<vmem>>, vector<16xi32>,
        %bitcast3A_140 = vector.bitcast %get3A_139 : vector<16xi32> to vector<32xbf16>
        %mul3A_141 = arith.mulf %pack3A, %bitcast3A_140 : vector<32xbf16>
        %add3A_142 = arith.addf %broadcast_in_dim3A_95, %mul3A_141 : vector<32xbf16>
        %get3A_143 = arith.constant 1 : i32
        %get3A_144 = arith.index_cast %get3A_143 : i32 to index
        %get3A_145 = arith.index_cast %add3A_111 : i32 to index
        %get3A_146 = arith.constant 64 : index
        %get3A_147 = tpu.vector_load %arg11[%get3A_144, %get3A_145, %get3A_146] {strides = array<i32>} : memref<2x128x128xi32, #tpu.memory_space<vmem>>, vector<16xi32>,
        %bitcast3A_148 = vector.bitcast %get3A_147 : vector<16xi32> to vector<32xbf16>
        %mul3A_149 = arith.mulf %pack3A, %bitcast3A_148 : vector<32xbf16>
        %add3A_150 = arith.addf %broadcast_in_dim3A_97, %mul3A_149 : vector<32xbf16>
        %get3A_151 = arith.constant 1 : i32
        %get3A_152 = arith.index_cast %get3A_151 : i32 to index
        %get3A_153 = arith.index_cast %add3A_111 : i32 to index
        %get3A_154 = arith.constant 80 : index
        %get3A_155 = tpu.vector_load %arg11[%get3A_152, %get3A_153, %get3A_154] {strides = array<i32>} : memref<2x128x128xi32, #tpu.memory_space<vmem>>, vector<16xi32>,
        %bitcast3A_156 = vector.bitcast %get3A_155 : vector<16xi32> to vector<32xbf16>
        %mul3A_157 = arith.mulf %pack3A, %bitcast3A_156 : vector<32xbf16>
        %add3A_158 = arith.addf %broadcast_in_dim3A_99, %mul3A_157 : vector<32xbf16>
        %get3A_159 = arith.constant 1 : i32
        %get3A_160 = arith.index_cast %get3A_159 : i32 to index
        %get3A_161 = arith.index_cast %add3A_111 : i32 to index
        %get3A_162 = arith.constant 96 : index
        %get3A_163 = tpu.vector_load %arg11[%get3A_160, %get3A_161, %get3A_162] {strides = array<i32>} : memref<2x128x128xi32, #tpu.memory_space<vmem>>, vector<16xi32>,
        %bitcast3A_164 = vector.bitcast %get3A_163 : vector<16xi32> to vector<32xbf16>
        %mul3A_165 = arith.mulf %pack3A, %bitcast3A_164 : vector<32xbf16>
        %add3A_166 = arith.addf %broadcast_in_dim3A_101, %mul3A_165 : vector<32xbf16>
        %get3A_167 = arith.constant 1 : i32
        %get3A_168 = arith.index_cast %get3A_167 : i32 to index
        %get3A_169 = arith.index_cast %add3A_111 : i32 to index
        %get3A_170 = arith.constant 112 : index
        %get3A_171 = tpu.vector_load %arg11[%get3A_168, %get3A_169, %get3A_170] {strides = array<i32>} : memref<2x128x128xi32, #tpu.memory_space<vmem>>, vector<16xi32>,
        %bitcast3A_172 = vector.bitcast %get3A_171 : vector<16xi32> to vector<32xbf16>
        %mul3A_173 = arith.mulf %pack3A, %bitcast3A_172 : vector<32xbf16>
        %add3A_174 = arith.addf %broadcast_in_dim3A_103, %mul3A_173 : vector<32xbf16>
        %slice3A_175 = vector.extract_strided_slice %get3A_85 {offsets = [1], sizes = [1], strides = [1]} : vector<16xf32> to vector<1xf32>
        %squeeze3A_176 = vector.extract %slice3A_175[0] : f32 from vector<1xf32>
        %broadcast_in_dim3A_177 = vector.broadcast %squeeze3A_176 : f32 to vector<16xf32>
        %slice3A_178 = vector.extract_strided_slice %get3A_88 {offsets = [1], sizes = [1], strides = [1]} : vector<16xf32> to vector<1xf32>
        %squeeze3A_179 = vector.extract %slice3A_178[0] : f32 from vector<1xf32>
        %broadcast_in_dim3A_180 = vector.broadcast %squeeze3A_179 : f32 to vector<16xf32>
        %pack3A_181 = tpu.pack_subelements %broadcast_in_dim3A_177, %broadcast_in_dim3A_180 {pack_format = #tpu.pack_format<interleaved>, positions = array<i32: 0, 1>} : vector<16xf32>, vector<16xf32> -> vector<32xbf16>
        %mul3A_182 = arith.constant 16 : i32
        %mul3A_183 = arith.muli %scan3A_81, %mul3A_182 : i32
        %add3A_184 = arith.constant 1 : i32
        %add3A_185 = arith.addi %mul3A_183, %add3A_184 : i32
        %get3A_186 = arith.constant 1 : i32
        %get3A_187 = arith.index_cast %get3A_186 : i32 to index
        %get3A_188 = arith.index_cast %add3A_185 : i32 to index
        %get3A_189 = arith.constant 0 : index
        %get3A_190 = tpu.vector_load %arg11[%get3A_187, %get3A_188, %get3A_189] {strides = array<i32>} : memref<2x128x128xi32, #tpu.memory_space<vmem>>, vector<16xi32>,
        %bitcast3A_191 = vector.bitcast %get3A_190 : vector<16xi32> to vector<32xbf16>
        %mul3A_192 = arith.mulf %pack3A_181, %bitcast3A_191 : vector<32xbf16>
        %add3A_193 = arith.addf %add3A_118, %mul3A_192 : vector<32xbf16>
        %get3A_194 = arith.constant 1 : i32
        %get3A_195 = arith.index_cast %get3A_194 : i32 to index
        %get3A_196 = arith.index_cast %add3A_185 : i32 to index
        %get3A_197 = arith.constant 16 : index
        %get3A_198 = tpu.vector_load %arg11[%get3A_195, %get3A_196, %get3A_197] {strides = array<i32>} : memref<2x128x128xi32, #tpu.memory_space<vmem>>, vector<16xi32>,
        %bitcast3A_199 = vector.bitcast %get3A_198 : vector<16xi32> to vector<32xbf16>
        %mul3A_200 = arith.mulf %pack3A_181, %bitcast3A_199 : vector<32xbf16>
        %add3A_201 = arith.addf %add3A_126, %mul3A_200 : vector<32xbf16>
        %get3A_202 = arith.constant 1 : i32
        %get3A_203 = arith.index_cast %get3A_202 : i32 to index
        %get3A_204 = arith.index_cast %add3A_185 : i32 to index
        %get3A_205 = arith.constant 32 : index
        %get3A_206 = tpu.vector_load %arg11[%get3A_203, %get3A_204, %get3A_205] {strides = array<i32>} : memref<2x128x128xi32, #tpu.memory_space<vmem>>, vector<16xi32>,
        %bitcast3A_207 = vector.bitcast %get3A_206 : vector<16xi32> to vector<32xbf16>
        %mul3A_208 = arith.mulf %pack3A_181, %bitcast3A_207 : vector<32xbf16>
        %add3A_209 = arith.addf %add3A_134, %mul3A_208 : vector<32xbf16>
        %get3A_210 = arith.constant 1 : i32
        %get3A_211 = arith.index_cast %get3A_210 : i32 to index
        %get3A_212 = arith.index_cast %add3A_185 : i32 to index
        %get3A_213 = arith.constant 48 : index
        %get3A_214 = tpu.vector_load %arg11[%get3A_211, %get3A_212, %get3A_213] {strides = array<i32>} : memref<2x128x128xi32, #tpu.memory_space<vmem>>, vector<16xi32>,
        %bitcast3A_215 = vector.bitcast %get3A_214 : vector<16xi32> to vector<32xbf16>
        %mul3A_216 = arith.mulf %pack3A_181, %bitcast3A_215 : vector<32xbf16>
        %add3A_217 = arith.addf %add3A_142, %mul3A_216 : vector<32xbf16>
        %get3A_218 = arith.constant 1 : i32
        %get3A_219 = arith.index_cast %get3A_218 : i32 to index
        %get3A_220 = arith.index_cast %add3A_185 : i32 to index
        %get3A_221 = arith.constant 64 : index
        %get3A_222 = tpu.vector_load %arg11[%get3A_219, %get3A_220, %get3A_221] {strides = array<i32>} : memref<2x128x128xi32, #tpu.memory_space<vmem>>, vector<16xi32>,
        %bitcast3A_223 = vector.bitcast %get3A_222 : vector<16xi32> to vector<32xbf16>
        %mul3A_224 = arith.mulf %pack3A_181, %bitcast3A_223 : vector<32xbf16>
        %add3A_225 = arith.addf %add3A_150, %mul3A_224 : vector<32xbf16>
        %get3A_226 = arith.constant 1 : i32
        %get3A_227 = arith.index_cast %get3A_226 : i32 to index
        %get3A_228 = arith.index_cast %add3A_185 : i32 to index
        %get3A_229 = arith.constant 80 : index
        %get3A_230 = tpu.vector_load %arg11[%get3A_227, %get3A_228, %get3A_229] {strides = array<i32>} : memref<2x128x128xi32, #tpu.memory_space<vmem>>, vector<16xi32>,
        %bitcast3A_231 = vector.bitcast %get3A_230 : vector<16xi32> to vector<32xbf16>
        %mul3A_232 = arith.mulf %pack3A_181, %bitcast3A_231 : vector<32xbf16>
        %add3A_233 = arith.addf %add3A_158, %mul3A_232 : vector<32xbf16>
        %get3A_234 = arith.constant 1 : i32
        %get3A_235 = arith.index_cast %get3A_234 : i32 to index
        %get3A_236 = arith.index_cast %add3A_185 : i32 to index
        %get3A_237 = arith.constant 96 : index
        %get3A_238 = tpu.vector_load %arg11[%get3A_235, %get3A_236, %get3A_237] {strides = array<i32>} : memref<2x128x128xi32, #tpu.memory_space<vmem>>, vector<16xi32>,
        %bitcast3A_239 = vector.bitcast %get3A_238 : vector<16xi32> to vector<32xbf16>
        %mul3A_240 = arith.mulf %pack3A_181, %bitcast3A_239 : vector<32xbf16>
        %add3A_241 = arith.addf %add3A_166, %mul3A_240 : vector<32xbf16>
        %get3A_242 = arith.constant 1 : i32
        %get3A_243 = arith.index_cast %get3A_242 : i32 to index
        %get3A_244 = arith.index_cast %add3A_185 : i32 to index
        %get3A_245 = arith.constant 112 : index
        %get3A_246 = tpu.vector_load %arg11[%get3A_243, %get3A_244, %get3A_245] {strides = array<i32>} : memref<2x128x128xi32, #tpu.memory_space<vmem>>, vector<16xi32>,
        %bitcast3A_247 = vector.bitcast %get3A_246 : vector<16xi32> to vector<32xbf16>
        %mul3A_248 = arith.mulf %pack3A_181, %bitcast3A_247 : vector<32xbf16>
        %add3A_249 = arith.addf %add3A_174, %mul3A_248 : vector<32xbf16>
        %slice3A_250 = vector.extract_strided_slice %get3A_85 {offsets = [2], sizes = [1], strides = [1]} : vector<16xf32> to vector<1xf32>
        %squeeze3A_251 = vector.extract %slice3A_250[0] : f32 from vector<1xf32>
        %broadcast_in_dim3A_252 = vector.broadcast %squeeze3A_251 : f32 to vector<16xf32>
        %slice3A_253 = vector.extract_strided_slice %get3A_88 {offsets = [2], sizes = [1], strides = [1]} : vector<16xf32> to vector<1xf32>
        %squeeze3A_254 = vector.extract %slice3A_253[0] : f32 from vector<1xf32>
        %broadcast_in_dim3A_255 = vector.broadcast %squeeze3A_254 : f32 to vector<16xf32>
        %pack3A_256 = tpu.pack_subelements %broadcast_in_dim3A_252, %broadcast_in_dim3A_255 {pack_format = #tpu.pack_format<interleaved>, positions = array<i32: 0, 1>} : vector<16xf32>, vector<16xf32> -> vector<32xbf16>
        %mul3A_257 = arith.constant 16 : i32
        %mul3A_258 = arith.muli %scan3A_81, %mul3A_257 : i32
        %add3A_259 = arith.constant 2 : i32
        %add3A_260 = arith.addi %mul3A_258, %add3A_259 : i32
        %get3A_261 = arith.constant 1 : i32
        %get3A_262 = arith.index_cast %get3A_261 : i32 to index
        %get3A_263 = arith.index_cast %add3A_260 : i32 to index
        %get3A_264 = arith.constant 0 : index
        %get3A_265 = tpu.vector_load %arg11[%get3A_262, %get3A_263, %get3A_264] {strides = array<i32>} : memref<2x128x128xi32, #tpu.memory_space<vmem>>, vector<16xi32>,
        %bitcast3A_266 = vector.bitcast %get3A_265 : vector<16xi32> to vector<32xbf16>
        %mul3A_267 = arith.mulf %pack3A_256, %bitcast3A_266 : vector<32xbf16>
        %add3A_268 = arith.addf %add3A_193, %mul3A_267 : vector<32xbf16>
        %get3A_269 = arith.constant 1 : i32
        %get3A_270 = arith.index_cast %get3A_269 : i32 to index
        %get3A_271 = arith.index_cast %add3A_260 : i32 to index
        %get3A_272 = arith.constant 16 : index
        %get3A_273 = tpu.vector_load %arg11[%get3A_270, %get3A_271, %get3A_272] {strides = array<i32>} : memref<2x128x128xi32, #tpu.memory_space<vmem>>, vector<16xi32>,
        %bitcast3A_274 = vector.bitcast %get3A_273 : vector<16xi32> to vector<32xbf16>
        %mul3A_275 = arith.mulf %pack3A_256, %bitcast3A_274 : vector<32xbf16>
        %add3A_276 = arith.addf %add3A_201, %mul3A_275 : vector<32xbf16>
        %get3A_277 = arith.constant 1 : i32
        %get3A_278 = arith.index_cast %get3A_277 : i32 to index
        %get3A_279 = arith.index_cast %add3A_260 : i32 to index
        %get3A_280 = arith.constant 32 : index
        %get3A_281 = tpu.vector_load %arg11[%get3A_278, %get3A_279, %get3A_280] {strides = array<i32>} : memref<2x128x128xi32, #tpu.memory_space<vmem>>, vector<16xi32>,
        %bitcast3A_282 = vector.bitcast %get3A_281 : vector<16xi32> to vector<32xbf16>
        %mul3A_283 = arith.mulf %pack3A_256, %bitcast3A_282 : vector<32xbf16>
        %add3A_284 = arith.addf %add3A_209, %mul3A_283 : vector<32xbf16>
        %get3A_285 = arith.constant 1 : i32
        %get3A_286 = arith.index_cast %get3A_285 : i32 to index
        %get3A_287 = arith.index_cast %add3A_260 : i32 to index
        %get3A_288 = arith.constant 48 : index
        %get3A_289 = tpu.vector_load %arg11[%get3A_286, %get3A_287, %get3A_288] {strides = array<i32>} : memref<2x128x128xi32, #tpu.memory_space<vmem>>, vector<16xi32>,
        %bitcast3A_290 = vector.bitcast %get3A_289 : vector<16xi32> to vector<32xbf16>
        %mul3A_291 = arith.mulf %pack3A_256, %bitcast3A_290 : vector<32xbf16>
        %add3A_292 = arith.addf %add3A_217, %mul3A_291 : vector<32xbf16>
        %get3A_293 = arith.constant 1 : i32
        %get3A_294 = arith.index_cast %get3A_293 : i32 to index
        %get3A_295 = arith.index_cast %add3A_260 : i32 to index
        %get3A_296 = arith.constant 64 : index
        %get3A_297 = tpu.vector_load %arg11[%get3A_294, %get3A_295, %get3A_296] {strides = array<i32>} : memref<2x128x128xi32, #tpu.memory_space<vmem>>, vector<16xi32>,
        %bitcast3A_298 = vector.bitcast %get3A_297 : vector<16xi32> to vector<32xbf16>
        %mul3A_299 = arith.mulf %pack3A_256, %bitcast3A_298 : vector<32xbf16>
        %add3A_300 = arith.addf %add3A_225, %mul3A_299 : vector<32xbf16>
        %get3A_301 = arith.constant 1 : i32
        %get3A_302 = arith.index_cast %get3A_301 : i32 to index
        %get3A_303 = arith.index_cast %add3A_260 : i32 to index
        %get3A_304 = arith.constant 80 : index
        %get3A_305 = tpu.vector_load %arg11[%get3A_302, %get3A_303, %get3A_304] {strides = array<i32>} : memref<2x128x128xi32, #tpu.memory_space<vmem>>, vector<16xi32>,
        %bitcast3A_306 = vector.bitcast %get3A_305 : vector<16xi32> to vector<32xbf16>
        %mul3A_307 = arith.mulf %pack3A_256, %bitcast3A_306 : vector<32xbf16>
        %add3A_308 = arith.addf %add3A_233, %mul3A_307 : vector<32xbf16>
        %get3A_309 = arith.constant 1 : i32
        %get3A_310 = arith.index_cast %get3A_309 : i32 to index
        %get3A_311 = arith.index_cast %add3A_260 : i32 to index
        %get3A_312 = arith.constant 96 : index
        %get3A_313 = tpu.vector_load %arg11[%get3A_310, %get3A_311, %get3A_312] {strides = array<i32>} : memref<2x128x128xi32, #tpu.memory_space<vmem>>, vector<16xi32>,
        %bitcast3A_314 = vector.bitcast %get3A_313 : vector<16xi32> to vector<32xbf16>
        %mul3A_315 = arith.mulf %pack3A_256, %bitcast3A_314 : vector<32xbf16>
        %add3A_316 = arith.addf %add3A_241, %mul3A_315 : vector<32xbf16>
        %get3A_317 = arith.constant 1 : i32
        %get3A_318 = arith.index_cast %get3A_317 : i32 to index
        %get3A_319 = arith.index_cast %add3A_260 : i32 to index
        %get3A_320 = arith.constant 112 : index
        %get3A_321 = tpu.vector_load %arg11[%get3A_318, %get3A_319, %get3A_320] {strides = array<i32>} : memref<2x128x128xi32, #tpu.memory_space<vmem>>, vector<16xi32>,
        %bitcast3A_322 = vector.bitcast %get3A_321 : vector<16xi32> to vector<32xbf16>
        %mul3A_323 = arith.mulf %pack3A_256, %bitcast3A_322 : vector<32xbf16>
        %add3A_324 = arith.addf %add3A_249, %mul3A_323 : vector<32xbf16>
        %slice3A_325 = vector.extract_strided_slice %get3A_85 {offsets = [3], sizes = [1], strides = [1]} : vector<16xf32> to vector<1xf32>
        %squeeze3A_326 = vector.extract %slice3A_325[0] : f32 from vector<1xf32>
        %broadcast_in_dim3A_327 = vector.broadcast %squeeze3A_326 : f32 to vector<16xf32>
        %slice3A_328 = vector.extract_strided_slice %get3A_88 {offsets = [3], sizes = [1], strides = [1]} : vector<16xf32> to vector<1xf32>
        %squeeze3A_329 = vector.extract %slice3A_328[0] : f32 from vector<1xf32>
        %broadcast_in_dim3A_330 = vector.broadcast %squeeze3A_329 : f32 to vector<16xf32>
        %pack3A_331 = tpu.pack_subelements %broadcast_in_dim3A_327, %broadcast_in_dim3A_330 {pack_format = #tpu.pack_format<interleaved>, positions = array<i32: 0, 1>} : vector<16xf32>, vector<16xf32> -> vector<32xbf16>
        %mul3A_332 = arith.constant 16 : i32
        %mul3A_333 = arith.muli %scan3A_81, %mul3A_332 : i32
        %add3A_334 = arith.constant 3 : i32
        %add3A_335 = arith.addi %mul3A_333, %add3A_334 : i32
        %get3A_336 = arith.constant 1 : i32
        %get3A_337 = arith.index_cast %get3A_336 : i32 to index
        %get3A_338 = arith.index_cast %add3A_335 : i32 to index
        %get3A_339 = arith.constant 0 : index
        %get3A_340 = tpu.vector_load %arg11[%get3A_337, %get3A_338, %get3A_339] {strides = array<i32>} : memref<2x128x128xi32, #tpu.memory_space<vmem>>, vector<16xi32>,
        %bitcast3A_341 = vector.bitcast %get3A_340 : vector<16xi32> to vector<32xbf16>
        %mul3A_342 = arith.mulf %pack3A_331, %bitcast3A_341 : vector<32xbf16>
        %add3A_343 = arith.addf %add3A_268, %mul3A_342 : vector<32xbf16>
        %get3A_344 = arith.constant 1 : i32
        %get3A_345 = arith.index_cast %get3A_344 : i32 to index
        %get3A_346 = arith.index_cast %add3A_335 : i32 to index
        %get3A_347 = arith.constant 16 : index
        %get3A_348 = tpu.vector_load %arg11[%get3A_345, %get3A_346, %get3A_347] {strides = array<i32>} : memref<2x128x128xi32, #tpu.memory_space<vmem>>, vector<16xi32>,
        %bitcast3A_349 = vector.bitcast %get3A_348 : vector<16xi32> to vector<32xbf16>
        %mul3A_350 = arith.mulf %pack3A_331, %bitcast3A_349 : vector<32xbf16>
        %add3A_351 = arith.addf %add3A_276, %mul3A_350 : vector<32xbf16>
        %get3A_352 = arith.constant 1 : i32
        %get3A_353 = arith.index_cast %get3A_352 : i32 to index
        %get3A_354 = arith.index_cast %add3A_335 : i32 to index
        %get3A_355 = arith.constant 32 : index
        %get3A_356 = tpu.vector_load %arg11[%get3A_353, %get3A_354, %get3A_355] {strides = array<i32>} : memref<2x128x128xi32, #tpu.memory_space<vmem>>, vector<16xi32>,
        %bitcast3A_357 = vector.bitcast %get3A_356 : vector<16xi32> to vector<32xbf16>
        %mul3A_358 = arith.mulf %pack3A_331, %bitcast3A_357 : vector<32xbf16>
        %add3A_359 = arith.addf %add3A_284, %mul3A_358 : vector<32xbf16>
        %get3A_360 = arith.constant 1 : i32
        %get3A_361 = arith.index_cast %get3A_360 : i32 to index
        %get3A_362 = arith.index_cast %add3A_335 : i32 to index
        %get3A_363 = arith.constant 48 : index
        %get3A_364 = tpu.vector_load %arg11[%get3A_361, %get3A_362, %get3A_363] {strides = array<i32>} : memref<2x128x128xi32, #tpu.memory_space<vmem>>, vector<16xi32>,
        %bitcast3A_365 = vector.bitcast %get3A_364 : vector<16xi32> to vector<32xbf16>
        %mul3A_366 = arith.mulf %pack3A_331, %bitcast3A_365 : vector<32xbf16>
        %add3A_367 = arith.addf %add3A_292, %mul3A_366 : vector<32xbf16>
        %get3A_368 = arith.constant 1 : i32
        %get3A_369 = arith.index_cast %get3A_368 : i32 to index
        %get3A_370 = arith.index_cast %add3A_335 : i32 to index
        %get3A_371 = arith.constant 64 : index
        %get3A_372 = tpu.vector_load %arg11[%get3A_369, %get3A_370, %get3A_371] {strides = array<i32>} : memref<2x128x128xi32, #tpu.memory_space<vmem>>, vector<16xi32>,
        %bitcast3A_373 = vector.bitcast %get3A_372 : vector<16xi32> to vector<32xbf16>
        %mul3A_374 = arith.mulf %pack3A_331, %bitcast3A_373 : vector<32xbf16>
        %add3A_375 = arith.addf %add3A_300, %mul3A_374 : vector<32xbf16>
        %get3A_376 = arith.constant 1 : i32
        %get3A_377 = arith.index_cast %get3A_376 : i32 to index
        %get3A_378 = arith.index_cast %add3A_335 : i32 to index
        %get3A_379 = arith.constant 80 : index
        %get3A_380 = tpu.vector_load %arg11[%get3A_377, %get3A_378, %get3A_379] {strides = array<i32>} : memref<2x128x128xi32, #tpu.memory_space<vmem>>, vector<16xi32>,
        %bitcast3A_381 = vector.bitcast %get3A_380 : vector<16xi32> to vector<32xbf16>
        %mul3A_382 = arith.mulf %pack3A_331, %bitcast3A_381 : vector<32xbf16>
        %add3A_383 = arith.addf %add3A_308, %mul3A_382 : vector<32xbf16>
        %get3A_384 = arith.constant 1 : i32
        %get3A_385 = arith.index_cast %get3A_384 : i32 to index
        %get3A_386 = arith.index_cast %add3A_335 : i32 to index
        %get3A_387 = arith.constant 96 : index
        %get3A_388 = tpu.vector_load %arg11[%get3A_385, %get3A_386, %get3A_387] {strides = array<i32>} : memref<2x128x128xi32, #tpu.memory_space<vmem>>, vector<16xi32>,
        %bitcast3A_389 = vector.bitcast %get3A_388 : vector<16xi32> to vector<32xbf16>
        %mul3A_390 = arith.mulf %pack3A_331, %bitcast3A_389 : vector<32xbf16>
        %add3A_391 = arith.addf %add3A_316, %mul3A_390 : vector<32xbf16>
        %get3A_392 = arith.constant 1 : i32
        %get3A_393 = arith.index_cast %get3A_392 : i32 to index
        %get3A_394 = arith.index_cast %add3A_335 : i32 to index
        %get3A_395 = arith.constant 112 : index
        %get3A_396 = tpu.vector_load %arg11[%get3A_393, %get3A_394, %get3A_395] {strides = array<i32>} : memref<2x128x128xi32, #tpu.memory_space<vmem>>, vector<16xi32>,
        %bitcast3A_397 = vector.bitcast %get3A_396 : vector<16xi32> to vector<32xbf16>
        %mul3A_398 = arith.mulf %pack3A_331, %bitcast3A_397 : vector<32xbf16>
        %add3A_399 = arith.addf %add3A_324, %mul3A_398 : vector<32xbf16>
        %slice3A_400 = vector.extract_strided_slice %get3A_85 {offsets = [4], sizes = [1], strides = [1]} : vector<16xf32> to vector<1xf32>
        %squeeze3A_401 = vector.extract %slice3A_400[0] : f32 from vector<1xf32>
        %broadcast_in_dim3A_402 = vector.broadcast %squeeze3A_401 : f32 to vector<16xf32>
        %slice3A_403 = vector.extract_strided_slice %get3A_88 {offsets = [4], sizes = [1], strides = [1]} : vector<16xf32> to vector<1xf32>
        %squeeze3A_404 = vector.extract %slice3A_403[0] : f32 from vector<1xf32>
        %broadcast_in_dim3A_405 = vector.broadcast %squeeze3A_404 : f32 to vector<16xf32>
        %pack3A_406 = tpu.pack_subelements %broadcast_in_dim3A_402, %broadcast_in_dim3A_405 {pack_format = #tpu.pack_format<interleaved>, positions = array<i32: 0, 1>} : vector<16xf32>, vector<16xf32> -> vector<32xbf16>
        %mul3A_407 = arith.constant 16 : i32
        %mul3A_408 = arith.muli %scan3A_81, %mul3A_407 : i32
        %add3A_409 = arith.constant 4 : i32
        %add3A_410 = arith.addi %mul3A_408, %add3A_409 : i32
        %get3A_411 = arith.constant 1 : i32
        %get3A_412 = arith.index_cast %get3A_411 : i32 to index
        %get3A_413 = arith.index_cast %add3A_410 : i32 to index
        %get3A_414 = arith.constant 0 : index
        %get3A_415 = tpu.vector_load %arg11[%get3A_412, %get3A_413, %get3A_414] {strides = array<i32>} : memref<2x128x128xi32, #tpu.memory_space<vmem>>, vector<16xi32>,
        %bitcast3A_416 = vector.bitcast %get3A_415 : vector<16xi32> to vector<32xbf16>
        %mul3A_417 = arith.mulf %pack3A_406, %bitcast3A_416 : vector<32xbf16>
        %add3A_418 = arith.addf %add3A_343, %mul3A_417 : vector<32xbf16>
        %get3A_419 = arith.constant 1 : i32
        %get3A_420 = arith.index_cast %get3A_419 : i32 to index
        %get3A_421 = arith.index_cast %add3A_410 : i32 to index
        %get3A_422 = arith.constant 16 : index
        %get3A_423 = tpu.vector_load %arg11[%get3A_420, %get3A_421, %get3A_422] {strides = array<i32>} : memref<2x128x128xi32, #tpu.memory_space<vmem>>, vector<16xi32>,
        %bitcast3A_424 = vector.bitcast %get3A_423 : vector<16xi32> to vector<32xbf16>
        %mul3A_425 = arith.mulf %pack3A_406, %bitcast3A_424 : vector<32xbf16>
        %add3A_426 = arith.addf %add3A_351, %mul3A_425 : vector<32xbf16>
        %get3A_427 = arith.constant 1 : i32
        %get3A_428 = arith.index_cast %get3A_427 : i32 to index
        %get3A_429 = arith.index_cast %add3A_410 : i32 to index
        %get3A_430 = arith.constant 32 : index
        %get3A_431 = tpu.vector_load %arg11[%get3A_428, %get3A_429, %get3A_430] {strides = array<i32>} : memref<2x128x128xi32, #tpu.memory_space<vmem>>, vector<16xi32>,
        %bitcast3A_432 = vector.bitcast %get3A_431 : vector<16xi32> to vector<32xbf16>
        %mul3A_433 = arith.mulf %pack3A_406, %bitcast3A_432 : vector<32xbf16>
        %add3A_434 = arith.addf %add3A_359, %mul3A_433 : vector<32xbf16>
        %get3A_435 = arith.constant 1 : i32
        %get3A_436 = arith.index_cast %get3A_435 : i32 to index
        %get3A_437 = arith.index_cast %add3A_410 : i32 to index
        %get3A_438 = arith.constant 48 : index
        %get3A_439 = tpu.vector_load %arg11[%get3A_436, %get3A_437, %get3A_438] {strides = array<i32>} : memref<2x128x128xi32, #tpu.memory_space<vmem>>, vector<16xi32>,
        %bitcast3A_440 = vector.bitcast %get3A_439 : vector<16xi32> to vector<32xbf16>
        %mul3A_441 = arith.mulf %pack3A_406, %bitcast3A_440 : vector<32xbf16>
        %add3A_442 = arith.addf %add3A_367, %mul3A_441 : vector<32xbf16>
        %get3A_443 = arith.constant 1 : i32
        %get3A_444 = arith.index_cast %get3A_443 : i32 to index
        %get3A_445 = arith.index_cast %add3A_410 : i32 to index
        %get3A_446 = arith.constant 64 : index
        %get3A_447 = tpu.vector_load %arg11[%get3A_444, %get3A_445, %get3A_446] {strides = array<i32>} : memref<2x128x128xi32, #tpu.memory_space<vmem>>, vector<16xi32>,
        %bitcast3A_448 = vector.bitcast %get3A_447 : vector<16xi32> to vector<32xbf16>
        %mul3A_449 = arith.mulf %pack3A_406, %bitcast3A_448 : vector<32xbf16>
        %add3A_450 = arith.addf %add3A_375, %mul3A_449 : vector<32xbf16>
        %get3A_451 = arith.constant 1 : i32
        %get3A_452 = arith.index_cast %get3A_451 : i32 to index
        %get3A_453 = arith.index_cast %add3A_410 : i32 to index
        %get3A_454 = arith.constant 80 : index
        %get3A_455 = tpu.vector_load %arg11[%get3A_452, %get3A_453, %get3A_454] {strides = array<i32>} : memref<2x128x128xi32, #tpu.memory_space<vmem>>, vector<16xi32>,
        %bitcast3A_456 = vector.bitcast %get3A_455 : vector<16xi32> to vector<32xbf16>
        %mul3A_457 = arith.mulf %pack3A_406, %bitcast3A_456 : vector<32xbf16>
        %add3A_458 = arith.addf %add3A_383, %mul3A_457 : vector<32xbf16>
        %get3A_459 = arith.constant 1 : i32
        %get3A_460 = arith.index_cast %get3A_459 : i32 to index
        %get3A_461 = arith.index_cast %add3A_410 : i32 to index
        %get3A_462 = arith.constant 96 : index
        %get3A_463 = tpu.vector_load %arg11[%get3A_460, %get3A_461, %get3A_462] {strides = array<i32>} : memref<2x128x128xi32, #tpu.memory_space<vmem>>, vector<16xi32>,
        %bitcast3A_464 = vector.bitcast %get3A_463 : vector<16xi32> to vector<32xbf16>
        %mul3A_465 = arith.mulf %pack3A_406, %bitcast3A_464 : vector<32xbf16>
        %add3A_466 = arith.addf %add3A_391, %mul3A_465 : vector<32xbf16>
        %get3A_467 = arith.constant 1 : i32
        %get3A_468 = arith.index_cast %get3A_467 : i32 to index
        %get3A_469 = arith.index_cast %add3A_410 : i32 to index
        %get3A_470 = arith.constant 112 : index
        %get3A_471 = tpu.vector_load %arg11[%get3A_468, %get3A_469, %get3A_470] {strides = array<i32>} : memref<2x128x128xi32, #tpu.memory_space<vmem>>, vector<16xi32>,
        %bitcast3A_472 = vector.bitcast %get3A_471 : vector<16xi32> to vector<32xbf16>
        %mul3A_473 = arith.mulf %pack3A_406, %bitcast3A_472 : vector<32xbf16>
        %add3A_474 = arith.addf %add3A_399, %mul3A_473 : vector<32xbf16>
        %slice3A_475 = vector.extract_strided_slice %get3A_85 {offsets = [5], sizes = [1], strides = [1]} : vector<16xf32> to vector<1xf32>
        %squeeze3A_476 = vector.extract %slice3A_475[0] : f32 from vector<1xf32>
        %broadcast_in_dim3A_477 = vector.broadcast %squeeze3A_476 : f32 to vector<16xf32>
        %slice3A_478 = vector.extract_strided_slice %get3A_88 {offsets = [5], sizes = [1], strides = [1]} : vector<16xf32> to vector<1xf32>
        %squeeze3A_479 = vector.extract %slice3A_478[0] : f32 from vector<1xf32>
        %broadcast_in_dim3A_480 = vector.broadcast %squeeze3A_479 : f32 to vector<16xf32>
        %pack3A_481 = tpu.pack_subelements %broadcast_in_dim3A_477, %broadcast_in_dim3A_480 {pack_format = #tpu.pack_format<interleaved>, positions = array<i32: 0, 1>} : vector<16xf32>, vector<16xf32> -> vector<32xbf16>
        %mul3A_482 = arith.constant 16 : i32
        %mul3A_483 = arith.muli %scan3A_81, %mul3A_482 : i32
        %add3A_484 = arith.constant 5 : i32
        %add3A_485 = arith.addi %mul3A_483, %add3A_484 : i32
        %get3A_486 = arith.constant 1 : i32
        %get3A_487 = arith.index_cast %get3A_486 : i32 to index
        %get3A_488 = arith.index_cast %add3A_485 : i32 to index
        %get3A_489 = arith.constant 0 : index
        %get3A_490 = tpu.vector_load %arg11[%get3A_487, %get3A_488, %get3A_489] {strides = array<i32>} : memref<2x128x128xi32, #tpu.memory_space<vmem>>, vector<16xi32>,
        %bitcast3A_491 = vector.bitcast %get3A_490 : vector<16xi32> to vector<32xbf16>
        %mul3A_492 = arith.mulf %pack3A_481, %bitcast3A_491 : vector<32xbf16>
        %add3A_493 = arith.addf %add3A_418, %mul3A_492 : vector<32xbf16>
        %get3A_494 = arith.constant 1 : i32
        %get3A_495 = arith.index_cast %get3A_494 : i32 to index
        %get3A_496 = arith.index_cast %add3A_485 : i32 to index
        %get3A_497 = arith.constant 16 : index
        %get3A_498 = tpu.vector_load %arg11[%get3A_495, %get3A_496, %get3A_497] {strides = array<i32>} : memref<2x128x128xi32, #tpu.memory_space<vmem>>, vector<16xi32>,
        %bitcast3A_499 = vector.bitcast %get3A_498 : vector<16xi32> to vector<32xbf16>
        %mul3A_500 = arith.mulf %pack3A_481, %bitcast3A_499 : vector<32xbf16>
        %add3A_501 = arith.addf %add3A_426, %mul3A_500 : vector<32xbf16>
        %get3A_502 = arith.constant 1 : i32
        %get3A_503 = arith.index_cast %get3A_502 : i32 to index
        %get3A_504 = arith.index_cast %add3A_485 : i32 to index
        %get3A_505 = arith.constant 32 : index
        %get3A_506 = tpu.vector_load %arg11[%get3A_503, %get3A_504, %get3A_505] {strides = array<i32>} : memref<2x128x128xi32, #tpu.memory_space<vmem>>, vector<16xi32>,
        %bitcast3A_507 = vector.bitcast %get3A_506 : vector<16xi32> to vector<32xbf16>
        %mul3A_508 = arith.mulf %pack3A_481, %bitcast3A_507 : vector<32xbf16>
        %add3A_509 = arith.addf %add3A_434, %mul3A_508 : vector<32xbf16>
        %get3A_510 = arith.constant 1 : i32
        %get3A_511 = arith.index_cast %get3A_510 : i32 to index
        %get3A_512 = arith.index_cast %add3A_485 : i32 to index
        %get3A_513 = arith.constant 48 : index
        %get3A_514 = tpu.vector_load %arg11[%get3A_511, %get3A_512, %get3A_513] {strides = array<i32>} : memref<2x128x128xi32, #tpu.memory_space<vmem>>, vector<16xi32>,
        %bitcast3A_515 = vector.bitcast %get3A_514 : vector<16xi32> to vector<32xbf16>
        %mul3A_516 = arith.mulf %pack3A_481, %bitcast3A_515 : vector<32xbf16>
        %add3A_517 = arith.addf %add3A_442, %mul3A_516 : vector<32xbf16>
        %get3A_518 = arith.constant 1 : i32
        %get3A_519 = arith.index_cast %get3A_518 : i32 to index
        %get3A_520 = arith.index_cast %add3A_485 : i32 to index
        %get3A_521 = arith.constant 64 : index
        %get3A_522 = tpu.vector_load %arg11[%get3A_519, %get3A_520, %get3A_521] {strides = array<i32>} : memref<2x128x128xi32, #tpu.memory_space<vmem>>, vector<16xi32>,
        %bitcast3A_523 = vector.bitcast %get3A_522 : vector<16xi32> to vector<32xbf16>
        %mul3A_524 = arith.mulf %pack3A_481, %bitcast3A_523 : vector<32xbf16>
        %add3A_525 = arith.addf %add3A_450, %mul3A_524 : vector<32xbf16>
        %get3A_526 = arith.constant 1 : i32
        %get3A_527 = arith.index_cast %get3A_526 : i32 to index
        %get3A_528 = arith.index_cast %add3A_485 : i32 to index
        %get3A_529 = arith.constant 80 : index
        %get3A_530 = tpu.vector_load %arg11[%get3A_527, %get3A_528, %get3A_529] {strides = array<i32>} : memref<2x128x128xi32, #tpu.memory_space<vmem>>, vector<16xi32>,
        %bitcast3A_531 = vector.bitcast %get3A_530 : vector<16xi32> to vector<32xbf16>
        %mul3A_532 = arith.mulf %pack3A_481, %bitcast3A_531 : vector<32xbf16>
        %add3A_533 = arith.addf %add3A_458, %mul3A_532 : vector<32xbf16>
        %get3A_534 = arith.constant 1 : i32
        %get3A_535 = arith.index_cast %get3A_534 : i32 to index
        %get3A_536 = arith.index_cast %add3A_485 : i32 to index
        %get3A_537 = arith.constant 96 : index
        %get3A_538 = tpu.vector_load %arg11[%get3A_535, %get3A_536, %get3A_537] {strides = array<i32>} : memref<2x128x128xi32, #tpu.memory_space<vmem>>, vector<16xi32>,
        %bitcast3A_539 = vector.bitcast %get3A_538 : vector<16xi32> to vector<32xbf16>
        %mul3A_540 = arith.mulf %pack3A_481, %bitcast3A_539 : vector<32xbf16>
        %add3A_541 = arith.addf %add3A_466, %mul3A_540 : vector<32xbf16>
        %get3A_542 = arith.constant 1 : i32
        %get3A_543 = arith.index_cast %get3A_542 : i32 to index
        %get3A_544 = arith.index_cast %add3A_485 : i32 to index
        %get3A_545 = arith.constant 112 : index
        %get3A_546 = tpu.vector_load %arg11[%get3A_543, %get3A_544, %get3A_545] {strides = array<i32>} : memref<2x128x128xi32, #tpu.memory_space<vmem>>, vector<16xi32>,
        %bitcast3A_547 = vector.bitcast %get3A_546 : vector<16xi32> to vector<32xbf16>
        %mul3A_548 = arith.mulf %pack3A_481, %bitcast3A_547 : vector<32xbf16>
        %add3A_549 = arith.addf %add3A_474, %mul3A_548 : vector<32xbf16>
        %slice3A_550 = vector.extract_strided_slice %get3A_85 {offsets = [6], sizes = [1], strides = [1]} : vector<16xf32> to vector<1xf32>
        %squeeze3A_551 = vector.extract %slice3A_550[0] : f32 from vector<1xf32>
        %broadcast_in_dim3A_552 = vector.broadcast %squeeze3A_551 : f32 to vector<16xf32>
        %slice3A_553 = vector.extract_strided_slice %get3A_88 {offsets = [6], sizes = [1], strides = [1]} : vector<16xf32> to vector<1xf32>
        %squeeze3A_554 = vector.extract %slice3A_553[0] : f32 from vector<1xf32>
        %broadcast_in_dim3A_555 = vector.broadcast %squeeze3A_554 : f32 to vector<16xf32>
        %pack3A_556 = tpu.pack_subelements %broadcast_in_dim3A_552, %broadcast_in_dim3A_555 {pack_format = #tpu.pack_format<interleaved>, positions = array<i32: 0, 1>} : vector<16xf32>, vector<16xf32> -> vector<32xbf16>
        %mul3A_557 = arith.constant 16 : i32
        %mul3A_558 = arith.muli %scan3A_81, %mul3A_557 : i32
        %add3A_559 = arith.constant 6 : i32
        %add3A_560 = arith.addi %mul3A_558, %add3A_559 : i32
        %get3A_561 = arith.constant 1 : i32
        %get3A_562 = arith.index_cast %get3A_561 : i32 to index
        %get3A_563 = arith.index_cast %add3A_560 : i32 to index
        %get3A_564 = arith.constant 0 : index
        %get3A_565 = tpu.vector_load %arg11[%get3A_562, %get3A_563, %get3A_564] {strides = array<i32>} : memref<2x128x128xi32, #tpu.memory_space<vmem>>, vector<16xi32>,
        %bitcast3A_566 = vector.bitcast %get3A_565 : vector<16xi32> to vector<32xbf16>
        %mul3A_567 = arith.mulf %pack3A_556, %bitcast3A_566 : vector<32xbf16>
        %add3A_568 = arith.addf %add3A_493, %mul3A_567 : vector<32xbf16>
        %get3A_569 = arith.constant 1 : i32
        %get3A_570 = arith.index_cast %get3A_569 : i32 to index
        %get3A_571 = arith.index_cast %add3A_560 : i32 to index
        %get3A_572 = arith.constant 16 : index
        %get3A_573 = tpu.vector_load %arg11[%get3A_570, %get3A_571, %get3A_572] {strides = array<i32>} : memref<2x128x128xi32, #tpu.memory_space<vmem>>, vector<16xi32>,
        %bitcast3A_574 = vector.bitcast %get3A_573 : vector<16xi32> to vector<32xbf16>
        %mul3A_575 = arith.mulf %pack3A_556, %bitcast3A_574 : vector<32xbf16>
        %add3A_576 = arith.addf %add3A_501, %mul3A_575 : vector<32xbf16>
        %get3A_577 = arith.constant 1 : i32
        %get3A_578 = arith.index_cast %get3A_577 : i32 to index
        %get3A_579 = arith.index_cast %add3A_560 : i32 to index
        %get3A_580 = arith.constant 32 : index
        %get3A_581 = tpu.vector_load %arg11[%get3A_578, %get3A_579, %get3A_580] {strides = array<i32>} : memref<2x128x128xi32, #tpu.memory_space<vmem>>, vector<16xi32>,
        %bitcast3A_582 = vector.bitcast %get3A_581 : vector<16xi32> to vector<32xbf16>
        %mul3A_583 = arith.mulf %pack3A_556, %bitcast3A_582 : vector<32xbf16>
        %add3A_584 = arith.addf %add3A_509, %mul3A_583 : vector<32xbf16>
        %get3A_585 = arith.constant 1 : i32
        %get3A_586 = arith.index_cast %get3A_585 : i32 to index
        %get3A_587 = arith.index_cast %add3A_560 : i32 to index
        %get3A_588 = arith.constant 48 : index
        %get3A_589 = tpu.vector_load %arg11[%get3A_586, %get3A_587, %get3A_588] {strides = array<i32>} : memref<2x128x128xi32, #tpu.memory_space<vmem>>, vector<16xi32>,
        %bitcast3A_590 = vector.bitcast %get3A_589 : vector<16xi32> to vector<32xbf16>
        %mul3A_591 = arith.mulf %pack3A_556, %bitcast3A_590 : vector<32xbf16>
        %add3A_592 = arith.addf %add3A_517, %mul3A_591 : vector<32xbf16>
        %get3A_593 = arith.constant 1 : i32
        %get3A_594 = arith.index_cast %get3A_593 : i32 to index
        %get3A_595 = arith.index_cast %add3A_560 : i32 to index
        %get3A_596 = arith.constant 64 : index
        %get3A_597 = tpu.vector_load %arg11[%get3A_594, %get3A_595, %get3A_596] {strides = array<i32>} : memref<2x128x128xi32, #tpu.memory_space<vmem>>, vector<16xi32>,
        %bitcast3A_598 = vector.bitcast %get3A_597 : vector<16xi32> to vector<32xbf16>
        %mul3A_599 = arith.mulf %pack3A_556, %bitcast3A_598 : vector<32xbf16>
        %add3A_600 = arith.addf %add3A_525, %mul3A_599 : vector<32xbf16>
        %get3A_601 = arith.constant 1 : i32
        %get3A_602 = arith.index_cast %get3A_601 : i32 to index
        %get3A_603 = arith.index_cast %add3A_560 : i32 to index
        %get3A_604 = arith.constant 80 : index
        %get3A_605 = tpu.vector_load %arg11[%get3A_602, %get3A_603, %get3A_604] {strides = array<i32>} : memref<2x128x128xi32, #tpu.memory_space<vmem>>, vector<16xi32>,
        %bitcast3A_606 = vector.bitcast %get3A_605 : vector<16xi32> to vector<32xbf16>
        %mul3A_607 = arith.mulf %pack3A_556, %bitcast3A_606 : vector<32xbf16>
        %add3A_608 = arith.addf %add3A_533, %mul3A_607 : vector<32xbf16>
        %get3A_609 = arith.constant 1 : i32
        %get3A_610 = arith.index_cast %get3A_609 : i32 to index
        %get3A_611 = arith.index_cast %add3A_560 : i32 to index
        %get3A_612 = arith.constant 96 : index
        %get3A_613 = tpu.vector_load %arg11[%get3A_610, %get3A_611, %get3A_612] {strides = array<i32>} : memref<2x128x128xi32, #tpu.memory_space<vmem>>, vector<16xi32>,
        %bitcast3A_614 = vector.bitcast %get3A_613 : vector<16xi32> to vector<32xbf16>
        %mul3A_615 = arith.mulf %pack3A_556, %bitcast3A_614 : vector<32xbf16>
        %add3A_616 = arith.addf %add3A_541, %mul3A_615 : vector<32xbf16>
        %get3A_617 = arith.constant 1 : i32
        %get3A_618 = arith.index_cast %get3A_617 : i32 to index
        %get3A_619 = arith.index_cast %add3A_560 : i32 to index
        %get3A_620 = arith.constant 112 : index
        %get3A_621 = tpu.vector_load %arg11[%get3A_618, %get3A_619, %get3A_620] {strides = array<i32>} : memref<2x128x128xi32, #tpu.memory_space<vmem>>, vector<16xi32>,
        %bitcast3A_622 = vector.bitcast %get3A_621 : vector<16xi32> to vector<32xbf16>
        %mul3A_623 = arith.mulf %pack3A_556, %bitcast3A_622 : vector<32xbf16>
        %add3A_624 = arith.addf %add3A_549, %mul3A_623 : vector<32xbf16>
        %slice3A_625 = vector.extract_strided_slice %get3A_85 {offsets = [7], sizes = [1], strides = [1]} : vector<16xf32> to vector<1xf32>
        %squeeze3A_626 = vector.extract %slice3A_625[0] : f32 from vector<1xf32>
        %broadcast_in_dim3A_627 = vector.broadcast %squeeze3A_626 : f32 to vector<16xf32>
        %slice3A_628 = vector.extract_strided_slice %get3A_88 {offsets = [7], sizes = [1], strides = [1]} : vector<16xf32> to vector<1xf32>
        %squeeze3A_629 = vector.extract %slice3A_628[0] : f32 from vector<1xf32>
        %broadcast_in_dim3A_630 = vector.broadcast %squeeze3A_629 : f32 to vector<16xf32>
        %pack3A_631 = tpu.pack_subelements %broadcast_in_dim3A_627, %broadcast_in_dim3A_630 {pack_format = #tpu.pack_format<interleaved>, positions = array<i32: 0, 1>} : vector<16xf32>, vector<16xf32> -> vector<32xbf16>
        %mul3A_632 = arith.constant 16 : i32
        %mul3A_633 = arith.muli %scan3A_81, %mul3A_632 : i32
        %add3A_634 = arith.constant 7 : i32
        %add3A_635 = arith.addi %mul3A_633, %add3A_634 : i32
        %get3A_636 = arith.constant 1 : i32
        %get3A_637 = arith.index_cast %get3A_636 : i32 to index
        %get3A_638 = arith.index_cast %add3A_635 : i32 to index
        %get3A_639 = arith.constant 0 : index
        %get3A_640 = tpu.vector_load %arg11[%get3A_637, %get3A_638, %get3A_639] {strides = array<i32>} : memref<2x128x128xi32, #tpu.memory_space<vmem>>, vector<16xi32>,
        %bitcast3A_641 = vector.bitcast %get3A_640 : vector<16xi32> to vector<32xbf16>
        %mul3A_642 = arith.mulf %pack3A_631, %bitcast3A_641 : vector<32xbf16>
        %add3A_643 = arith.addf %add3A_568, %mul3A_642 : vector<32xbf16>
        %get3A_644 = arith.constant 1 : i32
        %get3A_645 = arith.index_cast %get3A_644 : i32 to index
        %get3A_646 = arith.index_cast %add3A_635 : i32 to index
        %get3A_647 = arith.constant 16 : index
        %get3A_648 = tpu.vector_load %arg11[%get3A_645, %get3A_646, %get3A_647] {strides = array<i32>} : memref<2x128x128xi32, #tpu.memory_space<vmem>>, vector<16xi32>,
        %bitcast3A_649 = vector.bitcast %get3A_648 : vector<16xi32> to vector<32xbf16>
        %mul3A_650 = arith.mulf %pack3A_631, %bitcast3A_649 : vector<32xbf16>
        %add3A_651 = arith.addf %add3A_576, %mul3A_650 : vector<32xbf16>
        %get3A_652 = arith.constant 1 : i32
        %get3A_653 = arith.index_cast %get3A_652 : i32 to index
        %get3A_654 = arith.index_cast %add3A_635 : i32 to index
        %get3A_655 = arith.constant 32 : index
        %get3A_656 = tpu.vector_load %arg11[%get3A_653, %get3A_654, %get3A_655] {strides = array<i32>} : memref<2x128x128xi32, #tpu.memory_space<vmem>>, vector<16xi32>,
        %bitcast3A_657 = vector.bitcast %get3A_656 : vector<16xi32> to vector<32xbf16>
        %mul3A_658 = arith.mulf %pack3A_631, %bitcast3A_657 : vector<32xbf16>
        %add3A_659 = arith.addf %add3A_584, %mul3A_658 : vector<32xbf16>
        %get3A_660 = arith.constant 1 : i32
        %get3A_661 = arith.index_cast %get3A_660 : i32 to index
        %get3A_662 = arith.index_cast %add3A_635 : i32 to index
        %get3A_663 = arith.constant 48 : index
        %get3A_664 = tpu.vector_load %arg11[%get3A_661, %get3A_662, %get3A_663] {strides = array<i32>} : memref<2x128x128xi32, #tpu.memory_space<vmem>>, vector<16xi32>,
        %bitcast3A_665 = vector.bitcast %get3A_664 : vector<16xi32> to vector<32xbf16>
        %mul3A_666 = arith.mulf %pack3A_631, %bitcast3A_665 : vector<32xbf16>
        %add3A_667 = arith.addf %add3A_592, %mul3A_666 : vector<32xbf16>
        %get3A_668 = arith.constant 1 : i32
        %get3A_669 = arith.index_cast %get3A_668 : i32 to index
        %get3A_670 = arith.index_cast %add3A_635 : i32 to index
        %get3A_671 = arith.constant 64 : index
        %get3A_672 = tpu.vector_load %arg11[%get3A_669, %get3A_670, %get3A_671] {strides = array<i32>} : memref<2x128x128xi32, #tpu.memory_space<vmem>>, vector<16xi32>,
        %bitcast3A_673 = vector.bitcast %get3A_672 : vector<16xi32> to vector<32xbf16>
        %mul3A_674 = arith.mulf %pack3A_631, %bitcast3A_673 : vector<32xbf16>
        %add3A_675 = arith.addf %add3A_600, %mul3A_674 : vector<32xbf16>
        %get3A_676 = arith.constant 1 : i32
        %get3A_677 = arith.index_cast %get3A_676 : i32 to index
        %get3A_678 = arith.index_cast %add3A_635 : i32 to index
        %get3A_679 = arith.constant 80 : index
        %get3A_680 = tpu.vector_load %arg11[%get3A_677, %get3A_678, %get3A_679] {strides = array<i32>} : memref<2x128x128xi32, #tpu.memory_space<vmem>>, vector<16xi32>,
        %bitcast3A_681 = vector.bitcast %get3A_680 : vector<16xi32> to vector<32xbf16>
        %mul3A_682 = arith.mulf %pack3A_631, %bitcast3A_681 : vector<32xbf16>
        %add3A_683 = arith.addf %add3A_608, %mul3A_682 : vector<32xbf16>
        %get3A_684 = arith.constant 1 : i32
        %get3A_685 = arith.index_cast %get3A_684 : i32 to index
        %get3A_686 = arith.index_cast %add3A_635 : i32 to index
        %get3A_687 = arith.constant 96 : index
        %get3A_688 = tpu.vector_load %arg11[%get3A_685, %get3A_686, %get3A_687] {strides = array<i32>} : memref<2x128x128xi32, #tpu.memory_space<vmem>>, vector<16xi32>,
        %bitcast3A_689 = vector.bitcast %get3A_688 : vector<16xi32> to vector<32xbf16>
        %mul3A_690 = arith.mulf %pack3A_631, %bitcast3A_689 : vector<32xbf16>
        %add3A_691 = arith.addf %add3A_616, %mul3A_690 : vector<32xbf16>
        %get3A_692 = arith.constant 1 : i32
        %get3A_693 = arith.index_cast %get3A_692 : i32 to index
        %get3A_694 = arith.index_cast %add3A_635 : i32 to index
        %get3A_695 = arith.constant 112 : index
        %get3A_696 = tpu.vector_load %arg11[%get3A_693, %get3A_694, %get3A_695] {strides = array<i32>} : memref<2x128x128xi32, #tpu.memory_space<vmem>>, vector<16xi32>,
        %bitcast3A_697 = vector.bitcast %get3A_696 : vector<16xi32> to vector<32xbf16>
        %mul3A_698 = arith.mulf %pack3A_631, %bitcast3A_697 : vector<32xbf16>
        %add3A_699 = arith.addf %add3A_624, %mul3A_698 : vector<32xbf16>
        %slice3A_700 = vector.extract_strided_slice %get3A_85 {offsets = [8], sizes = [1], strides = [1]} : vector<16xf32> to vector<1xf32>
        %squeeze3A_701 = vector.extract %slice3A_700[0] : f32 from vector<1xf32>
        %broadcast_in_dim3A_702 = vector.broadcast %squeeze3A_701 : f32 to vector<16xf32>
        %slice3A_703 = vector.extract_strided_slice %get3A_88 {offsets = [8], sizes = [1], strides = [1]} : vector<16xf32> to vector<1xf32>
        %squeeze3A_704 = vector.extract %slice3A_703[0] : f32 from vector<1xf32>
        %broadcast_in_dim3A_705 = vector.broadcast %squeeze3A_704 : f32 to vector<16xf32>
        %pack3A_706 = tpu.pack_subelements %broadcast_in_dim3A_702, %broadcast_in_dim3A_705 {pack_format = #tpu.pack_format<interleaved>, positions = array<i32: 0, 1>} : vector<16xf32>, vector<16xf32> -> vector<32xbf16>
        %mul3A_707 = arith.constant 16 : i32
        %mul3A_708 = arith.muli %scan3A_81, %mul3A_707 : i32
        %add3A_709 = arith.constant 8 : i32
        %add3A_710 = arith.addi %mul3A_708, %add3A_709 : i32
        %get3A_711 = arith.constant 1 : i32
        %get3A_712 = arith.index_cast %get3A_711 : i32 to index
        %get3A_713 = arith.index_cast %add3A_710 : i32 to index
        %get3A_714 = arith.constant 0 : index
        %get3A_715 = tpu.vector_load %arg11[%get3A_712, %get3A_713, %get3A_714] {strides = array<i32>} : memref<2x128x128xi32, #tpu.memory_space<vmem>>, vector<16xi32>,
        %bitcast3A_716 = vector.bitcast %get3A_715 : vector<16xi32> to vector<32xbf16>
        %mul3A_717 = arith.mulf %pack3A_706, %bitcast3A_716 : vector<32xbf16>
        %add3A_718 = arith.addf %add3A_643, %mul3A_717 : vector<32xbf16>
        %get3A_719 = arith.constant 1 : i32
        %get3A_720 = arith.index_cast %get3A_719 : i32 to index
        %get3A_721 = arith.index_cast %add3A_710 : i32 to index
        %get3A_722 = arith.constant 16 : index
        %get3A_723 = tpu.vector_load %arg11[%get3A_720, %get3A_721, %get3A_722] {strides = array<i32>} : memref<2x128x128xi32, #tpu.memory_space<vmem>>, vector<16xi32>,
        %bitcast3A_724 = vector.bitcast %get3A_723 : vector<16xi32> to vector<32xbf16>
        %mul3A_725 = arith.mulf %pack3A_706, %bitcast3A_724 : vector<32xbf16>
        %add3A_726 = arith.addf %add3A_651, %mul3A_725 : vector<32xbf16>
        %get3A_727 = arith.constant 1 : i32
        %get3A_728 = arith.index_cast %get3A_727 : i32 to index
        %get3A_729 = arith.index_cast %add3A_710 : i32 to index
        %get3A_730 = arith.constant 32 : index
        %get3A_731 = tpu.vector_load %arg11[%get3A_728, %get3A_729, %get3A_730] {strides = array<i32>} : memref<2x128x128xi32, #tpu.memory_space<vmem>>, vector<16xi32>,
        %bitcast3A_732 = vector.bitcast %get3A_731 : vector<16xi32> to vector<32xbf16>
        %mul3A_733 = arith.mulf %pack3A_706, %bitcast3A_732 : vector<32xbf16>
        %add3A_734 = arith.addf %add3A_659, %mul3A_733 : vector<32xbf16>
        %get3A_735 = arith.constant 1 : i32
        %get3A_736 = arith.index_cast %get3A_735 : i32 to index
        %get3A_737 = arith.index_cast %add3A_710 : i32 to index
        %get3A_738 = arith.constant 48 : index
        %get3A_739 = tpu.vector_load %arg11[%get3A_736, %get3A_737, %get3A_738] {strides = array<i32>} : memref<2x128x128xi32, #tpu.memory_space<vmem>>, vector<16xi32>,
        %bitcast3A_740 = vector.bitcast %get3A_739 : vector<16xi32> to vector<32xbf16>
        %mul3A_741 = arith.mulf %pack3A_706, %bitcast3A_740 : vector<32xbf16>
        %add3A_742 = arith.addf %add3A_667, %mul3A_741 : vector<32xbf16>
        %get3A_743 = arith.constant 1 : i32
        %get3A_744 = arith.index_cast %get3A_743 : i32 to index
        %get3A_745 = arith.index_cast %add3A_710 : i32 to index
        %get3A_746 = arith.constant 64 : index
        %get3A_747 = tpu.vector_load %arg11[%get3A_744, %get3A_745, %get3A_746] {strides = array<i32>} : memref<2x128x128xi32, #tpu.memory_space<vmem>>, vector<16xi32>,
        %bitcast3A_748 = vector.bitcast %get3A_747 : vector<16xi32> to vector<32xbf16>
        %mul3A_749 = arith.mulf %pack3A_706, %bitcast3A_748 : vector<32xbf16>
        %add3A_750 = arith.addf %add3A_675, %mul3A_749 : vector<32xbf16>
        %get3A_751 = arith.constant 1 : i32
        %get3A_752 = arith.index_cast %get3A_751 : i32 to index
        %get3A_753 = arith.index_cast %add3A_710 : i32 to index
        %get3A_754 = arith.constant 80 : index
        %get3A_755 = tpu.vector_load %arg11[%get3A_752, %get3A_753, %get3A_754] {strides = array<i32>} : memref<2x128x128xi32, #tpu.memory_space<vmem>>, vector<16xi32>,
        %bitcast3A_756 = vector.bitcast %get3A_755 : vector<16xi32> to vector<32xbf16>
        %mul3A_757 = arith.mulf %pack3A_706, %bitcast3A_756 : vector<32xbf16>
        %add3A_758 = arith.addf %add3A_683, %mul3A_757 : vector<32xbf16>
        %get3A_759 = arith.constant 1 : i32
        %get3A_760 = arith.index_cast %get3A_759 : i32 to index
        %get3A_761 = arith.index_cast %add3A_710 : i32 to index
        %get3A_762 = arith.constant 96 : index
        %get3A_763 = tpu.vector_load %arg11[%get3A_760, %get3A_761, %get3A_762] {strides = array<i32>} : memref<2x128x128xi32, #tpu.memory_space<vmem>>, vector<16xi32>,
        %bitcast3A_764 = vector.bitcast %get3A_763 : vector<16xi32> to vector<32xbf16>
        %mul3A_765 = arith.mulf %pack3A_706, %bitcast3A_764 : vector<32xbf16>
        %add3A_766 = arith.addf %add3A_691, %mul3A_765 : vector<32xbf16>
        %get3A_767 = arith.constant 1 : i32
        %get3A_768 = arith.index_cast %get3A_767 : i32 to index
        %get3A_769 = arith.index_cast %add3A_710 : i32 to index
        %get3A_770 = arith.constant 112 : index
        %get3A_771 = tpu.vector_load %arg11[%get3A_768, %get3A_769, %get3A_770] {strides = array<i32>} : memref<2x128x128xi32, #tpu.memory_space<vmem>>, vector<16xi32>,
        %bitcast3A_772 = vector.bitcast %get3A_771 : vector<16xi32> to vector<32xbf16>
        %mul3A_773 = arith.mulf %pack3A_706, %bitcast3A_772 : vector<32xbf16>
        %add3A_774 = arith.addf %add3A_699, %mul3A_773 : vector<32xbf16>
        %slice3A_775 = vector.extract_strided_slice %get3A_85 {offsets = [9], sizes = [1], strides = [1]} : vector<16xf32> to vector<1xf32>
        %squeeze3A_776 = vector.extract %slice3A_775[0] : f32 from vector<1xf32>
        %broadcast_in_dim3A_777 = vector.broadcast %squeeze3A_776 : f32 to vector<16xf32>
        %slice3A_778 = vector.extract_strided_slice %get3A_88 {offsets = [9], sizes = [1], strides = [1]} : vector<16xf32> to vector<1xf32>
        %squeeze3A_779 = vector.extract %slice3A_778[0] : f32 from vector<1xf32>
        %broadcast_in_dim3A_780 = vector.broadcast %squeeze3A_779 : f32 to vector<16xf32>
        %pack3A_781 = tpu.pack_subelements %broadcast_in_dim3A_777, %broadcast_in_dim3A_780 {pack_format = #tpu.pack_format<interleaved>, positions = array<i32: 0, 1>} : vector<16xf32>, vector<16xf32> -> vector<32xbf16>
        %mul3A_782 = arith.constant 16 : i32
        %mul3A_783 = arith.muli %scan3A_81, %mul3A_782 : i32
        %add3A_784 = arith.constant 9 : i32
        %add3A_785 = arith.addi %mul3A_783, %add3A_784 : i32
        %get3A_786 = arith.constant 1 : i32
        %get3A_787 = arith.index_cast %get3A_786 : i32 to index
        %get3A_788 = arith.index_cast %add3A_785 : i32 to index
        %get3A_789 = arith.constant 0 : index
        %get3A_790 = tpu.vector_load %arg11[%get3A_787, %get3A_788, %get3A_789] {strides = array<i32>} : memref<2x128x128xi32, #tpu.memory_space<vmem>>, vector<16xi32>,
        %bitcast3A_791 = vector.bitcast %get3A_790 : vector<16xi32> to vector<32xbf16>
        %mul3A_792 = arith.mulf %pack3A_781, %bitcast3A_791 : vector<32xbf16>
        %add3A_793 = arith.addf %add3A_718, %mul3A_792 : vector<32xbf16>
        %get3A_794 = arith.constant 1 : i32
        %get3A_795 = arith.index_cast %get3A_794 : i32 to index
        %get3A_796 = arith.index_cast %add3A_785 : i32 to index
        %get3A_797 = arith.constant 16 : index
        %get3A_798 = tpu.vector_load %arg11[%get3A_795, %get3A_796, %get3A_797] {strides = array<i32>} : memref<2x128x128xi32, #tpu.memory_space<vmem>>, vector<16xi32>,
        %bitcast3A_799 = vector.bitcast %get3A_798 : vector<16xi32> to vector<32xbf16>
        %mul3A_800 = arith.mulf %pack3A_781, %bitcast3A_799 : vector<32xbf16>
        %add3A_801 = arith.addf %add3A_726, %mul3A_800 : vector<32xbf16>
        %get3A_802 = arith.constant 1 : i32
        %get3A_803 = arith.index_cast %get3A_802 : i32 to index
        %get3A_804 = arith.index_cast %add3A_785 : i32 to index
        %get3A_805 = arith.constant 32 : index
        %get3A_806 = tpu.vector_load %arg11[%get3A_803, %get3A_804, %get3A_805] {strides = array<i32>} : memref<2x128x128xi32, #tpu.memory_space<vmem>>, vector<16xi32>,
        %bitcast3A_807 = vector.bitcast %get3A_806 : vector<16xi32> to vector<32xbf16>
        %mul3A_808 = arith.mulf %pack3A_781, %bitcast3A_807 : vector<32xbf16>
        %add3A_809 = arith.addf %add3A_734, %mul3A_808 : vector<32xbf16>
        %get3A_810 = arith.constant 1 : i32
        %get3A_811 = arith.index_cast %get3A_810 : i32 to index
        %get3A_812 = arith.index_cast %add3A_785 : i32 to index
        %get3A_813 = arith.constant 48 : index
        %get3A_814 = tpu.vector_load %arg11[%get3A_811, %get3A_812, %get3A_813] {strides = array<i32>} : memref<2x128x128xi32, #tpu.memory_space<vmem>>, vector<16xi32>,
        %bitcast3A_815 = vector.bitcast %get3A_814 : vector<16xi32> to vector<32xbf16>
        %mul3A_816 = arith.mulf %pack3A_781, %bitcast3A_815 : vector<32xbf16>
        %add3A_817 = arith.addf %add3A_742, %mul3A_816 : vector<32xbf16>
        %get3A_818 = arith.constant 1 : i32
        %get3A_819 = arith.index_cast %get3A_818 : i32 to index
        %get3A_820 = arith.index_cast %add3A_785 : i32 to index
        %get3A_821 = arith.constant 64 : index
        %get3A_822 = tpu.vector_load %arg11[%get3A_819, %get3A_820, %get3A_821] {strides = array<i32>} : memref<2x128x128xi32, #tpu.memory_space<vmem>>, vector<16xi32>,
        %bitcast3A_823 = vector.bitcast %get3A_822 : vector<16xi32> to vector<32xbf16>
        %mul3A_824 = arith.mulf %pack3A_781, %bitcast3A_823 : vector<32xbf16>
        %add3A_825 = arith.addf %add3A_750, %mul3A_824 : vector<32xbf16>
        %get3A_826 = arith.constant 1 : i32
        %get3A_827 = arith.index_cast %get3A_826 : i32 to index
        %get3A_828 = arith.index_cast %add3A_785 : i32 to index
        %get3A_829 = arith.constant 80 : index
        %get3A_830 = tpu.vector_load %arg11[%get3A_827, %get3A_828, %get3A_829] {strides = array<i32>} : memref<2x128x128xi32, #tpu.memory_space<vmem>>, vector<16xi32>,
        %bitcast3A_831 = vector.bitcast %get3A_830 : vector<16xi32> to vector<32xbf16>
        %mul3A_832 = arith.mulf %pack3A_781, %bitcast3A_831 : vector<32xbf16>
        %add3A_833 = arith.addf %add3A_758, %mul3A_832 : vector<32xbf16>
        %get3A_834 = arith.constant 1 : i32
        %get3A_835 = arith.index_cast %get3A_834 : i32 to index
        %get3A_836 = arith.index_cast %add3A_785 : i32 to index
        %get3A_837 = arith.constant 96 : index
        %get3A_838 = tpu.vector_load %arg11[%get3A_835, %get3A_836, %get3A_837] {strides = array<i32>} : memref<2x128x128xi32, #tpu.memory_space<vmem>>, vector<16xi32>,
        %bitcast3A_839 = vector.bitcast %get3A_838 : vector<16xi32> to vector<32xbf16>
        %mul3A_840 = arith.mulf %pack3A_781, %bitcast3A_839 : vector<32xbf16>
        %add3A_841 = arith.addf %add3A_766, %mul3A_840 : vector<32xbf16>
        %get3A_842 = arith.constant 1 : i32
        %get3A_843 = arith.index_cast %get3A_842 : i32 to index
        %get3A_844 = arith.index_cast %add3A_785 : i32 to index
        %get3A_845 = arith.constant 112 : index
        %get3A_846 = tpu.vector_load %arg11[%get3A_843, %get3A_844, %get3A_845] {strides = array<i32>} : memref<2x128x128xi32, #tpu.memory_space<vmem>>, vector<16xi32>,
        %bitcast3A_847 = vector.bitcast %get3A_846 : vector<16xi32> to vector<32xbf16>
        %mul3A_848 = arith.mulf %pack3A_781, %bitcast3A_847 : vector<32xbf16>
        %add3A_849 = arith.addf %add3A_774, %mul3A_848 : vector<32xbf16>
        %slice3A_850 = vector.extract_strided_slice %get3A_85 {offsets = [10], sizes = [1], strides = [1]} : vector<16xf32> to vector<1xf32>
        %squeeze3A_851 = vector.extract %slice3A_850[0] : f32 from vector<1xf32>
        %broadcast_in_dim3A_852 = vector.broadcast %squeeze3A_851 : f32 to vector<16xf32>
        %slice3A_853 = vector.extract_strided_slice %get3A_88 {offsets = [10], sizes = [1], strides = [1]} : vector<16xf32> to vector<1xf32>
        %squeeze3A_854 = vector.extract %slice3A_853[0] : f32 from vector<1xf32>
        %broadcast_in_dim3A_855 = vector.broadcast %squeeze3A_854 : f32 to vector<16xf32>
        %pack3A_856 = tpu.pack_subelements %broadcast_in_dim3A_852, %broadcast_in_dim3A_855 {pack_format = #tpu.pack_format<interleaved>, positions = array<i32: 0, 1>} : vector<16xf32>, vector<16xf32> -> vector<32xbf16>
        %mul3A_857 = arith.constant 16 : i32
        %mul3A_858 = arith.muli %scan3A_81, %mul3A_857 : i32
        %add3A_859 = arith.constant 10 : i32
        %add3A_860 = arith.addi %mul3A_858, %add3A_859 : i32
        %get3A_861 = arith.constant 1 : i32
        %get3A_862 = arith.index_cast %get3A_861 : i32 to index
        %get3A_863 = arith.index_cast %add3A_860 : i32 to index
        %get3A_864 = arith.constant 0 : index
        %get3A_865 = tpu.vector_load %arg11[%get3A_862, %get3A_863, %get3A_864] {strides = array<i32>} : memref<2x128x128xi32, #tpu.memory_space<vmem>>, vector<16xi32>,
        %bitcast3A_866 = vector.bitcast %get3A_865 : vector<16xi32> to vector<32xbf16>
        %mul3A_867 = arith.mulf %pack3A_856, %bitcast3A_866 : vector<32xbf16>
        %add3A_868 = arith.addf %add3A_793, %mul3A_867 : vector<32xbf16>
        %get3A_869 = arith.constant 1 : i32
        %get3A_870 = arith.index_cast %get3A_869 : i32 to index
        %get3A_871 = arith.index_cast %add3A_860 : i32 to index
        %get3A_872 = arith.constant 16 : index
        %get3A_873 = tpu.vector_load %arg11[%get3A_870, %get3A_871, %get3A_872] {strides = array<i32>} : memref<2x128x128xi32, #tpu.memory_space<vmem>>, vector<16xi32>,
        %bitcast3A_874 = vector.bitcast %get3A_873 : vector<16xi32> to vector<32xbf16>
        %mul3A_875 = arith.mulf %pack3A_856, %bitcast3A_874 : vector<32xbf16>
        %add3A_876 = arith.addf %add3A_801, %mul3A_875 : vector<32xbf16>
        %get3A_877 = arith.constant 1 : i32
        %get3A_878 = arith.index_cast %get3A_877 : i32 to index
        %get3A_879 = arith.index_cast %add3A_860 : i32 to index
        %get3A_880 = arith.constant 32 : index
        %get3A_881 = tpu.vector_load %arg11[%get3A_878, %get3A_879, %get3A_880] {strides = array<i32>} : memref<2x128x128xi32, #tpu.memory_space<vmem>>, vector<16xi32>,
        %bitcast3A_882 = vector.bitcast %get3A_881 : vector<16xi32> to vector<32xbf16>
        %mul3A_883 = arith.mulf %pack3A_856, %bitcast3A_882 : vector<32xbf16>
        %add3A_884 = arith.addf %add3A_809, %mul3A_883 : vector<32xbf16>
        %get3A_885 = arith.constant 1 : i32
        %get3A_886 = arith.index_cast %get3A_885 : i32 to index
        %get3A_887 = arith.index_cast %add3A_860 : i32 to index
        %get3A_888 = arith.constant 48 : index
        %get3A_889 = tpu.vector_load %arg11[%get3A_886, %get3A_887, %get3A_888] {strides = array<i32>} : memref<2x128x128xi32, #tpu.memory_space<vmem>>, vector<16xi32>,
        %bitcast3A_890 = vector.bitcast %get3A_889 : vector<16xi32> to vector<32xbf16>
        %mul3A_891 = arith.mulf %pack3A_856, %bitcast3A_890 : vector<32xbf16>
        %add3A_892 = arith.addf %add3A_817, %mul3A_891 : vector<32xbf16>
        %get3A_893 = arith.constant 1 : i32
        %get3A_894 = arith.index_cast %get3A_893 : i32 to index
        %get3A_895 = arith.index_cast %add3A_860 : i32 to index
        %get3A_896 = arith.constant 64 : index
        %get3A_897 = tpu.vector_load %arg11[%get3A_894, %get3A_895, %get3A_896] {strides = array<i32>} : memref<2x128x128xi32, #tpu.memory_space<vmem>>, vector<16xi32>,
        %bitcast3A_898 = vector.bitcast %get3A_897 : vector<16xi32> to vector<32xbf16>
        %mul3A_899 = arith.mulf %pack3A_856, %bitcast3A_898 : vector<32xbf16>
        %add3A_900 = arith.addf %add3A_825, %mul3A_899 : vector<32xbf16>
        %get3A_901 = arith.constant 1 : i32
        %get3A_902 = arith.index_cast %get3A_901 : i32 to index
        %get3A_903 = arith.index_cast %add3A_860 : i32 to index
        %get3A_904 = arith.constant 80 : index
        %get3A_905 = tpu.vector_load %arg11[%get3A_902, %get3A_903, %get3A_904] {strides = array<i32>} : memref<2x128x128xi32, #tpu.memory_space<vmem>>, vector<16xi32>,
        %bitcast3A_906 = vector.bitcast %get3A_905 : vector<16xi32> to vector<32xbf16>
        %mul3A_907 = arith.mulf %pack3A_856, %bitcast3A_906 : vector<32xbf16>
        %add3A_908 = arith.addf %add3A_833, %mul3A_907 : vector<32xbf16>
        %get3A_909 = arith.constant 1 : i32
        %get3A_910 = arith.index_cast %get3A_909 : i32 to index
        %get3A_911 = arith.index_cast %add3A_860 : i32 to index
        %get3A_912 = arith.constant 96 : index
        %get3A_913 = tpu.vector_load %arg11[%get3A_910, %get3A_911, %get3A_912] {strides = array<i32>} : memref<2x128x128xi32, #tpu.memory_space<vmem>>, vector<16xi32>,
        %bitcast3A_914 = vector.bitcast %get3A_913 : vector<16xi32> to vector<32xbf16>
        %mul3A_915 = arith.mulf %pack3A_856, %bitcast3A_914 : vector<32xbf16>
        %add3A_916 = arith.addf %add3A_841, %mul3A_915 : vector<32xbf16>
        %get3A_917 = arith.constant 1 : i32
        %get3A_918 = arith.index_cast %get3A_917 : i32 to index
        %get3A_919 = arith.index_cast %add3A_860 : i32 to index
        %get3A_920 = arith.constant 112 : index
        %get3A_921 = tpu.vector_load %arg11[%get3A_918, %get3A_919, %get3A_920] {strides = array<i32>} : memref<2x128x128xi32, #tpu.memory_space<vmem>>, vector<16xi32>,
        %bitcast3A_922 = vector.bitcast %get3A_921 : vector<16xi32> to vector<32xbf16>
        %mul3A_923 = arith.mulf %pack3A_856, %bitcast3A_922 : vector<32xbf16>
        %add3A_924 = arith.addf %add3A_849, %mul3A_923 : vector<32xbf16>
        %slice3A_925 = vector.extract_strided_slice %get3A_85 {offsets = [11], sizes = [1], strides = [1]} : vector<16xf32> to vector<1xf32>
        %squeeze3A_926 = vector.extract %slice3A_925[0] : f32 from vector<1xf32>
        %broadcast_in_dim3A_927 = vector.broadcast %squeeze3A_926 : f32 to vector<16xf32>
        %slice3A_928 = vector.extract_strided_slice %get3A_88 {offsets = [11], sizes = [1], strides = [1]} : vector<16xf32> to vector<1xf32>
        %squeeze3A_929 = vector.extract %slice3A_928[0] : f32 from vector<1xf32>
        %broadcast_in_dim3A_930 = vector.broadcast %squeeze3A_929 : f32 to vector<16xf32>
        %pack3A_931 = tpu.pack_subelements %broadcast_in_dim3A_927, %broadcast_in_dim3A_930 {pack_format = #tpu.pack_format<interleaved>, positions = array<i32: 0, 1>} : vector<16xf32>, vector<16xf32> -> vector<32xbf16>
        %mul3A_932 = arith.constant 16 : i32
        %mul3A_933 = arith.muli %scan3A_81, %mul3A_932 : i32
        %add3A_934 = arith.constant 11 : i32
        %add3A_935 = arith.addi %mul3A_933, %add3A_934 : i32
        %get3A_936 = arith.constant 1 : i32
        %get3A_937 = arith.index_cast %get3A_936 : i32 to index
        %get3A_938 = arith.index_cast %add3A_935 : i32 to index
        %get3A_939 = arith.constant 0 : index
        %get3A_940 = tpu.vector_load %arg11[%get3A_937, %get3A_938, %get3A_939] {strides = array<i32>} : memref<2x128x128xi32, #tpu.memory_space<vmem>>, vector<16xi32>,
        %bitcast3A_941 = vector.bitcast %get3A_940 : vector<16xi32> to vector<32xbf16>
        %mul3A_942 = arith.mulf %pack3A_931, %bitcast3A_941 : vector<32xbf16>
        %add3A_943 = arith.addf %add3A_868, %mul3A_942 : vector<32xbf16>
        %get3A_944 = arith.constant 1 : i32
        %get3A_945 = arith.index_cast %get3A_944 : i32 to index
        %get3A_946 = arith.index_cast %add3A_935 : i32 to index
        %get3A_947 = arith.constant 16 : index
        %get3A_948 = tpu.vector_load %arg11[%get3A_945, %get3A_946, %get3A_947] {strides = array<i32>} : memref<2x128x128xi32, #tpu.memory_space<vmem>>, vector<16xi32>,
        %bitcast3A_949 = vector.bitcast %get3A_948 : vector<16xi32> to vector<32xbf16>
        %mul3A_950 = arith.mulf %pack3A_931, %bitcast3A_949 : vector<32xbf16>
        %add3A_951 = arith.addf %add3A_876, %mul3A_950 : vector<32xbf16>
        %get3A_952 = arith.constant 1 : i32
        %get3A_953 = arith.index_cast %get3A_952 : i32 to index
        %get3A_954 = arith.index_cast %add3A_935 : i32 to index
        %get3A_955 = arith.constant 32 : index
        %get3A_956 = tpu.vector_load %arg11[%get3A_953, %get3A_954, %get3A_955] {strides = array<i32>} : memref<2x128x128xi32, #tpu.memory_space<vmem>>, vector<16xi32>,
        %bitcast3A_957 = vector.bitcast %get3A_956 : vector<16xi32> to vector<32xbf16>
        %mul3A_958 = arith.mulf %pack3A_931, %bitcast3A_957 : vector<32xbf16>
        %add3A_959 = arith.addf %add3A_884, %mul3A_958 : vector<32xbf16>
        %get3A_960 = arith.constant 1 : i32
        %get3A_961 = arith.index_cast %get3A_960 : i32 to index
        %get3A_962 = arith.index_cast %add3A_935 : i32 to index
        %get3A_963 = arith.constant 48 : index
        %get3A_964 = tpu.vector_load %arg11[%get3A_961, %get3A_962, %get3A_963] {strides = array<i32>} : memref<2x128x128xi32, #tpu.memory_space<vmem>>, vector<16xi32>,
        %bitcast3A_965 = vector.bitcast %get3A_964 : vector<16xi32> to vector<32xbf16>
        %mul3A_966 = arith.mulf %pack3A_931, %bitcast3A_965 : vector<32xbf16>
        %add3A_967 = arith.addf %add3A_892, %mul3A_966 : vector<32xbf16>
        %get3A_968 = arith.constant 1 : i32
        %get3A_969 = arith.index_cast %get3A_968 : i32 to index
        %get3A_970 = arith.index_cast %add3A_935 : i32 to index
        %get3A_971 = arith.constant 64 : index
        %get3A_972 = tpu.vector_load %arg11[%get3A_969, %get3A_970, %get3A_971] {strides = array<i32>} : memref<2x128x128xi32, #tpu.memory_space<vmem>>, vector<16xi32>,
        %bitcast3A_973 = vector.bitcast %get3A_972 : vector<16xi32> to vector<32xbf16>
        %mul3A_974 = arith.mulf %pack3A_931, %bitcast3A_973 : vector<32xbf16>
        %add3A_975 = arith.addf %add3A_900, %mul3A_974 : vector<32xbf16>
        %get3A_976 = arith.constant 1 : i32
        %get3A_977 = arith.index_cast %get3A_976 : i32 to index
        %get3A_978 = arith.index_cast %add3A_935 : i32 to index
        %get3A_979 = arith.constant 80 : index
        %get3A_980 = tpu.vector_load %arg11[%get3A_977, %get3A_978, %get3A_979] {strides = array<i32>} : memref<2x128x128xi32, #tpu.memory_space<vmem>>, vector<16xi32>,
        %bitcast3A_981 = vector.bitcast %get3A_980 : vector<16xi32> to vector<32xbf16>
        %mul3A_982 = arith.mulf %pack3A_931, %bitcast3A_981 : vector<32xbf16>
        %add3A_983 = arith.addf %add3A_908, %mul3A_982 : vector<32xbf16>
        %get3A_984 = arith.constant 1 : i32
        %get3A_985 = arith.index_cast %get3A_984 : i32 to index
        %get3A_986 = arith.index_cast %add3A_935 : i32 to index
        %get3A_987 = arith.constant 96 : index
        %get3A_988 = tpu.vector_load %arg11[%get3A_985, %get3A_986, %get3A_987] {strides = array<i32>} : memref<2x128x128xi32, #tpu.memory_space<vmem>>, vector<16xi32>,
        %bitcast3A_989 = vector.bitcast %get3A_988 : vector<16xi32> to vector<32xbf16>
        %mul3A_990 = arith.mulf %pack3A_931, %bitcast3A_989 : vector<32xbf16>
        %add3A_991 = arith.addf %add3A_916, %mul3A_990 : vector<32xbf16>
        %get3A_992 = arith.constant 1 : i32
        %get3A_993 = arith.index_cast %get3A_992 : i32 to index
        %get3A_994 = arith.index_cast %add3A_935 : i32 to index
        %get3A_995 = arith.constant 112 : index
        %get3A_996 = tpu.vector_load %arg11[%get3A_993, %get3A_994, %get3A_995] {strides = array<i32>} : memref<2x128x128xi32, #tpu.memory_space<vmem>>, vector<16xi32>,
        %bitcast3A_997 = vector.bitcast %get3A_996 : vector<16xi32> to vector<32xbf16>
        %mul3A_998 = arith.mulf %pack3A_931, %bitcast3A_997 : vector<32xbf16>
        %add3A_999 = arith.addf %add3A_924, %mul3A_998 : vector<32xbf16>
        %slice3A_1000 = vector.extract_strided_slice %get3A_85 {offsets = [12], sizes = [1], strides = [1]} : vector<16xf32> to vector<1xf32>
        %squeeze3A_1001 = vector.extract %slice3A_1000[0] : f32 from vector<1xf32>
        %broadcast_in_dim3A_1002 = vector.broadcast %squeeze3A_1001 : f32 to vector<16xf32>
        %slice3A_1003 = vector.extract_strided_slice %get3A_88 {offsets = [12], sizes = [1], strides = [1]} : vector<16xf32> to vector<1xf32>
        %squeeze3A_1004 = vector.extract %slice3A_1003[0] : f32 from vector<1xf32>
        %broadcast_in_dim3A_1005 = vector.broadcast %squeeze3A_1004 : f32 to vector<16xf32>
        %pack3A_1006 = tpu.pack_subelements %broadcast_in_dim3A_1002, %broadcast_in_dim3A_1005 {pack_format = #tpu.pack_format<interleaved>, positions = array<i32: 0, 1>} : vector<16xf32>, vector<16xf32> -> vector<32xbf16>
        %mul3A_1007 = arith.constant 16 : i32
        %mul3A_1008 = arith.muli %scan3A_81, %mul3A_1007 : i32
        %add3A_1009 = arith.constant 12 : i32
        %add3A_1010 = arith.addi %mul3A_1008, %add3A_1009 : i32
        %get3A_1011 = arith.constant 1 : i32
        %get3A_1012 = arith.index_cast %get3A_1011 : i32 to index
        %get3A_1013 = arith.index_cast %add3A_1010 : i32 to index
        %get3A_1014 = arith.constant 0 : index
        %get3A_1015 = tpu.vector_load %arg11[%get3A_1012, %get3A_1013, %get3A_1014] {strides = array<i32>} : memref<2x128x128xi32, #tpu.memory_space<vmem>>, vector<16xi32>,
        %bitcast3A_1016 = vector.bitcast %get3A_1015 : vector<16xi32> to vector<32xbf16>
        %mul3A_1017 = arith.mulf %pack3A_1006, %bitcast3A_1016 : vector<32xbf16>
        %add3A_1018 = arith.addf %add3A_943, %mul3A_1017 : vector<32xbf16>
        %get3A_1019 = arith.constant 1 : i32
        %get3A_1020 = arith.index_cast %get3A_1019 : i32 to index
        %get3A_1021 = arith.index_cast %add3A_1010 : i32 to index
        %get3A_1022 = arith.constant 16 : index
        %get3A_1023 = tpu.vector_load %arg11[%get3A_1020, %get3A_1021, %get3A_1022] {strides = array<i32>} : memref<2x128x128xi32, #tpu.memory_space<vmem>>, vector<16xi32>,
        %bitcast3A_1024 = vector.bitcast %get3A_1023 : vector<16xi32> to vector<32xbf16>
        %mul3A_1025 = arith.mulf %pack3A_1006, %bitcast3A_1024 : vector<32xbf16>
        %add3A_1026 = arith.addf %add3A_951, %mul3A_1025 : vector<32xbf16>
        %get3A_1027 = arith.constant 1 : i32
        %get3A_1028 = arith.index_cast %get3A_1027 : i32 to index
        %get3A_1029 = arith.index_cast %add3A_1010 : i32 to index
        %get3A_1030 = arith.constant 32 : index
        %get3A_1031 = tpu.vector_load %arg11[%get3A_1028, %get3A_1029, %get3A_1030] {strides = array<i32>} : memref<2x128x128xi32, #tpu.memory_space<vmem>>, vector<16xi32>,
        %bitcast3A_1032 = vector.bitcast %get3A_1031 : vector<16xi32> to vector<32xbf16>
        %mul3A_1033 = arith.mulf %pack3A_1006, %bitcast3A_1032 : vector<32xbf16>
        %add3A_1034 = arith.addf %add3A_959, %mul3A_1033 : vector<32xbf16>
        %get3A_1035 = arith.constant 1 : i32
        %get3A_1036 = arith.index_cast %get3A_1035 : i32 to index
        %get3A_1037 = arith.index_cast %add3A_1010 : i32 to index
        %get3A_1038 = arith.constant 48 : index
        %get3A_1039 = tpu.vector_load %arg11[%get3A_1036, %get3A_1037, %get3A_1038] {strides = array<i32>} : memref<2x128x128xi32, #tpu.memory_space<vmem>>, vector<16xi32>,
        %bitcast3A_1040 = vector.bitcast %get3A_1039 : vector<16xi32> to vector<32xbf16>
        %mul3A_1041 = arith.mulf %pack3A_1006, %bitcast3A_1040 : vector<32xbf16>
        %add3A_1042 = arith.addf %add3A_967, %mul3A_1041 : vector<32xbf16>
        %get3A_1043 = arith.constant 1 : i32
        %get3A_1044 = arith.index_cast %get3A_1043 : i32 to index
        %get3A_1045 = arith.index_cast %add3A_1010 : i32 to index
        %get3A_1046 = arith.constant 64 : index
        %get3A_1047 = tpu.vector_load %arg11[%get3A_1044, %get3A_1045, %get3A_1046] {strides = array<i32>} : memref<2x128x128xi32, #tpu.memory_space<vmem>>, vector<16xi32>,
        %bitcast3A_1048 = vector.bitcast %get3A_1047 : vector<16xi32> to vector<32xbf16>
        %mul3A_1049 = arith.mulf %pack3A_1006, %bitcast3A_1048 : vector<32xbf16>
        %add3A_1050 = arith.addf %add3A_975, %mul3A_1049 : vector<32xbf16>
        %get3A_1051 = arith.constant 1 : i32
        %get3A_1052 = arith.index_cast %get3A_1051 : i32 to index
        %get3A_1053 = arith.index_cast %add3A_1010 : i32 to index
        %get3A_1054 = arith.constant 80 : index
        %get3A_1055 = tpu.vector_load %arg11[%get3A_1052, %get3A_1053, %get3A_1054] {strides = array<i32>} : memref<2x128x128xi32, #tpu.memory_space<vmem>>, vector<16xi32>,
        %bitcast3A_1056 = vector.bitcast %get3A_1055 : vector<16xi32> to vector<32xbf16>
        %mul3A_1057 = arith.mulf %pack3A_1006, %bitcast3A_1056 : vector<32xbf16>
        %add3A_1058 = arith.addf %add3A_983, %mul3A_1057 : vector<32xbf16>
        %get3A_1059 = arith.constant 1 : i32
        %get3A_1060 = arith.index_cast %get3A_1059 : i32 to index
        %get3A_1061 = arith.index_cast %add3A_1010 : i32 to index
        %get3A_1062 = arith.constant 96 : index
        %get3A_1063 = tpu.vector_load %arg11[%get3A_1060, %get3A_1061, %get3A_1062] {strides = array<i32>} : memref<2x128x128xi32, #tpu.memory_space<vmem>>, vector<16xi32>,
        %bitcast3A_1064 = vector.bitcast %get3A_1063 : vector<16xi32> to vector<32xbf16>
        %mul3A_1065 = arith.mulf %pack3A_1006, %bitcast3A_1064 : vector<32xbf16>
        %add3A_1066 = arith.addf %add3A_991, %mul3A_1065 : vector<32xbf16>
        %get3A_1067 = arith.constant 1 : i32
        %get3A_1068 = arith.index_cast %get3A_1067 : i32 to index
        %get3A_1069 = arith.index_cast %add3A_1010 : i32 to index
        %get3A_1070 = arith.constant 112 : index
        %get3A_1071 = tpu.vector_load %arg11[%get3A_1068, %get3A_1069, %get3A_1070] {strides = array<i32>} : memref<2x128x128xi32, #tpu.memory_space<vmem>>, vector<16xi32>,
        %bitcast3A_1072 = vector.bitcast %get3A_1071 : vector<16xi32> to vector<32xbf16>
        %mul3A_1073 = arith.mulf %pack3A_1006, %bitcast3A_1072 : vector<32xbf16>
        %add3A_1074 = arith.addf %add3A_999, %mul3A_1073 : vector<32xbf16>
        %slice3A_1075 = vector.extract_strided_slice %get3A_85 {offsets = [13], sizes = [1], strides = [1]} : vector<16xf32> to vector<1xf32>
        %squeeze3A_1076 = vector.extract %slice3A_1075[0] : f32 from vector<1xf32>
        %broadcast_in_dim3A_1077 = vector.broadcast %squeeze3A_1076 : f32 to vector<16xf32>
        %slice3A_1078 = vector.extract_strided_slice %get3A_88 {offsets = [13], sizes = [1], strides = [1]} : vector<16xf32> to vector<1xf32>
        %squeeze3A_1079 = vector.extract %slice3A_1078[0] : f32 from vector<1xf32>
        %broadcast_in_dim3A_1080 = vector.broadcast %squeeze3A_1079 : f32 to vector<16xf32>
        %pack3A_1081 = tpu.pack_subelements %broadcast_in_dim3A_1077, %broadcast_in_dim3A_1080 {pack_format = #tpu.pack_format<interleaved>, positions = array<i32: 0, 1>} : vector<16xf32>, vector<16xf32> -> vector<32xbf16>
        %mul3A_1082 = arith.constant 16 : i32
        %mul3A_1083 = arith.muli %scan3A_81, %mul3A_1082 : i32
        %add3A_1084 = arith.constant 13 : i32
        %add3A_1085 = arith.addi %mul3A_1083, %add3A_1084 : i32
        %get3A_1086 = arith.constant 1 : i32
        %get3A_1087 = arith.index_cast %get3A_1086 : i32 to index
        %get3A_1088 = arith.index_cast %add3A_1085 : i32 to index
        %get3A_1089 = arith.constant 0 : index
        %get3A_1090 = tpu.vector_load %arg11[%get3A_1087, %get3A_1088, %get3A_1089] {strides = array<i32>} : memref<2x128x128xi32, #tpu.memory_space<vmem>>, vector<16xi32>,
        %bitcast3A_1091 = vector.bitcast %get3A_1090 : vector<16xi32> to vector<32xbf16>
        %mul3A_1092 = arith.mulf %pack3A_1081, %bitcast3A_1091 : vector<32xbf16>
        %add3A_1093 = arith.addf %add3A_1018, %mul3A_1092 : vector<32xbf16>
        %get3A_1094 = arith.constant 1 : i32
        %get3A_1095 = arith.index_cast %get3A_1094 : i32 to index
        %get3A_1096 = arith.index_cast %add3A_1085 : i32 to index
        %get3A_1097 = arith.constant 16 : index
        %get3A_1098 = tpu.vector_load %arg11[%get3A_1095, %get3A_1096, %get3A_1097] {strides = array<i32>} : memref<2x128x128xi32, #tpu.memory_space<vmem>>, vector<16xi32>,
        %bitcast3A_1099 = vector.bitcast %get3A_1098 : vector<16xi32> to vector<32xbf16>
        %mul3A_1100 = arith.mulf %pack3A_1081, %bitcast3A_1099 : vector<32xbf16>
        %add3A_1101 = arith.addf %add3A_1026, %mul3A_1100 : vector<32xbf16>
        %get3A_1102 = arith.constant 1 : i32
        %get3A_1103 = arith.index_cast %get3A_1102 : i32 to index
        %get3A_1104 = arith.index_cast %add3A_1085 : i32 to index
        %get3A_1105 = arith.constant 32 : index
        %get3A_1106 = tpu.vector_load %arg11[%get3A_1103, %get3A_1104, %get3A_1105] {strides = array<i32>} : memref<2x128x128xi32, #tpu.memory_space<vmem>>, vector<16xi32>,
        %bitcast3A_1107 = vector.bitcast %get3A_1106 : vector<16xi32> to vector<32xbf16>
        %mul3A_1108 = arith.mulf %pack3A_1081, %bitcast3A_1107 : vector<32xbf16>
        %add3A_1109 = arith.addf %add3A_1034, %mul3A_1108 : vector<32xbf16>
        %get3A_1110 = arith.constant 1 : i32
        %get3A_1111 = arith.index_cast %get3A_1110 : i32 to index
        %get3A_1112 = arith.index_cast %add3A_1085 : i32 to index
        %get3A_1113 = arith.constant 48 : index
        %get3A_1114 = tpu.vector_load %arg11[%get3A_1111, %get3A_1112, %get3A_1113] {strides = array<i32>} : memref<2x128x128xi32, #tpu.memory_space<vmem>>, vector<16xi32>,
        %bitcast3A_1115 = vector.bitcast %get3A_1114 : vector<16xi32> to vector<32xbf16>
        %mul3A_1116 = arith.mulf %pack3A_1081, %bitcast3A_1115 : vector<32xbf16>
        %add3A_1117 = arith.addf %add3A_1042, %mul3A_1116 : vector<32xbf16>
        %get3A_1118 = arith.constant 1 : i32
        %get3A_1119 = arith.index_cast %get3A_1118 : i32 to index
        %get3A_1120 = arith.index_cast %add3A_1085 : i32 to index
        %get3A_1121 = arith.constant 64 : index
        %get3A_1122 = tpu.vector_load %arg11[%get3A_1119, %get3A_1120, %get3A_1121] {strides = array<i32>} : memref<2x128x128xi32, #tpu.memory_space<vmem>>, vector<16xi32>,
        %bitcast3A_1123 = vector.bitcast %get3A_1122 : vector<16xi32> to vector<32xbf16>
        %mul3A_1124 = arith.mulf %pack3A_1081, %bitcast3A_1123 : vector<32xbf16>
        %add3A_1125 = arith.addf %add3A_1050, %mul3A_1124 : vector<32xbf16>
        %get3A_1126 = arith.constant 1 : i32
        %get3A_1127 = arith.index_cast %get3A_1126 : i32 to index
        %get3A_1128 = arith.index_cast %add3A_1085 : i32 to index
        %get3A_1129 = arith.constant 80 : index
        %get3A_1130 = tpu.vector_load %arg11[%get3A_1127, %get3A_1128, %get3A_1129] {strides = array<i32>} : memref<2x128x128xi32, #tpu.memory_space<vmem>>, vector<16xi32>,
        %bitcast3A_1131 = vector.bitcast %get3A_1130 : vector<16xi32> to vector<32xbf16>
        %mul3A_1132 = arith.mulf %pack3A_1081, %bitcast3A_1131 : vector<32xbf16>
        %add3A_1133 = arith.addf %add3A_1058, %mul3A_1132 : vector<32xbf16>
        %get3A_1134 = arith.constant 1 : i32
        %get3A_1135 = arith.index_cast %get3A_1134 : i32 to index
        %get3A_1136 = arith.index_cast %add3A_1085 : i32 to index
        %get3A_1137 = arith.constant 96 : index
        %get3A_1138 = tpu.vector_load %arg11[%get3A_1135, %get3A_1136, %get3A_1137] {strides = array<i32>} : memref<2x128x128xi32, #tpu.memory_space<vmem>>, vector<16xi32>,
        %bitcast3A_1139 = vector.bitcast %get3A_1138 : vector<16xi32> to vector<32xbf16>
        %mul3A_1140 = arith.mulf %pack3A_1081, %bitcast3A_1139 : vector<32xbf16>
        %add3A_1141 = arith.addf %add3A_1066, %mul3A_1140 : vector<32xbf16>
        %get3A_1142 = arith.constant 1 : i32
        %get3A_1143 = arith.index_cast %get3A_1142 : i32 to index
        %get3A_1144 = arith.index_cast %add3A_1085 : i32 to index
        %get3A_1145 = arith.constant 112 : index
        %get3A_1146 = tpu.vector_load %arg11[%get3A_1143, %get3A_1144, %get3A_1145] {strides = array<i32>} : memref<2x128x128xi32, #tpu.memory_space<vmem>>, vector<16xi32>,
        %bitcast3A_1147 = vector.bitcast %get3A_1146 : vector<16xi32> to vector<32xbf16>
        %mul3A_1148 = arith.mulf %pack3A_1081, %bitcast3A_1147 : vector<32xbf16>
        %add3A_1149 = arith.addf %add3A_1074, %mul3A_1148 : vector<32xbf16>
        %slice3A_1150 = vector.extract_strided_slice %get3A_85 {offsets = [14], sizes = [1], strides = [1]} : vector<16xf32> to vector<1xf32>
        %squeeze3A_1151 = vector.extract %slice3A_1150[0] : f32 from vector<1xf32>
        %broadcast_in_dim3A_1152 = vector.broadcast %squeeze3A_1151 : f32 to vector<16xf32>
        %slice3A_1153 = vector.extract_strided_slice %get3A_88 {offsets = [14], sizes = [1], strides = [1]} : vector<16xf32> to vector<1xf32>
        %squeeze3A_1154 = vector.extract %slice3A_1153[0] : f32 from vector<1xf32>
        %broadcast_in_dim3A_1155 = vector.broadcast %squeeze3A_1154 : f32 to vector<16xf32>
        %pack3A_1156 = tpu.pack_subelements %broadcast_in_dim3A_1152, %broadcast_in_dim3A_1155 {pack_format = #tpu.pack_format<interleaved>, positions = array<i32: 0, 1>} : vector<16xf32>, vector<16xf32> -> vector<32xbf16>
        %mul3A_1157 = arith.constant 16 : i32
        %mul3A_1158 = arith.muli %scan3A_81, %mul3A_1157 : i32
        %add3A_1159 = arith.constant 14 : i32
        %add3A_1160 = arith.addi %mul3A_1158, %add3A_1159 : i32
        %get3A_1161 = arith.constant 1 : i32
        %get3A_1162 = arith.index_cast %get3A_1161 : i32 to index
        %get3A_1163 = arith.index_cast %add3A_1160 : i32 to index
        %get3A_1164 = arith.constant 0 : index
        %get3A_1165 = tpu.vector_load %arg11[%get3A_1162, %get3A_1163, %get3A_1164] {strides = array<i32>} : memref<2x128x128xi32, #tpu.memory_space<vmem>>, vector<16xi32>,
        %bitcast3A_1166 = vector.bitcast %get3A_1165 : vector<16xi32> to vector<32xbf16>
        %mul3A_1167 = arith.mulf %pack3A_1156, %bitcast3A_1166 : vector<32xbf16>
        %add3A_1168 = arith.addf %add3A_1093, %mul3A_1167 : vector<32xbf16>
        %get3A_1169 = arith.constant 1 : i32
        %get3A_1170 = arith.index_cast %get3A_1169 : i32 to index
        %get3A_1171 = arith.index_cast %add3A_1160 : i32 to index
        %get3A_1172 = arith.constant 16 : index
        %get3A_1173 = tpu.vector_load %arg11[%get3A_1170, %get3A_1171, %get3A_1172] {strides = array<i32>} : memref<2x128x128xi32, #tpu.memory_space<vmem>>, vector<16xi32>,
        %bitcast3A_1174 = vector.bitcast %get3A_1173 : vector<16xi32> to vector<32xbf16>
        %mul3A_1175 = arith.mulf %pack3A_1156, %bitcast3A_1174 : vector<32xbf16>
        %add3A_1176 = arith.addf %add3A_1101, %mul3A_1175 : vector<32xbf16>
        %get3A_1177 = arith.constant 1 : i32
        %get3A_1178 = arith.index_cast %get3A_1177 : i32 to index
        %get3A_1179 = arith.index_cast %add3A_1160 : i32 to index
        %get3A_1180 = arith.constant 32 : index
        %get3A_1181 = tpu.vector_load %arg11[%get3A_1178, %get3A_1179, %get3A_1180] {strides = array<i32>} : memref<2x128x128xi32, #tpu.memory_space<vmem>>, vector<16xi32>,
        %bitcast3A_1182 = vector.bitcast %get3A_1181 : vector<16xi32> to vector<32xbf16>
        %mul3A_1183 = arith.mulf %pack3A_1156, %bitcast3A_1182 : vector<32xbf16>
        %add3A_1184 = arith.addf %add3A_1109, %mul3A_1183 : vector<32xbf16>
        %get3A_1185 = arith.constant 1 : i32
        %get3A_1186 = arith.index_cast %get3A_1185 : i32 to index
        %get3A_1187 = arith.index_cast %add3A_1160 : i32 to index
        %get3A_1188 = arith.constant 48 : index
        %get3A_1189 = tpu.vector_load %arg11[%get3A_1186, %get3A_1187, %get3A_1188] {strides = array<i32>} : memref<2x128x128xi32, #tpu.memory_space<vmem>>, vector<16xi32>,
        %bitcast3A_1190 = vector.bitcast %get3A_1189 : vector<16xi32> to vector<32xbf16>
        %mul3A_1191 = arith.mulf %pack3A_1156, %bitcast3A_1190 : vector<32xbf16>
        %add3A_1192 = arith.addf %add3A_1117, %mul3A_1191 : vector<32xbf16>
        %get3A_1193 = arith.constant 1 : i32
        %get3A_1194 = arith.index_cast %get3A_1193 : i32 to index
        %get3A_1195 = arith.index_cast %add3A_1160 : i32 to index
        %get3A_1196 = arith.constant 64 : index
        %get3A_1197 = tpu.vector_load %arg11[%get3A_1194, %get3A_1195, %get3A_1196] {strides = array<i32>} : memref<2x128x128xi32, #tpu.memory_space<vmem>>, vector<16xi32>,
        %bitcast3A_1198 = vector.bitcast %get3A_1197 : vector<16xi32> to vector<32xbf16>
        %mul3A_1199 = arith.mulf %pack3A_1156, %bitcast3A_1198 : vector<32xbf16>
        %add3A_1200 = arith.addf %add3A_1125, %mul3A_1199 : vector<32xbf16>
        %get3A_1201 = arith.constant 1 : i32
        %get3A_1202 = arith.index_cast %get3A_1201 : i32 to index
        %get3A_1203 = arith.index_cast %add3A_1160 : i32 to index
        %get3A_1204 = arith.constant 80 : index
        %get3A_1205 = tpu.vector_load %arg11[%get3A_1202, %get3A_1203, %get3A_1204] {strides = array<i32>} : memref<2x128x128xi32, #tpu.memory_space<vmem>>, vector<16xi32>,
        %bitcast3A_1206 = vector.bitcast %get3A_1205 : vector<16xi32> to vector<32xbf16>
        %mul3A_1207 = arith.mulf %pack3A_1156, %bitcast3A_1206 : vector<32xbf16>
        %add3A_1208 = arith.addf %add3A_1133, %mul3A_1207 : vector<32xbf16>
        %get3A_1209 = arith.constant 1 : i32
        %get3A_1210 = arith.index_cast %get3A_1209 : i32 to index
        %get3A_1211 = arith.index_cast %add3A_1160 : i32 to index
        %get3A_1212 = arith.constant 96 : index
        %get3A_1213 = tpu.vector_load %arg11[%get3A_1210, %get3A_1211, %get3A_1212] {strides = array<i32>} : memref<2x128x128xi32, #tpu.memory_space<vmem>>, vector<16xi32>,
        %bitcast3A_1214 = vector.bitcast %get3A_1213 : vector<16xi32> to vector<32xbf16>
        %mul3A_1215 = arith.mulf %pack3A_1156, %bitcast3A_1214 : vector<32xbf16>
        %add3A_1216 = arith.addf %add3A_1141, %mul3A_1215 : vector<32xbf16>
        %get3A_1217 = arith.constant 1 : i32
        %get3A_1218 = arith.index_cast %get3A_1217 : i32 to index
        %get3A_1219 = arith.index_cast %add3A_1160 : i32 to index
        %get3A_1220 = arith.constant 112 : index
        %get3A_1221 = tpu.vector_load %arg11[%get3A_1218, %get3A_1219, %get3A_1220] {strides = array<i32>} : memref<2x128x128xi32, #tpu.memory_space<vmem>>, vector<16xi32>,
        %bitcast3A_1222 = vector.bitcast %get3A_1221 : vector<16xi32> to vector<32xbf16>
        %mul3A_1223 = arith.mulf %pack3A_1156, %bitcast3A_1222 : vector<32xbf16>
        %add3A_1224 = arith.addf %add3A_1149, %mul3A_1223 : vector<32xbf16>
        %slice3A_1225 = vector.extract_strided_slice %get3A_85 {offsets = [15], sizes = [1], strides = [1]} : vector<16xf32> to vector<1xf32>
        %squeeze3A_1226 = vector.extract %slice3A_1225[0] : f32 from vector<1xf32>
        %broadcast_in_dim3A_1227 = vector.broadcast %squeeze3A_1226 : f32 to vector<16xf32>
        %slice3A_1228 = vector.extract_strided_slice %get3A_88 {offsets = [15], sizes = [1], strides = [1]} : vector<16xf32> to vector<1xf32>
        %squeeze3A_1229 = vector.extract %slice3A_1228[0] : f32 from vector<1xf32>
        %broadcast_in_dim3A_1230 = vector.broadcast %squeeze3A_1229 : f32 to vector<16xf32>
        %pack3A_1231 = tpu.pack_subelements %broadcast_in_dim3A_1227, %broadcast_in_dim3A_1230 {pack_format = #tpu.pack_format<interleaved>, positions = array<i32: 0, 1>} : vector<16xf32>, vector<16xf32> -> vector<32xbf16>
        %mul3A_1232 = arith.constant 16 : i32
        %mul3A_1233 = arith.muli %scan3A_81, %mul3A_1232 : i32
        %add3A_1234 = arith.constant 15 : i32
        %add3A_1235 = arith.addi %mul3A_1233, %add3A_1234 : i32
        %get3A_1236 = arith.constant 1 : i32
        %get3A_1237 = arith.index_cast %get3A_1236 : i32 to index
        %get3A_1238 = arith.index_cast %add3A_1235 : i32 to index
        %get3A_1239 = arith.constant 0 : index
        %get3A_1240 = tpu.vector_load %arg11[%get3A_1237, %get3A_1238, %get3A_1239] {strides = array<i32>} : memref<2x128x128xi32, #tpu.memory_space<vmem>>, vector<16xi32>,
        %bitcast3A_1241 = vector.bitcast %get3A_1240 : vector<16xi32> to vector<32xbf16>
        %mul3A_1242 = arith.mulf %pack3A_1231, %bitcast3A_1241 : vector<32xbf16>
        %add3A_1243 = arith.addf %add3A_1168, %mul3A_1242 : vector<32xbf16>
        %get3A_1244 = arith.constant 1 : i32
        %get3A_1245 = arith.index_cast %get3A_1244 : i32 to index
        %get3A_1246 = arith.index_cast %add3A_1235 : i32 to index
        %get3A_1247 = arith.constant 16 : index
        %get3A_1248 = tpu.vector_load %arg11[%get3A_1245, %get3A_1246, %get3A_1247] {strides = array<i32>} : memref<2x128x128xi32, #tpu.memory_space<vmem>>, vector<16xi32>,
        %bitcast3A_1249 = vector.bitcast %get3A_1248 : vector<16xi32> to vector<32xbf16>
        %mul3A_1250 = arith.mulf %pack3A_1231, %bitcast3A_1249 : vector<32xbf16>
        %add3A_1251 = arith.addf %add3A_1176, %mul3A_1250 : vector<32xbf16>
        %get3A_1252 = arith.constant 1 : i32
        %get3A_1253 = arith.index_cast %get3A_1252 : i32 to index
        %get3A_1254 = arith.index_cast %add3A_1235 : i32 to index
        %get3A_1255 = arith.constant 32 : index
        %get3A_1256 = tpu.vector_load %arg11[%get3A_1253, %get3A_1254, %get3A_1255] {strides = array<i32>} : memref<2x128x128xi32, #tpu.memory_space<vmem>>, vector<16xi32>,
        %bitcast3A_1257 = vector.bitcast %get3A_1256 : vector<16xi32> to vector<32xbf16>
        %mul3A_1258 = arith.mulf %pack3A_1231, %bitcast3A_1257 : vector<32xbf16>
        %add3A_1259 = arith.addf %add3A_1184, %mul3A_1258 : vector<32xbf16>
        %get3A_1260 = arith.constant 1 : i32
        %get3A_1261 = arith.index_cast %get3A_1260 : i32 to index
        %get3A_1262 = arith.index_cast %add3A_1235 : i32 to index
        %get3A_1263 = arith.constant 48 : index
        %get3A_1264 = tpu.vector_load %arg11[%get3A_1261, %get3A_1262, %get3A_1263] {strides = array<i32>} : memref<2x128x128xi32, #tpu.memory_space<vmem>>, vector<16xi32>,
        %bitcast3A_1265 = vector.bitcast %get3A_1264 : vector<16xi32> to vector<32xbf16>
        %mul3A_1266 = arith.mulf %pack3A_1231, %bitcast3A_1265 : vector<32xbf16>
        %add3A_1267 = arith.addf %add3A_1192, %mul3A_1266 : vector<32xbf16>
        %get3A_1268 = arith.constant 1 : i32
        %get3A_1269 = arith.index_cast %get3A_1268 : i32 to index
        %get3A_1270 = arith.index_cast %add3A_1235 : i32 to index
        %get3A_1271 = arith.constant 64 : index
        %get3A_1272 = tpu.vector_load %arg11[%get3A_1269, %get3A_1270, %get3A_1271] {strides = array<i32>} : memref<2x128x128xi32, #tpu.memory_space<vmem>>, vector<16xi32>,
        %bitcast3A_1273 = vector.bitcast %get3A_1272 : vector<16xi32> to vector<32xbf16>
        %mul3A_1274 = arith.mulf %pack3A_1231, %bitcast3A_1273 : vector<32xbf16>
        %add3A_1275 = arith.addf %add3A_1200, %mul3A_1274 : vector<32xbf16>
        %get3A_1276 = arith.constant 1 : i32
        %get3A_1277 = arith.index_cast %get3A_1276 : i32 to index
        %get3A_1278 = arith.index_cast %add3A_1235 : i32 to index
        %get3A_1279 = arith.constant 80 : index
        %get3A_1280 = tpu.vector_load %arg11[%get3A_1277, %get3A_1278, %get3A_1279] {strides = array<i32>} : memref<2x128x128xi32, #tpu.memory_space<vmem>>, vector<16xi32>,
        %bitcast3A_1281 = vector.bitcast %get3A_1280 : vector<16xi32> to vector<32xbf16>
        %mul3A_1282 = arith.mulf %pack3A_1231, %bitcast3A_1281 : vector<32xbf16>
        %add3A_1283 = arith.addf %add3A_1208, %mul3A_1282 : vector<32xbf16>
        %get3A_1284 = arith.constant 1 : i32
        %get3A_1285 = arith.index_cast %get3A_1284 : i32 to index
        %get3A_1286 = arith.index_cast %add3A_1235 : i32 to index
        %get3A_1287 = arith.constant 96 : index
        %get3A_1288 = tpu.vector_load %arg11[%get3A_1285, %get3A_1286, %get3A_1287] {strides = array<i32>} : memref<2x128x128xi32, #tpu.memory_space<vmem>>, vector<16xi32>,
        %bitcast3A_1289 = vector.bitcast %get3A_1288 : vector<16xi32> to vector<32xbf16>
        %mul3A_1290 = arith.mulf %pack3A_1231, %bitcast3A_1289 : vector<32xbf16>
        %add3A_1291 = arith.addf %add3A_1216, %mul3A_1290 : vector<32xbf16>
        %get3A_1292 = arith.constant 1 : i32
        %get3A_1293 = arith.index_cast %get3A_1292 : i32 to index
        %get3A_1294 = arith.index_cast %add3A_1235 : i32 to index
        %get3A_1295 = arith.constant 112 : index
        %get3A_1296 = tpu.vector_load %arg11[%get3A_1293, %get3A_1294, %get3A_1295] {strides = array<i32>} : memref<2x128x128xi32, #tpu.memory_space<vmem>>, vector<16xi32>,
        %bitcast3A_1297 = vector.bitcast %get3A_1296 : vector<16xi32> to vector<32xbf16>
        %mul3A_1298 = arith.mulf %pack3A_1231, %bitcast3A_1297 : vector<32xbf16>
        %add3A_1299 = arith.addf %add3A_1224, %mul3A_1298 : vector<32xbf16>
        %unpack3A = tpu.unpack_subelements %add3A_1243, 0 {pack_format = #tpu.pack_format<interleaved>} : vector<32xbf16> -> vector<16xf32>
        %unpack3A_1300 = tpu.unpack_subelements %add3A_1243, 1 {pack_format = #tpu.pack_format<interleaved>} : vector<32xbf16> -> vector<16xf32>
        %get3A_1301 = arith.index_cast %scan3A_26 : i32 to index
        %get3A_1302 = arith.constant 0 : index
        %get3A_1303 = tpu.vector_load %arg12[%get3A_1301, %get3A_1302] {strides = array<i32>} : memref<32x128xf32, #tpu.memory_space<vmem>>, vector<16xf32>,
        %add3A_1304 = arith.addf %unpack3A, %unpack3A_1300 : vector<16xf32>
        %add3A_1305 = arith.addf %get3A_1303, %add3A_1304 : vector<16xf32>
        %swap3A = arith.index_cast %scan3A_26 : i32 to index
        %swap3A_1306 = arith.constant 0 : index
        %swap3A_1307 = tpu.vector_load %arg12[%swap3A, %swap3A_1306] {strides = array<i32>} : memref<32x128xf32, #tpu.memory_space<vmem>>, vector<16xf32>,
        tpu.vector_store %arg12[%swap3A, %swap3A_1306], %add3A_1305 {strides = array<i32>} : memref<32x128xf32, #tpu.memory_space<vmem>>, vector<16xf32>,
        %unpack3A_1308 = tpu.unpack_subelements %add3A_1251, 0 {pack_format = #tpu.pack_format<interleaved>} : vector<32xbf16> -> vector<16xf32>
        %unpack3A_1309 = tpu.unpack_subelements %add3A_1251, 1 {pack_format = #tpu.pack_format<interleaved>} : vector<32xbf16> -> vector<16xf32>
        %get3A_1310 = arith.index_cast %scan3A_26 : i32 to index
        %get3A_1311 = arith.constant 16 : index
        %get3A_1312 = tpu.vector_load %arg12[%get3A_1310, %get3A_1311] {strides = array<i32>} : memref<32x128xf32, #tpu.memory_space<vmem>>, vector<16xf32>,
        %add3A_1313 = arith.addf %unpack3A_1308, %unpack3A_1309 : vector<16xf32>
        %add3A_1314 = arith.addf %get3A_1312, %add3A_1313 : vector<16xf32>
        %swap3A_1315 = arith.index_cast %scan3A_26 : i32 to index
        %swap3A_1316 = arith.constant 16 : index
        %swap3A_1317 = tpu.vector_load %arg12[%swap3A_1315, %swap3A_1316] {strides = array<i32>} : memref<32x128xf32, #tpu.memory_space<vmem>>, vector<16xf32>,
        tpu.vector_store %arg12[%swap3A_1315, %swap3A_1316], %add3A_1314 {strides = array<i32>} : memref<32x128xf32, #tpu.memory_space<vmem>>, vector<16xf32>,
        %unpack3A_1318 = tpu.unpack_subelements %add3A_1259, 0 {pack_format = #tpu.pack_format<interleaved>} : vector<32xbf16> -> vector<16xf32>
        %unpack3A_1319 = tpu.unpack_subelements %add3A_1259, 1 {pack_format = #tpu.pack_format<interleaved>} : vector<32xbf16> -> vector<16xf32>
        %get3A_1320 = arith.index_cast %scan3A_26 : i32 to index
        %get3A_1321 = arith.constant 32 : index
        %get3A_1322 = tpu.vector_load %arg12[%get3A_1320, %get3A_1321] {strides = array<i32>} : memref<32x128xf32, #tpu.memory_space<vmem>>, vector<16xf32>,
        %add3A_1323 = arith.addf %unpack3A_1318, %unpack3A_1319 : vector<16xf32>
        %add3A_1324 = arith.addf %get3A_1322, %add3A_1323 : vector<16xf32>
        %swap3A_1325 = arith.index_cast %scan3A_26 : i32 to index
        %swap3A_1326 = arith.constant 32 : index
        %swap3A_1327 = tpu.vector_load %arg12[%swap3A_1325, %swap3A_1326] {strides = array<i32>} : memref<32x128xf32, #tpu.memory_space<vmem>>, vector<16xf32>,
        tpu.vector_store %arg12[%swap3A_1325, %swap3A_1326], %add3A_1324 {strides = array<i32>} : memref<32x128xf32, #tpu.memory_space<vmem>>, vector<16xf32>,
        %unpack3A_1328 = tpu.unpack_subelements %add3A_1267, 0 {pack_format = #tpu.pack_format<interleaved>} : vector<32xbf16> -> vector<16xf32>
        %unpack3A_1329 = tpu.unpack_subelements %add3A_1267, 1 {pack_format = #tpu.pack_format<interleaved>} : vector<32xbf16> -> vector<16xf32>
        %get3A_1330 = arith.index_cast %scan3A_26 : i32 to index
        %get3A_1331 = arith.constant 48 : index
        %get3A_1332 = tpu.vector_load %arg12[%get3A_1330, %get3A_1331] {strides = array<i32>} : memref<32x128xf32, #tpu.memory_space<vmem>>, vector<16xf32>,
        %add3A_1333 = arith.addf %unpack3A_1328, %unpack3A_1329 : vector<16xf32>
        %add3A_1334 = arith.addf %get3A_1332, %add3A_1333 : vector<16xf32>
        %swap3A_1335 = arith.index_cast %scan3A_26 : i32 to index
        %swap3A_1336 = arith.constant 48 : index
        %swap3A_1337 = tpu.vector_load %arg12[%swap3A_1335, %swap3A_1336] {strides = array<i32>} : memref<32x128xf32, #tpu.memory_space<vmem>>, vector<16xf32>,
        tpu.vector_store %arg12[%swap3A_1335, %swap3A_1336], %add3A_1334 {strides = array<i32>} : memref<32x128xf32, #tpu.memory_space<vmem>>, vector<16xf32>,
        %unpack3A_1338 = tpu.unpack_subelements %add3A_1275, 0 {pack_format = #tpu.pack_format<interleaved>} : vector<32xbf16> -> vector<16xf32>
        %unpack3A_1339 = tpu.unpack_subelements %add3A_1275, 1 {pack_format = #tpu.pack_format<interleaved>} : vector<32xbf16> -> vector<16xf32>
        %get3A_1340 = arith.index_cast %scan3A_26 : i32 to index
        %get3A_1341 = arith.constant 64 : index
        %get3A_1342 = tpu.vector_load %arg12[%get3A_1340, %get3A_1341] {strides = array<i32>} : memref<32x128xf32, #tpu.memory_space<vmem>>, vector<16xf32>,
        %add3A_1343 = arith.addf %unpack3A_1338, %unpack3A_1339 : vector<16xf32>
        %add3A_1344 = arith.addf %get3A_1342, %add3A_1343 : vector<16xf32>
        %swap3A_1345 = arith.index_cast %scan3A_26 : i32 to index
        %swap3A_1346 = arith.constant 64 : index
        %swap3A_1347 = tpu.vector_load %arg12[%swap3A_1345, %swap3A_1346] {strides = array<i32>} : memref<32x128xf32, #tpu.memory_space<vmem>>, vector<16xf32>,
        tpu.vector_store %arg12[%swap3A_1345, %swap3A_1346], %add3A_1344 {strides = array<i32>} : memref<32x128xf32, #tpu.memory_space<vmem>>, vector<16xf32>,
        %unpack3A_1348 = tpu.unpack_subelements %add3A_1283, 0 {pack_format = #tpu.pack_format<interleaved>} : vector<32xbf16> -> vector<16xf32>
        %unpack3A_1349 = tpu.unpack_subelements %add3A_1283, 1 {pack_format = #tpu.pack_format<interleaved>} : vector<32xbf16> -> vector<16xf32>
        %get3A_1350 = arith.index_cast %scan3A_26 : i32 to index
        %get3A_1351 = arith.constant 80 : index
        %get3A_1352 = tpu.vector_load %arg12[%get3A_1350, %get3A_1351] {strides = array<i32>} : memref<32x128xf32, #tpu.memory_space<vmem>>, vector<16xf32>,
        %add3A_1353 = arith.addf %unpack3A_1348, %unpack3A_1349 : vector<16xf32>
        %add3A_1354 = arith.addf %get3A_1352, %add3A_1353 : vector<16xf32>
        %swap3A_1355 = arith.index_cast %scan3A_26 : i32 to index
        %swap3A_1356 = arith.constant 80 : index
        %swap3A_1357 = tpu.vector_load %arg12[%swap3A_1355, %swap3A_1356] {strides = array<i32>} : memref<32x128xf32, #tpu.memory_space<vmem>>, vector<16xf32>,
        tpu.vector_store %arg12[%swap3A_1355, %swap3A_1356], %add3A_1354 {strides = array<i32>} : memref<32x128xf32, #tpu.memory_space<vmem>>, vector<16xf32>,
        %unpack3A_1358 = tpu.unpack_subelements %add3A_1291, 0 {pack_format = #tpu.pack_format<interleaved>} : vector<32xbf16> -> vector<16xf32>
        %unpack3A_1359 = tpu.unpack_subelements %add3A_1291, 1 {pack_format = #tpu.pack_format<interleaved>} : vector<32xbf16> -> vector<16xf32>
        %get3A_1360 = arith.index_cast %scan3A_26 : i32 to index
        %get3A_1361 = arith.constant 96 : index
        %get3A_1362 = tpu.vector_load %arg12[%get3A_1360, %get3A_1361] {strides = array<i32>} : memref<32x128xf32, #tpu.memory_space<vmem>>, vector<16xf32>,
        %add3A_1363 = arith.addf %unpack3A_1358, %unpack3A_1359 : vector<16xf32>
        %add3A_1364 = arith.addf %get3A_1362, %add3A_1363 : vector<16xf32>
        %swap3A_1365 = arith.index_cast %scan3A_26 : i32 to index
        %swap3A_1366 = arith.constant 96 : index
        %swap3A_1367 = tpu.vector_load %arg12[%swap3A_1365, %swap3A_1366] {strides = array<i32>} : memref<32x128xf32, #tpu.memory_space<vmem>>, vector<16xf32>,
        tpu.vector_store %arg12[%swap3A_1365, %swap3A_1366], %add3A_1364 {strides = array<i32>} : memref<32x128xf32, #tpu.memory_space<vmem>>, vector<16xf32>,
        %unpack3A_1368 = tpu.unpack_subelements %add3A_1299, 0 {pack_format = #tpu.pack_format<interleaved>} : vector<32xbf16> -> vector<16xf32>
        %unpack3A_1369 = tpu.unpack_subelements %add3A_1299, 1 {pack_format = #tpu.pack_format<interleaved>} : vector<32xbf16> -> vector<16xf32>
        %get3A_1370 = arith.index_cast %scan3A_26 : i32 to index
        %get3A_1371 = arith.constant 112 : index
        %get3A_1372 = tpu.vector_load %arg12[%get3A_1370, %get3A_1371] {strides = array<i32>} : memref<32x128xf32, #tpu.memory_space<vmem>>, vector<16xf32>,
        %add3A_1373 = arith.addf %unpack3A_1368, %unpack3A_1369 : vector<16xf32>
        %add3A_1374 = arith.addf %get3A_1372, %add3A_1373 : vector<16xf32>
        %swap3A_1375 = arith.index_cast %scan3A_26 : i32 to index
        %swap3A_1376 = arith.constant 112 : index
        %swap3A_1377 = tpu.vector_load %arg12[%swap3A_1375, %swap3A_1376] {strides = array<i32>} : memref<32x128xf32, #tpu.memory_space<vmem>>, vector<16xf32>,
        tpu.vector_store %arg12[%swap3A_1375, %swap3A_1376], %add3A_1374 {strides = array<i32>} : memref<32x128xf32, #tpu.memory_space<vmem>>, vector<16xf32>,
      }
      %scan3A_80 = arith.constant 8 : i32
    }
    %scan3A_23 = arith.constant 32 : i32
    %mul3A_24 = arith.constant 32 : i32
    %mul3A_25 = arith.muli %add3A, %mul3A_24 : i32
    "tpu.region"() ({
      %run_scoped3A_26 = tpu.sem_alloc : memref<!tpu.dma_semaphore, #tpu.memory_space<semaphore_mem>>
      %dma_start3A_27 = arith.constant 0 : i32
      %dma_start3A_28 = tpu.memref_slice %arg7[%mul3A_25, %dma_start3A_27] : memref<1024x128xf32, #tpu.memory_space<hbm>> -> memref<32x128xf32, #tpu.memory_space<hbm>>
      %dma_start3A_29 = arith.constant 0 : i32
      %dma_start3A_30 = tpu.memref_slice %arg7[%mul3A_25, %dma_start3A_29] : memref<1024x128xf32, #tpu.memory_space<hbm>> -> memref<32x128xf32, #tpu.memory_space<hbm>>
      tpu.enqueue_dma source(%arg12 : memref<32x128xf32, #tpu.memory_space<vmem>>) target(%dma_start3A_30 : memref<32x128xf32, #tpu.memory_space<hbm>>) target_semaphore(%run_scoped3A_26 : memref<!tpu.dma_semaphore, #tpu.memory_space<semaphore_mem>>)
      %dma_wait3A = arith.constant 0 : i32
      %dma_wait3A_31 = tpu.memref_slice %arg7[%mul3A_25, %dma_wait3A] : memref<1024x128xf32, #tpu.memory_space<hbm>> -> memref<32x128xf32, #tpu.memory_space<hbm>>
      %dma_wait3A_32 = arith.constant 0 : i32
      %dma_wait3A_33 = tpu.memref_slice %arg7[%mul3A_25, %dma_wait3A_32] : memref<1024x128xf32, #tpu.memory_space<hbm>> -> memref<32x128xf32, #tpu.memory_space<hbm>>
      tpu.wait_dma2 semaphore(%run_scoped3A_26 : memref<!tpu.dma_semaphore, #tpu.memory_space<semaphore_mem>>) src(%arg12 : memref<32x128xf32, #tpu.memory_space<vmem>>) dst(%dma_wait3A_33 : memref<32x128xf32, #tpu.memory_space<hbm>>)
      tpu.yield
    }) : () -> ()
    return
  }
}

module attributes {stable_mosaic.version = 14 : i64} {
  func.func @_build_body(%arg0: i32, %arg1: memref<33x1x128x128xf32, #tpu.memory_space<vmem>>, %arg2: memref<1x32x128x128xi32, #tpu.memory_space<vmem>>) attributes {dimension_semantics = [#tpu.dimension_semantics<arbitrary>], iteration_bounds = array<i64: 33>, scalar_prefetch = 0 : i64, scratch_operands = 0 : i64, tpu.core_type = #tpu.core_type<tc>, window_params = [{transform_indices = @transform_0, window_bounds = array<i64: 33, 1, 128, 128>}, {transform_indices = @transform_1, window_bounds = array<i64: 1, 32, 128, 128>}]} {
    %get3A = arith.constant 0 : index
    %get3A_0 = arith.constant 0 : index
    %get3A_1 = arith.constant 0 : index
    %get3A_2 = arith.constant 0 : index
    %get3A_3 = vector.load %arg1[%get3A, %get3A_0, %get3A_1, %get3A_2] : memref<33x1x128x128xf32, #tpu.memory_space<vmem>>, vector<1x1x128x128xf32>
    %get3A_4 = vector.shape_cast %get3A_3 : vector<1x1x128x128xf32> to vector<128x128xf32>
    %transpose3A = tpu.transpose %get3A_4, [1, 0] : vector<128x128xf32> -> vector<128x128xf32>
    %bitcast_convert_type3A = tpu.bitcast %transpose3A : vector<128x128xf32> -> vector<128x128xi32>
    %add3A = arith.constant 32767 : i32
    %add3A_5 = vector.broadcast %add3A : i32 to vector<128x128xi32>
    %add3A_6 = arith.addi %bitcast_convert_type3A, %add3A_5 : vector<128x128xi32>
    %shift_right_logical3A = arith.constant 16 : i32
    %shift_right_logical3A_7 = vector.broadcast %shift_right_logical3A : i32 to vector<128x128xi32>
    %shift_right_logical3A_8 = arith.shrui %bitcast_convert_type3A, %shift_right_logical3A_7 : vector<128x128xi32>
    %and3A = arith.constant 1 : i32
    %and3A_9 = vector.broadcast %and3A : i32 to vector<128x128xi32>
    %and3A_10 = arith.andi %shift_right_logical3A_8, %and3A_9 : vector<128x128xi32>
    %add3A_11 = arith.addi %add3A_6, %and3A_10 : vector<128x128xi32>
    %shift_right_logical3A_12 = arith.constant 16 : i32
    %shift_right_logical3A_13 = vector.broadcast %shift_right_logical3A_12 : i32 to vector<128x128xi32>
    %shift_right_logical3A_14 = arith.shrui %add3A_11, %shift_right_logical3A_13 : vector<128x128xi32>
    %get3A_15 = arith.constant 1 : index
    %get3A_16 = arith.constant 0 : index
    %get3A_17 = arith.constant 0 : index
    %get3A_18 = arith.constant 0 : index
    %get3A_19 = vector.load %arg1[%get3A_15, %get3A_16, %get3A_17, %get3A_18] : memref<33x1x128x128xf32, #tpu.memory_space<vmem>>, vector<1x1x128x128xf32>
    %get3A_20 = vector.shape_cast %get3A_19 : vector<1x1x128x128xf32> to vector<128x128xf32>
    %transpose3A_21 = tpu.transpose %get3A_20, [1, 0] : vector<128x128xf32> -> vector<128x128xf32>
    %bitcast_convert_type3A_22 = tpu.bitcast %transpose3A_21 : vector<128x128xf32> -> vector<128x128xi32>
    %add3A_23 = arith.constant 32767 : i32
    %add3A_24 = vector.broadcast %add3A_23 : i32 to vector<128x128xi32>
    %add3A_25 = arith.addi %bitcast_convert_type3A_22, %add3A_24 : vector<128x128xi32>
    %shift_right_logical3A_26 = arith.constant 16 : i32
    %shift_right_logical3A_27 = vector.broadcast %shift_right_logical3A_26 : i32 to vector<128x128xi32>
    %shift_right_logical3A_28 = arith.shrui %bitcast_convert_type3A_22, %shift_right_logical3A_27 : vector<128x128xi32>
    %and3A_29 = arith.constant 1 : i32
    %and3A_30 = vector.broadcast %and3A_29 : i32 to vector<128x128xi32>
    %and3A_31 = arith.andi %shift_right_logical3A_28, %and3A_30 : vector<128x128xi32>
    %add3A_32 = arith.addi %add3A_25, %and3A_31 : vector<128x128xi32>
    %shift_right_logical3A_33 = arith.constant 16 : i32
    %shift_right_logical3A_34 = vector.broadcast %shift_right_logical3A_33 : i32 to vector<128x128xi32>
    %shift_right_logical3A_35 = arith.shrui %add3A_32, %shift_right_logical3A_34 : vector<128x128xi32>
    %get3A_36 = arith.constant 2 : index
    %get3A_37 = arith.constant 0 : index
    %get3A_38 = arith.constant 0 : index
    %get3A_39 = arith.constant 0 : index
    %get3A_40 = vector.load %arg1[%get3A_36, %get3A_37, %get3A_38, %get3A_39] : memref<33x1x128x128xf32, #tpu.memory_space<vmem>>, vector<1x1x128x128xf32>
    %get3A_41 = vector.shape_cast %get3A_40 : vector<1x1x128x128xf32> to vector<128x128xf32>
    %transpose3A_42 = tpu.transpose %get3A_41, [1, 0] : vector<128x128xf32> -> vector<128x128xf32>
    %bitcast_convert_type3A_43 = tpu.bitcast %transpose3A_42 : vector<128x128xf32> -> vector<128x128xi32>
    %add3A_44 = arith.constant 32767 : i32
    %add3A_45 = vector.broadcast %add3A_44 : i32 to vector<128x128xi32>
    %add3A_46 = arith.addi %bitcast_convert_type3A_43, %add3A_45 : vector<128x128xi32>
    %shift_right_logical3A_47 = arith.constant 16 : i32
    %shift_right_logical3A_48 = vector.broadcast %shift_right_logical3A_47 : i32 to vector<128x128xi32>
    %shift_right_logical3A_49 = arith.shrui %bitcast_convert_type3A_43, %shift_right_logical3A_48 : vector<128x128xi32>
    %and3A_50 = arith.constant 1 : i32
    %and3A_51 = vector.broadcast %and3A_50 : i32 to vector<128x128xi32>
    %and3A_52 = arith.andi %shift_right_logical3A_49, %and3A_51 : vector<128x128xi32>
    %add3A_53 = arith.addi %add3A_46, %and3A_52 : vector<128x128xi32>
    %shift_right_logical3A_54 = arith.constant 16 : i32
    %shift_right_logical3A_55 = vector.broadcast %shift_right_logical3A_54 : i32 to vector<128x128xi32>
    %shift_right_logical3A_56 = arith.shrui %add3A_53, %shift_right_logical3A_55 : vector<128x128xi32>
    %get3A_57 = arith.constant 3 : index
    %get3A_58 = arith.constant 0 : index
    %get3A_59 = arith.constant 0 : index
    %get3A_60 = arith.constant 0 : index
    %get3A_61 = vector.load %arg1[%get3A_57, %get3A_58, %get3A_59, %get3A_60] : memref<33x1x128x128xf32, #tpu.memory_space<vmem>>, vector<1x1x128x128xf32>
    %get3A_62 = vector.shape_cast %get3A_61 : vector<1x1x128x128xf32> to vector<128x128xf32>
    %transpose3A_63 = tpu.transpose %get3A_62, [1, 0] : vector<128x128xf32> -> vector<128x128xf32>
    %bitcast_convert_type3A_64 = tpu.bitcast %transpose3A_63 : vector<128x128xf32> -> vector<128x128xi32>
    %add3A_65 = arith.constant 32767 : i32
    %add3A_66 = vector.broadcast %add3A_65 : i32 to vector<128x128xi32>
    %add3A_67 = arith.addi %bitcast_convert_type3A_64, %add3A_66 : vector<128x128xi32>
    %shift_right_logical3A_68 = arith.constant 16 : i32
    %shift_right_logical3A_69 = vector.broadcast %shift_right_logical3A_68 : i32 to vector<128x128xi32>
    %shift_right_logical3A_70 = arith.shrui %bitcast_convert_type3A_64, %shift_right_logical3A_69 : vector<128x128xi32>
    %and3A_71 = arith.constant 1 : i32
    %and3A_72 = vector.broadcast %and3A_71 : i32 to vector<128x128xi32>
    %and3A_73 = arith.andi %shift_right_logical3A_70, %and3A_72 : vector<128x128xi32>
    %add3A_74 = arith.addi %add3A_67, %and3A_73 : vector<128x128xi32>
    %shift_right_logical3A_75 = arith.constant 16 : i32
    %shift_right_logical3A_76 = vector.broadcast %shift_right_logical3A_75 : i32 to vector<128x128xi32>
    %shift_right_logical3A_77 = arith.shrui %add3A_74, %shift_right_logical3A_76 : vector<128x128xi32>
    %get3A_78 = arith.constant 4 : index
    %get3A_79 = arith.constant 0 : index
    %get3A_80 = arith.constant 0 : index
    %get3A_81 = arith.constant 0 : index
    %get3A_82 = vector.load %arg1[%get3A_78, %get3A_79, %get3A_80, %get3A_81] : memref<33x1x128x128xf32, #tpu.memory_space<vmem>>, vector<1x1x128x128xf32>
    %get3A_83 = vector.shape_cast %get3A_82 : vector<1x1x128x128xf32> to vector<128x128xf32>
    %transpose3A_84 = tpu.transpose %get3A_83, [1, 0] : vector<128x128xf32> -> vector<128x128xf32>
    %bitcast_convert_type3A_85 = tpu.bitcast %transpose3A_84 : vector<128x128xf32> -> vector<128x128xi32>
    %add3A_86 = arith.constant 32767 : i32
    %add3A_87 = vector.broadcast %add3A_86 : i32 to vector<128x128xi32>
    %add3A_88 = arith.addi %bitcast_convert_type3A_85, %add3A_87 : vector<128x128xi32>
    %shift_right_logical3A_89 = arith.constant 16 : i32
    %shift_right_logical3A_90 = vector.broadcast %shift_right_logical3A_89 : i32 to vector<128x128xi32>
    %shift_right_logical3A_91 = arith.shrui %bitcast_convert_type3A_85, %shift_right_logical3A_90 : vector<128x128xi32>
    %and3A_92 = arith.constant 1 : i32
    %and3A_93 = vector.broadcast %and3A_92 : i32 to vector<128x128xi32>
    %and3A_94 = arith.andi %shift_right_logical3A_91, %and3A_93 : vector<128x128xi32>
    %add3A_95 = arith.addi %add3A_88, %and3A_94 : vector<128x128xi32>
    %shift_right_logical3A_96 = arith.constant 16 : i32
    %shift_right_logical3A_97 = vector.broadcast %shift_right_logical3A_96 : i32 to vector<128x128xi32>
    %shift_right_logical3A_98 = arith.shrui %add3A_95, %shift_right_logical3A_97 : vector<128x128xi32>
    %get3A_99 = arith.constant 5 : index
    %get3A_100 = arith.constant 0 : index
    %get3A_101 = arith.constant 0 : index
    %get3A_102 = arith.constant 0 : index
    %get3A_103 = vector.load %arg1[%get3A_99, %get3A_100, %get3A_101, %get3A_102] : memref<33x1x128x128xf32, #tpu.memory_space<vmem>>, vector<1x1x128x128xf32>
    %get3A_104 = vector.shape_cast %get3A_103 : vector<1x1x128x128xf32> to vector<128x128xf32>
    %transpose3A_105 = tpu.transpose %get3A_104, [1, 0] : vector<128x128xf32> -> vector<128x128xf32>
    %bitcast_convert_type3A_106 = tpu.bitcast %transpose3A_105 : vector<128x128xf32> -> vector<128x128xi32>
    %add3A_107 = arith.constant 32767 : i32
    %add3A_108 = vector.broadcast %add3A_107 : i32 to vector<128x128xi32>
    %add3A_109 = arith.addi %bitcast_convert_type3A_106, %add3A_108 : vector<128x128xi32>
    %shift_right_logical3A_110 = arith.constant 16 : i32
    %shift_right_logical3A_111 = vector.broadcast %shift_right_logical3A_110 : i32 to vector<128x128xi32>
    %shift_right_logical3A_112 = arith.shrui %bitcast_convert_type3A_106, %shift_right_logical3A_111 : vector<128x128xi32>
    %and3A_113 = arith.constant 1 : i32
    %and3A_114 = vector.broadcast %and3A_113 : i32 to vector<128x128xi32>
    %and3A_115 = arith.andi %shift_right_logical3A_112, %and3A_114 : vector<128x128xi32>
    %add3A_116 = arith.addi %add3A_109, %and3A_115 : vector<128x128xi32>
    %shift_right_logical3A_117 = arith.constant 16 : i32
    %shift_right_logical3A_118 = vector.broadcast %shift_right_logical3A_117 : i32 to vector<128x128xi32>
    %shift_right_logical3A_119 = arith.shrui %add3A_116, %shift_right_logical3A_118 : vector<128x128xi32>
    %get3A_120 = arith.constant 6 : index
    %get3A_121 = arith.constant 0 : index
    %get3A_122 = arith.constant 0 : index
    %get3A_123 = arith.constant 0 : index
    %get3A_124 = vector.load %arg1[%get3A_120, %get3A_121, %get3A_122, %get3A_123] : memref<33x1x128x128xf32, #tpu.memory_space<vmem>>, vector<1x1x128x128xf32>
    %get3A_125 = vector.shape_cast %get3A_124 : vector<1x1x128x128xf32> to vector<128x128xf32>
    %transpose3A_126 = tpu.transpose %get3A_125, [1, 0] : vector<128x128xf32> -> vector<128x128xf32>
    %bitcast_convert_type3A_127 = tpu.bitcast %transpose3A_126 : vector<128x128xf32> -> vector<128x128xi32>
    %add3A_128 = arith.constant 32767 : i32
    %add3A_129 = vector.broadcast %add3A_128 : i32 to vector<128x128xi32>
    %add3A_130 = arith.addi %bitcast_convert_type3A_127, %add3A_129 : vector<128x128xi32>
    %shift_right_logical3A_131 = arith.constant 16 : i32
    %shift_right_logical3A_132 = vector.broadcast %shift_right_logical3A_131 : i32 to vector<128x128xi32>
    %shift_right_logical3A_133 = arith.shrui %bitcast_convert_type3A_127, %shift_right_logical3A_132 : vector<128x128xi32>
    %and3A_134 = arith.constant 1 : i32
    %and3A_135 = vector.broadcast %and3A_134 : i32 to vector<128x128xi32>
    %and3A_136 = arith.andi %shift_right_logical3A_133, %and3A_135 : vector<128x128xi32>
    %add3A_137 = arith.addi %add3A_130, %and3A_136 : vector<128x128xi32>
    %shift_right_logical3A_138 = arith.constant 16 : i32
    %shift_right_logical3A_139 = vector.broadcast %shift_right_logical3A_138 : i32 to vector<128x128xi32>
    %shift_right_logical3A_140 = arith.shrui %add3A_137, %shift_right_logical3A_139 : vector<128x128xi32>
    %get3A_141 = arith.constant 7 : index
    %get3A_142 = arith.constant 0 : index
    %get3A_143 = arith.constant 0 : index
    %get3A_144 = arith.constant 0 : index
    %get3A_145 = vector.load %arg1[%get3A_141, %get3A_142, %get3A_143, %get3A_144] : memref<33x1x128x128xf32, #tpu.memory_space<vmem>>, vector<1x1x128x128xf32>
    %get3A_146 = vector.shape_cast %get3A_145 : vector<1x1x128x128xf32> to vector<128x128xf32>
    %transpose3A_147 = tpu.transpose %get3A_146, [1, 0] : vector<128x128xf32> -> vector<128x128xf32>
    %bitcast_convert_type3A_148 = tpu.bitcast %transpose3A_147 : vector<128x128xf32> -> vector<128x128xi32>
    %add3A_149 = arith.constant 32767 : i32
    %add3A_150 = vector.broadcast %add3A_149 : i32 to vector<128x128xi32>
    %add3A_151 = arith.addi %bitcast_convert_type3A_148, %add3A_150 : vector<128x128xi32>
    %shift_right_logical3A_152 = arith.constant 16 : i32
    %shift_right_logical3A_153 = vector.broadcast %shift_right_logical3A_152 : i32 to vector<128x128xi32>
    %shift_right_logical3A_154 = arith.shrui %bitcast_convert_type3A_148, %shift_right_logical3A_153 : vector<128x128xi32>
    %and3A_155 = arith.constant 1 : i32
    %and3A_156 = vector.broadcast %and3A_155 : i32 to vector<128x128xi32>
    %and3A_157 = arith.andi %shift_right_logical3A_154, %and3A_156 : vector<128x128xi32>
    %add3A_158 = arith.addi %add3A_151, %and3A_157 : vector<128x128xi32>
    %shift_right_logical3A_159 = arith.constant 16 : i32
    %shift_right_logical3A_160 = vector.broadcast %shift_right_logical3A_159 : i32 to vector<128x128xi32>
    %shift_right_logical3A_161 = arith.shrui %add3A_158, %shift_right_logical3A_160 : vector<128x128xi32>
    %get3A_162 = arith.constant 8 : index
    %get3A_163 = arith.constant 0 : index
    %get3A_164 = arith.constant 0 : index
    %get3A_165 = arith.constant 0 : index
    %get3A_166 = vector.load %arg1[%get3A_162, %get3A_163, %get3A_164, %get3A_165] : memref<33x1x128x128xf32, #tpu.memory_space<vmem>>, vector<1x1x128x128xf32>
    %get3A_167 = vector.shape_cast %get3A_166 : vector<1x1x128x128xf32> to vector<128x128xf32>
    %transpose3A_168 = tpu.transpose %get3A_167, [1, 0] : vector<128x128xf32> -> vector<128x128xf32>
    %bitcast_convert_type3A_169 = tpu.bitcast %transpose3A_168 : vector<128x128xf32> -> vector<128x128xi32>
    %add3A_170 = arith.constant 32767 : i32
    %add3A_171 = vector.broadcast %add3A_170 : i32 to vector<128x128xi32>
    %add3A_172 = arith.addi %bitcast_convert_type3A_169, %add3A_171 : vector<128x128xi32>
    %shift_right_logical3A_173 = arith.constant 16 : i32
    %shift_right_logical3A_174 = vector.broadcast %shift_right_logical3A_173 : i32 to vector<128x128xi32>
    %shift_right_logical3A_175 = arith.shrui %bitcast_convert_type3A_169, %shift_right_logical3A_174 : vector<128x128xi32>
    %and3A_176 = arith.constant 1 : i32
    %and3A_177 = vector.broadcast %and3A_176 : i32 to vector<128x128xi32>
    %and3A_178 = arith.andi %shift_right_logical3A_175, %and3A_177 : vector<128x128xi32>
    %add3A_179 = arith.addi %add3A_172, %and3A_178 : vector<128x128xi32>
    %shift_right_logical3A_180 = arith.constant 16 : i32
    %shift_right_logical3A_181 = vector.broadcast %shift_right_logical3A_180 : i32 to vector<128x128xi32>
    %shift_right_logical3A_182 = arith.shrui %add3A_179, %shift_right_logical3A_181 : vector<128x128xi32>
    %get3A_183 = arith.constant 9 : index
    %get3A_184 = arith.constant 0 : index
    %get3A_185 = arith.constant 0 : index
    %get3A_186 = arith.constant 0 : index
    %get3A_187 = vector.load %arg1[%get3A_183, %get3A_184, %get3A_185, %get3A_186] : memref<33x1x128x128xf32, #tpu.memory_space<vmem>>, vector<1x1x128x128xf32>
    %get3A_188 = vector.shape_cast %get3A_187 : vector<1x1x128x128xf32> to vector<128x128xf32>
    %transpose3A_189 = tpu.transpose %get3A_188, [1, 0] : vector<128x128xf32> -> vector<128x128xf32>
    %bitcast_convert_type3A_190 = tpu.bitcast %transpose3A_189 : vector<128x128xf32> -> vector<128x128xi32>
    %add3A_191 = arith.constant 32767 : i32
    %add3A_192 = vector.broadcast %add3A_191 : i32 to vector<128x128xi32>
    %add3A_193 = arith.addi %bitcast_convert_type3A_190, %add3A_192 : vector<128x128xi32>
    %shift_right_logical3A_194 = arith.constant 16 : i32
    %shift_right_logical3A_195 = vector.broadcast %shift_right_logical3A_194 : i32 to vector<128x128xi32>
    %shift_right_logical3A_196 = arith.shrui %bitcast_convert_type3A_190, %shift_right_logical3A_195 : vector<128x128xi32>
    %and3A_197 = arith.constant 1 : i32
    %and3A_198 = vector.broadcast %and3A_197 : i32 to vector<128x128xi32>
    %and3A_199 = arith.andi %shift_right_logical3A_196, %and3A_198 : vector<128x128xi32>
    %add3A_200 = arith.addi %add3A_193, %and3A_199 : vector<128x128xi32>
    %shift_right_logical3A_201 = arith.constant 16 : i32
    %shift_right_logical3A_202 = vector.broadcast %shift_right_logical3A_201 : i32 to vector<128x128xi32>
    %shift_right_logical3A_203 = arith.shrui %add3A_200, %shift_right_logical3A_202 : vector<128x128xi32>
    %get3A_204 = arith.constant 10 : index
    %get3A_205 = arith.constant 0 : index
    %get3A_206 = arith.constant 0 : index
    %get3A_207 = arith.constant 0 : index
    %get3A_208 = vector.load %arg1[%get3A_204, %get3A_205, %get3A_206, %get3A_207] : memref<33x1x128x128xf32, #tpu.memory_space<vmem>>, vector<1x1x128x128xf32>
    %get3A_209 = vector.shape_cast %get3A_208 : vector<1x1x128x128xf32> to vector<128x128xf32>
    %transpose3A_210 = tpu.transpose %get3A_209, [1, 0] : vector<128x128xf32> -> vector<128x128xf32>
    %bitcast_convert_type3A_211 = tpu.bitcast %transpose3A_210 : vector<128x128xf32> -> vector<128x128xi32>
    %add3A_212 = arith.constant 32767 : i32
    %add3A_213 = vector.broadcast %add3A_212 : i32 to vector<128x128xi32>
    %add3A_214 = arith.addi %bitcast_convert_type3A_211, %add3A_213 : vector<128x128xi32>
    %shift_right_logical3A_215 = arith.constant 16 : i32
    %shift_right_logical3A_216 = vector.broadcast %shift_right_logical3A_215 : i32 to vector<128x128xi32>
    %shift_right_logical3A_217 = arith.shrui %bitcast_convert_type3A_211, %shift_right_logical3A_216 : vector<128x128xi32>
    %and3A_218 = arith.constant 1 : i32
    %and3A_219 = vector.broadcast %and3A_218 : i32 to vector<128x128xi32>
    %and3A_220 = arith.andi %shift_right_logical3A_217, %and3A_219 : vector<128x128xi32>
    %add3A_221 = arith.addi %add3A_214, %and3A_220 : vector<128x128xi32>
    %shift_right_logical3A_222 = arith.constant 16 : i32
    %shift_right_logical3A_223 = vector.broadcast %shift_right_logical3A_222 : i32 to vector<128x128xi32>
    %shift_right_logical3A_224 = arith.shrui %add3A_221, %shift_right_logical3A_223 : vector<128x128xi32>
    %get3A_225 = arith.constant 11 : index
    %get3A_226 = arith.constant 0 : index
    %get3A_227 = arith.constant 0 : index
    %get3A_228 = arith.constant 0 : index
    %get3A_229 = vector.load %arg1[%get3A_225, %get3A_226, %get3A_227, %get3A_228] : memref<33x1x128x128xf32, #tpu.memory_space<vmem>>, vector<1x1x128x128xf32>
    %get3A_230 = vector.shape_cast %get3A_229 : vector<1x1x128x128xf32> to vector<128x128xf32>
    %transpose3A_231 = tpu.transpose %get3A_230, [1, 0] : vector<128x128xf32> -> vector<128x128xf32>
    %bitcast_convert_type3A_232 = tpu.bitcast %transpose3A_231 : vector<128x128xf32> -> vector<128x128xi32>
    %add3A_233 = arith.constant 32767 : i32
    %add3A_234 = vector.broadcast %add3A_233 : i32 to vector<128x128xi32>
    %add3A_235 = arith.addi %bitcast_convert_type3A_232, %add3A_234 : vector<128x128xi32>
    %shift_right_logical3A_236 = arith.constant 16 : i32
    %shift_right_logical3A_237 = vector.broadcast %shift_right_logical3A_236 : i32 to vector<128x128xi32>
    %shift_right_logical3A_238 = arith.shrui %bitcast_convert_type3A_232, %shift_right_logical3A_237 : vector<128x128xi32>
    %and3A_239 = arith.constant 1 : i32
    %and3A_240 = vector.broadcast %and3A_239 : i32 to vector<128x128xi32>
    %and3A_241 = arith.andi %shift_right_logical3A_238, %and3A_240 : vector<128x128xi32>
    %add3A_242 = arith.addi %add3A_235, %and3A_241 : vector<128x128xi32>
    %shift_right_logical3A_243 = arith.constant 16 : i32
    %shift_right_logical3A_244 = vector.broadcast %shift_right_logical3A_243 : i32 to vector<128x128xi32>
    %shift_right_logical3A_245 = arith.shrui %add3A_242, %shift_right_logical3A_244 : vector<128x128xi32>
    %get3A_246 = arith.constant 12 : index
    %get3A_247 = arith.constant 0 : index
    %get3A_248 = arith.constant 0 : index
    %get3A_249 = arith.constant 0 : index
    %get3A_250 = vector.load %arg1[%get3A_246, %get3A_247, %get3A_248, %get3A_249] : memref<33x1x128x128xf32, #tpu.memory_space<vmem>>, vector<1x1x128x128xf32>
    %get3A_251 = vector.shape_cast %get3A_250 : vector<1x1x128x128xf32> to vector<128x128xf32>
    %transpose3A_252 = tpu.transpose %get3A_251, [1, 0] : vector<128x128xf32> -> vector<128x128xf32>
    %bitcast_convert_type3A_253 = tpu.bitcast %transpose3A_252 : vector<128x128xf32> -> vector<128x128xi32>
    %add3A_254 = arith.constant 32767 : i32
    %add3A_255 = vector.broadcast %add3A_254 : i32 to vector<128x128xi32>
    %add3A_256 = arith.addi %bitcast_convert_type3A_253, %add3A_255 : vector<128x128xi32>
    %shift_right_logical3A_257 = arith.constant 16 : i32
    %shift_right_logical3A_258 = vector.broadcast %shift_right_logical3A_257 : i32 to vector<128x128xi32>
    %shift_right_logical3A_259 = arith.shrui %bitcast_convert_type3A_253, %shift_right_logical3A_258 : vector<128x128xi32>
    %and3A_260 = arith.constant 1 : i32
    %and3A_261 = vector.broadcast %and3A_260 : i32 to vector<128x128xi32>
    %and3A_262 = arith.andi %shift_right_logical3A_259, %and3A_261 : vector<128x128xi32>
    %add3A_263 = arith.addi %add3A_256, %and3A_262 : vector<128x128xi32>
    %shift_right_logical3A_264 = arith.constant 16 : i32
    %shift_right_logical3A_265 = vector.broadcast %shift_right_logical3A_264 : i32 to vector<128x128xi32>
    %shift_right_logical3A_266 = arith.shrui %add3A_263, %shift_right_logical3A_265 : vector<128x128xi32>
    %get3A_267 = arith.constant 13 : index
    %get3A_268 = arith.constant 0 : index
    %get3A_269 = arith.constant 0 : index
    %get3A_270 = arith.constant 0 : index
    %get3A_271 = vector.load %arg1[%get3A_267, %get3A_268, %get3A_269, %get3A_270] : memref<33x1x128x128xf32, #tpu.memory_space<vmem>>, vector<1x1x128x128xf32>
    %get3A_272 = vector.shape_cast %get3A_271 : vector<1x1x128x128xf32> to vector<128x128xf32>
    %transpose3A_273 = tpu.transpose %get3A_272, [1, 0] : vector<128x128xf32> -> vector<128x128xf32>
    %bitcast_convert_type3A_274 = tpu.bitcast %transpose3A_273 : vector<128x128xf32> -> vector<128x128xi32>
    %add3A_275 = arith.constant 32767 : i32
    %add3A_276 = vector.broadcast %add3A_275 : i32 to vector<128x128xi32>
    %add3A_277 = arith.addi %bitcast_convert_type3A_274, %add3A_276 : vector<128x128xi32>
    %shift_right_logical3A_278 = arith.constant 16 : i32
    %shift_right_logical3A_279 = vector.broadcast %shift_right_logical3A_278 : i32 to vector<128x128xi32>
    %shift_right_logical3A_280 = arith.shrui %bitcast_convert_type3A_274, %shift_right_logical3A_279 : vector<128x128xi32>
    %and3A_281 = arith.constant 1 : i32
    %and3A_282 = vector.broadcast %and3A_281 : i32 to vector<128x128xi32>
    %and3A_283 = arith.andi %shift_right_logical3A_280, %and3A_282 : vector<128x128xi32>
    %add3A_284 = arith.addi %add3A_277, %and3A_283 : vector<128x128xi32>
    %shift_right_logical3A_285 = arith.constant 16 : i32
    %shift_right_logical3A_286 = vector.broadcast %shift_right_logical3A_285 : i32 to vector<128x128xi32>
    %shift_right_logical3A_287 = arith.shrui %add3A_284, %shift_right_logical3A_286 : vector<128x128xi32>
    %get3A_288 = arith.constant 14 : index
    %get3A_289 = arith.constant 0 : index
    %get3A_290 = arith.constant 0 : index
    %get3A_291 = arith.constant 0 : index
    %get3A_292 = vector.load %arg1[%get3A_288, %get3A_289, %get3A_290, %get3A_291] : memref<33x1x128x128xf32, #tpu.memory_space<vmem>>, vector<1x1x128x128xf32>
    %get3A_293 = vector.shape_cast %get3A_292 : vector<1x1x128x128xf32> to vector<128x128xf32>
    %transpose3A_294 = tpu.transpose %get3A_293, [1, 0] : vector<128x128xf32> -> vector<128x128xf32>
    %bitcast_convert_type3A_295 = tpu.bitcast %transpose3A_294 : vector<128x128xf32> -> vector<128x128xi32>
    %add3A_296 = arith.constant 32767 : i32
    %add3A_297 = vector.broadcast %add3A_296 : i32 to vector<128x128xi32>
    %add3A_298 = arith.addi %bitcast_convert_type3A_295, %add3A_297 : vector<128x128xi32>
    %shift_right_logical3A_299 = arith.constant 16 : i32
    %shift_right_logical3A_300 = vector.broadcast %shift_right_logical3A_299 : i32 to vector<128x128xi32>
    %shift_right_logical3A_301 = arith.shrui %bitcast_convert_type3A_295, %shift_right_logical3A_300 : vector<128x128xi32>
    %and3A_302 = arith.constant 1 : i32
    %and3A_303 = vector.broadcast %and3A_302 : i32 to vector<128x128xi32>
    %and3A_304 = arith.andi %shift_right_logical3A_301, %and3A_303 : vector<128x128xi32>
    %add3A_305 = arith.addi %add3A_298, %and3A_304 : vector<128x128xi32>
    %shift_right_logical3A_306 = arith.constant 16 : i32
    %shift_right_logical3A_307 = vector.broadcast %shift_right_logical3A_306 : i32 to vector<128x128xi32>
    %shift_right_logical3A_308 = arith.shrui %add3A_305, %shift_right_logical3A_307 : vector<128x128xi32>
    %get3A_309 = arith.constant 15 : index
    %get3A_310 = arith.constant 0 : index
    %get3A_311 = arith.constant 0 : index
    %get3A_312 = arith.constant 0 : index
    %get3A_313 = vector.load %arg1[%get3A_309, %get3A_310, %get3A_311, %get3A_312] : memref<33x1x128x128xf32, #tpu.memory_space<vmem>>, vector<1x1x128x128xf32>
    %get3A_314 = vector.shape_cast %get3A_313 : vector<1x1x128x128xf32> to vector<128x128xf32>
    %transpose3A_315 = tpu.transpose %get3A_314, [1, 0] : vector<128x128xf32> -> vector<128x128xf32>
    %bitcast_convert_type3A_316 = tpu.bitcast %transpose3A_315 : vector<128x128xf32> -> vector<128x128xi32>
    %add3A_317 = arith.constant 32767 : i32
    %add3A_318 = vector.broadcast %add3A_317 : i32 to vector<128x128xi32>
    %add3A_319 = arith.addi %bitcast_convert_type3A_316, %add3A_318 : vector<128x128xi32>
    %shift_right_logical3A_320 = arith.constant 16 : i32
    %shift_right_logical3A_321 = vector.broadcast %shift_right_logical3A_320 : i32 to vector<128x128xi32>
    %shift_right_logical3A_322 = arith.shrui %bitcast_convert_type3A_316, %shift_right_logical3A_321 : vector<128x128xi32>
    %and3A_323 = arith.constant 1 : i32
    %and3A_324 = vector.broadcast %and3A_323 : i32 to vector<128x128xi32>
    %and3A_325 = arith.andi %shift_right_logical3A_322, %and3A_324 : vector<128x128xi32>
    %add3A_326 = arith.addi %add3A_319, %and3A_325 : vector<128x128xi32>
    %shift_right_logical3A_327 = arith.constant 16 : i32
    %shift_right_logical3A_328 = vector.broadcast %shift_right_logical3A_327 : i32 to vector<128x128xi32>
    %shift_right_logical3A_329 = arith.shrui %add3A_326, %shift_right_logical3A_328 : vector<128x128xi32>
    %get3A_330 = arith.constant 16 : index
    %get3A_331 = arith.constant 0 : index
    %get3A_332 = arith.constant 0 : index
    %get3A_333 = arith.constant 0 : index
    %get3A_334 = vector.load %arg1[%get3A_330, %get3A_331, %get3A_332, %get3A_333] : memref<33x1x128x128xf32, #tpu.memory_space<vmem>>, vector<1x1x128x128xf32>
    %get3A_335 = vector.shape_cast %get3A_334 : vector<1x1x128x128xf32> to vector<128x128xf32>
    %transpose3A_336 = tpu.transpose %get3A_335, [1, 0] : vector<128x128xf32> -> vector<128x128xf32>
    %bitcast_convert_type3A_337 = tpu.bitcast %transpose3A_336 : vector<128x128xf32> -> vector<128x128xi32>
    %add3A_338 = arith.constant 32767 : i32
    %add3A_339 = vector.broadcast %add3A_338 : i32 to vector<128x128xi32>
    %add3A_340 = arith.addi %bitcast_convert_type3A_337, %add3A_339 : vector<128x128xi32>
    %shift_right_logical3A_341 = arith.constant 16 : i32
    %shift_right_logical3A_342 = vector.broadcast %shift_right_logical3A_341 : i32 to vector<128x128xi32>
    %shift_right_logical3A_343 = arith.shrui %bitcast_convert_type3A_337, %shift_right_logical3A_342 : vector<128x128xi32>
    %and3A_344 = arith.constant 1 : i32
    %and3A_345 = vector.broadcast %and3A_344 : i32 to vector<128x128xi32>
    %and3A_346 = arith.andi %shift_right_logical3A_343, %and3A_345 : vector<128x128xi32>
    %add3A_347 = arith.addi %add3A_340, %and3A_346 : vector<128x128xi32>
    %shift_right_logical3A_348 = arith.constant 16 : i32
    %shift_right_logical3A_349 = vector.broadcast %shift_right_logical3A_348 : i32 to vector<128x128xi32>
    %shift_right_logical3A_350 = arith.shrui %add3A_347, %shift_right_logical3A_349 : vector<128x128xi32>
    %get3A_351 = arith.constant 17 : index
    %get3A_352 = arith.constant 0 : index
    %get3A_353 = arith.constant 0 : index
    %get3A_354 = arith.constant 0 : index
    %get3A_355 = vector.load %arg1[%get3A_351, %get3A_352, %get3A_353, %get3A_354] : memref<33x1x128x128xf32, #tpu.memory_space<vmem>>, vector<1x1x128x128xf32>
    %get3A_356 = vector.shape_cast %get3A_355 : vector<1x1x128x128xf32> to vector<128x128xf32>
    %transpose3A_357 = tpu.transpose %get3A_356, [1, 0] : vector<128x128xf32> -> vector<128x128xf32>
    %bitcast_convert_type3A_358 = tpu.bitcast %transpose3A_357 : vector<128x128xf32> -> vector<128x128xi32>
    %add3A_359 = arith.constant 32767 : i32
    %add3A_360 = vector.broadcast %add3A_359 : i32 to vector<128x128xi32>
    %add3A_361 = arith.addi %bitcast_convert_type3A_358, %add3A_360 : vector<128x128xi32>
    %shift_right_logical3A_362 = arith.constant 16 : i32
    %shift_right_logical3A_363 = vector.broadcast %shift_right_logical3A_362 : i32 to vector<128x128xi32>
    %shift_right_logical3A_364 = arith.shrui %bitcast_convert_type3A_358, %shift_right_logical3A_363 : vector<128x128xi32>
    %and3A_365 = arith.constant 1 : i32
    %and3A_366 = vector.broadcast %and3A_365 : i32 to vector<128x128xi32>
    %and3A_367 = arith.andi %shift_right_logical3A_364, %and3A_366 : vector<128x128xi32>
    %add3A_368 = arith.addi %add3A_361, %and3A_367 : vector<128x128xi32>
    %shift_right_logical3A_369 = arith.constant 16 : i32
    %shift_right_logical3A_370 = vector.broadcast %shift_right_logical3A_369 : i32 to vector<128x128xi32>
    %shift_right_logical3A_371 = arith.shrui %add3A_368, %shift_right_logical3A_370 : vector<128x128xi32>
    %get3A_372 = arith.constant 18 : index
    %get3A_373 = arith.constant 0 : index
    %get3A_374 = arith.constant 0 : index
    %get3A_375 = arith.constant 0 : index
    %get3A_376 = vector.load %arg1[%get3A_372, %get3A_373, %get3A_374, %get3A_375] : memref<33x1x128x128xf32, #tpu.memory_space<vmem>>, vector<1x1x128x128xf32>
    %get3A_377 = vector.shape_cast %get3A_376 : vector<1x1x128x128xf32> to vector<128x128xf32>
    %transpose3A_378 = tpu.transpose %get3A_377, [1, 0] : vector<128x128xf32> -> vector<128x128xf32>
    %bitcast_convert_type3A_379 = tpu.bitcast %transpose3A_378 : vector<128x128xf32> -> vector<128x128xi32>
    %add3A_380 = arith.constant 32767 : i32
    %add3A_381 = vector.broadcast %add3A_380 : i32 to vector<128x128xi32>
    %add3A_382 = arith.addi %bitcast_convert_type3A_379, %add3A_381 : vector<128x128xi32>
    %shift_right_logical3A_383 = arith.constant 16 : i32
    %shift_right_logical3A_384 = vector.broadcast %shift_right_logical3A_383 : i32 to vector<128x128xi32>
    %shift_right_logical3A_385 = arith.shrui %bitcast_convert_type3A_379, %shift_right_logical3A_384 : vector<128x128xi32>
    %and3A_386 = arith.constant 1 : i32
    %and3A_387 = vector.broadcast %and3A_386 : i32 to vector<128x128xi32>
    %and3A_388 = arith.andi %shift_right_logical3A_385, %and3A_387 : vector<128x128xi32>
    %add3A_389 = arith.addi %add3A_382, %and3A_388 : vector<128x128xi32>
    %shift_right_logical3A_390 = arith.constant 16 : i32
    %shift_right_logical3A_391 = vector.broadcast %shift_right_logical3A_390 : i32 to vector<128x128xi32>
    %shift_right_logical3A_392 = arith.shrui %add3A_389, %shift_right_logical3A_391 : vector<128x128xi32>
    %get3A_393 = arith.constant 19 : index
    %get3A_394 = arith.constant 0 : index
    %get3A_395 = arith.constant 0 : index
    %get3A_396 = arith.constant 0 : index
    %get3A_397 = vector.load %arg1[%get3A_393, %get3A_394, %get3A_395, %get3A_396] : memref<33x1x128x128xf32, #tpu.memory_space<vmem>>, vector<1x1x128x128xf32>
    %get3A_398 = vector.shape_cast %get3A_397 : vector<1x1x128x128xf32> to vector<128x128xf32>
    %transpose3A_399 = tpu.transpose %get3A_398, [1, 0] : vector<128x128xf32> -> vector<128x128xf32>
    %bitcast_convert_type3A_400 = tpu.bitcast %transpose3A_399 : vector<128x128xf32> -> vector<128x128xi32>
    %add3A_401 = arith.constant 32767 : i32
    %add3A_402 = vector.broadcast %add3A_401 : i32 to vector<128x128xi32>
    %add3A_403 = arith.addi %bitcast_convert_type3A_400, %add3A_402 : vector<128x128xi32>
    %shift_right_logical3A_404 = arith.constant 16 : i32
    %shift_right_logical3A_405 = vector.broadcast %shift_right_logical3A_404 : i32 to vector<128x128xi32>
    %shift_right_logical3A_406 = arith.shrui %bitcast_convert_type3A_400, %shift_right_logical3A_405 : vector<128x128xi32>
    %and3A_407 = arith.constant 1 : i32
    %and3A_408 = vector.broadcast %and3A_407 : i32 to vector<128x128xi32>
    %and3A_409 = arith.andi %shift_right_logical3A_406, %and3A_408 : vector<128x128xi32>
    %add3A_410 = arith.addi %add3A_403, %and3A_409 : vector<128x128xi32>
    %shift_right_logical3A_411 = arith.constant 16 : i32
    %shift_right_logical3A_412 = vector.broadcast %shift_right_logical3A_411 : i32 to vector<128x128xi32>
    %shift_right_logical3A_413 = arith.shrui %add3A_410, %shift_right_logical3A_412 : vector<128x128xi32>
    %get3A_414 = arith.constant 20 : index
    %get3A_415 = arith.constant 0 : index
    %get3A_416 = arith.constant 0 : index
    %get3A_417 = arith.constant 0 : index
    %get3A_418 = vector.load %arg1[%get3A_414, %get3A_415, %get3A_416, %get3A_417] : memref<33x1x128x128xf32, #tpu.memory_space<vmem>>, vector<1x1x128x128xf32>
    %get3A_419 = vector.shape_cast %get3A_418 : vector<1x1x128x128xf32> to vector<128x128xf32>
    %transpose3A_420 = tpu.transpose %get3A_419, [1, 0] : vector<128x128xf32> -> vector<128x128xf32>
    %bitcast_convert_type3A_421 = tpu.bitcast %transpose3A_420 : vector<128x128xf32> -> vector<128x128xi32>
    %add3A_422 = arith.constant 32767 : i32
    %add3A_423 = vector.broadcast %add3A_422 : i32 to vector<128x128xi32>
    %add3A_424 = arith.addi %bitcast_convert_type3A_421, %add3A_423 : vector<128x128xi32>
    %shift_right_logical3A_425 = arith.constant 16 : i32
    %shift_right_logical3A_426 = vector.broadcast %shift_right_logical3A_425 : i32 to vector<128x128xi32>
    %shift_right_logical3A_427 = arith.shrui %bitcast_convert_type3A_421, %shift_right_logical3A_426 : vector<128x128xi32>
    %and3A_428 = arith.constant 1 : i32
    %and3A_429 = vector.broadcast %and3A_428 : i32 to vector<128x128xi32>
    %and3A_430 = arith.andi %shift_right_logical3A_427, %and3A_429 : vector<128x128xi32>
    %add3A_431 = arith.addi %add3A_424, %and3A_430 : vector<128x128xi32>
    %shift_right_logical3A_432 = arith.constant 16 : i32
    %shift_right_logical3A_433 = vector.broadcast %shift_right_logical3A_432 : i32 to vector<128x128xi32>
    %shift_right_logical3A_434 = arith.shrui %add3A_431, %shift_right_logical3A_433 : vector<128x128xi32>
    %get3A_435 = arith.constant 21 : index
    %get3A_436 = arith.constant 0 : index
    %get3A_437 = arith.constant 0 : index
    %get3A_438 = arith.constant 0 : index
    %get3A_439 = vector.load %arg1[%get3A_435, %get3A_436, %get3A_437, %get3A_438] : memref<33x1x128x128xf32, #tpu.memory_space<vmem>>, vector<1x1x128x128xf32>
    %get3A_440 = vector.shape_cast %get3A_439 : vector<1x1x128x128xf32> to vector<128x128xf32>
    %transpose3A_441 = tpu.transpose %get3A_440, [1, 0] : vector<128x128xf32> -> vector<128x128xf32>
    %bitcast_convert_type3A_442 = tpu.bitcast %transpose3A_441 : vector<128x128xf32> -> vector<128x128xi32>
    %add3A_443 = arith.constant 32767 : i32
    %add3A_444 = vector.broadcast %add3A_443 : i32 to vector<128x128xi32>
    %add3A_445 = arith.addi %bitcast_convert_type3A_442, %add3A_444 : vector<128x128xi32>
    %shift_right_logical3A_446 = arith.constant 16 : i32
    %shift_right_logical3A_447 = vector.broadcast %shift_right_logical3A_446 : i32 to vector<128x128xi32>
    %shift_right_logical3A_448 = arith.shrui %bitcast_convert_type3A_442, %shift_right_logical3A_447 : vector<128x128xi32>
    %and3A_449 = arith.constant 1 : i32
    %and3A_450 = vector.broadcast %and3A_449 : i32 to vector<128x128xi32>
    %and3A_451 = arith.andi %shift_right_logical3A_448, %and3A_450 : vector<128x128xi32>
    %add3A_452 = arith.addi %add3A_445, %and3A_451 : vector<128x128xi32>
    %shift_right_logical3A_453 = arith.constant 16 : i32
    %shift_right_logical3A_454 = vector.broadcast %shift_right_logical3A_453 : i32 to vector<128x128xi32>
    %shift_right_logical3A_455 = arith.shrui %add3A_452, %shift_right_logical3A_454 : vector<128x128xi32>
    %get3A_456 = arith.constant 22 : index
    %get3A_457 = arith.constant 0 : index
    %get3A_458 = arith.constant 0 : index
    %get3A_459 = arith.constant 0 : index
    %get3A_460 = vector.load %arg1[%get3A_456, %get3A_457, %get3A_458, %get3A_459] : memref<33x1x128x128xf32, #tpu.memory_space<vmem>>, vector<1x1x128x128xf32>
    %get3A_461 = vector.shape_cast %get3A_460 : vector<1x1x128x128xf32> to vector<128x128xf32>
    %transpose3A_462 = tpu.transpose %get3A_461, [1, 0] : vector<128x128xf32> -> vector<128x128xf32>
    %bitcast_convert_type3A_463 = tpu.bitcast %transpose3A_462 : vector<128x128xf32> -> vector<128x128xi32>
    %add3A_464 = arith.constant 32767 : i32
    %add3A_465 = vector.broadcast %add3A_464 : i32 to vector<128x128xi32>
    %add3A_466 = arith.addi %bitcast_convert_type3A_463, %add3A_465 : vector<128x128xi32>
    %shift_right_logical3A_467 = arith.constant 16 : i32
    %shift_right_logical3A_468 = vector.broadcast %shift_right_logical3A_467 : i32 to vector<128x128xi32>
    %shift_right_logical3A_469 = arith.shrui %bitcast_convert_type3A_463, %shift_right_logical3A_468 : vector<128x128xi32>
    %and3A_470 = arith.constant 1 : i32
    %and3A_471 = vector.broadcast %and3A_470 : i32 to vector<128x128xi32>
    %and3A_472 = arith.andi %shift_right_logical3A_469, %and3A_471 : vector<128x128xi32>
    %add3A_473 = arith.addi %add3A_466, %and3A_472 : vector<128x128xi32>
    %shift_right_logical3A_474 = arith.constant 16 : i32
    %shift_right_logical3A_475 = vector.broadcast %shift_right_logical3A_474 : i32 to vector<128x128xi32>
    %shift_right_logical3A_476 = arith.shrui %add3A_473, %shift_right_logical3A_475 : vector<128x128xi32>
    %get3A_477 = arith.constant 23 : index
    %get3A_478 = arith.constant 0 : index
    %get3A_479 = arith.constant 0 : index
    %get3A_480 = arith.constant 0 : index
    %get3A_481 = vector.load %arg1[%get3A_477, %get3A_478, %get3A_479, %get3A_480] : memref<33x1x128x128xf32, #tpu.memory_space<vmem>>, vector<1x1x128x128xf32>
    %get3A_482 = vector.shape_cast %get3A_481 : vector<1x1x128x128xf32> to vector<128x128xf32>
    %transpose3A_483 = tpu.transpose %get3A_482, [1, 0] : vector<128x128xf32> -> vector<128x128xf32>
    %bitcast_convert_type3A_484 = tpu.bitcast %transpose3A_483 : vector<128x128xf32> -> vector<128x128xi32>
    %add3A_485 = arith.constant 32767 : i32
    %add3A_486 = vector.broadcast %add3A_485 : i32 to vector<128x128xi32>
    %add3A_487 = arith.addi %bitcast_convert_type3A_484, %add3A_486 : vector<128x128xi32>
    %shift_right_logical3A_488 = arith.constant 16 : i32
    %shift_right_logical3A_489 = vector.broadcast %shift_right_logical3A_488 : i32 to vector<128x128xi32>
    %shift_right_logical3A_490 = arith.shrui %bitcast_convert_type3A_484, %shift_right_logical3A_489 : vector<128x128xi32>
    %and3A_491 = arith.constant 1 : i32
    %and3A_492 = vector.broadcast %and3A_491 : i32 to vector<128x128xi32>
    %and3A_493 = arith.andi %shift_right_logical3A_490, %and3A_492 : vector<128x128xi32>
    %add3A_494 = arith.addi %add3A_487, %and3A_493 : vector<128x128xi32>
    %shift_right_logical3A_495 = arith.constant 16 : i32
    %shift_right_logical3A_496 = vector.broadcast %shift_right_logical3A_495 : i32 to vector<128x128xi32>
    %shift_right_logical3A_497 = arith.shrui %add3A_494, %shift_right_logical3A_496 : vector<128x128xi32>
    %get3A_498 = arith.constant 24 : index
    %get3A_499 = arith.constant 0 : index
    %get3A_500 = arith.constant 0 : index
    %get3A_501 = arith.constant 0 : index
    %get3A_502 = vector.load %arg1[%get3A_498, %get3A_499, %get3A_500, %get3A_501] : memref<33x1x128x128xf32, #tpu.memory_space<vmem>>, vector<1x1x128x128xf32>
    %get3A_503 = vector.shape_cast %get3A_502 : vector<1x1x128x128xf32> to vector<128x128xf32>
    %transpose3A_504 = tpu.transpose %get3A_503, [1, 0] : vector<128x128xf32> -> vector<128x128xf32>
    %bitcast_convert_type3A_505 = tpu.bitcast %transpose3A_504 : vector<128x128xf32> -> vector<128x128xi32>
    %add3A_506 = arith.constant 32767 : i32
    %add3A_507 = vector.broadcast %add3A_506 : i32 to vector<128x128xi32>
    %add3A_508 = arith.addi %bitcast_convert_type3A_505, %add3A_507 : vector<128x128xi32>
    %shift_right_logical3A_509 = arith.constant 16 : i32
    %shift_right_logical3A_510 = vector.broadcast %shift_right_logical3A_509 : i32 to vector<128x128xi32>
    %shift_right_logical3A_511 = arith.shrui %bitcast_convert_type3A_505, %shift_right_logical3A_510 : vector<128x128xi32>
    %and3A_512 = arith.constant 1 : i32
    %and3A_513 = vector.broadcast %and3A_512 : i32 to vector<128x128xi32>
    %and3A_514 = arith.andi %shift_right_logical3A_511, %and3A_513 : vector<128x128xi32>
    %add3A_515 = arith.addi %add3A_508, %and3A_514 : vector<128x128xi32>
    %shift_right_logical3A_516 = arith.constant 16 : i32
    %shift_right_logical3A_517 = vector.broadcast %shift_right_logical3A_516 : i32 to vector<128x128xi32>
    %shift_right_logical3A_518 = arith.shrui %add3A_515, %shift_right_logical3A_517 : vector<128x128xi32>
    %get3A_519 = arith.constant 25 : index
    %get3A_520 = arith.constant 0 : index
    %get3A_521 = arith.constant 0 : index
    %get3A_522 = arith.constant 0 : index
    %get3A_523 = vector.load %arg1[%get3A_519, %get3A_520, %get3A_521, %get3A_522] : memref<33x1x128x128xf32, #tpu.memory_space<vmem>>, vector<1x1x128x128xf32>
    %get3A_524 = vector.shape_cast %get3A_523 : vector<1x1x128x128xf32> to vector<128x128xf32>
    %transpose3A_525 = tpu.transpose %get3A_524, [1, 0] : vector<128x128xf32> -> vector<128x128xf32>
    %bitcast_convert_type3A_526 = tpu.bitcast %transpose3A_525 : vector<128x128xf32> -> vector<128x128xi32>
    %add3A_527 = arith.constant 32767 : i32
    %add3A_528 = vector.broadcast %add3A_527 : i32 to vector<128x128xi32>
    %add3A_529 = arith.addi %bitcast_convert_type3A_526, %add3A_528 : vector<128x128xi32>
    %shift_right_logical3A_530 = arith.constant 16 : i32
    %shift_right_logical3A_531 = vector.broadcast %shift_right_logical3A_530 : i32 to vector<128x128xi32>
    %shift_right_logical3A_532 = arith.shrui %bitcast_convert_type3A_526, %shift_right_logical3A_531 : vector<128x128xi32>
    %and3A_533 = arith.constant 1 : i32
    %and3A_534 = vector.broadcast %and3A_533 : i32 to vector<128x128xi32>
    %and3A_535 = arith.andi %shift_right_logical3A_532, %and3A_534 : vector<128x128xi32>
    %add3A_536 = arith.addi %add3A_529, %and3A_535 : vector<128x128xi32>
    %shift_right_logical3A_537 = arith.constant 16 : i32
    %shift_right_logical3A_538 = vector.broadcast %shift_right_logical3A_537 : i32 to vector<128x128xi32>
    %shift_right_logical3A_539 = arith.shrui %add3A_536, %shift_right_logical3A_538 : vector<128x128xi32>
    %get3A_540 = arith.constant 26 : index
    %get3A_541 = arith.constant 0 : index
    %get3A_542 = arith.constant 0 : index
    %get3A_543 = arith.constant 0 : index
    %get3A_544 = vector.load %arg1[%get3A_540, %get3A_541, %get3A_542, %get3A_543] : memref<33x1x128x128xf32, #tpu.memory_space<vmem>>, vector<1x1x128x128xf32>
    %get3A_545 = vector.shape_cast %get3A_544 : vector<1x1x128x128xf32> to vector<128x128xf32>
    %transpose3A_546 = tpu.transpose %get3A_545, [1, 0] : vector<128x128xf32> -> vector<128x128xf32>
    %bitcast_convert_type3A_547 = tpu.bitcast %transpose3A_546 : vector<128x128xf32> -> vector<128x128xi32>
    %add3A_548 = arith.constant 32767 : i32
    %add3A_549 = vector.broadcast %add3A_548 : i32 to vector<128x128xi32>
    %add3A_550 = arith.addi %bitcast_convert_type3A_547, %add3A_549 : vector<128x128xi32>
    %shift_right_logical3A_551 = arith.constant 16 : i32
    %shift_right_logical3A_552 = vector.broadcast %shift_right_logical3A_551 : i32 to vector<128x128xi32>
    %shift_right_logical3A_553 = arith.shrui %bitcast_convert_type3A_547, %shift_right_logical3A_552 : vector<128x128xi32>
    %and3A_554 = arith.constant 1 : i32
    %and3A_555 = vector.broadcast %and3A_554 : i32 to vector<128x128xi32>
    %and3A_556 = arith.andi %shift_right_logical3A_553, %and3A_555 : vector<128x128xi32>
    %add3A_557 = arith.addi %add3A_550, %and3A_556 : vector<128x128xi32>
    %shift_right_logical3A_558 = arith.constant 16 : i32
    %shift_right_logical3A_559 = vector.broadcast %shift_right_logical3A_558 : i32 to vector<128x128xi32>
    %shift_right_logical3A_560 = arith.shrui %add3A_557, %shift_right_logical3A_559 : vector<128x128xi32>
    %get3A_561 = arith.constant 27 : index
    %get3A_562 = arith.constant 0 : index
    %get3A_563 = arith.constant 0 : index
    %get3A_564 = arith.constant 0 : index
    %get3A_565 = vector.load %arg1[%get3A_561, %get3A_562, %get3A_563, %get3A_564] : memref<33x1x128x128xf32, #tpu.memory_space<vmem>>, vector<1x1x128x128xf32>
    %get3A_566 = vector.shape_cast %get3A_565 : vector<1x1x128x128xf32> to vector<128x128xf32>
    %transpose3A_567 = tpu.transpose %get3A_566, [1, 0] : vector<128x128xf32> -> vector<128x128xf32>
    %bitcast_convert_type3A_568 = tpu.bitcast %transpose3A_567 : vector<128x128xf32> -> vector<128x128xi32>
    %add3A_569 = arith.constant 32767 : i32
    %add3A_570 = vector.broadcast %add3A_569 : i32 to vector<128x128xi32>
    %add3A_571 = arith.addi %bitcast_convert_type3A_568, %add3A_570 : vector<128x128xi32>
    %shift_right_logical3A_572 = arith.constant 16 : i32
    %shift_right_logical3A_573 = vector.broadcast %shift_right_logical3A_572 : i32 to vector<128x128xi32>
    %shift_right_logical3A_574 = arith.shrui %bitcast_convert_type3A_568, %shift_right_logical3A_573 : vector<128x128xi32>
    %and3A_575 = arith.constant 1 : i32
    %and3A_576 = vector.broadcast %and3A_575 : i32 to vector<128x128xi32>
    %and3A_577 = arith.andi %shift_right_logical3A_574, %and3A_576 : vector<128x128xi32>
    %add3A_578 = arith.addi %add3A_571, %and3A_577 : vector<128x128xi32>
    %shift_right_logical3A_579 = arith.constant 16 : i32
    %shift_right_logical3A_580 = vector.broadcast %shift_right_logical3A_579 : i32 to vector<128x128xi32>
    %shift_right_logical3A_581 = arith.shrui %add3A_578, %shift_right_logical3A_580 : vector<128x128xi32>
    %get3A_582 = arith.constant 28 : index
    %get3A_583 = arith.constant 0 : index
    %get3A_584 = arith.constant 0 : index
    %get3A_585 = arith.constant 0 : index
    %get3A_586 = vector.load %arg1[%get3A_582, %get3A_583, %get3A_584, %get3A_585] : memref<33x1x128x128xf32, #tpu.memory_space<vmem>>, vector<1x1x128x128xf32>
    %get3A_587 = vector.shape_cast %get3A_586 : vector<1x1x128x128xf32> to vector<128x128xf32>
    %transpose3A_588 = tpu.transpose %get3A_587, [1, 0] : vector<128x128xf32> -> vector<128x128xf32>
    %bitcast_convert_type3A_589 = tpu.bitcast %transpose3A_588 : vector<128x128xf32> -> vector<128x128xi32>
    %add3A_590 = arith.constant 32767 : i32
    %add3A_591 = vector.broadcast %add3A_590 : i32 to vector<128x128xi32>
    %add3A_592 = arith.addi %bitcast_convert_type3A_589, %add3A_591 : vector<128x128xi32>
    %shift_right_logical3A_593 = arith.constant 16 : i32
    %shift_right_logical3A_594 = vector.broadcast %shift_right_logical3A_593 : i32 to vector<128x128xi32>
    %shift_right_logical3A_595 = arith.shrui %bitcast_convert_type3A_589, %shift_right_logical3A_594 : vector<128x128xi32>
    %and3A_596 = arith.constant 1 : i32
    %and3A_597 = vector.broadcast %and3A_596 : i32 to vector<128x128xi32>
    %and3A_598 = arith.andi %shift_right_logical3A_595, %and3A_597 : vector<128x128xi32>
    %add3A_599 = arith.addi %add3A_592, %and3A_598 : vector<128x128xi32>
    %shift_right_logical3A_600 = arith.constant 16 : i32
    %shift_right_logical3A_601 = vector.broadcast %shift_right_logical3A_600 : i32 to vector<128x128xi32>
    %shift_right_logical3A_602 = arith.shrui %add3A_599, %shift_right_logical3A_601 : vector<128x128xi32>
    %get3A_603 = arith.constant 29 : index
    %get3A_604 = arith.constant 0 : index
    %get3A_605 = arith.constant 0 : index
    %get3A_606 = arith.constant 0 : index
    %get3A_607 = vector.load %arg1[%get3A_603, %get3A_604, %get3A_605, %get3A_606] : memref<33x1x128x128xf32, #tpu.memory_space<vmem>>, vector<1x1x128x128xf32>
    %get3A_608 = vector.shape_cast %get3A_607 : vector<1x1x128x128xf32> to vector<128x128xf32>
    %transpose3A_609 = tpu.transpose %get3A_608, [1, 0] : vector<128x128xf32> -> vector<128x128xf32>
    %bitcast_convert_type3A_610 = tpu.bitcast %transpose3A_609 : vector<128x128xf32> -> vector<128x128xi32>
    %add3A_611 = arith.constant 32767 : i32
    %add3A_612 = vector.broadcast %add3A_611 : i32 to vector<128x128xi32>
    %add3A_613 = arith.addi %bitcast_convert_type3A_610, %add3A_612 : vector<128x128xi32>
    %shift_right_logical3A_614 = arith.constant 16 : i32
    %shift_right_logical3A_615 = vector.broadcast %shift_right_logical3A_614 : i32 to vector<128x128xi32>
    %shift_right_logical3A_616 = arith.shrui %bitcast_convert_type3A_610, %shift_right_logical3A_615 : vector<128x128xi32>
    %and3A_617 = arith.constant 1 : i32
    %and3A_618 = vector.broadcast %and3A_617 : i32 to vector<128x128xi32>
    %and3A_619 = arith.andi %shift_right_logical3A_616, %and3A_618 : vector<128x128xi32>
    %add3A_620 = arith.addi %add3A_613, %and3A_619 : vector<128x128xi32>
    %shift_right_logical3A_621 = arith.constant 16 : i32
    %shift_right_logical3A_622 = vector.broadcast %shift_right_logical3A_621 : i32 to vector<128x128xi32>
    %shift_right_logical3A_623 = arith.shrui %add3A_620, %shift_right_logical3A_622 : vector<128x128xi32>
    %get3A_624 = arith.constant 30 : index
    %get3A_625 = arith.constant 0 : index
    %get3A_626 = arith.constant 0 : index
    %get3A_627 = arith.constant 0 : index
    %get3A_628 = vector.load %arg1[%get3A_624, %get3A_625, %get3A_626, %get3A_627] : memref<33x1x128x128xf32, #tpu.memory_space<vmem>>, vector<1x1x128x128xf32>
    %get3A_629 = vector.shape_cast %get3A_628 : vector<1x1x128x128xf32> to vector<128x128xf32>
    %transpose3A_630 = tpu.transpose %get3A_629, [1, 0] : vector<128x128xf32> -> vector<128x128xf32>
    %bitcast_convert_type3A_631 = tpu.bitcast %transpose3A_630 : vector<128x128xf32> -> vector<128x128xi32>
    %add3A_632 = arith.constant 32767 : i32
    %add3A_633 = vector.broadcast %add3A_632 : i32 to vector<128x128xi32>
    %add3A_634 = arith.addi %bitcast_convert_type3A_631, %add3A_633 : vector<128x128xi32>
    %shift_right_logical3A_635 = arith.constant 16 : i32
    %shift_right_logical3A_636 = vector.broadcast %shift_right_logical3A_635 : i32 to vector<128x128xi32>
    %shift_right_logical3A_637 = arith.shrui %bitcast_convert_type3A_631, %shift_right_logical3A_636 : vector<128x128xi32>
    %and3A_638 = arith.constant 1 : i32
    %and3A_639 = vector.broadcast %and3A_638 : i32 to vector<128x128xi32>
    %and3A_640 = arith.andi %shift_right_logical3A_637, %and3A_639 : vector<128x128xi32>
    %add3A_641 = arith.addi %add3A_634, %and3A_640 : vector<128x128xi32>
    %shift_right_logical3A_642 = arith.constant 16 : i32
    %shift_right_logical3A_643 = vector.broadcast %shift_right_logical3A_642 : i32 to vector<128x128xi32>
    %shift_right_logical3A_644 = arith.shrui %add3A_641, %shift_right_logical3A_643 : vector<128x128xi32>
    %get3A_645 = arith.constant 31 : index
    %get3A_646 = arith.constant 0 : index
    %get3A_647 = arith.constant 0 : index
    %get3A_648 = arith.constant 0 : index
    %get3A_649 = vector.load %arg1[%get3A_645, %get3A_646, %get3A_647, %get3A_648] : memref<33x1x128x128xf32, #tpu.memory_space<vmem>>, vector<1x1x128x128xf32>
    %get3A_650 = vector.shape_cast %get3A_649 : vector<1x1x128x128xf32> to vector<128x128xf32>
    %transpose3A_651 = tpu.transpose %get3A_650, [1, 0] : vector<128x128xf32> -> vector<128x128xf32>
    %bitcast_convert_type3A_652 = tpu.bitcast %transpose3A_651 : vector<128x128xf32> -> vector<128x128xi32>
    %add3A_653 = arith.constant 32767 : i32
    %add3A_654 = vector.broadcast %add3A_653 : i32 to vector<128x128xi32>
    %add3A_655 = arith.addi %bitcast_convert_type3A_652, %add3A_654 : vector<128x128xi32>
    %shift_right_logical3A_656 = arith.constant 16 : i32
    %shift_right_logical3A_657 = vector.broadcast %shift_right_logical3A_656 : i32 to vector<128x128xi32>
    %shift_right_logical3A_658 = arith.shrui %bitcast_convert_type3A_652, %shift_right_logical3A_657 : vector<128x128xi32>
    %and3A_659 = arith.constant 1 : i32
    %and3A_660 = vector.broadcast %and3A_659 : i32 to vector<128x128xi32>
    %and3A_661 = arith.andi %shift_right_logical3A_658, %and3A_660 : vector<128x128xi32>
    %add3A_662 = arith.addi %add3A_655, %and3A_661 : vector<128x128xi32>
    %shift_right_logical3A_663 = arith.constant 16 : i32
    %shift_right_logical3A_664 = vector.broadcast %shift_right_logical3A_663 : i32 to vector<128x128xi32>
    %shift_right_logical3A_665 = arith.shrui %add3A_662, %shift_right_logical3A_664 : vector<128x128xi32>
    %get3A_666 = arith.constant 32 : index
    %get3A_667 = arith.constant 0 : index
    %get3A_668 = arith.constant 0 : index
    %get3A_669 = arith.constant 0 : index
    %get3A_670 = vector.load %arg1[%get3A_666, %get3A_667, %get3A_668, %get3A_669] : memref<33x1x128x128xf32, #tpu.memory_space<vmem>>, vector<1x1x128x128xf32>
    %get3A_671 = vector.shape_cast %get3A_670 : vector<1x1x128x128xf32> to vector<128x128xf32>
    %transpose3A_672 = tpu.transpose %get3A_671, [1, 0] : vector<128x128xf32> -> vector<128x128xf32>
    %bitcast_convert_type3A_673 = tpu.bitcast %transpose3A_672 : vector<128x128xf32> -> vector<128x128xi32>
    %add3A_674 = arith.constant 32767 : i32
    %add3A_675 = vector.broadcast %add3A_674 : i32 to vector<128x128xi32>
    %add3A_676 = arith.addi %bitcast_convert_type3A_673, %add3A_675 : vector<128x128xi32>
    %shift_right_logical3A_677 = arith.constant 16 : i32
    %shift_right_logical3A_678 = vector.broadcast %shift_right_logical3A_677 : i32 to vector<128x128xi32>
    %shift_right_logical3A_679 = arith.shrui %bitcast_convert_type3A_673, %shift_right_logical3A_678 : vector<128x128xi32>
    %and3A_680 = arith.constant 1 : i32
    %and3A_681 = vector.broadcast %and3A_680 : i32 to vector<128x128xi32>
    %and3A_682 = arith.andi %shift_right_logical3A_679, %and3A_681 : vector<128x128xi32>
    %add3A_683 = arith.addi %add3A_676, %and3A_682 : vector<128x128xi32>
    %shift_right_logical3A_684 = arith.constant 16 : i32
    %shift_right_logical3A_685 = vector.broadcast %shift_right_logical3A_684 : i32 to vector<128x128xi32>
    %shift_right_logical3A_686 = arith.shrui %add3A_683, %shift_right_logical3A_685 : vector<128x128xi32>
    %shift_left3A = arith.constant 16 : i32
    %shift_left3A_687 = vector.broadcast %shift_left3A : i32 to vector<128x128xi32>
    %shift_left3A_688 = arith.shli %shift_right_logical3A_35, %shift_left3A_687 : vector<128x128xi32>
    %or3A = arith.ori %shift_right_logical3A_14, %shift_left3A_688 : vector<128x128xi32>
    %bitcast_convert_type3A_689 = tpu.bitcast %or3A : vector<128x128xi32> -> vector<128x128xi32>
    %swap3A = arith.constant 0 : index
    %swap3A_690 = arith.constant 0 : index
    %swap3A_691 = arith.constant 0 : index
    %swap3A_692 = arith.constant 0 : index
    %swap3A_693 = vector.load %arg2[%swap3A, %swap3A_690, %swap3A_691, %swap3A_692] : memref<1x32x128x128xi32, #tpu.memory_space<vmem>>, vector<1x1x128x128xi32>
    %swap3A_694 = vector.shape_cast %swap3A_693 : vector<1x1x128x128xi32> to vector<128x128xi32>
    %swap3A_695 = vector.shape_cast %bitcast_convert_type3A_689 : vector<128x128xi32> to vector<1x1x128x128xi32>
    tpu.vector_store %arg2[%swap3A, %swap3A_690, %swap3A_691, %swap3A_692], %swap3A_695 {strides = array<i32>} : memref<1x32x128x128xi32, #tpu.memory_space<vmem>>, vector<1x1x128x128xi32>,
    %shift_left3A_696 = arith.constant 16 : i32
    %shift_left3A_697 = vector.broadcast %shift_left3A_696 : i32 to vector<128x128xi32>
    %shift_left3A_698 = arith.shli %shift_right_logical3A_56, %shift_left3A_697 : vector<128x128xi32>
    %or3A_699 = arith.ori %shift_right_logical3A_35, %shift_left3A_698 : vector<128x128xi32>
    %bitcast_convert_type3A_700 = tpu.bitcast %or3A_699 : vector<128x128xi32> -> vector<128x128xi32>
    %swap3A_701 = arith.constant 0 : index
    %swap3A_702 = arith.constant 1 : index
    %swap3A_703 = arith.constant 0 : index
    %swap3A_704 = arith.constant 0 : index
    %swap3A_705 = vector.load %arg2[%swap3A_701, %swap3A_702, %swap3A_703, %swap3A_704] : memref<1x32x128x128xi32, #tpu.memory_space<vmem>>, vector<1x1x128x128xi32>
    %swap3A_706 = vector.shape_cast %swap3A_705 : vector<1x1x128x128xi32> to vector<128x128xi32>
    %swap3A_707 = vector.shape_cast %bitcast_convert_type3A_700 : vector<128x128xi32> to vector<1x1x128x128xi32>
    tpu.vector_store %arg2[%swap3A_701, %swap3A_702, %swap3A_703, %swap3A_704], %swap3A_707 {strides = array<i32>} : memref<1x32x128x128xi32, #tpu.memory_space<vmem>>, vector<1x1x128x128xi32>,
    %shift_left3A_708 = arith.constant 16 : i32
    %shift_left3A_709 = vector.broadcast %shift_left3A_708 : i32 to vector<128x128xi32>
    %shift_left3A_710 = arith.shli %shift_right_logical3A_77, %shift_left3A_709 : vector<128x128xi32>
    %or3A_711 = arith.ori %shift_right_logical3A_56, %shift_left3A_710 : vector<128x128xi32>
    %bitcast_convert_type3A_712 = tpu.bitcast %or3A_711 : vector<128x128xi32> -> vector<128x128xi32>
    %swap3A_713 = arith.constant 0 : index
    %swap3A_714 = arith.constant 2 : index
    %swap3A_715 = arith.constant 0 : index
    %swap3A_716 = arith.constant 0 : index
    %swap3A_717 = vector.load %arg2[%swap3A_713, %swap3A_714, %swap3A_715, %swap3A_716] : memref<1x32x128x128xi32, #tpu.memory_space<vmem>>, vector<1x1x128x128xi32>
    %swap3A_718 = vector.shape_cast %swap3A_717 : vector<1x1x128x128xi32> to vector<128x128xi32>
    %swap3A_719 = vector.shape_cast %bitcast_convert_type3A_712 : vector<128x128xi32> to vector<1x1x128x128xi32>
    tpu.vector_store %arg2[%swap3A_713, %swap3A_714, %swap3A_715, %swap3A_716], %swap3A_719 {strides = array<i32>} : memref<1x32x128x128xi32, #tpu.memory_space<vmem>>, vector<1x1x128x128xi32>,
    %shift_left3A_720 = arith.constant 16 : i32
    %shift_left3A_721 = vector.broadcast %shift_left3A_720 : i32 to vector<128x128xi32>
    %shift_left3A_722 = arith.shli %shift_right_logical3A_98, %shift_left3A_721 : vector<128x128xi32>
    %or3A_723 = arith.ori %shift_right_logical3A_77, %shift_left3A_722 : vector<128x128xi32>
    %bitcast_convert_type3A_724 = tpu.bitcast %or3A_723 : vector<128x128xi32> -> vector<128x128xi32>
    %swap3A_725 = arith.constant 0 : index
    %swap3A_726 = arith.constant 3 : index
    %swap3A_727 = arith.constant 0 : index
    %swap3A_728 = arith.constant 0 : index
    %swap3A_729 = vector.load %arg2[%swap3A_725, %swap3A_726, %swap3A_727, %swap3A_728] : memref<1x32x128x128xi32, #tpu.memory_space<vmem>>, vector<1x1x128x128xi32>
    %swap3A_730 = vector.shape_cast %swap3A_729 : vector<1x1x128x128xi32> to vector<128x128xi32>
    %swap3A_731 = vector.shape_cast %bitcast_convert_type3A_724 : vector<128x128xi32> to vector<1x1x128x128xi32>
    tpu.vector_store %arg2[%swap3A_725, %swap3A_726, %swap3A_727, %swap3A_728], %swap3A_731 {strides = array<i32>} : memref<1x32x128x128xi32, #tpu.memory_space<vmem>>, vector<1x1x128x128xi32>,
    %shift_left3A_732 = arith.constant 16 : i32
    %shift_left3A_733 = vector.broadcast %shift_left3A_732 : i32 to vector<128x128xi32>
    %shift_left3A_734 = arith.shli %shift_right_logical3A_119, %shift_left3A_733 : vector<128x128xi32>
    %or3A_735 = arith.ori %shift_right_logical3A_98, %shift_left3A_734 : vector<128x128xi32>
    %bitcast_convert_type3A_736 = tpu.bitcast %or3A_735 : vector<128x128xi32> -> vector<128x128xi32>
    %swap3A_737 = arith.constant 0 : index
    %swap3A_738 = arith.constant 4 : index
    %swap3A_739 = arith.constant 0 : index
    %swap3A_740 = arith.constant 0 : index
    %swap3A_741 = vector.load %arg2[%swap3A_737, %swap3A_738, %swap3A_739, %swap3A_740] : memref<1x32x128x128xi32, #tpu.memory_space<vmem>>, vector<1x1x128x128xi32>
    %swap3A_742 = vector.shape_cast %swap3A_741 : vector<1x1x128x128xi32> to vector<128x128xi32>
    %swap3A_743 = vector.shape_cast %bitcast_convert_type3A_736 : vector<128x128xi32> to vector<1x1x128x128xi32>
    tpu.vector_store %arg2[%swap3A_737, %swap3A_738, %swap3A_739, %swap3A_740], %swap3A_743 {strides = array<i32>} : memref<1x32x128x128xi32, #tpu.memory_space<vmem>>, vector<1x1x128x128xi32>,
    %shift_left3A_744 = arith.constant 16 : i32
    %shift_left3A_745 = vector.broadcast %shift_left3A_744 : i32 to vector<128x128xi32>
    %shift_left3A_746 = arith.shli %shift_right_logical3A_140, %shift_left3A_745 : vector<128x128xi32>
    %or3A_747 = arith.ori %shift_right_logical3A_119, %shift_left3A_746 : vector<128x128xi32>
    %bitcast_convert_type3A_748 = tpu.bitcast %or3A_747 : vector<128x128xi32> -> vector<128x128xi32>
    %swap3A_749 = arith.constant 0 : index
    %swap3A_750 = arith.constant 5 : index
    %swap3A_751 = arith.constant 0 : index
    %swap3A_752 = arith.constant 0 : index
    %swap3A_753 = vector.load %arg2[%swap3A_749, %swap3A_750, %swap3A_751, %swap3A_752] : memref<1x32x128x128xi32, #tpu.memory_space<vmem>>, vector<1x1x128x128xi32>
    %swap3A_754 = vector.shape_cast %swap3A_753 : vector<1x1x128x128xi32> to vector<128x128xi32>
    %swap3A_755 = vector.shape_cast %bitcast_convert_type3A_748 : vector<128x128xi32> to vector<1x1x128x128xi32>
    tpu.vector_store %arg2[%swap3A_749, %swap3A_750, %swap3A_751, %swap3A_752], %swap3A_755 {strides = array<i32>} : memref<1x32x128x128xi32, #tpu.memory_space<vmem>>, vector<1x1x128x128xi32>,
    %shift_left3A_756 = arith.constant 16 : i32
    %shift_left3A_757 = vector.broadcast %shift_left3A_756 : i32 to vector<128x128xi32>
    %shift_left3A_758 = arith.shli %shift_right_logical3A_161, %shift_left3A_757 : vector<128x128xi32>
    %or3A_759 = arith.ori %shift_right_logical3A_140, %shift_left3A_758 : vector<128x128xi32>
    %bitcast_convert_type3A_760 = tpu.bitcast %or3A_759 : vector<128x128xi32> -> vector<128x128xi32>
    %swap3A_761 = arith.constant 0 : index
    %swap3A_762 = arith.constant 6 : index
    %swap3A_763 = arith.constant 0 : index
    %swap3A_764 = arith.constant 0 : index
    %swap3A_765 = vector.load %arg2[%swap3A_761, %swap3A_762, %swap3A_763, %swap3A_764] : memref<1x32x128x128xi32, #tpu.memory_space<vmem>>, vector<1x1x128x128xi32>
    %swap3A_766 = vector.shape_cast %swap3A_765 : vector<1x1x128x128xi32> to vector<128x128xi32>
    %swap3A_767 = vector.shape_cast %bitcast_convert_type3A_760 : vector<128x128xi32> to vector<1x1x128x128xi32>
    tpu.vector_store %arg2[%swap3A_761, %swap3A_762, %swap3A_763, %swap3A_764], %swap3A_767 {strides = array<i32>} : memref<1x32x128x128xi32, #tpu.memory_space<vmem>>, vector<1x1x128x128xi32>,
    %shift_left3A_768 = arith.constant 16 : i32
    %shift_left3A_769 = vector.broadcast %shift_left3A_768 : i32 to vector<128x128xi32>
    %shift_left3A_770 = arith.shli %shift_right_logical3A_182, %shift_left3A_769 : vector<128x128xi32>
    %or3A_771 = arith.ori %shift_right_logical3A_161, %shift_left3A_770 : vector<128x128xi32>
    %bitcast_convert_type3A_772 = tpu.bitcast %or3A_771 : vector<128x128xi32> -> vector<128x128xi32>
    %swap3A_773 = arith.constant 0 : index
    %swap3A_774 = arith.constant 7 : index
    %swap3A_775 = arith.constant 0 : index
    %swap3A_776 = arith.constant 0 : index
    %swap3A_777 = vector.load %arg2[%swap3A_773, %swap3A_774, %swap3A_775, %swap3A_776] : memref<1x32x128x128xi32, #tpu.memory_space<vmem>>, vector<1x1x128x128xi32>
    %swap3A_778 = vector.shape_cast %swap3A_777 : vector<1x1x128x128xi32> to vector<128x128xi32>
    %swap3A_779 = vector.shape_cast %bitcast_convert_type3A_772 : vector<128x128xi32> to vector<1x1x128x128xi32>
    tpu.vector_store %arg2[%swap3A_773, %swap3A_774, %swap3A_775, %swap3A_776], %swap3A_779 {strides = array<i32>} : memref<1x32x128x128xi32, #tpu.memory_space<vmem>>, vector<1x1x128x128xi32>,
    %shift_left3A_780 = arith.constant 16 : i32
    %shift_left3A_781 = vector.broadcast %shift_left3A_780 : i32 to vector<128x128xi32>
    %shift_left3A_782 = arith.shli %shift_right_logical3A_203, %shift_left3A_781 : vector<128x128xi32>
    %or3A_783 = arith.ori %shift_right_logical3A_182, %shift_left3A_782 : vector<128x128xi32>
    %bitcast_convert_type3A_784 = tpu.bitcast %or3A_783 : vector<128x128xi32> -> vector<128x128xi32>
    %swap3A_785 = arith.constant 0 : index
    %swap3A_786 = arith.constant 8 : index
    %swap3A_787 = arith.constant 0 : index
    %swap3A_788 = arith.constant 0 : index
    %swap3A_789 = vector.load %arg2[%swap3A_785, %swap3A_786, %swap3A_787, %swap3A_788] : memref<1x32x128x128xi32, #tpu.memory_space<vmem>>, vector<1x1x128x128xi32>
    %swap3A_790 = vector.shape_cast %swap3A_789 : vector<1x1x128x128xi32> to vector<128x128xi32>
    %swap3A_791 = vector.shape_cast %bitcast_convert_type3A_784 : vector<128x128xi32> to vector<1x1x128x128xi32>
    tpu.vector_store %arg2[%swap3A_785, %swap3A_786, %swap3A_787, %swap3A_788], %swap3A_791 {strides = array<i32>} : memref<1x32x128x128xi32, #tpu.memory_space<vmem>>, vector<1x1x128x128xi32>,
    %shift_left3A_792 = arith.constant 16 : i32
    %shift_left3A_793 = vector.broadcast %shift_left3A_792 : i32 to vector<128x128xi32>
    %shift_left3A_794 = arith.shli %shift_right_logical3A_224, %shift_left3A_793 : vector<128x128xi32>
    %or3A_795 = arith.ori %shift_right_logical3A_203, %shift_left3A_794 : vector<128x128xi32>
    %bitcast_convert_type3A_796 = tpu.bitcast %or3A_795 : vector<128x128xi32> -> vector<128x128xi32>
    %swap3A_797 = arith.constant 0 : index
    %swap3A_798 = arith.constant 9 : index
    %swap3A_799 = arith.constant 0 : index
    %swap3A_800 = arith.constant 0 : index
    %swap3A_801 = vector.load %arg2[%swap3A_797, %swap3A_798, %swap3A_799, %swap3A_800] : memref<1x32x128x128xi32, #tpu.memory_space<vmem>>, vector<1x1x128x128xi32>
    %swap3A_802 = vector.shape_cast %swap3A_801 : vector<1x1x128x128xi32> to vector<128x128xi32>
    %swap3A_803 = vector.shape_cast %bitcast_convert_type3A_796 : vector<128x128xi32> to vector<1x1x128x128xi32>
    tpu.vector_store %arg2[%swap3A_797, %swap3A_798, %swap3A_799, %swap3A_800], %swap3A_803 {strides = array<i32>} : memref<1x32x128x128xi32, #tpu.memory_space<vmem>>, vector<1x1x128x128xi32>,
    %shift_left3A_804 = arith.constant 16 : i32
    %shift_left3A_805 = vector.broadcast %shift_left3A_804 : i32 to vector<128x128xi32>
    %shift_left3A_806 = arith.shli %shift_right_logical3A_245, %shift_left3A_805 : vector<128x128xi32>
    %or3A_807 = arith.ori %shift_right_logical3A_224, %shift_left3A_806 : vector<128x128xi32>
    %bitcast_convert_type3A_808 = tpu.bitcast %or3A_807 : vector<128x128xi32> -> vector<128x128xi32>
    %swap3A_809 = arith.constant 0 : index
    %swap3A_810 = arith.constant 10 : index
    %swap3A_811 = arith.constant 0 : index
    %swap3A_812 = arith.constant 0 : index
    %swap3A_813 = vector.load %arg2[%swap3A_809, %swap3A_810, %swap3A_811, %swap3A_812] : memref<1x32x128x128xi32, #tpu.memory_space<vmem>>, vector<1x1x128x128xi32>
    %swap3A_814 = vector.shape_cast %swap3A_813 : vector<1x1x128x128xi32> to vector<128x128xi32>
    %swap3A_815 = vector.shape_cast %bitcast_convert_type3A_808 : vector<128x128xi32> to vector<1x1x128x128xi32>
    tpu.vector_store %arg2[%swap3A_809, %swap3A_810, %swap3A_811, %swap3A_812], %swap3A_815 {strides = array<i32>} : memref<1x32x128x128xi32, #tpu.memory_space<vmem>>, vector<1x1x128x128xi32>,
    %shift_left3A_816 = arith.constant 16 : i32
    %shift_left3A_817 = vector.broadcast %shift_left3A_816 : i32 to vector<128x128xi32>
    %shift_left3A_818 = arith.shli %shift_right_logical3A_266, %shift_left3A_817 : vector<128x128xi32>
    %or3A_819 = arith.ori %shift_right_logical3A_245, %shift_left3A_818 : vector<128x128xi32>
    %bitcast_convert_type3A_820 = tpu.bitcast %or3A_819 : vector<128x128xi32> -> vector<128x128xi32>
    %swap3A_821 = arith.constant 0 : index
    %swap3A_822 = arith.constant 11 : index
    %swap3A_823 = arith.constant 0 : index
    %swap3A_824 = arith.constant 0 : index
    %swap3A_825 = vector.load %arg2[%swap3A_821, %swap3A_822, %swap3A_823, %swap3A_824] : memref<1x32x128x128xi32, #tpu.memory_space<vmem>>, vector<1x1x128x128xi32>
    %swap3A_826 = vector.shape_cast %swap3A_825 : vector<1x1x128x128xi32> to vector<128x128xi32>
    %swap3A_827 = vector.shape_cast %bitcast_convert_type3A_820 : vector<128x128xi32> to vector<1x1x128x128xi32>
    tpu.vector_store %arg2[%swap3A_821, %swap3A_822, %swap3A_823, %swap3A_824], %swap3A_827 {strides = array<i32>} : memref<1x32x128x128xi32, #tpu.memory_space<vmem>>, vector<1x1x128x128xi32>,
    %shift_left3A_828 = arith.constant 16 : i32
    %shift_left3A_829 = vector.broadcast %shift_left3A_828 : i32 to vector<128x128xi32>
    %shift_left3A_830 = arith.shli %shift_right_logical3A_287, %shift_left3A_829 : vector<128x128xi32>
    %or3A_831 = arith.ori %shift_right_logical3A_266, %shift_left3A_830 : vector<128x128xi32>
    %bitcast_convert_type3A_832 = tpu.bitcast %or3A_831 : vector<128x128xi32> -> vector<128x128xi32>
    %swap3A_833 = arith.constant 0 : index
    %swap3A_834 = arith.constant 12 : index
    %swap3A_835 = arith.constant 0 : index
    %swap3A_836 = arith.constant 0 : index
    %swap3A_837 = vector.load %arg2[%swap3A_833, %swap3A_834, %swap3A_835, %swap3A_836] : memref<1x32x128x128xi32, #tpu.memory_space<vmem>>, vector<1x1x128x128xi32>
    %swap3A_838 = vector.shape_cast %swap3A_837 : vector<1x1x128x128xi32> to vector<128x128xi32>
    %swap3A_839 = vector.shape_cast %bitcast_convert_type3A_832 : vector<128x128xi32> to vector<1x1x128x128xi32>
    tpu.vector_store %arg2[%swap3A_833, %swap3A_834, %swap3A_835, %swap3A_836], %swap3A_839 {strides = array<i32>} : memref<1x32x128x128xi32, #tpu.memory_space<vmem>>, vector<1x1x128x128xi32>,
    %shift_left3A_840 = arith.constant 16 : i32
    %shift_left3A_841 = vector.broadcast %shift_left3A_840 : i32 to vector<128x128xi32>
    %shift_left3A_842 = arith.shli %shift_right_logical3A_308, %shift_left3A_841 : vector<128x128xi32>
    %or3A_843 = arith.ori %shift_right_logical3A_287, %shift_left3A_842 : vector<128x128xi32>
    %bitcast_convert_type3A_844 = tpu.bitcast %or3A_843 : vector<128x128xi32> -> vector<128x128xi32>
    %swap3A_845 = arith.constant 0 : index
    %swap3A_846 = arith.constant 13 : index
    %swap3A_847 = arith.constant 0 : index
    %swap3A_848 = arith.constant 0 : index
    %swap3A_849 = vector.load %arg2[%swap3A_845, %swap3A_846, %swap3A_847, %swap3A_848] : memref<1x32x128x128xi32, #tpu.memory_space<vmem>>, vector<1x1x128x128xi32>
    %swap3A_850 = vector.shape_cast %swap3A_849 : vector<1x1x128x128xi32> to vector<128x128xi32>
    %swap3A_851 = vector.shape_cast %bitcast_convert_type3A_844 : vector<128x128xi32> to vector<1x1x128x128xi32>
    tpu.vector_store %arg2[%swap3A_845, %swap3A_846, %swap3A_847, %swap3A_848], %swap3A_851 {strides = array<i32>} : memref<1x32x128x128xi32, #tpu.memory_space<vmem>>, vector<1x1x128x128xi32>,
    %shift_left3A_852 = arith.constant 16 : i32
    %shift_left3A_853 = vector.broadcast %shift_left3A_852 : i32 to vector<128x128xi32>
    %shift_left3A_854 = arith.shli %shift_right_logical3A_329, %shift_left3A_853 : vector<128x128xi32>
    %or3A_855 = arith.ori %shift_right_logical3A_308, %shift_left3A_854 : vector<128x128xi32>
    %bitcast_convert_type3A_856 = tpu.bitcast %or3A_855 : vector<128x128xi32> -> vector<128x128xi32>
    %swap3A_857 = arith.constant 0 : index
    %swap3A_858 = arith.constant 14 : index
    %swap3A_859 = arith.constant 0 : index
    %swap3A_860 = arith.constant 0 : index
    %swap3A_861 = vector.load %arg2[%swap3A_857, %swap3A_858, %swap3A_859, %swap3A_860] : memref<1x32x128x128xi32, #tpu.memory_space<vmem>>, vector<1x1x128x128xi32>
    %swap3A_862 = vector.shape_cast %swap3A_861 : vector<1x1x128x128xi32> to vector<128x128xi32>
    %swap3A_863 = vector.shape_cast %bitcast_convert_type3A_856 : vector<128x128xi32> to vector<1x1x128x128xi32>
    tpu.vector_store %arg2[%swap3A_857, %swap3A_858, %swap3A_859, %swap3A_860], %swap3A_863 {strides = array<i32>} : memref<1x32x128x128xi32, #tpu.memory_space<vmem>>, vector<1x1x128x128xi32>,
    %shift_left3A_864 = arith.constant 16 : i32
    %shift_left3A_865 = vector.broadcast %shift_left3A_864 : i32 to vector<128x128xi32>
    %shift_left3A_866 = arith.shli %shift_right_logical3A_350, %shift_left3A_865 : vector<128x128xi32>
    %or3A_867 = arith.ori %shift_right_logical3A_329, %shift_left3A_866 : vector<128x128xi32>
    %bitcast_convert_type3A_868 = tpu.bitcast %or3A_867 : vector<128x128xi32> -> vector<128x128xi32>
    %swap3A_869 = arith.constant 0 : index
    %swap3A_870 = arith.constant 15 : index
    %swap3A_871 = arith.constant 0 : index
    %swap3A_872 = arith.constant 0 : index
    %swap3A_873 = vector.load %arg2[%swap3A_869, %swap3A_870, %swap3A_871, %swap3A_872] : memref<1x32x128x128xi32, #tpu.memory_space<vmem>>, vector<1x1x128x128xi32>
    %swap3A_874 = vector.shape_cast %swap3A_873 : vector<1x1x128x128xi32> to vector<128x128xi32>
    %swap3A_875 = vector.shape_cast %bitcast_convert_type3A_868 : vector<128x128xi32> to vector<1x1x128x128xi32>
    tpu.vector_store %arg2[%swap3A_869, %swap3A_870, %swap3A_871, %swap3A_872], %swap3A_875 {strides = array<i32>} : memref<1x32x128x128xi32, #tpu.memory_space<vmem>>, vector<1x1x128x128xi32>,
    %shift_left3A_876 = arith.constant 16 : i32
    %shift_left3A_877 = vector.broadcast %shift_left3A_876 : i32 to vector<128x128xi32>
    %shift_left3A_878 = arith.shli %shift_right_logical3A_371, %shift_left3A_877 : vector<128x128xi32>
    %or3A_879 = arith.ori %shift_right_logical3A_350, %shift_left3A_878 : vector<128x128xi32>
    %bitcast_convert_type3A_880 = tpu.bitcast %or3A_879 : vector<128x128xi32> -> vector<128x128xi32>
    %swap3A_881 = arith.constant 0 : index
    %swap3A_882 = arith.constant 16 : index
    %swap3A_883 = arith.constant 0 : index
    %swap3A_884 = arith.constant 0 : index
    %swap3A_885 = vector.load %arg2[%swap3A_881, %swap3A_882, %swap3A_883, %swap3A_884] : memref<1x32x128x128xi32, #tpu.memory_space<vmem>>, vector<1x1x128x128xi32>
    %swap3A_886 = vector.shape_cast %swap3A_885 : vector<1x1x128x128xi32> to vector<128x128xi32>
    %swap3A_887 = vector.shape_cast %bitcast_convert_type3A_880 : vector<128x128xi32> to vector<1x1x128x128xi32>
    tpu.vector_store %arg2[%swap3A_881, %swap3A_882, %swap3A_883, %swap3A_884], %swap3A_887 {strides = array<i32>} : memref<1x32x128x128xi32, #tpu.memory_space<vmem>>, vector<1x1x128x128xi32>,
    %shift_left3A_888 = arith.constant 16 : i32
    %shift_left3A_889 = vector.broadcast %shift_left3A_888 : i32 to vector<128x128xi32>
    %shift_left3A_890 = arith.shli %shift_right_logical3A_392, %shift_left3A_889 : vector<128x128xi32>
    %or3A_891 = arith.ori %shift_right_logical3A_371, %shift_left3A_890 : vector<128x128xi32>
    %bitcast_convert_type3A_892 = tpu.bitcast %or3A_891 : vector<128x128xi32> -> vector<128x128xi32>
    %swap3A_893 = arith.constant 0 : index
    %swap3A_894 = arith.constant 17 : index
    %swap3A_895 = arith.constant 0 : index
    %swap3A_896 = arith.constant 0 : index
    %swap3A_897 = vector.load %arg2[%swap3A_893, %swap3A_894, %swap3A_895, %swap3A_896] : memref<1x32x128x128xi32, #tpu.memory_space<vmem>>, vector<1x1x128x128xi32>
    %swap3A_898 = vector.shape_cast %swap3A_897 : vector<1x1x128x128xi32> to vector<128x128xi32>
    %swap3A_899 = vector.shape_cast %bitcast_convert_type3A_892 : vector<128x128xi32> to vector<1x1x128x128xi32>
    tpu.vector_store %arg2[%swap3A_893, %swap3A_894, %swap3A_895, %swap3A_896], %swap3A_899 {strides = array<i32>} : memref<1x32x128x128xi32, #tpu.memory_space<vmem>>, vector<1x1x128x128xi32>,
    %shift_left3A_900 = arith.constant 16 : i32
    %shift_left3A_901 = vector.broadcast %shift_left3A_900 : i32 to vector<128x128xi32>
    %shift_left3A_902 = arith.shli %shift_right_logical3A_413, %shift_left3A_901 : vector<128x128xi32>
    %or3A_903 = arith.ori %shift_right_logical3A_392, %shift_left3A_902 : vector<128x128xi32>
    %bitcast_convert_type3A_904 = tpu.bitcast %or3A_903 : vector<128x128xi32> -> vector<128x128xi32>
    %swap3A_905 = arith.constant 0 : index
    %swap3A_906 = arith.constant 18 : index
    %swap3A_907 = arith.constant 0 : index
    %swap3A_908 = arith.constant 0 : index
    %swap3A_909 = vector.load %arg2[%swap3A_905, %swap3A_906, %swap3A_907, %swap3A_908] : memref<1x32x128x128xi32, #tpu.memory_space<vmem>>, vector<1x1x128x128xi32>
    %swap3A_910 = vector.shape_cast %swap3A_909 : vector<1x1x128x128xi32> to vector<128x128xi32>
    %swap3A_911 = vector.shape_cast %bitcast_convert_type3A_904 : vector<128x128xi32> to vector<1x1x128x128xi32>
    tpu.vector_store %arg2[%swap3A_905, %swap3A_906, %swap3A_907, %swap3A_908], %swap3A_911 {strides = array<i32>} : memref<1x32x128x128xi32, #tpu.memory_space<vmem>>, vector<1x1x128x128xi32>,
    %shift_left3A_912 = arith.constant 16 : i32
    %shift_left3A_913 = vector.broadcast %shift_left3A_912 : i32 to vector<128x128xi32>
    %shift_left3A_914 = arith.shli %shift_right_logical3A_434, %shift_left3A_913 : vector<128x128xi32>
    %or3A_915 = arith.ori %shift_right_logical3A_413, %shift_left3A_914 : vector<128x128xi32>
    %bitcast_convert_type3A_916 = tpu.bitcast %or3A_915 : vector<128x128xi32> -> vector<128x128xi32>
    %swap3A_917 = arith.constant 0 : index
    %swap3A_918 = arith.constant 19 : index
    %swap3A_919 = arith.constant 0 : index
    %swap3A_920 = arith.constant 0 : index
    %swap3A_921 = vector.load %arg2[%swap3A_917, %swap3A_918, %swap3A_919, %swap3A_920] : memref<1x32x128x128xi32, #tpu.memory_space<vmem>>, vector<1x1x128x128xi32>
    %swap3A_922 = vector.shape_cast %swap3A_921 : vector<1x1x128x128xi32> to vector<128x128xi32>
    %swap3A_923 = vector.shape_cast %bitcast_convert_type3A_916 : vector<128x128xi32> to vector<1x1x128x128xi32>
    tpu.vector_store %arg2[%swap3A_917, %swap3A_918, %swap3A_919, %swap3A_920], %swap3A_923 {strides = array<i32>} : memref<1x32x128x128xi32, #tpu.memory_space<vmem>>, vector<1x1x128x128xi32>,
    %shift_left3A_924 = arith.constant 16 : i32
    %shift_left3A_925 = vector.broadcast %shift_left3A_924 : i32 to vector<128x128xi32>
    %shift_left3A_926 = arith.shli %shift_right_logical3A_455, %shift_left3A_925 : vector<128x128xi32>
    %or3A_927 = arith.ori %shift_right_logical3A_434, %shift_left3A_926 : vector<128x128xi32>
    %bitcast_convert_type3A_928 = tpu.bitcast %or3A_927 : vector<128x128xi32> -> vector<128x128xi32>
    %swap3A_929 = arith.constant 0 : index
    %swap3A_930 = arith.constant 20 : index
    %swap3A_931 = arith.constant 0 : index
    %swap3A_932 = arith.constant 0 : index
    %swap3A_933 = vector.load %arg2[%swap3A_929, %swap3A_930, %swap3A_931, %swap3A_932] : memref<1x32x128x128xi32, #tpu.memory_space<vmem>>, vector<1x1x128x128xi32>
    %swap3A_934 = vector.shape_cast %swap3A_933 : vector<1x1x128x128xi32> to vector<128x128xi32>
    %swap3A_935 = vector.shape_cast %bitcast_convert_type3A_928 : vector<128x128xi32> to vector<1x1x128x128xi32>
    tpu.vector_store %arg2[%swap3A_929, %swap3A_930, %swap3A_931, %swap3A_932], %swap3A_935 {strides = array<i32>} : memref<1x32x128x128xi32, #tpu.memory_space<vmem>>, vector<1x1x128x128xi32>,
    %shift_left3A_936 = arith.constant 16 : i32
    %shift_left3A_937 = vector.broadcast %shift_left3A_936 : i32 to vector<128x128xi32>
    %shift_left3A_938 = arith.shli %shift_right_logical3A_476, %shift_left3A_937 : vector<128x128xi32>
    %or3A_939 = arith.ori %shift_right_logical3A_455, %shift_left3A_938 : vector<128x128xi32>
    %bitcast_convert_type3A_940 = tpu.bitcast %or3A_939 : vector<128x128xi32> -> vector<128x128xi32>
    %swap3A_941 = arith.constant 0 : index
    %swap3A_942 = arith.constant 21 : index
    %swap3A_943 = arith.constant 0 : index
    %swap3A_944 = arith.constant 0 : index
    %swap3A_945 = vector.load %arg2[%swap3A_941, %swap3A_942, %swap3A_943, %swap3A_944] : memref<1x32x128x128xi32, #tpu.memory_space<vmem>>, vector<1x1x128x128xi32>
    %swap3A_946 = vector.shape_cast %swap3A_945 : vector<1x1x128x128xi32> to vector<128x128xi32>
    %swap3A_947 = vector.shape_cast %bitcast_convert_type3A_940 : vector<128x128xi32> to vector<1x1x128x128xi32>
    tpu.vector_store %arg2[%swap3A_941, %swap3A_942, %swap3A_943, %swap3A_944], %swap3A_947 {strides = array<i32>} : memref<1x32x128x128xi32, #tpu.memory_space<vmem>>, vector<1x1x128x128xi32>,
    %shift_left3A_948 = arith.constant 16 : i32
    %shift_left3A_949 = vector.broadcast %shift_left3A_948 : i32 to vector<128x128xi32>
    %shift_left3A_950 = arith.shli %shift_right_logical3A_497, %shift_left3A_949 : vector<128x128xi32>
    %or3A_951 = arith.ori %shift_right_logical3A_476, %shift_left3A_950 : vector<128x128xi32>
    %bitcast_convert_type3A_952 = tpu.bitcast %or3A_951 : vector<128x128xi32> -> vector<128x128xi32>
    %swap3A_953 = arith.constant 0 : index
    %swap3A_954 = arith.constant 22 : index
    %swap3A_955 = arith.constant 0 : index
    %swap3A_956 = arith.constant 0 : index
    %swap3A_957 = vector.load %arg2[%swap3A_953, %swap3A_954, %swap3A_955, %swap3A_956] : memref<1x32x128x128xi32, #tpu.memory_space<vmem>>, vector<1x1x128x128xi32>
    %swap3A_958 = vector.shape_cast %swap3A_957 : vector<1x1x128x128xi32> to vector<128x128xi32>
    %swap3A_959 = vector.shape_cast %bitcast_convert_type3A_952 : vector<128x128xi32> to vector<1x1x128x128xi32>
    tpu.vector_store %arg2[%swap3A_953, %swap3A_954, %swap3A_955, %swap3A_956], %swap3A_959 {strides = array<i32>} : memref<1x32x128x128xi32, #tpu.memory_space<vmem>>, vector<1x1x128x128xi32>,
    %shift_left3A_960 = arith.constant 16 : i32
    %shift_left3A_961 = vector.broadcast %shift_left3A_960 : i32 to vector<128x128xi32>
    %shift_left3A_962 = arith.shli %shift_right_logical3A_518, %shift_left3A_961 : vector<128x128xi32>
    %or3A_963 = arith.ori %shift_right_logical3A_497, %shift_left3A_962 : vector<128x128xi32>
    %bitcast_convert_type3A_964 = tpu.bitcast %or3A_963 : vector<128x128xi32> -> vector<128x128xi32>
    %swap3A_965 = arith.constant 0 : index
    %swap3A_966 = arith.constant 23 : index
    %swap3A_967 = arith.constant 0 : index
    %swap3A_968 = arith.constant 0 : index
    %swap3A_969 = vector.load %arg2[%swap3A_965, %swap3A_966, %swap3A_967, %swap3A_968] : memref<1x32x128x128xi32, #tpu.memory_space<vmem>>, vector<1x1x128x128xi32>
    %swap3A_970 = vector.shape_cast %swap3A_969 : vector<1x1x128x128xi32> to vector<128x128xi32>
    %swap3A_971 = vector.shape_cast %bitcast_convert_type3A_964 : vector<128x128xi32> to vector<1x1x128x128xi32>
    tpu.vector_store %arg2[%swap3A_965, %swap3A_966, %swap3A_967, %swap3A_968], %swap3A_971 {strides = array<i32>} : memref<1x32x128x128xi32, #tpu.memory_space<vmem>>, vector<1x1x128x128xi32>,
    %shift_left3A_972 = arith.constant 16 : i32
    %shift_left3A_973 = vector.broadcast %shift_left3A_972 : i32 to vector<128x128xi32>
    %shift_left3A_974 = arith.shli %shift_right_logical3A_539, %shift_left3A_973 : vector<128x128xi32>
    %or3A_975 = arith.ori %shift_right_logical3A_518, %shift_left3A_974 : vector<128x128xi32>
    %bitcast_convert_type3A_976 = tpu.bitcast %or3A_975 : vector<128x128xi32> -> vector<128x128xi32>
    %swap3A_977 = arith.constant 0 : index
    %swap3A_978 = arith.constant 24 : index
    %swap3A_979 = arith.constant 0 : index
    %swap3A_980 = arith.constant 0 : index
    %swap3A_981 = vector.load %arg2[%swap3A_977, %swap3A_978, %swap3A_979, %swap3A_980] : memref<1x32x128x128xi32, #tpu.memory_space<vmem>>, vector<1x1x128x128xi32>
    %swap3A_982 = vector.shape_cast %swap3A_981 : vector<1x1x128x128xi32> to vector<128x128xi32>
    %swap3A_983 = vector.shape_cast %bitcast_convert_type3A_976 : vector<128x128xi32> to vector<1x1x128x128xi32>
    tpu.vector_store %arg2[%swap3A_977, %swap3A_978, %swap3A_979, %swap3A_980], %swap3A_983 {strides = array<i32>} : memref<1x32x128x128xi32, #tpu.memory_space<vmem>>, vector<1x1x128x128xi32>,
    %shift_left3A_984 = arith.constant 16 : i32
    %shift_left3A_985 = vector.broadcast %shift_left3A_984 : i32 to vector<128x128xi32>
    %shift_left3A_986 = arith.shli %shift_right_logical3A_560, %shift_left3A_985 : vector<128x128xi32>
    %or3A_987 = arith.ori %shift_right_logical3A_539, %shift_left3A_986 : vector<128x128xi32>
    %bitcast_convert_type3A_988 = tpu.bitcast %or3A_987 : vector<128x128xi32> -> vector<128x128xi32>
    %swap3A_989 = arith.constant 0 : index
    %swap3A_990 = arith.constant 25 : index
    %swap3A_991 = arith.constant 0 : index
    %swap3A_992 = arith.constant 0 : index
    %swap3A_993 = vector.load %arg2[%swap3A_989, %swap3A_990, %swap3A_991, %swap3A_992] : memref<1x32x128x128xi32, #tpu.memory_space<vmem>>, vector<1x1x128x128xi32>
    %swap3A_994 = vector.shape_cast %swap3A_993 : vector<1x1x128x128xi32> to vector<128x128xi32>
    %swap3A_995 = vector.shape_cast %bitcast_convert_type3A_988 : vector<128x128xi32> to vector<1x1x128x128xi32>
    tpu.vector_store %arg2[%swap3A_989, %swap3A_990, %swap3A_991, %swap3A_992], %swap3A_995 {strides = array<i32>} : memref<1x32x128x128xi32, #tpu.memory_space<vmem>>, vector<1x1x128x128xi32>,
    %shift_left3A_996 = arith.constant 16 : i32
    %shift_left3A_997 = vector.broadcast %shift_left3A_996 : i32 to vector<128x128xi32>
    %shift_left3A_998 = arith.shli %shift_right_logical3A_581, %shift_left3A_997 : vector<128x128xi32>
    %or3A_999 = arith.ori %shift_right_logical3A_560, %shift_left3A_998 : vector<128x128xi32>
    %bitcast_convert_type3A_1000 = tpu.bitcast %or3A_999 : vector<128x128xi32> -> vector<128x128xi32>
    %swap3A_1001 = arith.constant 0 : index
    %swap3A_1002 = arith.constant 26 : index
    %swap3A_1003 = arith.constant 0 : index
    %swap3A_1004 = arith.constant 0 : index
    %swap3A_1005 = vector.load %arg2[%swap3A_1001, %swap3A_1002, %swap3A_1003, %swap3A_1004] : memref<1x32x128x128xi32, #tpu.memory_space<vmem>>, vector<1x1x128x128xi32>
    %swap3A_1006 = vector.shape_cast %swap3A_1005 : vector<1x1x128x128xi32> to vector<128x128xi32>
    %swap3A_1007 = vector.shape_cast %bitcast_convert_type3A_1000 : vector<128x128xi32> to vector<1x1x128x128xi32>
    tpu.vector_store %arg2[%swap3A_1001, %swap3A_1002, %swap3A_1003, %swap3A_1004], %swap3A_1007 {strides = array<i32>} : memref<1x32x128x128xi32, #tpu.memory_space<vmem>>, vector<1x1x128x128xi32>,
    %shift_left3A_1008 = arith.constant 16 : i32
    %shift_left3A_1009 = vector.broadcast %shift_left3A_1008 : i32 to vector<128x128xi32>
    %shift_left3A_1010 = arith.shli %shift_right_logical3A_602, %shift_left3A_1009 : vector<128x128xi32>
    %or3A_1011 = arith.ori %shift_right_logical3A_581, %shift_left3A_1010 : vector<128x128xi32>
    %bitcast_convert_type3A_1012 = tpu.bitcast %or3A_1011 : vector<128x128xi32> -> vector<128x128xi32>
    %swap3A_1013 = arith.constant 0 : index
    %swap3A_1014 = arith.constant 27 : index
    %swap3A_1015 = arith.constant 0 : index
    %swap3A_1016 = arith.constant 0 : index
    %swap3A_1017 = vector.load %arg2[%swap3A_1013, %swap3A_1014, %swap3A_1015, %swap3A_1016] : memref<1x32x128x128xi32, #tpu.memory_space<vmem>>, vector<1x1x128x128xi32>
    %swap3A_1018 = vector.shape_cast %swap3A_1017 : vector<1x1x128x128xi32> to vector<128x128xi32>
    %swap3A_1019 = vector.shape_cast %bitcast_convert_type3A_1012 : vector<128x128xi32> to vector<1x1x128x128xi32>
    tpu.vector_store %arg2[%swap3A_1013, %swap3A_1014, %swap3A_1015, %swap3A_1016], %swap3A_1019 {strides = array<i32>} : memref<1x32x128x128xi32, #tpu.memory_space<vmem>>, vector<1x1x128x128xi32>,
    %shift_left3A_1020 = arith.constant 16 : i32
    %shift_left3A_1021 = vector.broadcast %shift_left3A_1020 : i32 to vector<128x128xi32>
    %shift_left3A_1022 = arith.shli %shift_right_logical3A_623, %shift_left3A_1021 : vector<128x128xi32>
    %or3A_1023 = arith.ori %shift_right_logical3A_602, %shift_left3A_1022 : vector<128x128xi32>
    %bitcast_convert_type3A_1024 = tpu.bitcast %or3A_1023 : vector<128x128xi32> -> vector<128x128xi32>
    %swap3A_1025 = arith.constant 0 : index
    %swap3A_1026 = arith.constant 28 : index
    %swap3A_1027 = arith.constant 0 : index
    %swap3A_1028 = arith.constant 0 : index
    %swap3A_1029 = vector.load %arg2[%swap3A_1025, %swap3A_1026, %swap3A_1027, %swap3A_1028] : memref<1x32x128x128xi32, #tpu.memory_space<vmem>>, vector<1x1x128x128xi32>
    %swap3A_1030 = vector.shape_cast %swap3A_1029 : vector<1x1x128x128xi32> to vector<128x128xi32>
    %swap3A_1031 = vector.shape_cast %bitcast_convert_type3A_1024 : vector<128x128xi32> to vector<1x1x128x128xi32>
    tpu.vector_store %arg2[%swap3A_1025, %swap3A_1026, %swap3A_1027, %swap3A_1028], %swap3A_1031 {strides = array<i32>} : memref<1x32x128x128xi32, #tpu.memory_space<vmem>>, vector<1x1x128x128xi32>,
    %shift_left3A_1032 = arith.constant 16 : i32
    %shift_left3A_1033 = vector.broadcast %shift_left3A_1032 : i32 to vector<128x128xi32>
    %shift_left3A_1034 = arith.shli %shift_right_logical3A_644, %shift_left3A_1033 : vector<128x128xi32>
    %or3A_1035 = arith.ori %shift_right_logical3A_623, %shift_left3A_1034 : vector<128x128xi32>
    %bitcast_convert_type3A_1036 = tpu.bitcast %or3A_1035 : vector<128x128xi32> -> vector<128x128xi32>
    %swap3A_1037 = arith.constant 0 : index
    %swap3A_1038 = arith.constant 29 : index
    %swap3A_1039 = arith.constant 0 : index
    %swap3A_1040 = arith.constant 0 : index
    %swap3A_1041 = vector.load %arg2[%swap3A_1037, %swap3A_1038, %swap3A_1039, %swap3A_1040] : memref<1x32x128x128xi32, #tpu.memory_space<vmem>>, vector<1x1x128x128xi32>
    %swap3A_1042 = vector.shape_cast %swap3A_1041 : vector<1x1x128x128xi32> to vector<128x128xi32>
    %swap3A_1043 = vector.shape_cast %bitcast_convert_type3A_1036 : vector<128x128xi32> to vector<1x1x128x128xi32>
    tpu.vector_store %arg2[%swap3A_1037, %swap3A_1038, %swap3A_1039, %swap3A_1040], %swap3A_1043 {strides = array<i32>} : memref<1x32x128x128xi32, #tpu.memory_space<vmem>>, vector<1x1x128x128xi32>,
    %shift_left3A_1044 = arith.constant 16 : i32
    %shift_left3A_1045 = vector.broadcast %shift_left3A_1044 : i32 to vector<128x128xi32>
    %shift_left3A_1046 = arith.shli %shift_right_logical3A_665, %shift_left3A_1045 : vector<128x128xi32>
    %or3A_1047 = arith.ori %shift_right_logical3A_644, %shift_left3A_1046 : vector<128x128xi32>
    %bitcast_convert_type3A_1048 = tpu.bitcast %or3A_1047 : vector<128x128xi32> -> vector<128x128xi32>
    %swap3A_1049 = arith.constant 0 : index
    %swap3A_1050 = arith.constant 30 : index
    %swap3A_1051 = arith.constant 0 : index
    %swap3A_1052 = arith.constant 0 : index
    %swap3A_1053 = vector.load %arg2[%swap3A_1049, %swap3A_1050, %swap3A_1051, %swap3A_1052] : memref<1x32x128x128xi32, #tpu.memory_space<vmem>>, vector<1x1x128x128xi32>
    %swap3A_1054 = vector.shape_cast %swap3A_1053 : vector<1x1x128x128xi32> to vector<128x128xi32>
    %swap3A_1055 = vector.shape_cast %bitcast_convert_type3A_1048 : vector<128x128xi32> to vector<1x1x128x128xi32>
    tpu.vector_store %arg2[%swap3A_1049, %swap3A_1050, %swap3A_1051, %swap3A_1052], %swap3A_1055 {strides = array<i32>} : memref<1x32x128x128xi32, #tpu.memory_space<vmem>>, vector<1x1x128x128xi32>,
    %shift_left3A_1056 = arith.constant 16 : i32
    %shift_left3A_1057 = vector.broadcast %shift_left3A_1056 : i32 to vector<128x128xi32>
    %shift_left3A_1058 = arith.shli %shift_right_logical3A_686, %shift_left3A_1057 : vector<128x128xi32>
    %or3A_1059 = arith.ori %shift_right_logical3A_665, %shift_left3A_1058 : vector<128x128xi32>
    %bitcast_convert_type3A_1060 = tpu.bitcast %or3A_1059 : vector<128x128xi32> -> vector<128x128xi32>
    %swap3A_1061 = arith.constant 0 : index
    %swap3A_1062 = arith.constant 31 : index
    %swap3A_1063 = arith.constant 0 : index
    %swap3A_1064 = arith.constant 0 : index
    %swap3A_1065 = vector.load %arg2[%swap3A_1061, %swap3A_1062, %swap3A_1063, %swap3A_1064] : memref<1x32x128x128xi32, #tpu.memory_space<vmem>>, vector<1x1x128x128xi32>
    %swap3A_1066 = vector.shape_cast %swap3A_1065 : vector<1x1x128x128xi32> to vector<128x128xi32>
    %swap3A_1067 = vector.shape_cast %bitcast_convert_type3A_1060 : vector<128x128xi32> to vector<1x1x128x128xi32>
    tpu.vector_store %arg2[%swap3A_1061, %swap3A_1062, %swap3A_1063, %swap3A_1064], %swap3A_1067 {strides = array<i32>} : memref<1x32x128x128xi32, #tpu.memory_space<vmem>>, vector<1x1x128x128xi32>,
    return
  }
  func.func @transform_0(%arg0: i32) -> (i32, i32, i32, i32) {
    %c0_i32 = arith.constant 0 : i32
    %c0_i32_0 = arith.constant 0 : i32
    %c0_i32_1 = arith.constant 0 : i32
    %c0_i32_2 = arith.constant 0 : i32
    return %c0_i32, %arg0, %c0_i32_0, %c0_i32_1 : i32, i32, i32, i32
  }
  func.func @transform_1(%arg0: i32) -> (i32, i32, i32, i32) {
    %c0_i32 = arith.constant 0 : i32
    %c0_i32_0 = arith.constant 0 : i32
    %c0_i32_1 = arith.constant 0 : i32
    %c0_i32_2 = arith.constant 0 : i32
    return %arg0, %c0_i32, %c0_i32_0, %c0_i32_1 : i32, i32, i32, i32
  }
}

module attributes {stable_mosaic.version = 14 : i64} {
  func.func @_linear_body(%arg0: memref<256x1024xf32, #tpu.memory_space<vmem>>, %arg1: memref<128x256xf32, #tpu.memory_space<vmem>>, %arg2: memref<128x1xf32, #tpu.memory_space<vmem>>, %arg3: memref<1xi32, #tpu.memory_space<smem>>, %arg4: memref<1024x128xf32, #tpu.memory_space<vmem>>) attributes {dimension_semantics = [], scalar_prefetch = 0 : i64, scratch_operands = 0 : i64, tpu.core_type = #tpu.core_type<tc>} {
    %get3A = arith.constant 0 : index
    %get3A_0 = arith.constant 0 : index
    %get3A_1 = vector.load %arg1[%get3A, %get3A_0] : memref<128x256xf32, #tpu.memory_space<vmem>>, vector<128x256xf32>
    %get3A_2 = arith.constant 0 : index
    %get3A_3 = arith.constant 0 : index
    %get3A_4 = vector.load %arg0[%get3A_2, %get3A_3] : memref<256x1024xf32, #tpu.memory_space<vmem>>, vector<256x1024xf32>
    %dot_general3A = arith.constant dense<0.000000e+00> : vector<128x1024xf32>
    %dot_general3A_5 = tpu.matmul %get3A_1, %get3A_4, %dot_general3A {dimension_numbers = #tpu.dot_dimension_numbers<[1], [0], [0], [1], [0, 0, 1, 1], [], []>, transpose_lhs_hint = false} : vector<128x256xf32>, vector<256x1024xf32>, vector<128x1024xf32> -> vector<128x1024xf32>
    %get3A_6 = arith.constant 0 : index
    %get3A_7 = arith.constant 0 : index
    %get3A_8 = vector.load %arg2[%get3A_6, %get3A_7] : memref<128x1xf32, #tpu.memory_space<vmem>>, vector<128x1xf32>
    %add3A = vector.broadcast %get3A_8 : vector<128x1xf32> to vector<128x1024xf32>
    %add3A_9 = arith.addf %dot_general3A_5, %add3A : vector<128x1024xf32>
    %get3A_10 = arith.constant 0 : index
    %get3A_11 = memref.load %arg3[%get3A_10] : memref<1xi32, #tpu.memory_space<smem>>
    %ne3A = arith.constant 0 : i32
    %ne3A_12 = arith.cmpi ne, %get3A_11, %ne3A : i32
    %max3A = arith.constant 0.000000e+00 : f32
    %max3A_13 = vector.broadcast %max3A : f32 to vector<128x1024xf32>
    %max3A_14 = arith.maximumf %add3A_9, %max3A_13 : vector<128x1024xf32>
    %select_n3A = arith.select %ne3A_12, %max3A_14, %add3A_9 : vector<128x1024xf32>
    %transpose3A = tpu.transpose %select_n3A, [1, 0] : vector<128x1024xf32> -> vector<1024x128xf32>
    %swap3A = arith.constant 0 : index
    %swap3A_15 = arith.constant 0 : index
    %swap3A_16 = vector.load %arg4[%swap3A, %swap3A_15] : memref<1024x128xf32, #tpu.memory_space<vmem>>, vector<1024x128xf32>
    tpu.vector_store %arg4[%swap3A, %swap3A_15], %transpose3A {strides = array<i32>} : memref<1024x128xf32, #tpu.memory_space<vmem>>, vector<1024x128xf32>,
    return
  }
}

module attributes {stable_mosaic.version = 14 : i64} {
  func.func @_prep_body(%arg0: memref<128x2x1024xf32, #tpu.memory_space<vmem>>, %arg1: memref<128x2xf32, #tpu.memory_space<vmem>>, %arg2: memref<128x2xf32, #tpu.memory_space<vmem>>, %arg3: memref<1xf32, #tpu.memory_space<smem>>, %arg4: memref<2x1024x128xi32, #tpu.memory_space<vmem>>, %arg5: memref<2x1024x128xf32, #tpu.memory_space<vmem>>, %arg6: memref<2x1024x128xf32, #tpu.memory_space<vmem>>) attributes {dimension_semantics = [], scalar_prefetch = 0 : i64, scratch_operands = 0 : i64, tpu.core_type = #tpu.core_type<tc>} {
    %get3A = arith.constant 0 : index
    %get3A_0 = arith.constant 0 : index
    %get3A_1 = arith.constant 0 : index
    %get3A_2 = vector.load %arg0[%get3A, %get3A_0, %get3A_1] : memref<128x2x1024xf32, #tpu.memory_space<vmem>>, vector<128x1x1024xf32>
    %get3A_3 = vector.shape_cast %get3A_2 : vector<128x1x1024xf32> to vector<128x1024xf32>
    %get3A_4 = arith.constant 0 : index
    %get3A_5 = arith.constant 0 : index
    %get3A_6 = vector.load %arg1[%get3A_4, %get3A_5] : memref<128x2xf32, #tpu.memory_space<vmem>>, vector<128x1xf32>
    %mul3A = vector.broadcast %get3A_6 : vector<128x1xf32> to vector<128x1024xf32>
    %mul3A_7 = arith.mulf %get3A_3, %mul3A : vector<128x1024xf32>
    %get3A_8 = arith.constant 0 : index
    %get3A_9 = arith.constant 0 : index
    %get3A_10 = vector.load %arg2[%get3A_8, %get3A_9] : memref<128x2xf32, #tpu.memory_space<vmem>>, vector<128x1xf32>
    %add3A = vector.broadcast %get3A_10 : vector<128x1xf32> to vector<128x1024xf32>
    %add3A_11 = arith.addf %mul3A_7, %add3A : vector<128x1024xf32>
    %tanh3A = math.tanh %add3A_11 : vector<128x1024xf32>
    %get3A_12 = arith.constant 0 : index
    %get3A_13 = arith.constant 1 : index
    %get3A_14 = arith.constant 0 : index
    %get3A_15 = vector.load %arg0[%get3A_12, %get3A_13, %get3A_14] : memref<128x2x1024xf32, #tpu.memory_space<vmem>>, vector<128x1x1024xf32>
    %get3A_16 = vector.shape_cast %get3A_15 : vector<128x1x1024xf32> to vector<128x1024xf32>
    %get3A_17 = arith.constant 0 : index
    %get3A_18 = arith.constant 1 : index
    %get3A_19 = vector.load %arg1[%get3A_17, %get3A_18] : memref<128x2xf32, #tpu.memory_space<vmem>>, vector<128x1xf32>
    %mul3A_20 = vector.broadcast %get3A_19 : vector<128x1xf32> to vector<128x1024xf32>
    %mul3A_21 = arith.mulf %get3A_16, %mul3A_20 : vector<128x1024xf32>
    %get3A_22 = arith.constant 0 : index
    %get3A_23 = arith.constant 1 : index
    %get3A_24 = vector.load %arg2[%get3A_22, %get3A_23] : memref<128x2xf32, #tpu.memory_space<vmem>>, vector<128x1xf32>
    %add3A_25 = vector.broadcast %get3A_24 : vector<128x1xf32> to vector<128x1024xf32>
    %add3A_26 = arith.addf %mul3A_21, %add3A_25 : vector<128x1024xf32>
    %tanh3A_27 = math.tanh %add3A_26 : vector<128x1024xf32>
    %add3A_28 = arith.constant 1.000000e+00 : f32
    %add3A_29 = vector.broadcast %add3A_28 : f32 to vector<128x1024xf32>
    %add3A_30 = arith.addf %tanh3A, %add3A_29 : vector<128x1024xf32>
    %mul3A_31 = arith.constant 5.000000e-01 : f32
    %mul3A_32 = vector.broadcast %mul3A_31 : f32 to vector<128x1024xf32>
    %mul3A_33 = arith.mulf %add3A_30, %mul3A_32 : vector<128x1024xf32>
    %mul3A_34 = arith.constant 3.200000e+01 : f32
    %mul3A_35 = vector.broadcast %mul3A_34 : f32 to vector<128x1024xf32>
    %mul3A_36 = arith.mulf %mul3A_33, %mul3A_35 : vector<128x1024xf32>
    %jit3A = arith.constant 0.000000e+00 : f32
    %jit3A_37 = arith.constant 3.199990e+01 : f32
    %max3A = vector.broadcast %jit3A : f32 to vector<128x1024xf32>
    %max3A_38 = arith.maximumf %max3A, %mul3A_36 : vector<128x1024xf32>
    %min3A = vector.broadcast %jit3A_37 : f32 to vector<128x1024xf32>
    %min3A_39 = arith.minimumf %min3A, %max3A_38 : vector<128x1024xf32>
    %add3A_40 = arith.constant 1.000000e+00 : f32
    %add3A_41 = vector.broadcast %add3A_40 : f32 to vector<128x1024xf32>
    %add3A_42 = arith.addf %tanh3A_27, %add3A_41 : vector<128x1024xf32>
    %mul3A_43 = arith.constant 5.000000e-01 : f32
    %mul3A_44 = vector.broadcast %mul3A_43 : f32 to vector<128x1024xf32>
    %mul3A_45 = arith.mulf %add3A_42, %mul3A_44 : vector<128x1024xf32>
    %mul3A_46 = arith.constant 3.200000e+01 : f32
    %mul3A_47 = vector.broadcast %mul3A_46 : f32 to vector<128x1024xf32>
    %mul3A_48 = arith.mulf %mul3A_45, %mul3A_47 : vector<128x1024xf32>
    %jit3A_49 = arith.constant 0.000000e+00 : f32
    %jit3A_50 = arith.constant 3.199990e+01 : f32
    %max3A_51 = vector.broadcast %jit3A_49 : f32 to vector<128x1024xf32>
    %max3A_52 = arith.maximumf %max3A_51, %mul3A_48 : vector<128x1024xf32>
    %min3A_53 = vector.broadcast %jit3A_50 : f32 to vector<128x1024xf32>
    %min3A_54 = arith.minimumf %min3A_53, %max3A_52 : vector<128x1024xf32>
    %transpose3A = tpu.transpose %min3A_39, [1, 0] : vector<128x1024xf32> -> vector<1024x128xf32>
    %transpose3A_55 = tpu.transpose %min3A_54, [1, 0] : vector<128x1024xf32> -> vector<1024x128xf32>
    %floor3A = math.floor %transpose3A : vector<1024x128xf32>
    %floor3A_56 = math.floor %transpose3A_55 : vector<1024x128xf32>
    %sub3A = arith.subf %transpose3A, %floor3A : vector<1024x128xf32>
    %sub3A_57 = arith.subf %transpose3A_55, %floor3A_56 : vector<1024x128xf32>
    %iota3A = tpu.iota {dimensions = array<i32: 1>} : vector<1024x128xi32>
    %convert_element_type3A = arith.fptosi %floor3A_56 : vector<1024x128xf32> to vector<1024x128xi32>
    %mul3A_58 = arith.constant 32 : i32
    %mul3A_59 = vector.broadcast %mul3A_58 : i32 to vector<1024x128xi32>
    %mul3A_60 = arith.muli %convert_element_type3A, %mul3A_59 : vector<1024x128xi32>
    %convert_element_type3A_61 = arith.fptosi %floor3A : vector<1024x128xf32> to vector<1024x128xi32>
    %add3A_62 = arith.addi %mul3A_60, %convert_element_type3A_61 : vector<1024x128xi32>
    %mul3A_63 = arith.constant 128 : i32
    %mul3A_64 = vector.broadcast %mul3A_63 : i32 to vector<1024x128xi32>
    %mul3A_65 = arith.muli %add3A_62, %mul3A_64 : vector<1024x128xi32>
    %add3A_66 = arith.addi %mul3A_65, %iota3A : vector<1024x128xi32>
    %get3A_67 = arith.constant 0 : index
    %get3A_68 = memref.load %arg3[%get3A_67] : memref<1xf32, #tpu.memory_space<smem>>
    %swap3A = arith.constant 0 : index
    %swap3A_69 = arith.constant 0 : index
    %swap3A_70 = arith.constant 0 : index
    %swap3A_71 = vector.load %arg4[%swap3A, %swap3A_69, %swap3A_70] : memref<2x1024x128xi32, #tpu.memory_space<vmem>>, vector<1x1024x128xi32>
    %swap3A_72 = vector.shape_cast %swap3A_71 : vector<1x1024x128xi32> to vector<1024x128xi32>
    %swap3A_73 = vector.shape_cast %add3A_66 : vector<1024x128xi32> to vector<1x1024x128xi32>
    tpu.vector_store %arg4[%swap3A, %swap3A_69, %swap3A_70], %swap3A_73 {strides = array<i32>} : memref<2x1024x128xi32, #tpu.memory_space<vmem>>, vector<1x1024x128xi32>,
    %add3A_74 = arith.constant 4096 : i32
    %add3A_75 = vector.broadcast %add3A_74 : i32 to vector<1024x128xi32>
    %add3A_76 = arith.addi %add3A_66, %add3A_75 : vector<1024x128xi32>
    %swap3A_77 = arith.constant 1 : index
    %swap3A_78 = arith.constant 0 : index
    %swap3A_79 = arith.constant 0 : index
    %swap3A_80 = vector.load %arg4[%swap3A_77, %swap3A_78, %swap3A_79] : memref<2x1024x128xi32, #tpu.memory_space<vmem>>, vector<1x1024x128xi32>
    %swap3A_81 = vector.shape_cast %swap3A_80 : vector<1x1024x128xi32> to vector<1024x128xi32>
    %swap3A_82 = vector.shape_cast %add3A_76 : vector<1024x128xi32> to vector<1x1024x128xi32>
    tpu.vector_store %arg4[%swap3A_77, %swap3A_78, %swap3A_79], %swap3A_82 {strides = array<i32>} : memref<2x1024x128xi32, #tpu.memory_space<vmem>>, vector<1x1024x128xi32>,
    %sub3A_83 = arith.constant 1.000000e+00 : f32
    %sub3A_84 = vector.broadcast %sub3A_83 : f32 to vector<1024x128xf32>
    %sub3A_85 = arith.subf %sub3A_84, %sub3A : vector<1024x128xf32>
    %mul3A_86 = vector.broadcast %get3A_68 : f32 to vector<1024x128xf32>
    %mul3A_87 = arith.mulf %sub3A_85, %mul3A_86 : vector<1024x128xf32>
    %mul3A_88 = vector.broadcast %get3A_68 : f32 to vector<1024x128xf32>
    %mul3A_89 = arith.mulf %sub3A, %mul3A_88 : vector<1024x128xf32>
    %sub3A_90 = arith.constant 1.000000e+00 : f32
    %sub3A_91 = vector.broadcast %sub3A_90 : f32 to vector<1024x128xf32>
    %sub3A_92 = arith.subf %sub3A_91, %sub3A_57 : vector<1024x128xf32>
    %mul3A_93 = arith.mulf %mul3A_87, %sub3A_92 : vector<1024x128xf32>
    %swap3A_94 = arith.constant 0 : index
    %swap3A_95 = arith.constant 0 : index
    %swap3A_96 = arith.constant 0 : index
    %swap3A_97 = vector.load %arg5[%swap3A_94, %swap3A_95, %swap3A_96] : memref<2x1024x128xf32, #tpu.memory_space<vmem>>, vector<1x1024x128xf32>
    %swap3A_98 = vector.shape_cast %swap3A_97 : vector<1x1024x128xf32> to vector<1024x128xf32>
    %swap3A_99 = vector.shape_cast %mul3A_93 : vector<1024x128xf32> to vector<1x1024x128xf32>
    tpu.vector_store %arg5[%swap3A_94, %swap3A_95, %swap3A_96], %swap3A_99 {strides = array<i32>} : memref<2x1024x128xf32, #tpu.memory_space<vmem>>, vector<1x1024x128xf32>,
    %mul3A_100 = arith.mulf %mul3A_87, %sub3A_57 : vector<1024x128xf32>
    %swap3A_101 = arith.constant 1 : index
    %swap3A_102 = arith.constant 0 : index
    %swap3A_103 = arith.constant 0 : index
    %swap3A_104 = vector.load %arg5[%swap3A_101, %swap3A_102, %swap3A_103] : memref<2x1024x128xf32, #tpu.memory_space<vmem>>, vector<1x1024x128xf32>
    %swap3A_105 = vector.shape_cast %swap3A_104 : vector<1x1024x128xf32> to vector<1024x128xf32>
    %swap3A_106 = vector.shape_cast %mul3A_100 : vector<1024x128xf32> to vector<1x1024x128xf32>
    tpu.vector_store %arg5[%swap3A_101, %swap3A_102, %swap3A_103], %swap3A_106 {strides = array<i32>} : memref<2x1024x128xf32, #tpu.memory_space<vmem>>, vector<1x1024x128xf32>,
    %sub3A_107 = arith.constant 1.000000e+00 : f32
    %sub3A_108 = vector.broadcast %sub3A_107 : f32 to vector<1024x128xf32>
    %sub3A_109 = arith.subf %sub3A_108, %sub3A_57 : vector<1024x128xf32>
    %mul3A_110 = arith.mulf %mul3A_89, %sub3A_109 : vector<1024x128xf32>
    %swap3A_111 = arith.constant 0 : index
    %swap3A_112 = arith.constant 0 : index
    %swap3A_113 = arith.constant 0 : index
    %swap3A_114 = vector.load %arg6[%swap3A_111, %swap3A_112, %swap3A_113] : memref<2x1024x128xf32, #tpu.memory_space<vmem>>, vector<1x1024x128xf32>
    %swap3A_115 = vector.shape_cast %swap3A_114 : vector<1x1024x128xf32> to vector<1024x128xf32>
    %swap3A_116 = vector.shape_cast %mul3A_110 : vector<1024x128xf32> to vector<1x1024x128xf32>
    tpu.vector_store %arg6[%swap3A_111, %swap3A_112, %swap3A_113], %swap3A_116 {strides = array<i32>} : memref<2x1024x128xf32, #tpu.memory_space<vmem>>, vector<1x1024x128xf32>,
    %mul3A_117 = arith.mulf %mul3A_89, %sub3A_57 : vector<1024x128xf32>
    %swap3A_118 = arith.constant 1 : index
    %swap3A_119 = arith.constant 0 : index
    %swap3A_120 = arith.constant 0 : index
    %swap3A_121 = vector.load %arg6[%swap3A_118, %swap3A_119, %swap3A_120] : memref<2x1024x128xf32, #tpu.memory_space<vmem>>, vector<1x1024x128xf32>
    %swap3A_122 = vector.shape_cast %swap3A_121 : vector<1x1024x128xf32> to vector<1024x128xf32>
    %swap3A_123 = vector.shape_cast %mul3A_117 : vector<1024x128xf32> to vector<1x1024x128xf32>
    tpu.vector_store %arg6[%swap3A_118, %swap3A_119, %swap3A_120], %swap3A_123 {strides = array<i32>} : memref<2x1024x128xf32, #tpu.memory_space<vmem>>, vector<1x1024x128xf32>,
    return
  }
}

</mosaic_0001>

<sc_bundles>
// kernel: kernel.6.cloned.1.call-start
scs
__scs_entry_jumppad:
0x0: {  	(pc) =	sbr.rel $0x88, $3  }
0x1: {  	(tag) =	ssettag $0x0;
	lr =	simm.s32 $0x1  }
0x2: {  	[smem:$0x3F99] =	sst lr;
	_ =	strace $0xD0000000  }
0x3: {  	_ = 	snop  }
0x4: {  	_ = 	snop  }
0x5: {  	_ = 	snop  }
0x6: {  	_ = 	snop  }
0x7: {  	_ = 	snop  }
__scs_overlays_trampoline_lowered:
0x8: {  	[smem:$0x3FA8] =	sst s0  }
0x9: {  	[smem:$0x3FA9] =	sst s1  }
0xa: {  	[smem:$0x3FAA] =	sst s2  }
0xb: {  	[smem:$0x3FAB] =	sst s3  }
0xc: {  	[smem:$0x3FAC] =	sst s4  }
0xd: {  	[smem:$0x3FAD] =	sst s5  }
0xe: {  	[smem:$0x3FAE] =	sst s6  }
0xf: {  	[smem:$0x3FAF] =	sst s7  }
0x10: {  	[smem:$0x3FB0] =	sst s8  }
0x11: {  	[smem:$0x3FB1] =	sst s9;
	s0 =	simm.s32 @!p0 $0x0  }
0x12: {  	s1 =	sld [smem:$0x3F97];
	s0 =	simm.s32 @p0 $0x1  }
0x13: {  	[smem:$0x3FB2] =	sst s0;
	s0 =	simm.s32 @!p1 $0x0  }
0x14: {  	s2 =	sld [smem:$0x3F96];
	s0 =	simm.s32 @p1 $0x1  }
0x15: {  	[smem:$0x3FB3] =	sst s0;
	s0 =	simm.s32 @!p2 $0x0  }
0x16: {  	s3 =	sld [smem:$0x3FDB];
	s0 =	simm.s32 @p2 $0x1  }
0x17: {  	s4 =	simm.s32 $0x1BF5;
	[smem:$0x3FB5] =	sst s0  }
0x18: {  	s0 =	sld [smem:$0x3F98];
	_ =	swait.ge [sflag:s4], $0x0  }
0x19: {  	s7 =	sld [smem:$0x3F99]  }
0x1a: {  	s8 =	sadd.s32 $0xFFFFE003, lr  }
0x1b: {  	s9 =	sadd.s32 $0xFFFFFEF7, lr;
	s5 =	simm.s32 $0xFFFFFFFF;
	p2 =	slt.u32 s8, $0xFFFFF086  }
0x1c: {  	p1 =	slt.u32 s9, $0xF7A;
	s5 =	simm.s32 @!p2 $0x0  }
0x1d: {  	s5 =	simm.s32 @p1 $0x1;
	p0 =	seq.s32 s7, s2  }
0x1e: {  	s7 =	smul.u32 @!p0 $0xF7A, s2;
	p2 =	seq.s32 @!p0 s5, $0x0  }
0x1f: {  	s9 =	smul.u32 $0xF7A, s1;
	s8 =	simm.s32 @!p0 $0x1BF5;
	p2 =	por !p2, p0  }
0x20: {  	[sflag:s8] =	ssyncset.s32 @!p0 $0xFFFFF086;
	s6 =	sadd.s32 @!p0 s3, s7;
	s7 =	simm.s32 @!p0 $0x108  }
0x21: {  	s3 =	sadd.s32 s3, s9;
	s6 =	sadd.s32 @!p0 $0x88, s6;
	s7 =	simm.s32 @p2 $0x1082  }
0x22: {  	[simem:s7], [sflag:s8] =	dma.local @!p0 [hbm:s6], $0xF7A  }
0x23: {  	s9 =	sor.u32 $0xD0000000, s2;
	s6 =	simm.s32 $0x108;
	_ =	swait.ge @!p0 [sflag:s8], $0x0  }
0x24: {  	s3 =	sadd.s32 $0x88, s3;
	s6 =	simm.s32 @!p1 $0x1082;
	[sflag:s4] =	ssyncset.s32 $0xFFFFF086  }
0x25: {  	[simem:s6], [sflag:s4] =	dma.local [hbm:s3], $0xF7A  }
0x26: {  	[smem:$0x3F99] =	sst s1;
	(tag) =	ssettag s2;
	_ =	strace s9  }
0x27: {  	s1 =	sld [smem:$0x3FA9]  }
0x28: {  	s2 =	sld [smem:$0x3FAA]  }
0x29: {  	s4 =	sld [smem:$0x3FAC]  }
0x2a: {  	p0 =	seq.s32 s5, $0x0;
	s5 =	sld [smem:$0x3FAD]  }
0x2b: {  	s6 =	sld [smem:$0x3FAE]  }
0x2c: {  	s7 =	sld [smem:$0x3FAF]  }
0x2d: {  	s3 =	simm.s32 $0x108;
	s8 =	sld [smem:$0x3FB0]  }
0x2e: {  	s3 =	simm.s32 @!p0 $0x1082;
	s9 =	sld [smem:$0x3FB1]  }
0x2f: {  	lr =	sadd.s32 s0, s3;
	s0 =	sld [smem:$0x3FA8]  }
0x30: {  	s3 =	sld [smem:$0x3FAB]  }
0x31: {  	[smem:$0x3FB4] =	sst s10  }
0x32: {  	s10 =	sld [smem:$0x3FB2];
	_ =	sdelay $0x3  }
0x33: {  	p0 =	seq.s32 s10, $0x1;
	s10 =	sld [smem:$0x3FB4];
	_ =	sdelay $0x3  }
0x34: {  	[smem:$0x3FB4] =	sst s10  }
0x35: {  	s10 =	sld [smem:$0x3FB3];
	_ =	sdelay $0x3  }
0x36: {  	p1 =	seq.s32 s10, $0x1;
	s10 =	sld [smem:$0x3FB4];
	_ =	sdelay $0x3  }
0x37: {  	[smem:$0x3FB4] =	sst s10  }
0x38: {  	s10 =	sld [smem:$0x3FB5]  }
0x39: {  	_ = 	snop;
	(pc) =	sbr.ind lr, $3  }
0x3a: {  	_ = 	snop  }
0x3b: {  	_ = 	snop  }
0x3c: {  	p2 =	seq.s32 s10, $0x1;
	s10 =	sld [smem:$0x3FB4]  }
0x3d: {  	_ =	shalt  }
0x3e: {  	_ =	shalt  }
0x3f: {  	_ =	shalt  }
0x40: {  	_ =	shalt  }
0x41: {  	_ =	shalt  }
0x42: {  	_ =	shalt  }
0x43: {  	_ =	shalt  }
0x44: {  	_ =	shalt  }
0x45: {  	_ =	shalt  }
0x46: {  	_ =	shalt  }
0x47: {  	_ =	shalt  }
0x48: {  	_ =	shalt  }
0x49: {  	_ =	shalt  }
0x4a: {  	_ =	shalt  }
0x4b: {  	_ =	shalt  }
0x4c: {  	_ =	shalt  }
0x4d: {  	_ =	shalt  }
0x4e: {  	_ =	shalt  }
0x4f: {  	_ =	shalt  }
0x50: {  	_ =	shalt  }
0x51: {  	_ =	shalt  }
0x52: {  	_ =	shalt  }
0x53: {  	_ =	shalt  }
0x54: {  	_ =	shalt  }
0x55: {  	_ =	shalt  }
0x56: {  	_ =	shalt  }
0x57: {  	_ =	shalt  }
0x58: {  	_ =	shalt  }
0x59: {  	_ =	shalt  }
0x5a: {  	_ =	shalt  }
0x5b: {  	_ =	shalt  }
0x5c: {  	_ =	shalt  }
0x5d: {  	_ =	shalt  }
0x5e: {  	_ =	shalt  }
0x5f: {  	_ =	shalt  }
0x60: {  	_ =	shalt  }
0x61: {  	_ =	shalt  }
0x62: {  	_ =	shalt  }
0x63: {  	_ =	shalt  }
0x64: {  	_ =	shalt  }
0x65: {  	_ =	shalt  }
0x66: {  	_ =	shalt  }
0x67: {  	_ =	shalt  }
0x68: {  	_ =	shalt  }
0x69: {  	_ =	shalt  }
0x6a: {  	_ =	shalt  }
0x6b: {  	_ =	shalt  }
0x6c: {  	_ =	shalt  }
0x6d: {  	_ =	shalt  }
0x6e: {  	_ =	shalt  }
0x6f: {  	_ =	shalt  }
0x70: {  	_ =	shalt  }
0x71: {  	_ =	shalt  }
0x72: {  	_ =	shalt  }
0x73: {  	_ =	shalt  }
0x74: {  	_ =	shalt  }
0x75: {  	_ =	shalt  }
0x76: {  	_ =	shalt  }
0x77: {  	_ =	shalt  }
0x78: {  	_ =	shalt  }
0x79: {  	_ =	shalt  }
0x7a: {  	_ =	shalt  }
0x7b: {  	_ =	shalt  }
0x7c: {  	_ =	shalt  }
0x7d: {  	_ =	shalt  }
0x7e: {  	_ =	shalt  }
0x7f: {  	_ =	shalt  }
0x80: {  	_ =	shalt  }
0x81: {  	_ =	shalt  }
0x82: {  	_ =	shalt  }
0x83: {  	_ =	shalt  }
0x84: {  	_ =	shalt  }
0x85: {  	_ =	shalt  }
0x86: {  	_ =	shalt  }
0x87: {  	_ =	shalt  }
.Lfunc_end0:
.L_simem_size_0:
called_computation_lowered:
.L_overlay_start_0:
0x88: {  	s2 =	sld [smem:$0x3FD9]  }
0x89: {  	s3 =	sld [smem:$0x3FFE];
	_ =	sdelay $0x1  }
0x8a: {  	s1 =	srdreg.scid  }
0x8b: {  	s0 =	sand.u32 $0x1, s1  }
0x8c: {  	s17 =	sshll.u32 s0, $0xA;
	s2 =	sadd.s32 s3, s2  }
0x8d: {  	s2 =	sadd.s32 s2, s17  }
0x8e: {  	[smem:$0x3FC0] =	sst s2  }
0x8f: {  	_ = 	snop  }
0x90: {  	s2 =	sld [smem:$0x3FD0];
	(tm) =	ssettm $0x1  }
0x91: {  	s18 =	sld [smem:$0x3FFB];
	_ =	sdelay $0x3  }
0x92: {  	_ =	strace s18  }
0x93: {  	s3 =	sld [smem:$0x3FFC];
	_ =	sdelay $0x3  }
0x94: {  	_ =	strace s3  }
0x95: {  	s3 =	sld [smem:$0x3FFD];
	_ =	sdelay $0x3  }
0x96: {  	_ =	strace s3  }
0x97: {  	_ =	strace $0x8FFFFFFF  }
0x98: {  	s19 =	sld [smem:$0x3FDB];
	_ =	sdelay $0x1  }
0x99: {  	s4 =	simm.s32 $_scs_section_size  }
0x9a: {  	s5 =	simm.s32 $_size__tile_overlayer_lowered;
	s6 =	simm.s32 $_tile_overlayer_lowered  }
0x9b: {  	s22 =	simm.s32 $0x1BFF;
	s21 =	sshll.u32 s6, $0x1;
	s3 =	sadd.s32 s4, s19  }
0x9c: {  	s7 =	simm.s32 $0x0;
	s20 =	sshll.u32 s5, $0x1;
	s5 =	sadd.s32 s21, s3  }
0x9d: {  	[timem:s7], [sflag:s22] =	dma.local [hbm:s5], s20  }
0x9e: {  	_ =	swait.ge [sflag:s22], s20  }
0x9f: {  	s4 =	ssub.s32 $0x0, s20;
	[sflag:s22] =	ssyncset.done $0x0  }
0xa0: {  	[sflag:s22] =	ssyncadd.s32 s4;
	_ =	sdelay $0x1  }
0xa1: {  	s23 =	simm.s32 $0x1B8B  }
0xa2: {  	_ =	swait.ge [sflag:s23], $0x1  }
0xa3: {  	[sflag:s23] =	ssyncset.done $0x0  }
0xa4: {  	s25 =	simm.s32 $0x1B8E;
	s24 =	sld [smem:$0x3FFE];
	[sflag:s23] =	ssyncadd.s32 $0xFFFFFFFF  }
0xa5: {  	s26 =	simm.s32 $execute0_lowered;
	[smem:$0x3FD2] =	sst s25  }
0xa6: {  	s5 =	sshll.u32 s26, $0x1;
	_ =	strace $0x80000046;
	[dreg:$0x1] =	wrdreg $0xFFFFFFFF  }
0xa7: {  	s28 =	simm.s32 $_size_execute0_lowered;
	s3 =	sadd.s32 s3, s5;
	[dreg:$0x0] =	wrdreg $0x0  }
0xa8: {  	s5 =	sshll.u32 s28, $0x1;
	[dreg:$0x2] =	wrdreg s3  }
0xa9: {  	[dreg:$0x3] =	wrdreg s5  }
0xaa: {  	[dreg:$0x4] =	wrdreg $0xC0  }
0xab: {  	_ =	task [dreg:s7], $0x5FFFF  }
0xac: {  	[dreg:$0x1] =	wrdreg $0xFFFFFFFF  }
0xad: {  	[dreg:$0x0] =	wrdreg $0x60  }
0xae: {  	[dreg:$0x2] =	wrdreg s24  }
0xaf: {  	[dreg:$0x3] =	wrdreg s2  }
0xb0: {  	[dreg:$0x4] =	wrdreg $0x9  }
0xb1: {  	_ =	task.clear_ibuf [dreg:s7], $0x5FFFF;
	_ =	strace $0x90000046  }
0xb2: {  	s29 =	simm.s32 $0x9;
	_ =	strace $0x80000048  }
0xb3: {  	_ =	swait.ge [sflag:s29], $0x1  }
0xb4: {  	[sflag:s29] =	ssyncadd.s32 $0xFFFFFFFF  }
0xb5: {  	_ =	strace $0x90000048  }
0xb6: {  	_ =	sfence  }
0xb7: {  	s30 =	sld [smem:$0x0];
	_ =	sdelay $0x2  }
0xb8: {  	s31 =	sshll.u32 s1, $0xD;
	s1 =	sshrl.u32 s1, $0x2  }
0xb9: {  	s3 =	sand.u32 $0x4000, s31;
	s1 =	sadd.s32 s1, s30  }
0xba: {  	s0 =	sor.u32 s3, s0;
	s1 =	sshll.u32 s1, $0x11  }
0xbb: {  	s0 =	sor.u32 s1, s0  }
0xbc: {  	s0 =	sadd.s32 $0x8F2B, s0  }
0xbd: {  	[sflag:s0] =	ssyncadd.remote.s32 $0x1  }
0xbe: {  	_ =	sfence.sel $0xFFFF  }
0xbf: {  	[dreg:$0x0] =	wrdreg $0xFFFFFFFF;
	(pc) =	sbr.abs _section_cstart, $3  }
0xc0: {  	[dreg:$0x1] =	wrdreg $0xFFFFFFFF  }
0xc1: {  	_ =	task.clear_ibuf [dreg:s7], $0x2FFFF;
	_ =	strace $0x9FFFFFFF  }
0xc2: {  	(tm) =	ssettm $0x7FFFFFFF  }
0xc3: {  	_ =	shalt  }
tec
execute0_lowered:
.L_overlay_start_1:
0x0: {  	(tag) =	ssettag $0x1  }
0x1: {  	s0 =	rddreg [dreg:$0x0]  }
0x2: {  	s10 =	rddreg [dreg:$0x1]  }
0x3: {  	s1 =	simm.s32 $0x0;
	s4 =	srdreg.scid;
	s2 =	stileid.u32  }
0x4: {  	s14 =	simm.s32 $0x1000;
	s15 =	simm.s32 $0xE000;
	s16 =	simm.s32 $0x80  }
0x5: {  	s17 =	simm.s32 $0x6000;
	s18 =	simm.s32 $0xA000;
	s19 =	simm.s32 $0x1  }
0x6: {  	s20 =	simm.s32 $0x2;
	s21 =	simm.s32 $0x0;
	[smem:$0x7FF] =	sst s1  }
0x7: {  	s3 =	sadd.s32 $0x1400, s0;
	s7 =	sadd.s32 $0x211400, s0;
	s4 =	sand.u32 $0x1, s4  }
0x8: {  	s8 =	sadd.s32 $0x219400, s0;
	s5 =	sshll.u32 s2, $0xA;
	s6 =	sshll.u32 s4, $0x9  }
0x9: {  	s9 =	sadd.s32 $0x221400, s0;
	s4 =	ssub.s32 $0x2, s4;
	s11 =	sor.u32 s6, s5  }
0xa: {  	_ =	strace $0x80000047;
	s31 =	sshrl.u32 s4, $0x1;
	s0 =	sadd.s32 s11, s0  }
0xb: {  	s12 =	ssub.s32 s4, s31;
	s4 =	sadd.s32 s7, s11;
	s5 =	sadd.s32 s8, s11  }
0xc: {  	s6 =	sadd.s32 s9, s11;
	s13 =	sor.u32 $0x4000, s11;
	s10 =	sadd.s32 s10, s11  }
0xd: {  	s7 =	sadd.s32 s7, s13;
	s8 =	sadd.s32 s8, s13;
	s9 =	sadd.s32 s9, s13  }
0xe: {  	v0 =	vimm.bf16 $0.0e+00;
	s11 =	sadd.s32 $0x229400, s0;
	s12 =	smax.u32 s12, $0x1;
	s13 =	simm.s32 $0x3  }
.LBB2_1:
0xf: {  	[tilespmem:s1], [sflag:$0x3] =	stream.linear.gather [hbm4b:s4+s1], $0x1000, $0x38;
	[tilespmem:$0xF000] =	vst v63  }
0x10: {  	_ =	swait.ge [sflag:s13], $0x1000  }
0x11: {  	[sflag:s13] =	ssyncset.done $0x0  }
0x12: {  	s22 =	simm.s32 $0x2000;
	[sflag:s13] =	ssyncadd.s32 $0xFFFFF000  }
0x13: {  	[tilespmem:s22], [sflag:$0x3] =	stream.linear.gather [hbm4b:s5+s1], $0x1000, $0x38;
	[tilespmem:$0xF000] =	vst v63  }
0x14: {  	_ =	swait.ge [sflag:s13], $0x1000  }
0x15: {  	[sflag:s13] =	ssyncset.done $0x0  }
0x16: {  	s23 =	simm.s32 $0x4000;
	[sflag:s13] =	ssyncadd.s32 $0xFFFFF000  }
0x17: {  	[tilespmem:s23], [sflag:$0x3] =	stream.linear.gather [hbm4b:s6+s1], $0x1000, $0x38;
	[tilespmem:$0xF000] =	vst v63  }
0x18: {  	_ =	swait.ge [sflag:s13], $0x1000  }
0x19: {  	[sflag:s13] =	ssyncset.done $0x0  }
0x1a: {  	[sflag:s13] =	ssyncadd.s32 $0xFFFFF000  }
0x1b: {  	[tilespmem:s14], [sflag:$0x3] =	stream.linear.gather [hbm4b:s7+s1], $0x1000, $0x38;
	[tilespmem:$0xF000] =	vst v63  }
0x1c: {  	_ =	swait.ge [sflag:s13], $0x1000  }
0x1d: {  	[sflag:s13] =	ssyncset.done $0x0  }
0x1e: {  	s24 =	simm.s32 $0x3000;
	[sflag:s13] =	ssyncadd.s32 $0xFFFFF000  }
0x1f: {  	[tilespmem:s24], [sflag:$0x3] =	stream.linear.gather [hbm4b:s8+s1], $0x1000, $0x38;
	[tilespmem:$0xF000] =	vst v63  }
0x20: {  	_ =	swait.ge [sflag:s13], $0x1000  }
0x21: {  	[sflag:s13] =	ssyncset.done $0x0  }
0x22: {  	s25 =	simm.s32 $0x5000;
	[sflag:s13] =	ssyncadd.s32 $0xFFFFF000  }
0x23: {  	[tilespmem:s25], [sflag:$0x3] =	stream.linear.gather [hbm4b:s9+s1], $0x1000, $0x38;
	[tilespmem:$0xF000] =	vst v63  }
0x24: {  	_ =	swait.ge [sflag:s13], $0x1000  }
0x25: {  	[sflag:s13] =	ssyncset.done $0x0  }
0x26: {  	[sflag:s13] =	ssyncadd.s32 $0xFFFFF000  }
0x27: {  	[tilespmem:s15], [sflag:$0x3] =	stream.linear.gather [hbm4b:s10+s1], $0x1000, $0x38;
	[tilespmem:$0xF000] =	vst v63  }
0x28: {  	_ =	swait.ge [sflag:s13], $0x1000  }
0x29: {  	[sflag:s13] =	ssyncset.done $0x0  }
0x2a: {  	s28 =	simm.s32 $0x0;
	[sflag:s13] =	ssyncadd.s32 $0xFFFFF000  }
0x2b: {  	[tilespmem:s17], [sflag:$0x1] =	stream.indirect.gather [hbm4b:s3+s16], $0x80, s1, s16, $0xb8;
	[tilespmem:$0xF000] =	vst v63  }
.LBB2_3:
0x2c: {  	s26 =	sshll.u32 s28, $0x7  }
0x2d: {  	s0 =	sor.u32 $0x1000, s26  }
0x2e: {  	[tilespmem:s18], [sflag:$0x2] =	stream.indirect.gather [hbm4b:s3+s16], $0x80, s0, s16, $0xb8;
	[tilespmem:$0xF000] =	vst v63  }
0x2f: {  	_ =	swait.ge [sflag:s19], $0x4000  }
0x30: {  	s29 =	smov.u32 s28;
	[sflag:s19] =	ssyncset.done $0x0  }
0x31: {  	s28 =	simm.s32 $0x0;
	s30 =	simm.s32 $0x6400;
	v1 =	vmov s22;
	v2 =	vmov s23;
	[sflag:s19] =	ssyncadd.s32 $0xFFFFC000  }
.LBB2_4:
0x32: {  	v5 =	vld [tilespmem:s30+$0xFFFFFC00]  }
0x33: {  	v6 =	vld [tilespmem:s30+$0xFFFFFC10]  }
0x34: {  	v7 =	vld [tilespmem:s30+$0xFFFFFC20]  }
0x35: {  	v8 =	vld [tilespmem:s30+$0xFFFFFC30]  }
0x36: {  	v9 =	vld [tilespmem:s30+$0xFFFFFC40]  }
0x37: {  	v10 =	vld [tilespmem:s30+$0xFFFFFC50]  }
0x38: {  	v11 =	vld [tilespmem:s30+$0xFFFFFC60]  }
0x39: {  	v12 =	vld [tilespmem:s30+$0xFFFFFC70]  }
0x3a: {  	v13 =	vld [tilespmem:s30+$0xFFFFFC80]  }
0x3b: {  	v14 =	vld [tilespmem:s30+$0xFFFFFC90]  }
0x3c: {  	v15 =	vld [tilespmem:s30+$0xFFFFFCA0]  }
0x3d: {  	v16 =	vld [tilespmem:s30+$0xFFFFFCB0]  }
0x3e: {  	v17 =	vld [tilespmem:s30+$0xFFFFFCC0]  }
0x3f: {  	v18 =	vld [tilespmem:s30+$0xFFFFFCD0]  }
0x40: {  	v19 =	vld [tilespmem:s30+$0xFFFFFCE0]  }
0x41: {  	v20 =	vld [tilespmem:s30+$0xFFFFFCF0]  }
0x42: {  	v21 =	vld [tilespmem:s30+$0xFFFFFD00]  }
0x43: {  	v22 =	vld [tilespmem:s30+$0xFFFFFD10]  }
0x44: {  	v23 =	vld [tilespmem:s30+$0xFFFFFD20]  }
0x45: {  	v24 =	vld [tilespmem:s30+$0xFFFFFD30]  }
0x46: {  	v25 =	vld [tilespmem:s30+$0xFFFFFD40]  }
0x47: {  	v26 =	vld [tilespmem:s30+$0xFFFFFD50]  }
0x48: {  	v27 =	vld [tilespmem:s30+$0xFFFFFD60]  }
0x49: {  	v28 =	vld [tilespmem:s30+$0xFFFFFD70]  }
0x4a: {  	v29 =	vld [tilespmem:s30+$0xFFFFFD80]  }
0x4b: {  	s0 =	sshra.s32 s28, $0x2;
	v30 =	vld [tilespmem:s30+$0xFFFFFD90]  }
0x4c: {  	v3 =	vld.idx.msk [tilespmem:v1+s0+$0x0 ss:$0x1], $0xffff  }
0x4d: {  	v4 =	vld.idx.msk [tilespmem:v2+s0+$0x0 ss:$0x1], $0xffff  }
0x4e: {  	v31 =	vld [tilespmem:s30+$0xFFFFFDA0]  }
0x4f: {  	v32 =	vld [tilespmem:s30+$0xFFFFFDB0]  }
0x50: {  	v35 =	vld [tilespmem:s30+$0xFFFFFDC0]  }
0x51: {  	v36 =	vld [tilespmem:s30+$0xFFFFFDD0];
	v33 =	vbroadcast v3, $0x0  }
0x52: {  	v37 =	vld [tilespmem:s30+$0xFFFFFDF0];
	v34 =	vbroadcast v4, $0x0;
	v40 =	vbroadcast v3, $0x1  }
0x53: {  	v38 =	vld [tilespmem:s30+$0xFFFFFE00];
	v41 =	vbroadcast v4, $0x1;
	v58 =	vbroadcast v3, $0x2  }
0x54: {  	v39 =	vld [tilespmem:s30+$0xFFFFFE10];
	v59 =	vbroadcast v4, $0x2;
	v46 =	vbroadcast v3, $0x3;
	v33 =	vpack.i.f32.bf16 v34, v33  }
0x55: {  	v42 =	vld [tilespmem:s30+$0xFFFFFE20];
	v5 =	vmul.bf16 v5, v33;
	v6 =	vmul.bf16 v6, v33  }
0x56: {  	v43 =	vld [tilespmem:s30+$0xFFFFFE30];
	v7 =	vmul.bf16 v7, v33;
	v8 =	vmul.bf16 v8, v33  }
0x57: {  	v44 =	vld [tilespmem:s30+$0xFFFFFE50];
	v40 =	vpack.i.f32.bf16 v41, v40;
	v9 =	vmul.bf16 v9, v33;
	v10 =	vmul.bf16 v10, v33  }
0x58: {  	v45 =	vld [tilespmem:s30+$0xFFFFFE90];
	v11 =	vmul.bf16 v11, v33;
	v13 =	vmul.bf16 v13, v40  }
0x59: {  	v34 =	vld [tilespmem:s30+$0xFFFFFDE0];
	v14 =	vmul.bf16 v14, v40;
	v12 =	vmul.bf16 v12, v33  }
0x5a: {  	v41 =	vld [tilespmem:s30+$0xFFFFFE40];
	v15 =	vmul.bf16 v15, v40;
	v55 =	vmul.bf16 v16, v40  }
0x5b: {  	v33 =	vld [tilespmem:s30+$0xFFFFFE60];
	v56 =	vmul.bf16 v17, v40;
	v57 =	vmul.bf16 v18, v40;
	v5 =	vadd.bf16 v0, v5  }
0x5c: {  	v17 =	vld [tilespmem:s30+$0xFFFFFE80];
	v19 =	vmul.bf16 v19, v40;
	v6 =	vadd.bf16 v0, v6;
	v7 =	vadd.bf16 v0, v7  }
0x5d: {  	v20 =	vmul.bf16 v20, v40;
	v40 =	vld [tilespmem:s30+$0xFFFFFEA0];
	v9 =	vadd.bf16 v0, v9;
	v10 =	vadd.bf16 v0, v10  }
0x5e: {  	v47 =	vbroadcast v4, $0x3;
	v18 =	vld [tilespmem:s30+$0xFFFFFEB0];
	v11 =	vadd.bf16 v0, v11;
	v12 =	vadd.bf16 v0, v12  }
0x5f: {  	v16 =	vld [tilespmem:s30+$0xFFFFFEC0];
	v5 =	vadd.bf16 v13, v5;
	v6 =	vadd.bf16 v14, v6;
	v13 =	vpack.i.f32.bf16 v59, v58  }
0x60: {  	v14 =	vld [tilespmem:s30+$0xFFFFFE70];
	v9 =	vadd.bf16 v56, v9;
	v10 =	vadd.bf16 v57, v10;
	v56 =	vbroadcast v3, $0x4  }
0x61: {  	v12 =	vadd.bf16 v20, v12;
	v20 =	vld [tilespmem:s30+$0xFFFFFED0];
	v57 =	vbroadcast v4, $0x4;
	v60 =	vmul.bf16 v21, v13  }
0x62: {  	v7 =	vadd.bf16 v15, v7;
	v15 =	vld [tilespmem:s30+$0xFFFFFF40];
	v61 =	vmul.bf16 v22, v13;
	v62 =	vmul.bf16 v23, v13  }
0x63: {  	v11 =	vadd.bf16 v19, v11;
	v63 =	vmul.bf16 v24, v13;
	v22 =	vld [tilespmem:s30+$0xFFFFFEE0];
	v48 =	vmul.bf16 v25, v13  }
0x64: {  	v19 =	vpack.i.f32.bf16 v47, v46;
	v24 =	vld [tilespmem:s30+$0xFFFFFEF0];
	v49 =	vmul.bf16 v26, v13;
	v50 =	vmul.bf16 v27, v13  }
0x65: {  	v8 =	vadd.bf16 v0, v8;
	v21 =	vld [tilespmem:s30+$0xFFFFFF00];
	v13 =	vmul.bf16 v28, v13;
	v51 =	vmul.bf16 v29, v19  }
0x66: {  	v23 =	vld [tilespmem:s30+$0xFFFFFF10];
	v52 =	vmul.bf16 v30, v19;
	v53 =	vmul.bf16 v31, v19  }
0x67: {  	v8 =	vadd.bf16 v55, v8;
	v27 =	vld [tilespmem:s30+$0xFFFFFF20];
	v54 =	vmul.bf16 v32, v19;
	v55 =	vmul.bf16 v35, v19  }
0x68: {  	v26 =	vld [tilespmem:s30+$0xFFFFFF30];
	v58 =	vmul.bf16 v36, v19;
	v59 =	vmul.bf16 v34, v19  }
0x69: {  	v29 =	vld [tilespmem:s30+$0xFFFFFF50];
	v19 =	vmul.bf16 v37, v19;
	v5 =	vadd.bf16 v60, v5;
	v6 =	vadd.bf16 v61, v6  }
0x6a: {  	v31 =	vld [tilespmem:s30+$0xFFFFFF60];
	v7 =	vadd.bf16 v62, v7;
	v12 =	vadd.bf16 v13, v12;
	v13 =	vpack.i.f32.bf16 v57, v56  }
0x6b: {  	v28 =	vld [tilespmem:s30+$0xFFFFFF70];
	v8 =	vadd.bf16 v63, v8;
	v9 =	vadd.bf16 v48, v9;
	v60 =	vmul.bf16 v38, v13  }
0x6c: {  	v30 =	vld [tilespmem:s30+$0xFFFFFF80];
	v10 =	vadd.bf16 v49, v10;
	v61 =	vmul.bf16 v39, v13;
	v62 =	vmul.bf16 v42, v13  }
0x6d: {  	v35 =	vld [tilespmem:s30+$0xFFFFFF90];
	v11 =	vadd.bf16 v50, v11;
	v63 =	vmul.bf16 v43, v13;
	v42 =	vbroadcast v3, $0x5  }
0x6e: {  	v32 =	vld [tilespmem:s30+$0xFFFFFFA0];
	v43 =	vbroadcast v4, $0x5;
	v5 =	vadd.bf16 v51, v5;
	v6 =	vadd.bf16 v52, v6  }
0x6f: {  	v34 =	vld [tilespmem:s30+$0xFFFFFFB0];
	v46 =	vmul.bf16 v41, v13;
	v7 =	vadd.bf16 v53, v7;
	v8 =	vadd.bf16 v54, v8  }
0x70: {  	v37 =	vld [tilespmem:s30+$0xFFFFFFC0];
	v47 =	vmul.bf16 v44, v13;
	v9 =	vadd.bf16 v55, v9;
	v10 =	vadd.bf16 v58, v10  }
0x71: {  	v25 =	vld [tilespmem:s30+$0xFFFFFFF0];
	v33 =	vmul.bf16 v33, v13;
	v11 =	vadd.bf16 v59, v11;
	v12 =	vadd.bf16 v19, v12  }
0x72: {  	v36 =	vld [tilespmem:s30+$0x10];
	v13 =	vmul.bf16 v14, v13;
	v52 =	vbroadcast v3, $0x6;
	v49 =	vpack.i.f32.bf16 v43, v42  }
0x73: {  	v48 =	vld [tilespmem:s30+$0xFFFFFFD0];
	v53 =	vbroadcast v4, $0x6;
	v5 =	vadd.bf16 v60, v5;
	v17 =	vmul.bf16 v17, v49  }
0x74: {  	v19 =	vld [tilespmem:s30+$0xFFFFFFE0];
	v6 =	vadd.bf16 v61, v6;
	v50 =	vmul.bf16 v45, v49;
	v51 =	vmul.bf16 v40, v49  }
0x75: {  	v42 =	vld [tilespmem:s30+$0xC0];
	v7 =	vadd.bf16 v62, v7;
	v18 =	vmul.bf16 v18, v49;
	v16 =	vmul.bf16 v16, v49  }
0x76: {  	v11 =	vadd.bf16 v33, v11;
	v33 =	vld [tilespmem:s30+$0x0];
	v54 =	vmul.bf16 v20, v49;
	v55 =	vmul.bf16 v22, v49  }
0x77: {  	v12 =	vadd.bf16 v13, v12;
	v40 =	vld [tilespmem:s30+$0x20];
	v14 =	vmul.bf16 v24, v49;
	v60 =	vbroadcast v3, $0x7  }
0x78: {  	v13 =	vpack.i.f32.bf16 v53, v52;
	v22 =	vld [tilespmem:s30+$0x40];
	v61 =	vbroadcast v4, $0x7;
	v45 =	vbroadcast v3, $0x8  }
0x79: {  	v9 =	vadd.bf16 v46, v9;
	v20 =	vld [tilespmem:s30+$0x60];
	v46 =	vbroadcast v4, $0x8;
	v56 =	vmul.bf16 v21, v13  }
0x7a: {  	v8 =	vadd.bf16 v63, v8;
	v24 =	vld [tilespmem:s30+$0xB0];
	v57 =	vmul.bf16 v23, v13;
	v58 =	vmul.bf16 v27, v13  }
0x7b: {  	v10 =	vadd.bf16 v47, v10;
	v49 =	vld [tilespmem:s30+$0x100];
	v59 =	vmul.bf16 v26, v13;
	v15 =	vmul.bf16 v15, v13  }
0x7c: {  	v52 =	vld [tilespmem:s30+$0x120];
	v62 =	vmul.bf16 v29, v13;
	v63 =	vmul.bf16 v31, v13;
	v5 =	vadd.bf16 v17, v5  }
0x7d: {  	v21 =	vld [tilespmem:s30+$0x50];
	v13 =	vmul.bf16 v28, v13;
	v6 =	vadd.bf16 v50, v6;
	v7 =	vadd.bf16 v51, v7  }
0x7e: {  	v23 =	vld [tilespmem:s30+$0x80];
	v8 =	vadd.bf16 v18, v8;
	v12 =	vadd.bf16 v14, v12;
	v14 =	vpack.i.f32.bf16 v61, v60  }
0x7f: {  	v26 =	vld [tilespmem:s30+$0x90];
	v9 =	vadd.bf16 v16, v9;
	v38 =	vmul.bf16 v30, v14;
	v41 =	vmul.bf16 v35, v14  }
0x80: {  	v27 =	vld [tilespmem:s30+$0xD0];
	v10 =	vadd.bf16 v54, v10;
	v43 =	vmul.bf16 v32, v14;
	v44 =	vmul.bf16 v34, v14  }
0x81: {  	v28 =	vld [tilespmem:s30+$0xE0];
	v11 =	vadd.bf16 v55, v11;
	v47 =	vmul.bf16 v37, v14;
	v48 =	vmul.bf16 v48, v14  }
0x82: {  	v31 =	vld [tilespmem:s30+$0xF0];
	v19 =	vmul.bf16 v19, v14;
	v14 =	vmul.bf16 v25, v14;
	v5 =	vadd.bf16 v56, v5  }
0x83: {  	v29 =	vld [tilespmem:s30+$0x390];
	v34 =	vbroadcast v3, $0xC;
	v6 =	vadd.bf16 v57, v6;
	v7 =	vadd.bf16 v58, v7  }
0x84: {  	v17 =	vld [tilespmem:s30+$0x30];
	v35 =	vbroadcast v4, $0xC;
	v8 =	vadd.bf16 v59, v8;
	v9 =	vadd.bf16 v15, v9  }
0x85: {  	v16 =	vld [tilespmem:s30+$0x70];
	v12 =	vadd.bf16 v13, v12;
	v13 =	vpack.i.f32.bf16 v46, v45;
	v56 =	vbroadcast v3, $0x9  }
0x86: {  	v18 =	vld [tilespmem:s30+$0xA0];
	v10 =	vadd.bf16 v62, v10;
	v57 =	vbroadcast v4, $0x9;
	v51 =	vmul.bf16 v33, v13  }
0x87: {  	v50 =	vld [tilespmem:s30+$0x110];
	v11 =	vadd.bf16 v63, v11;
	v53 =	vmul.bf16 v36, v13;
	v55 =	vmul.bf16 v40, v13  }
0x88: {  	v54 =	vld [tilespmem:s30+$0x130];
	v59 =	vmul.bf16 v22, v13;
	v5 =	vadd.bf16 v38, v5;
	v6 =	vadd.bf16 v41, v6  }
0x89: {  	v60 =	vld [tilespmem:s30+$0x160];
	v20 =	vmul.bf16 v20, v13;
	v7 =	vadd.bf16 v43, v7;
	v8 =	vadd.bf16 v44, v8  }
0x8a: {  	v61 =	vld [tilespmem:s30+$0x170];
	v12 =	vadd.bf16 v14, v12;
	v21 =	vmul.bf16 v21, v13;
	v41 =	vbroadcast v3, $0xA  }
0x8b: {  	v32 =	vld [tilespmem:s30+$0x140];
	v14 =	vpack.i.f32.bf16 v57, v56;
	v17 =	vmul.bf16 v17, v13;
	v13 =	vmul.bf16 v16, v13  }
0x8c: {  	v37 =	vld [tilespmem:s30+$0x1A0];
	v9 =	vadd.bf16 v47, v9;
	v62 =	vmul.bf16 v23, v14;
	v26 =	vmul.bf16 v26, v14  }
0x8d: {  	v58 =	vld [tilespmem:s30+$0x150];
	v10 =	vadd.bf16 v48, v10;
	v36 =	vmul.bf16 v18, v14;
	v38 =	vmul.bf16 v24, v14  }
0x8e: {  	v63 =	vld [tilespmem:s30+$0x180];
	v11 =	vadd.bf16 v19, v11;
	v39 =	vmul.bf16 v42, v14;
	v42 =	vbroadcast v4, $0xA  }
0x8f: {  	v45 =	vld [tilespmem:s30+$0x1D0];
	v44 =	vmul.bf16 v27, v14;
	v5 =	vadd.bf16 v51, v5;
	v6 =	vadd.bf16 v53, v6  }
0x90: {  	v33 =	vld [tilespmem:s30+$0x190];
	v46 =	vmul.bf16 v28, v14;
	v7 =	vadd.bf16 v55, v7;
	v9 =	vadd.bf16 v59, v9  }
0x91: {  	v40 =	vld [tilespmem:s30+$0x1B0];
	v14 =	vmul.bf16 v31, v14;
	v10 =	vadd.bf16 v21, v10;
	v11 =	vadd.bf16 v20, v11  }
0x92: {  	v43 =	vld [tilespmem:s30+$0x1C0];
	v55 =	vbroadcast v4, $0xB;
	v8 =	vadd.bf16 v17, v8;
	v12 =	vadd.bf16 v13, v12  }
0x93: {  	v47 =	vld [tilespmem:s30+$0x1E0];
	v13 =	vpack.i.f32.bf16 v42, v41;
	v5 =	vadd.bf16 v62, v5;
	v6 =	vadd.bf16 v26, v6  }
0x94: {  	v56 =	vld [tilespmem:s30+$0x220];
	v7 =	vadd.bf16 v36, v7;
	v48 =	vmul.bf16 v49, v13;
	v25 =	vmul.bf16 v50, v13  }
0x95: {  	v27 =	vld [tilespmem:s30+$0x380];
	v9 =	vadd.bf16 v39, v9;
	v50 =	vmul.bf16 v52, v13;
	v52 =	vmul.bf16 v54, v13  }
0x96: {  	v31 =	vld [tilespmem:s30+$0x3A0];
	v10 =	vadd.bf16 v44, v10;
	v54 =	vbroadcast v3, $0xB;
	v57 =	vmul.bf16 v32, v13  }
0x97: {  	v51 =	vld [tilespmem:s30+$0x200];
	v11 =	vadd.bf16 v46, v11;
	v58 =	vmul.bf16 v58, v13;
	v17 =	vmul.bf16 v60, v13  }
0x98: {  	v53 =	vld [tilespmem:s30+$0x210];
	v13 =	vmul.bf16 v61, v13;
	v8 =	vadd.bf16 v38, v8;
	v12 =	vadd.bf16 v14, v12  }
0x99: {  	v59 =	vld [tilespmem:s30+$0x230];
	v5 =	vadd.bf16 v48, v5;
	v6 =	vadd.bf16 v25, v6;
	v14 =	vpack.i.f32.bf16 v55, v54  }
0x9a: {  	v41 =	vld [tilespmem:s30+$0x2B0];
	v10 =	vadd.bf16 v58, v10;
	v48 =	vbroadcast v4, $0xD;
	v58 =	vbroadcast v3, $0xE  }
0x9b: {  	v42 =	vld [tilespmem:s30+$0x2C0];
	v7 =	vadd.bf16 v50, v7;
	v16 =	vmul.bf16 v63, v14;
	v62 =	vmul.bf16 v33, v14  }
0x9c: {  	v49 =	vld [tilespmem:s30+$0x1F0];
	v9 =	vadd.bf16 v57, v9;
	v15 =	vmul.bf16 v37, v14;
	v32 =	vmul.bf16 v40, v14  }
0x9d: {  	v60 =	vld [tilespmem:s30+$0x240];
	v12 =	vadd.bf16 v13, v12;
	v37 =	vmul.bf16 v43, v14;
	v20 =	vmul.bf16 v45, v14  }
0x9e: {  	v61 =	vld [tilespmem:s30+$0x250];
	v24 =	vmul.bf16 v47, v14;
	v13 =	vpack.i.f32.bf16 v35, v34;
	v47 =	vbroadcast v3, $0xD  }
0x9f: {  	v36 =	vld [tilespmem:s30+$0x280];
	v11 =	vadd.bf16 v17, v11;
	v3 =	vbroadcast v3, $0xF;
	v40 =	vmul.bf16 v51, v13  }
0xa0: {  	v39 =	vld [tilespmem:s30+$0x2A0];
	v8 =	vadd.bf16 v52, v8;
	v19 =	vmul.bf16 v53, v13;
	v43 =	vmul.bf16 v56, v13  }
0xa1: {  	v63 =	vld [tilespmem:s30+$0x260];
	v45 =	vmul.bf16 v59, v13;
	v59 =	vbroadcast v4, $0xE;
	v5 =	vadd.bf16 v16, v5  }
0xa2: {  	v33 =	vld [tilespmem:s30+$0x270];
	v4 =	vbroadcast v4, $0xF;
	v6 =	vadd.bf16 v62, v6;
	v7 =	vadd.bf16 v15, v7  }
0xa3: {  	v38 =	vld [tilespmem:s30+$0x290];
	v8 =	vadd.bf16 v32, v8;
	v9 =	vadd.bf16 v37, v9;
	v14 =	vmul.bf16 v49, v14  }
0xa4: {  	v44 =	vld [tilespmem:s30+$0x2D0];
	v10 =	vadd.bf16 v20, v10;
	v11 =	vadd.bf16 v24, v11;
	v22 =	vmul.bf16 v60, v13  }
0xa5: {  	v46 =	vld [tilespmem:s30+$0x2E0];
	v18 =	vmul.bf16 v61, v13;
	v3 =	vpack.i.f32.bf16 v4, v3;
	v12 =	vadd.bf16 v14, v12  }
0xa6: {  	v50 =	vld [tilespmem:s30+$0x300];
	v5 =	vadd.bf16 v40, v5;
	v6 =	vadd.bf16 v19, v6;
	v40 =	vmul.bf16 v29, v3  }
0xa7: {  	v55 =	vld [tilespmem:s30+$0x330];
	v14 =	vpack.i.f32.bf16 v48, v47;
	v17 =	vmul.bf16 v63, v13;
	v13 =	vmul.bf16 v33, v13  }
0xa8: {  	v34 =	vld [tilespmem:s30+$0x3B0];
	v7 =	vadd.bf16 v43, v7;
	v52 =	vmul.bf16 v36, v14;
	v16 =	vmul.bf16 v38, v14  }
0xa9: {  	v51 =	vld [tilespmem:s30+$0x310];
	v8 =	vadd.bf16 v45, v8;
	v54 =	vmul.bf16 v39, v14;
	v56 =	vmul.bf16 v41, v14  }
0xaa: {  	v49 =	vld [tilespmem:s30+$0x2F0];
	v9 =	vadd.bf16 v22, v9;
	v61 =	vmul.bf16 v42, v14;
	v15 =	vmul.bf16 v44, v14  }
0xab: {  	v53 =	vld [tilespmem:s30+$0x320];
	v10 =	vadd.bf16 v18, v10;
	v24 =	vmul.bf16 v46, v14;
	v39 =	vmul.bf16 v27, v3  }
0xac: {  	v57 =	vld [tilespmem:s30+$0x340];
	v42 =	vmul.bf16 v31, v3;
	v11 =	vadd.bf16 v17, v11;
	v12 =	vadd.bf16 v13, v12  }
0xad: {  	v60 =	vld [tilespmem:s30+$0x350];
	v43 =	vmul.bf16 v34, v3;
	v5 =	vadd.bf16 v52, v5;
	v6 =	vadd.bf16 v16, v6  }
0xae: {  	v62 =	vld [tilespmem:s30+$0x360];
	v7 =	vadd.bf16 v54, v7;
	v8 =	vadd.bf16 v56, v8;
	v13 =	vpack.i.f32.bf16 v59, v58  }
0xaf: {  	v63 =	vld [tilespmem:s30+$0x370];
	v14 =	vmul.bf16 v49, v14;
	v9 =	vadd.bf16 v61, v9;
	v26 =	vmul.bf16 v50, v13  }
0xb0: {  	v35 =	vld [tilespmem:s30+$0x3C0];
	v10 =	vadd.bf16 v15, v10;
	v28 =	vmul.bf16 v51, v13;
	v30 =	vmul.bf16 v53, v13  }
0xb1: {  	v37 =	vld [tilespmem:s30+$0x3D0];
	v17 =	vmul.bf16 v55, v13;
	v32 =	vmul.bf16 v57, v13;
	v11 =	vadd.bf16 v24, v11  }
0xb2: {  	v38 =	vld [tilespmem:s30+$0x3E0];
	v33 =	vmul.bf16 v60, v13;
	v12 =	vadd.bf16 v14, v12;
	v5 =	vadd.bf16 v26, v5  }
0xb3: {  	v41 =	vld [tilespmem:s30+$0x3F0];
	v36 =	vmul.bf16 v62, v13;
	v6 =	vadd.bf16 v28, v6;
	v7 =	vadd.bf16 v30, v7  }
0xb4: {  	v8 =	vadd.bf16 v17, v8;
	v9 =	vadd.bf16 v32, v9;
	v13 =	vmul.bf16 v63, v13  }
0xb5: {  	v44 =	vmul.bf16 v35, v3;
	v10 =	vadd.bf16 v33, v10;
	v11 =	vadd.bf16 v36, v11  }
0xb6: {  	v46 =	vmul.bf16 v37, v3;
	v12 =	vadd.bf16 v13, v12;
	v5 =	vadd.bf16 v39, v5  }
0xb7: {  	v4 =	vmul.bf16 v38, v3;
	v6 =	vadd.bf16 v40, v6;
	v7 =	vadd.bf16 v42, v7  }
0xb8: {  	v3 =	vmul.bf16 v41, v3;
	v8 =	vadd.bf16 v43, v8;
	v9 =	vadd.bf16 v44, v9  }
0xb9: {  	v10 =	vadd.bf16 v46, v10;
	v4 =	vadd.bf16 v4, v11;
	v47 =	vunpack.i.u.bf16.f32 v5  }
0xba: {  	v45 =	vld [tilespmem:s26+$0xE000];
	v5 =	vunpack.i.l.bf16.f32 v5;
	v3 =	vadd.bf16 v3, v12;
	v50 =	vunpack.i.u.bf16.f32 v6  }
0xbb: {  	v48 =	vld [tilespmem:s26+$0xE010];
	v6 =	vunpack.i.l.bf16.f32 v6;
	v52 =	vunpack.i.u.bf16.f32 v7;
	v7 =	vunpack.i.l.bf16.f32 v7  }
0xbc: {  	v49 =	vld [tilespmem:s26+$0xE020];
	v54 =	vunpack.i.u.bf16.f32 v8;
	v8 =	vunpack.i.l.bf16.f32 v8;
	v55 =	vunpack.i.u.bf16.f32 v9  }
0xbd: {  	v51 =	vld [tilespmem:s26+$0xE030];
	v9 =	vunpack.i.l.bf16.f32 v9;
	v5 =	vadd.f32 v5, v47;
	v6 =	vadd.f32 v6, v50  }
0xbe: {  	v53 =	vld [tilespmem:s26+$0xE040];
	v59 =	vunpack.i.u.bf16.f32 v10;
	v7 =	vadd.f32 v7, v52;
	v8 =	vadd.f32 v8, v54  }
0xbf: {  	v57 =	vld [tilespmem:s26+$0xE060];
	v10 =	vunpack.i.l.bf16.f32 v10;
	v9 =	vadd.f32 v9, v55;
	v5 =	vadd.f32 v5, v45  }
0xc0: {  	v56 =	vld [tilespmem:s26+$0xE050];
	v61 =	vadd.f32 v10, v59;
	v6 =	vadd.f32 v6, v48  }
0xc1: {  	v60 =	vld [tilespmem:s26+$0xE070];
	v62 =	vunpack.i.u.bf16.f32 v4;
	v4 =	vunpack.i.l.bf16.f32 v4;
	v7 =	vadd.f32 v7, v49;
	[tilespmem:s26+$0xE000] =	vst v5  }
0xc2: {  	v4 =	vadd.f32 v4, v62;
	v8 =	vadd.f32 v8, v51;
	[tilespmem:s26+$0xE010] =	vst v6  }
0xc3: {  	p0 =	sne.s32 s28, $0x1C0;
	v63 =	vunpack.i.u.bf16.f32 v3;
	v3 =	vunpack.i.l.bf16.f32 v3;
	v58 =	vadd.f32 v9, v53;
	[tilespmem:s26+$0xE020] =	vst v7  }
.Ltmp0:
0xc4: {  	v3 =	vadd.f32 v3, v63;
	v4 =	vadd.f32 v4, v57;
	[tilespmem:s26+$0xE030] =	vst v8;
	(pc) =	sbr.rel @p0 .LBB2_4-.Ltmp0, $4  }
0xc5: {  	v6 =	vadd.f32 v61, v56;
	[tilespmem:s26+$0xE040] =	vst v58  }
0xc6: {  	v3 =	vadd.f32 v3, v60;
	[tilespmem:s26+$0xE060] =	vst v4  }
0xc7: {  	[tilespmem:s26+$0xE050] =	vst v6  }
0xc8: {  	s28 =	sadd.s32 $0x40, s28;
	s30 =	sadd.s32 $0x800, s30;
	[tilespmem:s26+$0xE070] =	vst v3  }
0xc9: {  	s28 =	sadd.s32 $0x1, s29;
	p0 =	seq.s32 s29, $0x1F  }
0xca: {  	s0 =	sshll.u32 @!p0 s28, $0x7  }
0xcb: {  	s29 =	simm.s32 @!p0 $0x80;
	s30 =	simm.s32 @!p0 $0x6000;
	s0 =	sand.u32 @!p0 $0x3FFFFF80, s0  }
0xcc: {  	[tilespmem:s30], [sflag:$0x1] =	stream.indirect.gather @!p0 [hbm4b:s3+s29], $0x80, s0, s29, $0xb8;
	[tilespmem:$0xF000] =	vst v63  }
0xcd: {  	_ =	swait.ge [sflag:s20], $0x4000  }
0xce: {  	s31 =	smov.u32 s25;
	[sflag:s20] =	ssyncset.done $0x0  }
0xcf: {  	s29 =	simm.s32 $0x0;
	s30 =	smov.u32 s24;
	[sflag:s20] =	ssyncadd.s32 $0xFFFFC000  }
.LBB2_6:
0xd0: {  	v1 =	vld [tilespmem:s30+$0x0]  }
0xd1: {  	v2 =	vld [tilespmem:s31+$0x0];
	s0 =	sshra.s32 s29, $0x2  }
0xd2: {  	v3 =	vld [tilespmem:s0+$0xA000]  }
0xd3: {  	v4 =	vld [tilespmem:s0+$0xA010]  }
0xd4: {  	v5 =	vld [tilespmem:s0+$0xA020]  }
0xd5: {  	v6 =	vld [tilespmem:s0+$0xA030]  }
0xd6: {  	v7 =	vld [tilespmem:s0+$0xA040]  }
0xd7: {  	v8 =	vld [tilespmem:s0+$0xA050]  }
0xd8: {  	v9 =	vld [tilespmem:s0+$0xA060]  }
0xd9: {  	v10 =	vld [tilespmem:s0+$0xA070]  }
0xda: {  	v11 =	vld [tilespmem:s0+$0xA080]  }
0xdb: {  	v12 =	vld [tilespmem:s0+$0xA090]  }
0xdc: {  	v13 =	vld [tilespmem:s0+$0xA0A0]  }
0xdd: {  	v14 =	vld [tilespmem:s0+$0xA0B0]  }
0xde: {  	v15 =	vld [tilespmem:s0+$0xA0C0]  }
0xdf: {  	v16 =	vld [tilespmem:s0+$0xA0D0]  }
0xe0: {  	v17 =	vld [tilespmem:s0+$0xA0E0]  }
0xe1: {  	v18 =	vld [tilespmem:s0+$0xA0F0]  }
0xe2: {  	v19 =	vld [tilespmem:s0+$0xA100]  }
0xe3: {  	v20 =	vld [tilespmem:s0+$0xA110]  }
0xe4: {  	v21 =	vld [tilespmem:s0+$0xA120]  }
0xe5: {  	v22 =	vld [tilespmem:s0+$0xA130]  }
0xe6: {  	v23 =	vld [tilespmem:s0+$0xA140]  }
0xe7: {  	v24 =	vld [tilespmem:s0+$0xA150]  }
0xe8: {  	v25 =	vld [tilespmem:s0+$0xA160]  }
0xe9: {  	v26 =	vld [tilespmem:s0+$0xA170]  }
0xea: {  	v27 =	vld [tilespmem:s0+$0xA180]  }
0xeb: {  	v28 =	vld [tilespmem:s0+$0xA190]  }
0xec: {  	v29 =	vld [tilespmem:s0+$0xA1A0]  }
0xed: {  	v30 =	vld [tilespmem:s0+$0xA1B0]  }
0xee: {  	v33 =	vld [tilespmem:s0+$0xA1C0]  }
0xef: {  	v34 =	vld [tilespmem:s0+$0xA1D0]  }
0xf0: {  	v35 =	vld [tilespmem:s0+$0xA1F0];
	v31 =	vbroadcast v1, $0x0;
	v32 =	vbroadcast v2, $0x0  }
0xf1: {  	v36 =	vld [tilespmem:s0+$0xA200];
	v38 =	vbroadcast v1, $0x1;
	v39 =	vbroadcast v2, $0x1  }
0xf2: {  	v37 =	vld [tilespmem:s0+$0xA210];
	v63 =	vbroadcast v1, $0x2;
	v45 =	vbroadcast v2, $0x2;
	v31 =	vpack.i.f32.bf16 v32, v31  }
0xf3: {  	v40 =	vld [tilespmem:s0+$0xA220];
	v3 =	vmul.bf16 v3, v31;
	v4 =	vmul.bf16 v4, v31  }
0xf4: {  	v41 =	vld [tilespmem:s0+$0xA230];
	v5 =	vmul.bf16 v5, v31;
	v6 =	vmul.bf16 v6, v31  }
0xf5: {  	v42 =	vld [tilespmem:s0+$0xA250];
	v38 =	vpack.i.f32.bf16 v39, v38;
	v7 =	vmul.bf16 v7, v31;
	v8 =	vmul.bf16 v8, v31  }
0xf6: {  	v43 =	vld [tilespmem:s0+$0xA290];
	v9 =	vmul.bf16 v9, v31;
	v11 =	vmul.bf16 v11, v38  }
0xf7: {  	v32 =	vld [tilespmem:s0+$0xA1E0];
	v12 =	vmul.bf16 v12, v38;
	v10 =	vmul.bf16 v10, v31  }
0xf8: {  	v39 =	vld [tilespmem:s0+$0xA240];
	v13 =	vmul.bf16 v13, v38;
	v60 =	vmul.bf16 v14, v38  }
0xf9: {  	v31 =	vld [tilespmem:s0+$0xA260];
	v61 =	vmul.bf16 v15, v38;
	v62 =	vmul.bf16 v16, v38;
	v3 =	vadd.bf16 v0, v3  }
0xfa: {  	v15 =	vld [tilespmem:s0+$0xA280];
	v17 =	vmul.bf16 v17, v38;
	v4 =	vadd.bf16 v0, v4;
	v5 =	vadd.bf16 v0, v5  }
0xfb: {  	v18 =	vmul.bf16 v18, v38;
	v38 =	vld [tilespmem:s0+$0xA2A0];
	v6 =	vadd.bf16 v0, v6;
	v7 =	vadd.bf16 v0, v7  }
0xfc: {  	v50 =	vbroadcast v1, $0x3;
	v16 =	vld [tilespmem:s0+$0xA2B0];
	v9 =	vadd.bf16 v0, v9;
	v10 =	vadd.bf16 v0, v10  }
0xfd: {  	v51 =	vbroadcast v2, $0x3;
	v14 =	vld [tilespmem:s0+$0xA2C0];
	v3 =	vadd.bf16 v11, v3;
	v4 =	vadd.bf16 v12, v4  }
0xfe: {  	v12 =	vld [tilespmem:s0+$0xA270];
	v6 =	vadd.bf16 v60, v6;
	v11 =	vpack.i.f32.bf16 v45, v63;
	v7 =	vadd.bf16 v61, v7  }
0xff: {  	v10 =	vadd.bf16 v18, v10;
	v18 =	vld [tilespmem:s0+$0xA2D0];
	v60 =	vbroadcast v1, $0x4;
	v61 =	vbroadcast v2, $0x4  }
0x100: {  	v5 =	vadd.bf16 v13, v5;
	v13 =	vld [tilespmem:s0+$0xA340];
	v46 =	vmul.bf16 v19, v11;
	v47 =	vmul.bf16 v20, v11  }
0x101: {  	v45 =	vld [tilespmem:s0+$0xA390];
	v48 =	vmul.bf16 v21, v11;
	v49 =	vmul.bf16 v22, v11  }
0x102: {  	v9 =	vadd.bf16 v17, v9;
	v20 =	vld [tilespmem:s0+$0xA2E0];
	v52 =	vmul.bf16 v23, v11;
	v53 =	vmul.bf16 v24, v11  }
0x103: {  	v17 =	vpack.i.f32.bf16 v51, v50;
	v22 =	vld [tilespmem:s0+$0xA2F0];
	v54 =	vmul.bf16 v25, v11;
	v11 =	vmul.bf16 v26, v11  }
0x104: {  	v8 =	vadd.bf16 v0, v8;
	v19 =	vld [tilespmem:s0+$0xA300];
	v55 =	vmul.bf16 v27, v17;
	v56 =	vmul.bf16 v28, v17  }
0x105: {  	v21 =	vld [tilespmem:s0+$0xA310];
	v57 =	vmul.bf16 v29, v17;
	v58 =	vmul.bf16 v30, v17  }
0x106: {  	v8 =	vadd.bf16 v62, v8;
	v25 =	vld [tilespmem:s0+$0xA320];
	v59 =	vmul.bf16 v33, v17;
	v62 =	vmul.bf16 v34, v17  }
0x107: {  	v24 =	vld [tilespmem:s0+$0xA330];
	v63 =	vmul.bf16 v32, v17;
	v3 =	vadd.bf16 v46, v3;
	v4 =	vadd.bf16 v47, v4  }
0x108: {  	v27 =	vld [tilespmem:s0+$0xA350];
	v17 =	vmul.bf16 v35, v17;
	v5 =	vadd.bf16 v48, v5;
	v6 =	vadd.bf16 v49, v6  }
0x109: {  	v29 =	vld [tilespmem:s0+$0xA360];
	v10 =	vadd.bf16 v11, v10;
	v11 =	vpack.i.f32.bf16 v61, v60;
	v48 =	vbroadcast v1, $0x5  }
0x10a: {  	v26 =	vld [tilespmem:s0+$0xA370];
	v7 =	vadd.bf16 v52, v7;
	v49 =	vbroadcast v2, $0x5;
	v36 =	vmul.bf16 v36, v11  }
0x10b: {  	v28 =	vld [tilespmem:s0+$0xA380];
	v8 =	vadd.bf16 v53, v8;
	v44 =	vmul.bf16 v37, v11;
	v46 =	vmul.bf16 v40, v11  }
0x10c: {  	v30 =	vld [tilespmem:s0+$0xA3A0];
	v9 =	vadd.bf16 v54, v9;
	v47 =	vmul.bf16 v41, v11;
	v50 =	vmul.bf16 v39, v11  }
0x10d: {  	v32 =	vld [tilespmem:s0+$0xA3B0];
	v51 =	vmul.bf16 v42, v11;
	v3 =	vadd.bf16 v55, v3;
	v4 =	vadd.bf16 v56, v4  }
0x10e: {  	v35 =	vld [tilespmem:s0+$0xA3C0];
	v31 =	vmul.bf16 v31, v11;
	v5 =	vadd.bf16 v57, v5;
	v6 =	vadd.bf16 v58, v6  }
0x10f: {  	v23 =	vld [tilespmem:s0+$0xA3F0];
	v9 =	vadd.bf16 v63, v9;
	v11 =	vmul.bf16 v12, v11;
	v55 =	vbroadcast v1, $0x6  }
0x110: {  	v34 =	vld [tilespmem:s0+$0xA410];
	v52 =	vpack.i.f32.bf16 v49, v48;
	v56 =	vbroadcast v2, $0x6;
	v63 =	vbroadcast v1, $0x7  }
0x111: {  	v37 =	vld [tilespmem:s0+$0xA3D0];
	v7 =	vadd.bf16 v59, v7;
	v49 =	vbroadcast v1, $0x8;
	v15 =	vmul.bf16 v15, v52  }
0x112: {  	v39 =	vld [tilespmem:s0+$0xA490];
	v8 =	vadd.bf16 v62, v8;
	v53 =	vmul.bf16 v43, v52;
	v54 =	vmul.bf16 v38, v52  }
0x113: {  	v41 =	vld [tilespmem:s0+$0xA4A0];
	v10 =	vadd.bf16 v17, v10;
	v16 =	vmul.bf16 v16, v52;
	v14 =	vmul.bf16 v14, v52  }
0x114: {  	v17 =	vld [tilespmem:s0+$0xA3E0];
	v57 =	vmul.bf16 v18, v52;
	v58 =	vmul.bf16 v20, v52;
	v3 =	vadd.bf16 v36, v3  }
0x115: {  	v38 =	vld [tilespmem:s0+$0xA420];
	v12 =	vmul.bf16 v22, v52;
	v4 =	vadd.bf16 v44, v4;
	v5 =	vadd.bf16 v46, v5  }
0x116: {  	v20 =	vld [tilespmem:s0+$0xA440];
	v10 =	vadd.bf16 v11, v10;
	v11 =	vpack.i.f32.bf16 v56, v55;
	v36 =	vbroadcast v2, $0x7  }
0x117: {  	v18 =	vld [tilespmem:s0+$0xA460];
	v7 =	vadd.bf16 v50, v7;
	v50 =	vbroadcast v2, $0x8;
	v59 =	vmul.bf16 v19, v11  }
0x118: {  	v43 =	vld [tilespmem:s0+$0xA4B0];
	v6 =	vadd.bf16 v47, v6;
	v60 =	vmul.bf16 v21, v11;
	v61 =	vmul.bf16 v25, v11  }
0x119: {  	v9 =	vadd.bf16 v31, v9;
	v31 =	vld [tilespmem:s0+$0xA400];
	v62 =	vmul.bf16 v24, v11;
	v13 =	vmul.bf16 v13, v11  }
0x11a: {  	v8 =	vadd.bf16 v51, v8;
	v46 =	vld [tilespmem:s0+$0xA4C0];
	v40 =	vmul.bf16 v27, v11;
	v42 =	vmul.bf16 v29, v11  }
0x11b: {  	v56 =	vld [tilespmem:s0+$0xA520];
	v11 =	vmul.bf16 v26, v11;
	v3 =	vadd.bf16 v15, v3;
	v4 =	vadd.bf16 v53, v4  }
0x11c: {  	v19 =	vld [tilespmem:s0+$0xA450];
	v5 =	vadd.bf16 v54, v5;
	v10 =	vadd.bf16 v12, v10;
	v12 =	vpack.i.f32.bf16 v36, v63  }
0x11d: {  	v21 =	vld [tilespmem:s0+$0xA480];
	v6 =	vadd.bf16 v16, v6;
	v7 =	vadd.bf16 v14, v7;
	v44 =	vmul.bf16 v28, v12  }
0x11e: {  	v25 =	vld [tilespmem:s0+$0xA4D0];
	v8 =	vadd.bf16 v57, v8;
	v45 =	vmul.bf16 v45, v12;
	v47 =	vmul.bf16 v30, v12  }
0x11f: {  	v26 =	vld [tilespmem:s0+$0xA4E0];
	v9 =	vadd.bf16 v58, v9;
	v48 =	vmul.bf16 v32, v12;
	v51 =	vmul.bf16 v35, v12  }
0x120: {  	v29 =	vld [tilespmem:s0+$0xA4F0];
	v52 =	vmul.bf16 v37, v12;
	v3 =	vadd.bf16 v59, v3;
	v4 =	vadd.bf16 v60, v4  }
0x121: {  	v15 =	vld [tilespmem:s0+$0xA430];
	v17 =	vmul.bf16 v17, v12;
	v5 =	vadd.bf16 v61, v5;
	v6 =	vadd.bf16 v62, v6  }
0x122: {  	v14 =	vld [tilespmem:s0+$0xA470];
	v12 =	vmul.bf16 v23, v12;
	v7 =	vadd.bf16 v13, v7;
	v10 =	vadd.bf16 v11, v10  }
0x123: {  	v53 =	vld [tilespmem:s0+$0xA500];
	v11 =	vpack.i.f32.bf16 v50, v49;
	v60 =	vbroadcast v1, $0x9;
	v61 =	vbroadcast v2, $0x9  }
0x124: {  	v54 =	vld [tilespmem:s0+$0xA510];
	v8 =	vadd.bf16 v40, v8;
	v55 =	vmul.bf16 v31, v11;
	v57 =	vmul.bf16 v34, v11  }
0x125: {  	v58 =	vld [tilespmem:s0+$0xA530];
	v9 =	vadd.bf16 v42, v9;
	v59 =	vmul.bf16 v38, v11;
	v63 =	vmul.bf16 v20, v11  }
0x126: {  	v30 =	vld [tilespmem:s0+$0xA540];
	v18 =	vmul.bf16 v18, v11;
	v3 =	vadd.bf16 v44, v3;
	v4 =	vadd.bf16 v45, v4  }
0x127: {  	v35 =	vld [tilespmem:s0+$0xA570];
	v5 =	vadd.bf16 v47, v5;
	v10 =	vadd.bf16 v12, v10;
	v19 =	vmul.bf16 v19, v11  }
0x128: {  	v37 =	vld [tilespmem:s0+$0xA580];
	v12 =	vpack.i.f32.bf16 v61, v60;
	v45 =	vbroadcast v1, $0xA;
	v15 =	vmul.bf16 v15, v11  }
0x129: {  	v32 =	vld [tilespmem:s0+$0xA650];
	v6 =	vadd.bf16 v48, v6;
	v11 =	vmul.bf16 v14, v11;
	v36 =	vmul.bf16 v21, v12  }
0x12a: {  	v62 =	vld [tilespmem:s0+$0xA550];
	v7 =	vadd.bf16 v51, v7;
	v38 =	vmul.bf16 v39, v12;
	v40 =	vmul.bf16 v41, v12  }
0x12b: {  	v49 =	vld [tilespmem:s0+$0xA5D0];
	v8 =	vadd.bf16 v52, v8;
	v42 =	vmul.bf16 v43, v12;
	v43 =	vmul.bf16 v46, v12  }
0x12c: {  	v34 =	vld [tilespmem:s0+$0xA560];
	v9 =	vadd.bf16 v17, v9;
	v46 =	vbroadcast v2, $0xA;
	v48 =	vmul.bf16 v25, v12  }
0x12d: {  	v31 =	vld [tilespmem:s0+$0xA640];
	v50 =	vmul.bf16 v26, v12;
	v3 =	vadd.bf16 v55, v3;
	v4 =	vadd.bf16 v57, v4  }
0x12e: {  	v44 =	vld [tilespmem:s0+$0xA5B0];
	v12 =	vmul.bf16 v29, v12;
	v5 =	vadd.bf16 v59, v5;
	v7 =	vadd.bf16 v63, v7  }
0x12f: {  	v47 =	vld [tilespmem:s0+$0xA5C0];
	v8 =	vadd.bf16 v19, v8;
	v9 =	vadd.bf16 v18, v9;
	v59 =	vbroadcast v2, $0xB  }
0x130: {  	v51 =	vld [tilespmem:s0+$0xA5E0];
	v6 =	vadd.bf16 v15, v6;
	v10 =	vadd.bf16 v11, v10;
	v11 =	vpack.i.f32.bf16 v46, v45  }
0x131: {  	v60 =	vld [tilespmem:s0+$0xA620];
	v3 =	vadd.bf16 v36, v3;
	v4 =	vadd.bf16 v38, v4;
	v52 =	vmul.bf16 v53, v11  }
0x132: {  	v39 =	vld [tilespmem:s0+$0xA590];
	v5 =	vadd.bf16 v40, v5;
	v23 =	vmul.bf16 v54, v11;
	v54 =	vmul.bf16 v56, v11  }
0x133: {  	v41 =	vld [tilespmem:s0+$0xA5A0];
	v7 =	vadd.bf16 v43, v7;
	v56 =	vmul.bf16 v58, v11;
	v58 =	vbroadcast v1, $0xB  }
0x134: {  	v25 =	vld [tilespmem:s0+$0xA760];
	v8 =	vadd.bf16 v48, v8;
	v61 =	vmul.bf16 v30, v11;
	v62 =	vmul.bf16 v62, v11  }
0x135: {  	v29 =	vld [tilespmem:s0+$0xA780];
	v9 =	vadd.bf16 v50, v9;
	v15 =	vmul.bf16 v34, v11;
	v11 =	vmul.bf16 v35, v11  }
0x136: {  	v55 =	vld [tilespmem:s0+$0xA600];
	v38 =	vbroadcast v2, $0xC;
	v6 =	vadd.bf16 v42, v6;
	v10 =	vadd.bf16 v12, v10  }
0x137: {  	v57 =	vld [tilespmem:s0+$0xA610];
	v50 =	vbroadcast v1, $0xD;
	v3 =	vadd.bf16 v52, v3;
	v4 =	vadd.bf16 v23, v4  }
0x138: {  	v63 =	vld [tilespmem:s0+$0xA630];
	v12 =	vpack.i.f32.bf16 v59, v58;
	v7 =	vadd.bf16 v61, v7;
	v61 =	vbroadcast v1, $0xE  }
0x139: {  	v45 =	vld [tilespmem:s0+$0xA6C0];
	v8 =	vadd.bf16 v62, v8;
	v62 =	vbroadcast v2, $0xE;
	v14 =	vmul.bf16 v37, v12  }
0x13a: {  	v53 =	vld [tilespmem:s0+$0xA5F0];
	v5 =	vadd.bf16 v54, v5;
	v33 =	vmul.bf16 v39, v12;
	v13 =	vmul.bf16 v41, v12  }
0x13b: {  	v34 =	vld [tilespmem:s0+$0xA660];
	v9 =	vadd.bf16 v15, v9;
	v35 =	vmul.bf16 v44, v12;
	v37 =	vbroadcast v1, $0xC  }
0x13c: {  	v36 =	vld [tilespmem:s0+$0xA670];
	v6 =	vadd.bf16 v56, v6;
	v40 =	vmul.bf16 v47, v12;
	v18 =	vmul.bf16 v49, v12  }
0x13d: {  	v42 =	vld [tilespmem:s0+$0xA6A0];
	v10 =	vadd.bf16 v11, v10;
	v22 =	vmul.bf16 v51, v12;
	v51 =	vbroadcast v2, $0xD  }
0x13e: {  	v52 =	vld [tilespmem:s0+$0xA6F0];
	v1 =	vbroadcast v1, $0xF;
	v3 =	vadd.bf16 v14, v3;
	v4 =	vadd.bf16 v33, v4  }
0x13f: {  	v54 =	vld [tilespmem:s0+$0xA710];
	v2 =	vbroadcast v2, $0xF;
	v5 =	vadd.bf16 v13, v5;
	v6 =	vadd.bf16 v35, v6  }
0x140: {  	v58 =	vld [tilespmem:s0+$0xA730];
	v11 =	vpack.i.f32.bf16 v38, v37;
	v7 =	vadd.bf16 v40, v7;
	v12 =	vmul.bf16 v53, v12  }
0x141: {  	v39 =	vld [tilespmem:s0+$0xA680];
	v8 =	vadd.bf16 v18, v8;
	v43 =	vmul.bf16 v55, v11;
	v17 =	vmul.bf16 v57, v11  }
0x142: {  	v41 =	vld [tilespmem:s0+$0xA690];
	v9 =	vadd.bf16 v22, v9;
	v46 =	vmul.bf16 v60, v11;
	v48 =	vmul.bf16 v63, v11  }
0x143: {  	v44 =	vld [tilespmem:s0+$0xA6B0];
	v1 =	vpack.i.f32.bf16 v2, v1;
	v20 =	vmul.bf16 v31, v11;
	v16 =	vmul.bf16 v32, v11  }
0x144: {  	v47 =	vld [tilespmem:s0+$0xA6D0];
	v15 =	vmul.bf16 v34, v11;
	v11 =	vmul.bf16 v36, v11;
	v10 =	vadd.bf16 v12, v10  }
0x145: {  	v49 =	vld [tilespmem:s0+$0xA6E0];
	v40 =	vmul.bf16 v29, v1;
	v3 =	vadd.bf16 v43, v3;
	v4 =	vadd.bf16 v17, v4  }
0x146: {  	v56 =	vld [tilespmem:s0+$0xA720];
	v12 =	vpack.i.f32.bf16 v51, v50;
	v5 =	vadd.bf16 v46, v5;
	v6 =	vadd.bf16 v48, v6  }
0x147: {  	v53 =	vld [tilespmem:s0+$0xA700];
	v7 =	vadd.bf16 v20, v7;
	v55 =	vmul.bf16 v39, v12;
	v14 =	vmul.bf16 v41, v12  }
0x148: {  	v33 =	vld [tilespmem:s0+$0xA7A0];
	v8 =	vadd.bf16 v16, v8;
	v57 =	vmul.bf16 v42, v12;
	v59 =	vmul.bf16 v44, v12  }
0x149: {  	v37 =	vld [tilespmem:s0+$0xA7C0];
	v9 =	vadd.bf16 v15, v9;
	v24 =	vmul.bf16 v45, v12;
	v13 =	vmul.bf16 v47, v12  }
0x14a: {  	v2 =	vld [tilespmem:s0+$0xA7E0];
	v22 =	vmul.bf16 v49, v12;
	v12 =	vmul.bf16 v52, v12;
	v10 =	vadd.bf16 v11, v10  }
0x14b: {  	v60 =	vld [tilespmem:s0+$0xA740];
	v11 =	vpack.i.f32.bf16 v62, v61;
	v3 =	vadd.bf16 v55, v3;
	v4 =	vadd.bf16 v14, v4  }
0x14c: {  	v63 =	vld [tilespmem:s0+$0xA750];
	v5 =	vadd.bf16 v57, v5;
	v6 =	vadd.bf16 v59, v6;
	v28 =	vmul.bf16 v53, v11  }
0x14d: {  	v27 =	vld [tilespmem:s0+$0xA770];
	v7 =	vadd.bf16 v24, v7;
	v30 =	vmul.bf16 v54, v11;
	v32 =	vmul.bf16 v56, v11  }
0x14e: {  	v31 =	vld [tilespmem:s0+$0xA790];
	v8 =	vadd.bf16 v13, v8;
	v15 =	vmul.bf16 v58, v11;
	v38 =	vmul.bf16 v25, v11  }
0x14f: {  	v36 =	vld [tilespmem:s0+$0xA7B0];
	v9 =	vadd.bf16 v22, v9;
	v43 =	vmul.bf16 v33, v1;
	v45 =	vmul.bf16 v37, v1  }
0x150: {  	v39 =	vld [tilespmem:s0+$0xA7D0];
	v2 =	vmul.bf16 v2, v1;
	v10 =	vadd.bf16 v12, v10;
	v34 =	vmul.bf16 v60, v11  }
0x151: {  	v42 =	vld [tilespmem:s0+$0xA7F0];
	v35 =	vmul.bf16 v63, v11;
	v3 =	vadd.bf16 v28, v3;
	v4 =	vadd.bf16 v30, v4  }
0x152: {  	v11 =	vmul.bf16 v27, v11;
	v5 =	vadd.bf16 v32, v5;
	v6 =	vadd.bf16 v15, v6  }
0x153: {  	v41 =	vmul.bf16 v31, v1;
	v9 =	vadd.bf16 v38, v9;
	v7 =	vadd.bf16 v34, v7  }
0x154: {  	v44 =	vmul.bf16 v36, v1;
	v8 =	vadd.bf16 v35, v8;
	v10 =	vadd.bf16 v11, v10  }
0x155: {  	v47 =	vmul.bf16 v39, v1;
	v3 =	vadd.bf16 v40, v3;
	v4 =	vadd.bf16 v41, v4  }
0x156: {  	v1 =	vmul.bf16 v42, v1;
	v5 =	vadd.bf16 v43, v5;
	v6 =	vadd.bf16 v44, v6  }
0x157: {  	v2 =	vadd.bf16 v2, v9;
	v7 =	vadd.bf16 v45, v7  }
0x158: {  	v46 =	vld [tilespmem:s26+$0xE000];
	v8 =	vadd.bf16 v47, v8;
	v1 =	vadd.bf16 v1, v10;
	v48 =	vunpack.i.u.bf16.f32 v3  }
0x159: {  	v49 =	vld [tilespmem:s26+$0xE010];
	v3 =	vunpack.i.l.bf16.f32 v3;
	v51 =	vunpack.i.u.bf16.f32 v4;
	v4 =	vunpack.i.l.bf16.f32 v4  }
0x15a: {  	v50 =	vld [tilespmem:s26+$0xE020];
	v53 =	vunpack.i.u.bf16.f32 v5;
	v5 =	vunpack.i.l.bf16.f32 v5;
	v55 =	vunpack.i.u.bf16.f32 v6  }
0x15b: {  	v52 =	vld [tilespmem:s26+$0xE030];
	v6 =	vunpack.i.l.bf16.f32 v6;
	v62 =	vunpack.i.u.bf16.f32 v2;
	v3 =	vadd.f32 v3, v48  }
0x15c: {  	v58 =	vld [tilespmem:s26+$0xE060];
	v2 =	vunpack.i.l.bf16.f32 v2;
	v4 =	vadd.f32 v4, v51;
	v5 =	vadd.f32 v5, v53  }
0x15d: {  	v60 =	vld [tilespmem:s26+$0xE070];
	v6 =	vadd.f32 v6, v55;
	v56 =	vunpack.i.u.bf16.f32 v7;
	v3 =	vadd.f32 v3, v46  }
0x15e: {  	v54 =	vld [tilespmem:s26+$0xE040];
	v7 =	vunpack.i.l.bf16.f32 v7;
	v2 =	vadd.f32 v2, v62;
	v4 =	vadd.f32 v4, v49  }
0x15f: {  	v57 =	vld [tilespmem:s26+$0xE050];
	v63 =	vunpack.i.u.bf16.f32 v1;
	v1 =	vunpack.i.l.bf16.f32 v1;
	v5 =	vadd.f32 v5, v50;
	[tilespmem:s26+$0xE000] =	vst v3  }
0x160: {  	v59 =	vunpack.i.u.bf16.f32 v8;
	v1 =	vadd.f32 v1, v63;
	v6 =	vadd.f32 v6, v52;
	[tilespmem:s26+$0xE010] =	vst v4  }
0x161: {  	p0 =	seq.s32 s29, $0xE000;
	v8 =	vunpack.i.l.bf16.f32 v8;
	v7 =	vadd.f32 v7, v56;
	v2 =	vadd.f32 v2, v58;
	[tilespmem:s26+$0xE020] =	vst v5  }
.Ltmp1:
0x162: {  	v61 =	vadd.f32 v8, v59;
	v1 =	vadd.f32 v1, v60;
	[tilespmem:s26+$0xE030] =	vst v6;
	(pc) =	sbr.rel @!p0 .LBB2_6-.Ltmp1, $4  }
0x163: {  	v3 =	vadd.f32 v7, v54;
	[tilespmem:s26+$0xE060] =	vst v2  }
0x164: {  	v4 =	vadd.f32 v61, v57;
	[tilespmem:s26+$0xE070] =	vst v1  }
0x165: {  	[tilespmem:s26+$0xE040] =	vst v3  }
0x166: {  	s31 =	sadd.s32 $0x10, s31;
	s30 =	sadd.s32 $0x10, s30;
	s29 =	sadd.s32 $0x2000, s29;
	[tilespmem:s26+$0xE050] =	vst v4  }
0x167: {  	p0 =	seq.s32 s28, $0x20  }
.Ltmp2:
0x168: {  	_ = 	snop;
	(pc) =	sbr.rel @!p0 .LBB2_3-.Ltmp2, $3  }
0x169: {  	_ =	sdelay $0x1  }
0x16a: {  	s23 =	sadd.s32 $0x80, s23  }
0x16b: {  	s22 =	sadd.s32 $0x80, s22;
	s25 =	sadd.s32 $0x80, s25;
	s24 =	sadd.s32 $0x80, s24  }
0x16c: {  	s21 =	sadd.s32 $0x1, s21  }
0x16d: {  	p0 =	sne.s32 s21, s12  }
.Ltmp3:
0x16e: {  	_ = 	snop;
	(pc) =	sbr.rel @p0 .LBB2_1-.Ltmp3, $4  }
0x16f: {  	[hbm4b:s11+s1] =	stream.linear.scatter [tilespmem:s15], [sflag:$0x3], $0x1000, $0x38;
	[tilespmem:$0xF000] =	vst v63  }
0x170: {  	_ =	swait.ge [sflag:s13], $0x1000  }
0x171: {  	[sflag:s13] =	ssyncset.done $0x0  }
0x172: {  	[sflag:s13] =	ssyncadd.s32 $0xFFFFF000  }
0x173: {  	_ =	sfence.sel $0x180000  }
0x174: {  	[bflag:$0x0] =	sbarrier.arrive $0xFFFF  }
0x175: {  	_ =	strace $0x90000047  }
0x176: {  	[bflag:$0x2] =	sbarrier.arrive $0xFFFF  }
0x177: {  	p0 =	sne.s32 s2, $0x0;
	s0 =	rddreg [dreg:$0x2]  }
0x178: {  	s0 =	sadd.s32 @!p0 $0x100000, s0  }
0x179: {  	[sflag:s0] =	ssyncadd.tile.s32 @!p0 $0x1;
	_ =	shalt  }
.Lfunc_end2:
_tile_overlayer_lowered:
.L_overlay_start_2:
0x17a: {  	(tag) =	ssettag $0x2  }
0x17b: {  	s0 =	rddreg [dreg:$0x0];
	s2 =	stileid.u32  }
0x17c: {  	s1 =	rddreg [dreg:$0x1];
	p0 =	sne.s32 s2, $0x0  }
0x17d: {  	s3 =	rddreg [dreg:$0x2];
	[bflag:$0x3] =	sbarrier.arrive $0xFFFF;
	s2 =	simm.s32 @!p0 $0x1C03  }
0x17e: {  	[timem:s3], [sflag:s2] =	dma.local @!p0 [hbm:s0], s1  }
0x17f: {  	s0 =	simm.s32 @!p0 $0x3  }
0x180: {  	_ =	swait.ge @!p0 [sflag:s0], s1  }
0x181: {  	s1 =	ssub.s32 @!p0 $0x0, s1;
	[sflag:s0] =	ssyncset.done @!p0 $0x0  }
0x182: {  	[sflag:s0] =	ssyncadd.s32 @!p0 s1  }
0x183: {  	[bflag:$0x3] =	sbarrier.arrive $0xFFFF  }
0x184: {  	_ =	shalt  }

</sc_bundles>
